<compile_context>
chip_gen: v7x
topology: tpu7x:2x2x1
jax: 0.10.2.dev20260603
libtpu: 0.0.44.dev20260713+nightly
codegen_flags: <defaults>
</compile_context>

<pallas_src>
import functools

import jax
import jax.numpy as jnp
from jax.experimental import pallas as pl

_SA_CFG = [
    (1024, [0.05, 0.1], [16, 32], [[16, 16, 32], [32, 32, 64]]),
    (256, [0.1, 0.2], [16, 32], [[64, 64, 128], [128, 128, 256]]),
    (64, [0.2, 0.4], [16, 32], [[128, 196, 256], [256, 256, 512]]),
    (16, [0.4, 0.8], [16, 32], [[256, 256, 512], [256, 384, 512]]),
]


def _sqdist_host(src, dst):
    d = -2.0 * jnp.einsum('bnc,bmc->bnm', src, dst)
    d = d + jnp.sum(src ** 2, -1)[:, :, None]
    d = d + jnp.sum(dst ** 2, -1)[:, None, :]
    return d



def _fps(xyz, npoint):
    b, n, _ = xyz.shape

    def body(i, state):
        centroids, distance, farthest = state
        centroids = centroids.at[:, i].set(farthest)
        centroid = jnp.take_along_axis(xyz, farthest[:, None, None], axis=1)
        dist = jnp.sum((xyz - centroid) ** 2, -1)
        distance = jnp.minimum(distance, dist)
        farthest = jnp.argmax(distance, axis=-1).astype(jnp.int32)
        return (centroids, distance, farthest)

    init = (jnp.zeros((b, npoint), jnp.int32), jnp.full((b, n), 1e10, jnp.float32), jnp.zeros((b,), jnp.int32))
    centroids, _, _ = jax.lax.fori_loop(0, npoint, body, init)
    return centroids



def _ball_kernel(k, r2, n, d_ref, o_ref):
    d = d_ref[0, :, :]
    valid = jnp.logical_not(d > r2)
    c = valid.astype(jnp.int32)
    rows = c.shape[0]
    sh = 1
    while sh < n:
        shifted = jnp.concatenate(
            [jnp.zeros((rows, sh), jnp.int32), c[:, :-sh]], axis=1)
        c = c + shifted
        sh *= 2
    cols = []
    for j in range(k):
        cnt = jnp.sum((c <= j).astype(jnp.int32), axis=1)
        cols.append(jnp.minimum(cnt, n - 1))
    first = cols[0]
    fixed = [first] + [jnp.where(col == n - 1, first, col) for col in cols[1:]]
    o_ref[0, :, :] = jnp.concatenate([col[:, None] for col in fixed], axis=1)


def _ball_query_pallas(radius, k, xyz, new_xyz):
    b, n, _ = xyz.shape
    s = new_xyz.shape[1]
    s_blk = min(s, 256)
    d = _sqdist_host(new_xyz, xyz)
    return pl.pallas_call(
        functools.partial(_ball_kernel, k, radius * radius, n),
        out_shape=jax.ShapeDtypeStruct((b, s, k), jnp.int32),
        grid=(b, s // s_blk),
        in_specs=[pl.BlockSpec((1, s_blk, n), lambda bi, ti: (bi, ti, 0))],
        out_specs=pl.BlockSpec((1, s_blk, k), lambda bi, ti: (bi, ti, 0)),
    )(d)


def _ball_query(radius, k, xyz, new_xyz):
    b, n, _ = xyz.shape
    s = new_xyz.shape[1]
    sqrdists = _sqdist_host(new_xyz, xyz)
    group_idx = jnp.broadcast_to(jnp.arange(n, dtype=jnp.int32), (b, s, n))
    group_idx = jnp.where(sqrdists > radius ** 2, n - 1, group_idx)
    group_idx = jnp.sort(group_idx, axis=-1)[:, :, :k]
    group_first = jnp.broadcast_to(group_idx[:, :, 0:1], group_idx.shape)
    group_idx = jnp.where(group_idx == n - 1, group_first, group_idx)
    return group_idx



def _index_points(points, idx):
    b = points.shape[0]
    flat = idx.reshape(b, -1)
    out = jnp.take_along_axis(points, flat[:, :, None], axis=1)
    return out.reshape(idx.shape + (points.shape[-1],))


def _pointwise_conv(x, w, bias):
    y = jnp.einsum('oc,bc...->bo...', w, x)
    return y + bias.reshape((1, -1) + (1,) * (x.ndim - 2))


def _bn(x, gamma, beta):
    axes = (0,) + tuple(range(2, x.ndim))
    mean = jnp.mean(x, axis=axes, keepdims=True)
    var = jnp.var(x, axis=axes, keepdims=True)
    shp = (1, -1) + (1,) * (x.ndim - 2)
    return gamma.reshape(shp) * (x - mean) / jnp.sqrt(var + 1e-5) + beta.reshape(shp)


def _conv_bn_relu(x, layer):
    w, bias, gamma, beta = layer
    return jax.nn.relu(_bn(_pointwise_conv(x, w, bias), gamma, beta))


def _sa_msg(branch_params, npoint, radius_list, nsample_list, xyz, points):
    xyz = xyz.transpose(0, 2, 1)
    points = points.transpose(0, 2, 1)
    fps_idx = _fps(xyz, npoint)
    new_xyz = _index_points(xyz, fps_idx)
    outs = []
    for i, radius in enumerate(radius_list):
        k = nsample_list[i]
        group_idx = _ball_query_pallas(radius, k, xyz, new_xyz)
        grouped_xyz = _index_points(xyz, group_idx) - new_xyz[:, :, None, :]
        grouped_points = jnp.concatenate(
            [_index_points(points, group_idx), grouped_xyz], axis=-1)
        g = grouped_points.transpose(0, 3, 2, 1)
        for layer in branch_params[i]:
            g = _conv_bn_relu(g, layer)
        outs.append(jnp.max(g, axis=2))
    new_points = jnp.concatenate(outs, axis=1)
    return new_xyz.transpose(0, 2, 1), new_points


def _fp(layers, xyz1, xyz2, points1, points2):
    xyz1 = xyz1.transpose(0, 2, 1)
    xyz2 = xyz2.transpose(0, 2, 1)
    points2 = points2.transpose(0, 2, 1)
    b, n, _ = xyz1.shape
    s = xyz2.shape[1]
    if s == 1:
        interp = jnp.broadcast_to(points2, (b, n, points2.shape[-1]))
    else:
        dists = _sqdist_host(xyz1, xyz2)
        idx = jnp.argsort(jax.lax.stop_gradient(dists), axis=-1)[:, :, :3]
        d3 = jnp.take_along_axis(dists, idx, axis=-1)
        recip = 1.0 / (d3 + 1e-8)
        w = recip / jnp.sum(recip, axis=2, keepdims=True)
        interp = jnp.sum(_index_points(points2, idx) * w[:, :, :, None],
                         axis=2)
    if points1 is not None:
        new = jnp.concatenate([points1.transpose(0, 2, 1), interp], axis=-1)
    else:
        new = interp
    new = new.transpose(0, 2, 1)
    for layer in layers:
        new = _conv_bn_relu(new, layer)
    return new


def kernel(xyz, params):
    l0_xyz = xyz[:, :3, :]
    xs, ps = [l0_xyz], [xyz]
    for i, (npoint, radii, nsamples, _) in enumerate(_SA_CFG):
        nx, npts = _sa_msg(params['sa%d' % (i + 1)], npoint, radii, nsamples,
                           xs[-1], ps[-1])
        xs.append(nx)
        ps.append(npts)
    l3 = _fp(params['fp4'], xs[3], xs[4], ps[3], ps[4])
    l2 = _fp(params['fp3'], xs[2], xs[3], ps[2], l3)
    l1 = _fp(params['fp2'], xs[1], xs[2], ps[1], l2)
    l0 = _fp(params['fp1'], xs[0], xs[1], None, l1)
    x = _conv_bn_relu(l0, params['head1'])
    w2, b2 = params['head2']
    x = _pointwise_conv(x, w2, b2)
    x = jax.nn.log_softmax(x, axis=1)
    return x.transpose(0, 2, 1)

# --- scband reference (transcript-rebuilt; emitter-appended) ---
"""Pipeline reference for scband-point-net2-sem-seg-msg-46119358825131 (READ-ONLY COPY).

The authoritative reference and input builder live on the scoring server;
editing this copy changes nothing except your own understanding.
"""

import jax, jax.numpy as jnp
import numpy as np

B, C_IN, N = 8, 9, 4096
NUM_CLASSES = 13
SA_CFG = [
    (1024, [0.05, 0.1], [16, 32], [[16, 16, 32], [32, 32, 64]]),
    (256, [0.1, 0.2], [16, 32], [[64, 64, 128], [128, 128, 256]]),
    (64, [0.2, 0.4], [16, 32], [[128, 196, 256], [256, 256, 512]]),
    (16, [0.4, 0.8], [16, 32], [[256, 256, 512], [256, 384, 512]]),
]
SA_IN = [12, 99, 387, 771]
FP_CFG = [(1792, [256, 256]), (640, [256, 256]), (352, [256, 128]), (128, [128, 128, 128])]


def square_distance(src, dst):
    d = -2.0 * jnp.einsum('bnc,bmc->bnm', src, dst)
    d = d + jnp.sum(src ** 2, -1)[:, :, None]
    d = d + jnp.sum(dst ** 2, -1)[:, None, :]
    return d


def index_points(points, idx):
    b = points.shape[0]
    flat = idx.reshape(b, -1)
    out = jnp.take_along_axis(points, flat[:, :, None], axis=1)
    return out.reshape(idx.shape + (points.shape[-1],))


def farthest_point_sample(xyz, npoint):
    b, n, _ = xyz.shape

    def body(i, state):
        centroids, distance, farthest = state
        centroids = centroids.at[:, i].set(farthest)
        centroid = jnp.take_along_axis(xyz, farthest[:, None, None], axis=1)
        dist = jnp.sum((xyz - centroid) ** 2, -1)
        distance = jnp.minimum(distance, dist)
        farthest = jnp.argmax(distance, axis=-1).astype(jnp.int32)
        return (centroids, distance, farthest)

    init = (jnp.zeros((b, npoint), jnp.int32), jnp.full((b, n), 1e10, jnp.float32), jnp.zeros((b,), jnp.int32))
    centroids, _, _ = jax.lax.fori_loop(0, npoint, body, init)
    return centroids


def query_ball_point(radius, nsample, xyz, new_xyz):
    b, n, _ = xyz.shape
    s = new_xyz.shape[1]
    sqrdists = square_distance(new_xyz, xyz)
    group_idx = jnp.broadcast_to(jnp.arange(n, dtype=jnp.int32), (b, s, n))
    group_idx = jnp.where(sqrdists > radius ** 2, n - 1, group_idx)
    group_idx = jnp.sort(group_idx, axis=-1)[:, :, :nsample]
    group_first = jnp.broadcast_to(group_idx[:, :, 0:1], group_idx.shape)
    group_idx = jnp.where(group_idx == n - 1, group_first, group_idx)
    return group_idx


def pointwise_conv(x, W, bias):
    y = jnp.einsum('oc,bc...->bo...', W, x)
    return y + bias.reshape((1, -1) + (1,) * (x.ndim - 2))


def bn(x, gamma, beta):
    axes = (0,) + tuple(range(2, x.ndim))
    mean = jnp.mean(x, axis=axes, keepdims=True)
    var = jnp.var(x, axis=axes, keepdims=True)
    shp = (1, -1) + (1,) * (x.ndim - 2)
    return gamma.reshape(shp) * (x - mean) / jnp.sqrt(var + 1e-5) + beta.reshape(shp)


def conv_bn_relu(x, layer):
    W, bias, gamma, beta = layer
    return jax.nn.relu(bn(pointwise_conv(x, W, bias), gamma, beta))


def sa_msg(branch_params, npoint, radius_list, nsample_list, xyz, points):
    xyz = xyz.transpose(0, 2, 1)
    points = points.transpose(0, 2, 1)
    b = xyz.shape[0]
    fps_idx = farthest_point_sample(jax.lax.stop_gradient(xyz), npoint)
    new_xyz = index_points(xyz, fps_idx)
    outs = []
    for i, radius in enumerate(radius_list):
        k = nsample_list[i]
        group_idx = query_ball_point(radius, k, jax.lax.stop_gradient(xyz), jax.lax.stop_gradient(new_xyz))
        grouped_xyz = index_points(xyz, group_idx) - new_xyz[:, :, None, :]
        grouped_points = jnp.concatenate([index_points(points, group_idx), grouped_xyz], axis=-1)
        g = grouped_points.transpose(0, 3, 2, 1)
        for layer in branch_params[i]:
            g = conv_bn_relu(g, layer)
        outs.append(jnp.max(g, axis=2))
    return new_xyz.transpose(0, 2, 1), jnp.concatenate(outs, axis=1)


def fp(layers, xyz1, xyz2, points1, points2):
    xyz1 = xyz1.transpose(0, 2, 1)
    xyz2 = xyz2.transpose(0, 2, 1)
    points2 = points2.transpose(0, 2, 1)
    b, n, _ = xyz1.shape
    s = xyz2.shape[1]
    if s == 1:
        interp = jnp.broadcast_to(points2, (b, n, points2.shape[-1]))
    else:
        dists = square_distance(xyz1, xyz2)
        idx = jnp.argsort(jax.lax.stop_gradient(dists), axis=-1)[:, :, :3]
        d3 = jnp.take_along_axis(dists, idx, axis=-1)
        recip = 1.0 / (d3 + 1e-8)
        w = recip / jnp.sum(recip, axis=2, keepdims=True)
        interp = jnp.sum(index_points(points2, idx) * w[:, :, :, None], axis=2)
    if points1 is not None:
        new = jnp.concatenate([points1.transpose(0, 2, 1), interp], axis=-1)
    else:
        new = interp
    new = new.transpose(0, 2, 1)
    for layer in layers:
        new = conv_bn_relu(new, layer)
    return new


def forward(params, xyz):
    l0_xyz = xyz[:, :3, :]
    xs, ps = [l0_xyz], [xyz]
    for i, (npoint, radii, nsamples, _) in enumerate(SA_CFG):
        nx, npts = sa_msg(params['sa%d' % (i + 1)], npoint, radii, nsamples, xs[-1], ps[-1])
        xs.append(nx)
        ps.append(npts)
    l3 = fp(params['fp4'], xs[3], xs[4], ps[3], ps[4])
    l2 = fp(params['fp3'], xs[2], xs[3], ps[2], l3)
    l1 = fp(params['fp2'], xs[1], xs[2], ps[1], l2)
    l0 = fp(params['fp1'], xs[0], xs[1], None, l1)
    x = conv_bn_relu(l0, params['head1'])
    W2, b2 = params['head2']
    x = pointwise_conv(x, W2, b2)
    x = jax.nn.log_softmax(x, axis=1)
    return x.transpose(0, 2, 1)


def _make_layers(key, cin, channels):
    layers = []
    for cout in channels:
        key, k1 = jax.random.split(key)
        W = jax.random.normal(k1, (cout, cin), jnp.float32) / np.sqrt(cin)
        layers.append((W, jnp.zeros((cout,), jnp.float32), jnp.ones((cout,), jnp.float32), jnp.zeros((cout,), jnp.float32)))
        cin = cout
    return key, layers


def setup_inputs(seed: int = 0):
    key = jax.random.key(seed)
    key, kx = jax.random.split(key)
    xyz = jax.random.uniform(kx, (B, C_IN, N), jnp.float32)
    params = {}
    for i, (_, _, _, mlps) in enumerate(SA_CFG):
        branches = []
        for m in mlps:
            key, layers = _make_layers(key, SA_IN[i], m)
            branches.append(layers)
        params['sa%d' % (i + 1)] = branches
    for j, (cin, m) in enumerate(FP_CFG):
        key, layers = _make_layers(key, cin, m)
        params['fp%d' % (4 - j)] = layers
    key, h1 = _make_layers(key, 128, [128])
    params['head1'] = h1[0]
    key, k2 = jax.random.split(key)
    params['head2'] = (jax.random.normal(k2, (NUM_CLASSES, 128), jnp.float32) / np.sqrt(128.0), jnp.zeros((NUM_CLASSES,), jnp.float32))
    return {'xyz': xyz, 'params': params}


def reference(xyz, params):
    return forward(params, xyz)

if __name__ == "__main__":
    import jax
    _d = setup_inputs()
    print(jax.jit(kernel)(*tuple(_d.values())))

</pallas_src>

<mosaic_0001>
module attributes {stable_mosaic.version = 14 : i64} {
  func.func @_ball_kernel(%arg0: i32, %arg1: i32, %arg2: memref<1x256x4096xf32, #tpu.memory_space<vmem>>, %arg3: memref<1x256x16xi32, #tpu.memory_space<vmem>>) attributes {dimension_semantics = [#tpu.dimension_semantics<arbitrary>, #tpu.dimension_semantics<arbitrary>], iteration_bounds = array<i64: 8, 4>, scalar_prefetch = 0 : i64, scratch_operands = 0 : i64, tpu.core_type = #tpu.core_type<tc>, window_params = [{transform_indices = @transform_0, window_bounds = array<i64: 1, 256, 4096>}, {transform_indices = @transform_1, window_bounds = array<i64: 1, 256, 16>}]} {
    %get3A = arith.constant 0 : index
    %get3A_0 = arith.constant 0 : index
    %get3A_1 = arith.constant 0 : index
    %get3A_2 = vector.load %arg2[%get3A, %get3A_0, %get3A_1] : memref<1x256x4096xf32, #tpu.memory_space<vmem>>, vector<1x256x4096xf32>
    %get3A_3 = vector.shape_cast %get3A_2 : vector<1x256x4096xf32> to vector<256x4096xf32>
    %gt3A = arith.constant 2.500000e-03 : f32
    %gt3A_4 = vector.broadcast %gt3A : f32 to vector<256x4096xf32>
    %gt3A_5 = arith.cmpf ogt, %get3A_3, %gt3A_4 : vector<256x4096xf32>
    %not3A = arith.constant dense<true> : vector<256x4096xi1>
    %not3A_6 = arith.xori %gt3A_5, %not3A : vector<256x4096xi1>
    %convert_element_type3A = arith.extui %not3A_6 : vector<256x4096xi1> to vector<256x4096xi32>
    %broadcast_in_dim3A = arith.constant 0 : i32
    %broadcast_in_dim3A_7 = vector.broadcast %broadcast_in_dim3A : i32 to vector<256x1xi32>
    %slice3A = vector.extract_strided_slice %convert_element_type3A {offsets = [0, 0], sizes = [256, 4095], strides = [1, 1]} : vector<256x4096xi32> to vector<256x4095xi32>
    %concatenate3A = tpu.concatenate %broadcast_in_dim3A_7, %slice3A in 1 : vector<256x1xi32>, vector<256x4095xi32> -> vector<256x4096xi32>
    %add3A = arith.addi %convert_element_type3A, %concatenate3A : vector<256x4096xi32>
    %broadcast_in_dim3A_8 = arith.constant 0 : i32
    %broadcast_in_dim3A_9 = vector.broadcast %broadcast_in_dim3A_8 : i32 to vector<256x2xi32>
    %slice3A_10 = vector.extract_strided_slice %add3A {offsets = [0, 0], sizes = [256, 4094], strides = [1, 1]} : vector<256x4096xi32> to vector<256x4094xi32>
    %concatenate3A_11 = tpu.concatenate %broadcast_in_dim3A_9, %slice3A_10 in 1 : vector<256x2xi32>, vector<256x4094xi32> -> vector<256x4096xi32>
    %add3A_12 = arith.addi %add3A, %concatenate3A_11 : vector<256x4096xi32>
    %broadcast_in_dim3A_13 = arith.constant 0 : i32
    %broadcast_in_dim3A_14 = vector.broadcast %broadcast_in_dim3A_13 : i32 to vector<256x4xi32>
    %slice3A_15 = vector.extract_strided_slice %add3A_12 {offsets = [0, 0], sizes = [256, 4092], strides = [1, 1]} : vector<256x4096xi32> to vector<256x4092xi32>
    %concatenate3A_16 = tpu.concatenate %broadcast_in_dim3A_14, %slice3A_15 in 1 : vector<256x4xi32>, vector<256x4092xi32> -> vector<256x4096xi32>
    %add3A_17 = arith.addi %add3A_12, %concatenate3A_16 : vector<256x4096xi32>
    %broadcast_in_dim3A_18 = arith.constant 0 : i32
    %broadcast_in_dim3A_19 = vector.broadcast %broadcast_in_dim3A_18 : i32 to vector<256x8xi32>
    %slice3A_20 = vector.extract_strided_slice %add3A_17 {offsets = [0, 0], sizes = [256, 4088], strides = [1, 1]} : vector<256x4096xi32> to vector<256x4088xi32>
    %concatenate3A_21 = tpu.concatenate %broadcast_in_dim3A_19, %slice3A_20 in 1 : vector<256x8xi32>, vector<256x4088xi32> -> vector<256x4096xi32>
    %add3A_22 = arith.addi %add3A_17, %concatenate3A_21 : vector<256x4096xi32>
    %broadcast_in_dim3A_23 = arith.constant 0 : i32
    %broadcast_in_dim3A_24 = vector.broadcast %broadcast_in_dim3A_23 : i32 to vector<256x16xi32>
    %slice3A_25 = vector.extract_strided_slice %add3A_22 {offsets = [0, 0], sizes = [256, 4080], strides = [1, 1]} : vector<256x4096xi32> to vector<256x4080xi32>
    %concatenate3A_26 = tpu.concatenate %broadcast_in_dim3A_24, %slice3A_25 in 1 : vector<256x16xi32>, vector<256x4080xi32> -> vector<256x4096xi32>
    %add3A_27 = arith.addi %add3A_22, %concatenate3A_26 : vector<256x4096xi32>
    %broadcast_in_dim3A_28 = arith.constant 0 : i32
    %broadcast_in_dim3A_29 = vector.broadcast %broadcast_in_dim3A_28 : i32 to vector<256x32xi32>
    %slice3A_30 = vector.extract_strided_slice %add3A_27 {offsets = [0, 0], sizes = [256, 4064], strides = [1, 1]} : vector<256x4096xi32> to vector<256x4064xi32>
    %concatenate3A_31 = tpu.concatenate %broadcast_in_dim3A_29, %slice3A_30 in 1 : vector<256x32xi32>, vector<256x4064xi32> -> vector<256x4096xi32>
    %add3A_32 = arith.addi %add3A_27, %concatenate3A_31 : vector<256x4096xi32>
    %broadcast_in_dim3A_33 = arith.constant 0 : i32
    %broadcast_in_dim3A_34 = vector.broadcast %broadcast_in_dim3A_33 : i32 to vector<256x64xi32>
    %slice3A_35 = vector.extract_strided_slice %add3A_32 {offsets = [0, 0], sizes = [256, 4032], strides = [1, 1]} : vector<256x4096xi32> to vector<256x4032xi32>
    %concatenate3A_36 = tpu.concatenate %broadcast_in_dim3A_34, %slice3A_35 in 1 : vector<256x64xi32>, vector<256x4032xi32> -> vector<256x4096xi32>
    %add3A_37 = arith.addi %add3A_32, %concatenate3A_36 : vector<256x4096xi32>
    %broadcast_in_dim3A_38 = arith.constant 0 : i32
    %broadcast_in_dim3A_39 = vector.broadcast %broadcast_in_dim3A_38 : i32 to vector<256x128xi32>
    %slice3A_40 = vector.extract_strided_slice %add3A_37 {offsets = [0, 0], sizes = [256, 3968], strides = [1, 1]} : vector<256x4096xi32> to vector<256x3968xi32>
    %concatenate3A_41 = tpu.concatenate %broadcast_in_dim3A_39, %slice3A_40 in 1 : vector<256x128xi32>, vector<256x3968xi32> -> vector<256x4096xi32>
    %add3A_42 = arith.addi %add3A_37, %concatenate3A_41 : vector<256x4096xi32>
    %broadcast_in_dim3A_43 = arith.constant 0 : i32
    %broadcast_in_dim3A_44 = vector.broadcast %broadcast_in_dim3A_43 : i32 to vector<256x256xi32>
    %slice3A_45 = vector.extract_strided_slice %add3A_42 {offsets = [0, 0], sizes = [256, 3840], strides = [1, 1]} : vector<256x4096xi32> to vector<256x3840xi32>
    %concatenate3A_46 = tpu.concatenate %broadcast_in_dim3A_44, %slice3A_45 in 1 : vector<256x256xi32>, vector<256x3840xi32> -> vector<256x4096xi32>
    %add3A_47 = arith.addi %add3A_42, %concatenate3A_46 : vector<256x4096xi32>
    %broadcast_in_dim3A_48 = arith.constant 0 : i32
    %broadcast_in_dim3A_49 = vector.broadcast %broadcast_in_dim3A_48 : i32 to vector<256x512xi32>
    %slice3A_50 = vector.extract_strided_slice %add3A_47 {offsets = [0, 0], sizes = [256, 3584], strides = [1, 1]} : vector<256x4096xi32> to vector<256x3584xi32>
    %concatenate3A_51 = tpu.concatenate %broadcast_in_dim3A_49, %slice3A_50 in 1 : vector<256x512xi32>, vector<256x3584xi32> -> vector<256x4096xi32>
    %add3A_52 = arith.addi %add3A_47, %concatenate3A_51 : vector<256x4096xi32>
    %broadcast_in_dim3A_53 = arith.constant 0 : i32
    %broadcast_in_dim3A_54 = vector.broadcast %broadcast_in_dim3A_53 : i32 to vector<256x1024xi32>
    %slice3A_55 = vector.extract_strided_slice %add3A_52 {offsets = [0, 0], sizes = [256, 3072], strides = [1, 1]} : vector<256x4096xi32> to vector<256x3072xi32>
    %concatenate3A_56 = tpu.concatenate %broadcast_in_dim3A_54, %slice3A_55 in 1 : vector<256x1024xi32>, vector<256x3072xi32> -> vector<256x4096xi32>
    %add3A_57 = arith.addi %add3A_52, %concatenate3A_56 : vector<256x4096xi32>
    %broadcast_in_dim3A_58 = arith.constant 0 : i32
    %broadcast_in_dim3A_59 = vector.broadcast %broadcast_in_dim3A_58 : i32 to vector<256x2048xi32>
    %slice3A_60 = vector.extract_strided_slice %add3A_57 {offsets = [0, 0], sizes = [256, 2048], strides = [1, 1]} : vector<256x4096xi32> to vector<256x2048xi32>
    %concatenate3A_61 = tpu.concatenate %broadcast_in_dim3A_59, %slice3A_60 in 1 : vector<256x2048xi32>, vector<256x2048xi32> -> vector<256x4096xi32>
    %add3A_62 = arith.addi %add3A_57, %concatenate3A_61 : vector<256x4096xi32>
    %le3A = arith.constant 0 : i32
    %le3A_63 = vector.broadcast %le3A : i32 to vector<256x4096xi32>
    %le3A_64 = arith.cmpi sle, %add3A_62, %le3A_63 : vector<256x4096xi32>
    %convert_element_type3A_65 = arith.extui %le3A_64 : vector<256x4096xi1> to vector<256x4096xi32>
    %reduce_sum3A = arith.constant dense<0> : vector<256xi32>
    %reduce_sum3A_66 = vector.multi_reduction <add>, %convert_element_type3A_65, %reduce_sum3A [1] : vector<256x4096xi32> to vector<256xi32>
    %min3A = arith.constant 4095 : i32
    %min3A_67 = vector.broadcast %min3A : i32 to vector<256xi32>
    %min3A_68 = arith.minsi %reduce_sum3A_66, %min3A_67 : vector<256xi32>
    %le3A_69 = arith.constant 1 : i32
    %le3A_70 = vector.broadcast %le3A_69 : i32 to vector<256x4096xi32>
    %le3A_71 = arith.cmpi sle, %add3A_62, %le3A_70 : vector<256x4096xi32>
    %convert_element_type3A_72 = arith.extui %le3A_71 : vector<256x4096xi1> to vector<256x4096xi32>
    %reduce_sum3A_73 = arith.constant dense<0> : vector<256xi32>
    %reduce_sum3A_74 = vector.multi_reduction <add>, %convert_element_type3A_72, %reduce_sum3A_73 [1] : vector<256x4096xi32> to vector<256xi32>
    %min3A_75 = arith.constant 4095 : i32
    %min3A_76 = vector.broadcast %min3A_75 : i32 to vector<256xi32>
    %min3A_77 = arith.minsi %reduce_sum3A_74, %min3A_76 : vector<256xi32>
    %le3A_78 = arith.constant 2 : i32
    %le3A_79 = vector.broadcast %le3A_78 : i32 to vector<256x4096xi32>
    %le3A_80 = arith.cmpi sle, %add3A_62, %le3A_79 : vector<256x4096xi32>
    %convert_element_type3A_81 = arith.extui %le3A_80 : vector<256x4096xi1> to vector<256x4096xi32>
    %reduce_sum3A_82 = arith.constant dense<0> : vector<256xi32>
    %reduce_sum3A_83 = vector.multi_reduction <add>, %convert_element_type3A_81, %reduce_sum3A_82 [1] : vector<256x4096xi32> to vector<256xi32>
    %min3A_84 = arith.constant 4095 : i32
    %min3A_85 = vector.broadcast %min3A_84 : i32 to vector<256xi32>
    %min3A_86 = arith.minsi %reduce_sum3A_83, %min3A_85 : vector<256xi32>
    %le3A_87 = arith.constant 3 : i32
    %le3A_88 = vector.broadcast %le3A_87 : i32 to vector<256x4096xi32>
    %le3A_89 = arith.cmpi sle, %add3A_62, %le3A_88 : vector<256x4096xi32>
    %convert_element_type3A_90 = arith.extui %le3A_89 : vector<256x4096xi1> to vector<256x4096xi32>
    %reduce_sum3A_91 = arith.constant dense<0> : vector<256xi32>
    %reduce_sum3A_92 = vector.multi_reduction <add>, %convert_element_type3A_90, %reduce_sum3A_91 [1] : vector<256x4096xi32> to vector<256xi32>
    %min3A_93 = arith.constant 4095 : i32
    %min3A_94 = vector.broadcast %min3A_93 : i32 to vector<256xi32>
    %min3A_95 = arith.minsi %reduce_sum3A_92, %min3A_94 : vector<256xi32>
    %le3A_96 = arith.constant 4 : i32
    %le3A_97 = vector.broadcast %le3A_96 : i32 to vector<256x4096xi32>
    %le3A_98 = arith.cmpi sle, %add3A_62, %le3A_97 : vector<256x4096xi32>
    %convert_element_type3A_99 = arith.extui %le3A_98 : vector<256x4096xi1> to vector<256x4096xi32>
    %reduce_sum3A_100 = arith.constant dense<0> : vector<256xi32>
    %reduce_sum3A_101 = vector.multi_reduction <add>, %convert_element_type3A_99, %reduce_sum3A_100 [1] : vector<256x4096xi32> to vector<256xi32>
    %min3A_102 = arith.constant 4095 : i32
    %min3A_103 = vector.broadcast %min3A_102 : i32 to vector<256xi32>
    %min3A_104 = arith.minsi %reduce_sum3A_101, %min3A_103 : vector<256xi32>
    %le3A_105 = arith.constant 5 : i32
    %le3A_106 = vector.broadcast %le3A_105 : i32 to vector<256x4096xi32>
    %le3A_107 = arith.cmpi sle, %add3A_62, %le3A_106 : vector<256x4096xi32>
    %convert_element_type3A_108 = arith.extui %le3A_107 : vector<256x4096xi1> to vector<256x4096xi32>
    %reduce_sum3A_109 = arith.constant dense<0> : vector<256xi32>
    %reduce_sum3A_110 = vector.multi_reduction <add>, %convert_element_type3A_108, %reduce_sum3A_109 [1] : vector<256x4096xi32> to vector<256xi32>
    %min3A_111 = arith.constant 4095 : i32
    %min3A_112 = vector.broadcast %min3A_111 : i32 to vector<256xi32>
    %min3A_113 = arith.minsi %reduce_sum3A_110, %min3A_112 : vector<256xi32>
    %le3A_114 = arith.constant 6 : i32
    %le3A_115 = vector.broadcast %le3A_114 : i32 to vector<256x4096xi32>
    %le3A_116 = arith.cmpi sle, %add3A_62, %le3A_115 : vector<256x4096xi32>
    %convert_element_type3A_117 = arith.extui %le3A_116 : vector<256x4096xi1> to vector<256x4096xi32>
    %reduce_sum3A_118 = arith.constant dense<0> : vector<256xi32>
    %reduce_sum3A_119 = vector.multi_reduction <add>, %convert_element_type3A_117, %reduce_sum3A_118 [1] : vector<256x4096xi32> to vector<256xi32>
    %min3A_120 = arith.constant 4095 : i32
    %min3A_121 = vector.broadcast %min3A_120 : i32 to vector<256xi32>
    %min3A_122 = arith.minsi %reduce_sum3A_119, %min3A_121 : vector<256xi32>
    %le3A_123 = arith.constant 7 : i32
    %le3A_124 = vector.broadcast %le3A_123 : i32 to vector<256x4096xi32>
    %le3A_125 = arith.cmpi sle, %add3A_62, %le3A_124 : vector<256x4096xi32>
    %convert_element_type3A_126 = arith.extui %le3A_125 : vector<256x4096xi1> to vector<256x4096xi32>
    %reduce_sum3A_127 = arith.constant dense<0> : vector<256xi32>
    %reduce_sum3A_128 = vector.multi_reduction <add>, %convert_element_type3A_126, %reduce_sum3A_127 [1] : vector<256x4096xi32> to vector<256xi32>
    %min3A_129 = arith.constant 4095 : i32
    %min3A_130 = vector.broadcast %min3A_129 : i32 to vector<256xi32>
    %min3A_131 = arith.minsi %reduce_sum3A_128, %min3A_130 : vector<256xi32>
    %le3A_132 = arith.constant 8 : i32
    %le3A_133 = vector.broadcast %le3A_132 : i32 to vector<256x4096xi32>
    %le3A_134 = arith.cmpi sle, %add3A_62, %le3A_133 : vector<256x4096xi32>
    %convert_element_type3A_135 = arith.extui %le3A_134 : vector<256x4096xi1> to vector<256x4096xi32>
    %reduce_sum3A_136 = arith.constant dense<0> : vector<256xi32>
    %reduce_sum3A_137 = vector.multi_reduction <add>, %convert_element_type3A_135, %reduce_sum3A_136 [1] : vector<256x4096xi32> to vector<256xi32>
    %min3A_138 = arith.constant 4095 : i32
    %min3A_139 = vector.broadcast %min3A_138 : i32 to vector<256xi32>
    %min3A_140 = arith.minsi %reduce_sum3A_137, %min3A_139 : vector<256xi32>
    %le3A_141 = arith.constant 9 : i32
    %le3A_142 = vector.broadcast %le3A_141 : i32 to vector<256x4096xi32>
    %le3A_143 = arith.cmpi sle, %add3A_62, %le3A_142 : vector<256x4096xi32>
    %convert_element_type3A_144 = arith.extui %le3A_143 : vector<256x4096xi1> to vector<256x4096xi32>
    %reduce_sum3A_145 = arith.constant dense<0> : vector<256xi32>
    %reduce_sum3A_146 = vector.multi_reduction <add>, %convert_element_type3A_144, %reduce_sum3A_145 [1] : vector<256x4096xi32> to vector<256xi32>
    %min3A_147 = arith.constant 4095 : i32
    %min3A_148 = vector.broadcast %min3A_147 : i32 to vector<256xi32>
    %min3A_149 = arith.minsi %reduce_sum3A_146, %min3A_148 : vector<256xi32>
    %le3A_150 = arith.constant 10 : i32
    %le3A_151 = vector.broadcast %le3A_150 : i32 to vector<256x4096xi32>
    %le3A_152 = arith.cmpi sle, %add3A_62, %le3A_151 : vector<256x4096xi32>
    %convert_element_type3A_153 = arith.extui %le3A_152 : vector<256x4096xi1> to vector<256x4096xi32>
    %reduce_sum3A_154 = arith.constant dense<0> : vector<256xi32>
    %reduce_sum3A_155 = vector.multi_reduction <add>, %convert_element_type3A_153, %reduce_sum3A_154 [1] : vector<256x4096xi32> to vector<256xi32>
    %min3A_156 = arith.constant 4095 : i32
    %min3A_157 = vector.broadcast %min3A_156 : i32 to vector<256xi32>
    %min3A_158 = arith.minsi %reduce_sum3A_155, %min3A_157 : vector<256xi32>
    %le3A_159 = arith.constant 11 : i32
    %le3A_160 = vector.broadcast %le3A_159 : i32 to vector<256x4096xi32>
    %le3A_161 = arith.cmpi sle, %add3A_62, %le3A_160 : vector<256x4096xi32>
    %convert_element_type3A_162 = arith.extui %le3A_161 : vector<256x4096xi1> to vector<256x4096xi32>
    %reduce_sum3A_163 = arith.constant dense<0> : vector<256xi32>
    %reduce_sum3A_164 = vector.multi_reduction <add>, %convert_element_type3A_162, %reduce_sum3A_163 [1] : vector<256x4096xi32> to vector<256xi32>
    %min3A_165 = arith.constant 4095 : i32
    %min3A_166 = vector.broadcast %min3A_165 : i32 to vector<256xi32>
    %min3A_167 = arith.minsi %reduce_sum3A_164, %min3A_166 : vector<256xi32>
    %le3A_168 = arith.constant 12 : i32
    %le3A_169 = vector.broadcast %le3A_168 : i32 to vector<256x4096xi32>
    %le3A_170 = arith.cmpi sle, %add3A_62, %le3A_169 : vector<256x4096xi32>
    %convert_element_type3A_171 = arith.extui %le3A_170 : vector<256x4096xi1> to vector<256x4096xi32>
    %reduce_sum3A_172 = arith.constant dense<0> : vector<256xi32>
    %reduce_sum3A_173 = vector.multi_reduction <add>, %convert_element_type3A_171, %reduce_sum3A_172 [1] : vector<256x4096xi32> to vector<256xi32>
    %min3A_174 = arith.constant 4095 : i32
    %min3A_175 = vector.broadcast %min3A_174 : i32 to vector<256xi32>
    %min3A_176 = arith.minsi %reduce_sum3A_173, %min3A_175 : vector<256xi32>
    %le3A_177 = arith.constant 13 : i32
    %le3A_178 = vector.broadcast %le3A_177 : i32 to vector<256x4096xi32>
    %le3A_179 = arith.cmpi sle, %add3A_62, %le3A_178 : vector<256x4096xi32>
    %convert_element_type3A_180 = arith.extui %le3A_179 : vector<256x4096xi1> to vector<256x4096xi32>
    %reduce_sum3A_181 = arith.constant dense<0> : vector<256xi32>
    %reduce_sum3A_182 = vector.multi_reduction <add>, %convert_element_type3A_180, %reduce_sum3A_181 [1] : vector<256x4096xi32> to vector<256xi32>
    %min3A_183 = arith.constant 4095 : i32
    %min3A_184 = vector.broadcast %min3A_183 : i32 to vector<256xi32>
    %min3A_185 = arith.minsi %reduce_sum3A_182, %min3A_184 : vector<256xi32>
    %le3A_186 = arith.constant 14 : i32
    %le3A_187 = vector.broadcast %le3A_186 : i32 to vector<256x4096xi32>
    %le3A_188 = arith.cmpi sle, %add3A_62, %le3A_187 : vector<256x4096xi32>
    %convert_element_type3A_189 = arith.extui %le3A_188 : vector<256x4096xi1> to vector<256x4096xi32>
    %reduce_sum3A_190 = arith.constant dense<0> : vector<256xi32>
    %reduce_sum3A_191 = vector.multi_reduction <add>, %convert_element_type3A_189, %reduce_sum3A_190 [1] : vector<256x4096xi32> to vector<256xi32>
    %min3A_192 = arith.constant 4095 : i32
    %min3A_193 = vector.broadcast %min3A_192 : i32 to vector<256xi32>
    %min3A_194 = arith.minsi %reduce_sum3A_191, %min3A_193 : vector<256xi32>
    %le3A_195 = arith.constant 15 : i32
    %le3A_196 = vector.broadcast %le3A_195 : i32 to vector<256x4096xi32>
    %le3A_197 = arith.cmpi sle, %add3A_62, %le3A_196 : vector<256x4096xi32>
    %convert_element_type3A_198 = arith.extui %le3A_197 : vector<256x4096xi1> to vector<256x4096xi32>
    %reduce_sum3A_199 = arith.constant dense<0> : vector<256xi32>
    %reduce_sum3A_200 = vector.multi_reduction <add>, %convert_element_type3A_198, %reduce_sum3A_199 [1] : vector<256x4096xi32> to vector<256xi32>
    %min3A_201 = arith.constant 4095 : i32
    %min3A_202 = vector.broadcast %min3A_201 : i32 to vector<256xi32>
    %min3A_203 = arith.minsi %reduce_sum3A_200, %min3A_202 : vector<256xi32>
    %eq3A = arith.constant 4095 : i32
    %eq3A_204 = vector.broadcast %eq3A : i32 to vector<256xi32>
    %eq3A_205 = arith.cmpi eq, %min3A_77, %eq3A_204 : vector<256xi32>
    %select_n3A = arith.select %eq3A_205, %min3A_68, %min3A_77 : vector<256xi1>, vector<256xi32>
    %eq3A_206 = arith.constant 4095 : i32
    %eq3A_207 = vector.broadcast %eq3A_206 : i32 to vector<256xi32>
    %eq3A_208 = arith.cmpi eq, %min3A_86, %eq3A_207 : vector<256xi32>
    %select_n3A_209 = arith.select %eq3A_208, %min3A_68, %min3A_86 : vector<256xi1>, vector<256xi32>
    %eq3A_210 = arith.constant 4095 : i32
    %eq3A_211 = vector.broadcast %eq3A_210 : i32 to vector<256xi32>
    %eq3A_212 = arith.cmpi eq, %min3A_95, %eq3A_211 : vector<256xi32>
    %select_n3A_213 = arith.select %eq3A_212, %min3A_68, %min3A_95 : vector<256xi1>, vector<256xi32>
    %eq3A_214 = arith.constant 4095 : i32
    %eq3A_215 = vector.broadcast %eq3A_214 : i32 to vector<256xi32>
    %eq3A_216 = arith.cmpi eq, %min3A_104, %eq3A_215 : vector<256xi32>
    %select_n3A_217 = arith.select %eq3A_216, %min3A_68, %min3A_104 : vector<256xi1>, vector<256xi32>
    %eq3A_218 = arith.constant 4095 : i32
    %eq3A_219 = vector.broadcast %eq3A_218 : i32 to vector<256xi32>
    %eq3A_220 = arith.cmpi eq, %min3A_113, %eq3A_219 : vector<256xi32>
    %select_n3A_221 = arith.select %eq3A_220, %min3A_68, %min3A_113 : vector<256xi1>, vector<256xi32>
    %eq3A_222 = arith.constant 4095 : i32
    %eq3A_223 = vector.broadcast %eq3A_222 : i32 to vector<256xi32>
    %eq3A_224 = arith.cmpi eq, %min3A_122, %eq3A_223 : vector<256xi32>
    %select_n3A_225 = arith.select %eq3A_224, %min3A_68, %min3A_122 : vector<256xi1>, vector<256xi32>
    %eq3A_226 = arith.constant 4095 : i32
    %eq3A_227 = vector.broadcast %eq3A_226 : i32 to vector<256xi32>
    %eq3A_228 = arith.cmpi eq, %min3A_131, %eq3A_227 : vector<256xi32>
    %select_n3A_229 = arith.select %eq3A_228, %min3A_68, %min3A_131 : vector<256xi1>, vector<256xi32>
    %eq3A_230 = arith.constant 4095 : i32
    %eq3A_231 = vector.broadcast %eq3A_230 : i32 to vector<256xi32>
    %eq3A_232 = arith.cmpi eq, %min3A_140, %eq3A_231 : vector<256xi32>
    %select_n3A_233 = arith.select %eq3A_232, %min3A_68, %min3A_140 : vector<256xi1>, vector<256xi32>
    %eq3A_234 = arith.constant 4095 : i32
    %eq3A_235 = vector.broadcast %eq3A_234 : i32 to vector<256xi32>
    %eq3A_236 = arith.cmpi eq, %min3A_149, %eq3A_235 : vector<256xi32>
    %select_n3A_237 = arith.select %eq3A_236, %min3A_68, %min3A_149 : vector<256xi1>, vector<256xi32>
    %eq3A_238 = arith.constant 4095 : i32
    %eq3A_239 = vector.broadcast %eq3A_238 : i32 to vector<256xi32>
    %eq3A_240 = arith.cmpi eq, %min3A_158, %eq3A_239 : vector<256xi32>
    %select_n3A_241 = arith.select %eq3A_240, %min3A_68, %min3A_158 : vector<256xi1>, vector<256xi32>
    %eq3A_242 = arith.constant 4095 : i32
    %eq3A_243 = vector.broadcast %eq3A_242 : i32 to vector<256xi32>
    %eq3A_244 = arith.cmpi eq, %min3A_167, %eq3A_243 : vector<256xi32>
    %select_n3A_245 = arith.select %eq3A_244, %min3A_68, %min3A_167 : vector<256xi1>, vector<256xi32>
    %eq3A_246 = arith.constant 4095 : i32
    %eq3A_247 = vector.broadcast %eq3A_246 : i32 to vector<256xi32>
    %eq3A_248 = arith.cmpi eq, %min3A_176, %eq3A_247 : vector<256xi32>
    %select_n3A_249 = arith.select %eq3A_248, %min3A_68, %min3A_176 : vector<256xi1>, vector<256xi32>
    %eq3A_250 = arith.constant 4095 : i32
    %eq3A_251 = vector.broadcast %eq3A_250 : i32 to vector<256xi32>
    %eq3A_252 = arith.cmpi eq, %min3A_185, %eq3A_251 : vector<256xi32>
    %select_n3A_253 = arith.select %eq3A_252, %min3A_68, %min3A_185 : vector<256xi1>, vector<256xi32>
    %eq3A_254 = arith.constant 4095 : i32
    %eq3A_255 = vector.broadcast %eq3A_254 : i32 to vector<256xi32>
    %eq3A_256 = arith.cmpi eq, %min3A_194, %eq3A_255 : vector<256xi32>
    %select_n3A_257 = arith.select %eq3A_256, %min3A_68, %min3A_194 : vector<256xi1>, vector<256xi32>
    %eq3A_258 = arith.constant 4095 : i32
    %eq3A_259 = vector.broadcast %eq3A_258 : i32 to vector<256xi32>
    %eq3A_260 = arith.cmpi eq, %min3A_203, %eq3A_259 : vector<256xi32>
    %select_n3A_261 = arith.select %eq3A_260, %min3A_68, %min3A_203 : vector<256xi1>, vector<256xi32>
    %broadcast_in_dim3A_262 = vector.shape_cast %min3A_68 : vector<256xi32> to vector<256x1xi32>
    %broadcast_in_dim3A_263 = vector.shape_cast %select_n3A : vector<256xi32> to vector<256x1xi32>
    %broadcast_in_dim3A_264 = vector.shape_cast %select_n3A_209 : vector<256xi32> to vector<256x1xi32>
    %broadcast_in_dim3A_265 = vector.shape_cast %select_n3A_213 : vector<256xi32> to vector<256x1xi32>
    %broadcast_in_dim3A_266 = vector.shape_cast %select_n3A_217 : vector<256xi32> to vector<256x1xi32>
    %broadcast_in_dim3A_267 = vector.shape_cast %select_n3A_221 : vector<256xi32> to vector<256x1xi32>
    %broadcast_in_dim3A_268 = vector.shape_cast %select_n3A_225 : vector<256xi32> to vector<256x1xi32>
    %broadcast_in_dim3A_269 = vector.shape_cast %select_n3A_229 : vector<256xi32> to vector<256x1xi32>
    %broadcast_in_dim3A_270 = vector.shape_cast %select_n3A_233 : vector<256xi32> to vector<256x1xi32>
    %broadcast_in_dim3A_271 = vector.shape_cast %select_n3A_237 : vector<256xi32> to vector<256x1xi32>
    %broadcast_in_dim3A_272 = vector.shape_cast %select_n3A_241 : vector<256xi32> to vector<256x1xi32>
    %broadcast_in_dim3A_273 = vector.shape_cast %select_n3A_245 : vector<256xi32> to vector<256x1xi32>
    %broadcast_in_dim3A_274 = vector.shape_cast %select_n3A_249 : vector<256xi32> to vector<256x1xi32>
    %broadcast_in_dim3A_275 = vector.shape_cast %select_n3A_253 : vector<256xi32> to vector<256x1xi32>
    %broadcast_in_dim3A_276 = vector.shape_cast %select_n3A_257 : vector<256xi32> to vector<256x1xi32>
    %broadcast_in_dim3A_277 = vector.shape_cast %select_n3A_261 : vector<256xi32> to vector<256x1xi32>
    %concatenate3A_278 = tpu.concatenate %broadcast_in_dim3A_262, %broadcast_in_dim3A_263, %broadcast_in_dim3A_264, %broadcast_in_dim3A_265, %broadcast_in_dim3A_266, %broadcast_in_dim3A_267, %broadcast_in_dim3A_268, %broadcast_in_dim3A_269, %broadcast_in_dim3A_270, %broadcast_in_dim3A_271, %broadcast_in_dim3A_272, %broadcast_in_dim3A_273, %broadcast_in_dim3A_274, %broadcast_in_dim3A_275, %broadcast_in_dim3A_276, %broadcast_in_dim3A_277 in 1 : vector<256x1xi32>, vector<256x1xi32>, vector<256x1xi32>, vector<256x1xi32>, vector<256x1xi32>, vector<256x1xi32>, vector<256x1xi32>, vector<256x1xi32>, vector<256x1xi32>, vector<256x1xi32>, vector<256x1xi32>, vector<256x1xi32>, vector<256x1xi32>, vector<256x1xi32>, vector<256x1xi32>, vector<256x1xi32> -> vector<256x16xi32>
    %swap3A = arith.constant 0 : index
    %swap3A_279 = arith.constant 0 : index
    %swap3A_280 = arith.constant 0 : index
    %swap3A_281 = vector.load %arg3[%swap3A, %swap3A_279, %swap3A_280] : memref<1x256x16xi32, #tpu.memory_space<vmem>>, vector<1x256x16xi32>
    %swap3A_282 = vector.shape_cast %swap3A_281 : vector<1x256x16xi32> to vector<256x16xi32>
    %swap3A_283 = vector.shape_cast %concatenate3A_278 : vector<256x16xi32> to vector<1x256x16xi32>
    tpu.vector_store %arg3[%swap3A, %swap3A_279, %swap3A_280], %swap3A_283 {strides = array<i32>} : memref<1x256x16xi32, #tpu.memory_space<vmem>>, vector<1x256x16xi32>,
    return
  }
  func.func @transform_0(%arg0: i32, %arg1: i32) -> (i32, i32, i32) {
    %c0_i32 = arith.constant 0 : i32
    %c0_i32_0 = arith.constant 0 : i32
    return %arg0, %arg1, %c0_i32 : i32, i32, i32
  }
  func.func @transform_1(%arg0: i32, %arg1: i32) -> (i32, i32, i32) {
    %c0_i32 = arith.constant 0 : i32
    %c0_i32_0 = arith.constant 0 : i32
    return %arg0, %arg1, %c0_i32 : i32, i32, i32
  }
}

module attributes {stable_mosaic.version = 14 : i64} {
  func.func @_ball_kernel(%arg0: i32, %arg1: i32, %arg2: memref<1x256x4096xf32, #tpu.memory_space<vmem>>, %arg3: memref<1x256x32xi32, #tpu.memory_space<vmem>>) attributes {dimension_semantics = [#tpu.dimension_semantics<arbitrary>, #tpu.dimension_semantics<arbitrary>], iteration_bounds = array<i64: 8, 4>, scalar_prefetch = 0 : i64, scratch_operands = 0 : i64, tpu.core_type = #tpu.core_type<tc>, window_params = [{transform_indices = @transform_0, window_bounds = array<i64: 1, 256, 4096>}, {transform_indices = @transform_1, window_bounds = array<i64: 1, 256, 32>}]} {
    %get3A = arith.constant 0 : index
    %get3A_0 = arith.constant 0 : index
    %get3A_1 = arith.constant 0 : index
    %get3A_2 = vector.load %arg2[%get3A, %get3A_0, %get3A_1] : memref<1x256x4096xf32, #tpu.memory_space<vmem>>, vector<1x256x4096xf32>
    %get3A_3 = vector.shape_cast %get3A_2 : vector<1x256x4096xf32> to vector<256x4096xf32>
    %gt3A = arith.constant 0.00999999977 : f32
    %gt3A_4 = vector.broadcast %gt3A : f32 to vector<256x4096xf32>
    %gt3A_5 = arith.cmpf ogt, %get3A_3, %gt3A_4 : vector<256x4096xf32>
    %not3A = arith.constant dense<true> : vector<256x4096xi1>
    %not3A_6 = arith.xori %gt3A_5, %not3A : vector<256x4096xi1>
    %convert_element_type3A = arith.extui %not3A_6 : vector<256x4096xi1> to vector<256x4096xi32>
    %broadcast_in_dim3A = arith.constant 0 : i32
    %broadcast_in_dim3A_7 = vector.broadcast %broadcast_in_dim3A : i32 to vector<256x1xi32>
    %slice3A = vector.extract_strided_slice %convert_element_type3A {offsets = [0, 0], sizes = [256, 4095], strides = [1, 1]} : vector<256x4096xi32> to vector<256x4095xi32>
    %concatenate3A = tpu.concatenate %broadcast_in_dim3A_7, %slice3A in 1 : vector<256x1xi32>, vector<256x4095xi32> -> vector<256x4096xi32>
    %add3A = arith.addi %convert_element_type3A, %concatenate3A : vector<256x4096xi32>
    %broadcast_in_dim3A_8 = arith.constant 0 : i32
    %broadcast_in_dim3A_9 = vector.broadcast %broadcast_in_dim3A_8 : i32 to vector<256x2xi32>
    %slice3A_10 = vector.extract_strided_slice %add3A {offsets = [0, 0], sizes = [256, 4094], strides = [1, 1]} : vector<256x4096xi32> to vector<256x4094xi32>
    %concatenate3A_11 = tpu.concatenate %broadcast_in_dim3A_9, %slice3A_10 in 1 : vector<256x2xi32>, vector<256x4094xi32> -> vector<256x4096xi32>
    %add3A_12 = arith.addi %add3A, %concatenate3A_11 : vector<256x4096xi32>
    %broadcast_in_dim3A_13 = arith.constant 0 : i32
    %broadcast_in_dim3A_14 = vector.broadcast %broadcast_in_dim3A_13 : i32 to vector<256x4xi32>
    %slice3A_15 = vector.extract_strided_slice %add3A_12 {offsets = [0, 0], sizes = [256, 4092], strides = [1, 1]} : vector<256x4096xi32> to vector<256x4092xi32>
    %concatenate3A_16 = tpu.concatenate %broadcast_in_dim3A_14, %slice3A_15 in 1 : vector<256x4xi32>, vector<256x4092xi32> -> vector<256x4096xi32>
    %add3A_17 = arith.addi %add3A_12, %concatenate3A_16 : vector<256x4096xi32>
    %broadcast_in_dim3A_18 = arith.constant 0 : i32
    %broadcast_in_dim3A_19 = vector.broadcast %broadcast_in_dim3A_18 : i32 to vector<256x8xi32>
    %slice3A_20 = vector.extract_strided_slice %add3A_17 {offsets = [0, 0], sizes = [256, 4088], strides = [1, 1]} : vector<256x4096xi32> to vector<256x4088xi32>
    %concatenate3A_21 = tpu.concatenate %broadcast_in_dim3A_19, %slice3A_20 in 1 : vector<256x8xi32>, vector<256x4088xi32> -> vector<256x4096xi32>
    %add3A_22 = arith.addi %add3A_17, %concatenate3A_21 : vector<256x4096xi32>
    %broadcast_in_dim3A_23 = arith.constant 0 : i32
    %broadcast_in_dim3A_24 = vector.broadcast %broadcast_in_dim3A_23 : i32 to vector<256x16xi32>
    %slice3A_25 = vector.extract_strided_slice %add3A_22 {offsets = [0, 0], sizes = [256, 4080], strides = [1, 1]} : vector<256x4096xi32> to vector<256x4080xi32>
    %concatenate3A_26 = tpu.concatenate %broadcast_in_dim3A_24, %slice3A_25 in 1 : vector<256x16xi32>, vector<256x4080xi32> -> vector<256x4096xi32>
    %add3A_27 = arith.addi %add3A_22, %concatenate3A_26 : vector<256x4096xi32>
    %broadcast_in_dim3A_28 = arith.constant 0 : i32
    %broadcast_in_dim3A_29 = vector.broadcast %broadcast_in_dim3A_28 : i32 to vector<256x32xi32>
    %slice3A_30 = vector.extract_strided_slice %add3A_27 {offsets = [0, 0], sizes = [256, 4064], strides = [1, 1]} : vector<256x4096xi32> to vector<256x4064xi32>
    %concatenate3A_31 = tpu.concatenate %broadcast_in_dim3A_29, %slice3A_30 in 1 : vector<256x32xi32>, vector<256x4064xi32> -> vector<256x4096xi32>
    %add3A_32 = arith.addi %add3A_27, %concatenate3A_31 : vector<256x4096xi32>
    %broadcast_in_dim3A_33 = arith.constant 0 : i32
    %broadcast_in_dim3A_34 = vector.broadcast %broadcast_in_dim3A_33 : i32 to vector<256x64xi32>
    %slice3A_35 = vector.extract_strided_slice %add3A_32 {offsets = [0, 0], sizes = [256, 4032], strides = [1, 1]} : vector<256x4096xi32> to vector<256x4032xi32>
    %concatenate3A_36 = tpu.concatenate %broadcast_in_dim3A_34, %slice3A_35 in 1 : vector<256x64xi32>, vector<256x4032xi32> -> vector<256x4096xi32>
    %add3A_37 = arith.addi %add3A_32, %concatenate3A_36 : vector<256x4096xi32>
    %broadcast_in_dim3A_38 = arith.constant 0 : i32
    %broadcast_in_dim3A_39 = vector.broadcast %broadcast_in_dim3A_38 : i32 to vector<256x128xi32>
    %slice3A_40 = vector.extract_strided_slice %add3A_37 {offsets = [0, 0], sizes = [256, 3968], strides = [1, 1]} : vector<256x4096xi32> to vector<256x3968xi32>
    %concatenate3A_41 = tpu.concatenate %broadcast_in_dim3A_39, %slice3A_40 in 1 : vector<256x128xi32>, vector<256x3968xi32> -> vector<256x4096xi32>
    %add3A_42 = arith.addi %add3A_37, %concatenate3A_41 : vector<256x4096xi32>
    %broadcast_in_dim3A_43 = arith.constant 0 : i32
    %broadcast_in_dim3A_44 = vector.broadcast %broadcast_in_dim3A_43 : i32 to vector<256x256xi32>
    %slice3A_45 = vector.extract_strided_slice %add3A_42 {offsets = [0, 0], sizes = [256, 3840], strides = [1, 1]} : vector<256x4096xi32> to vector<256x3840xi32>
    %concatenate3A_46 = tpu.concatenate %broadcast_in_dim3A_44, %slice3A_45 in 1 : vector<256x256xi32>, vector<256x3840xi32> -> vector<256x4096xi32>
    %add3A_47 = arith.addi %add3A_42, %concatenate3A_46 : vector<256x4096xi32>
    %broadcast_in_dim3A_48 = arith.constant 0 : i32
    %broadcast_in_dim3A_49 = vector.broadcast %broadcast_in_dim3A_48 : i32 to vector<256x512xi32>
    %slice3A_50 = vector.extract_strided_slice %add3A_47 {offsets = [0, 0], sizes = [256, 3584], strides = [1, 1]} : vector<256x4096xi32> to vector<256x3584xi32>
    %concatenate3A_51 = tpu.concatenate %broadcast_in_dim3A_49, %slice3A_50 in 1 : vector<256x512xi32>, vector<256x3584xi32> -> vector<256x4096xi32>
    %add3A_52 = arith.addi %add3A_47, %concatenate3A_51 : vector<256x4096xi32>
    %broadcast_in_dim3A_53 = arith.constant 0 : i32
    %broadcast_in_dim3A_54 = vector.broadcast %broadcast_in_dim3A_53 : i32 to vector<256x1024xi32>
    %slice3A_55 = vector.extract_strided_slice %add3A_52 {offsets = [0, 0], sizes = [256, 3072], strides = [1, 1]} : vector<256x4096xi32> to vector<256x3072xi32>
    %concatenate3A_56 = tpu.concatenate %broadcast_in_dim3A_54, %slice3A_55 in 1 : vector<256x1024xi32>, vector<256x3072xi32> -> vector<256x4096xi32>
    %add3A_57 = arith.addi %add3A_52, %concatenate3A_56 : vector<256x4096xi32>
    %broadcast_in_dim3A_58 = arith.constant 0 : i32
    %broadcast_in_dim3A_59 = vector.broadcast %broadcast_in_dim3A_58 : i32 to vector<256x2048xi32>
    %slice3A_60 = vector.extract_strided_slice %add3A_57 {offsets = [0, 0], sizes = [256, 2048], strides = [1, 1]} : vector<256x4096xi32> to vector<256x2048xi32>
    %concatenate3A_61 = tpu.concatenate %broadcast_in_dim3A_59, %slice3A_60 in 1 : vector<256x2048xi32>, vector<256x2048xi32> -> vector<256x4096xi32>
    %add3A_62 = arith.addi %add3A_57, %concatenate3A_61 : vector<256x4096xi32>
    %le3A = arith.constant 0 : i32
    %le3A_63 = vector.broadcast %le3A : i32 to vector<256x4096xi32>
    %le3A_64 = arith.cmpi sle, %add3A_62, %le3A_63 : vector<256x4096xi32>
    %convert_element_type3A_65 = arith.extui %le3A_64 : vector<256x4096xi1> to vector<256x4096xi32>
    %reduce_sum3A = arith.constant dense<0> : vector<256xi32>
    %reduce_sum3A_66 = vector.multi_reduction <add>, %convert_element_type3A_65, %reduce_sum3A [1] : vector<256x4096xi32> to vector<256xi32>
    %min3A = arith.constant 4095 : i32
    %min3A_67 = vector.broadcast %min3A : i32 to vector<256xi32>
    %min3A_68 = arith.minsi %reduce_sum3A_66, %min3A_67 : vector<256xi32>
    %le3A_69 = arith.constant 1 : i32
    %le3A_70 = vector.broadcast %le3A_69 : i32 to vector<256x4096xi32>
    %le3A_71 = arith.cmpi sle, %add3A_62, %le3A_70 : vector<256x4096xi32>
    %convert_element_type3A_72 = arith.extui %le3A_71 : vector<256x4096xi1> to vector<256x4096xi32>
    %reduce_sum3A_73 = arith.constant dense<0> : vector<256xi32>
    %reduce_sum3A_74 = vector.multi_reduction <add>, %convert_element_type3A_72, %reduce_sum3A_73 [1] : vector<256x4096xi32> to vector<256xi32>
    %min3A_75 = arith.constant 4095 : i32
    %min3A_76 = vector.broadcast %min3A_75 : i32 to vector<256xi32>
    %min3A_77 = arith.minsi %reduce_sum3A_74, %min3A_76 : vector<256xi32>
    %le3A_78 = arith.constant 2 : i32
    %le3A_79 = vector.broadcast %le3A_78 : i32 to vector<256x4096xi32>
    %le3A_80 = arith.cmpi sle, %add3A_62, %le3A_79 : vector<256x4096xi32>
    %convert_element_type3A_81 = arith.extui %le3A_80 : vector<256x4096xi1> to vector<256x4096xi32>
    %reduce_sum3A_82 = arith.constant dense<0> : vector<256xi32>
    %reduce_sum3A_83 = vector.multi_reduction <add>, %convert_element_type3A_81, %reduce_sum3A_82 [1] : vector<256x4096xi32> to vector<256xi32>
    %min3A_84 = arith.constant 4095 : i32
    %min3A_85 = vector.broadcast %min3A_84 : i32 to vector<256xi32>
    %min3A_86 = arith.minsi %reduce_sum3A_83, %min3A_85 : vector<256xi32>
    %le3A_87 = arith.constant 3 : i32
    %le3A_88 = vector.broadcast %le3A_87 : i32 to vector<256x4096xi32>
    %le3A_89 = arith.cmpi sle, %add3A_62, %le3A_88 : vector<256x4096xi32>
    %convert_element_type3A_90 = arith.extui %le3A_89 : vector<256x4096xi1> to vector<256x4096xi32>
    %reduce_sum3A_91 = arith.constant dense<0> : vector<256xi32>
    %reduce_sum3A_92 = vector.multi_reduction <add>, %convert_element_type3A_90, %reduce_sum3A_91 [1] : vector<256x4096xi32> to vector<256xi32>
    %min3A_93 = arith.constant 4095 : i32
    %min3A_94 = vector.broadcast %min3A_93 : i32 to vector<256xi32>
    %min3A_95 = arith.minsi %reduce_sum3A_92, %min3A_94 : vector<256xi32>
    %le3A_96 = arith.constant 4 : i32
    %le3A_97 = vector.broadcast %le3A_96 : i32 to vector<256x4096xi32>
    %le3A_98 = arith.cmpi sle, %add3A_62, %le3A_97 : vector<256x4096xi32>
    %convert_element_type3A_99 = arith.extui %le3A_98 : vector<256x4096xi1> to vector<256x4096xi32>
    %reduce_sum3A_100 = arith.constant dense<0> : vector<256xi32>
    %reduce_sum3A_101 = vector.multi_reduction <add>, %convert_element_type3A_99, %reduce_sum3A_100 [1] : vector<256x4096xi32> to vector<256xi32>
    %min3A_102 = arith.constant 4095 : i32
    %min3A_103 = vector.broadcast %min3A_102 : i32 to vector<256xi32>
    %min3A_104 = arith.minsi %reduce_sum3A_101, %min3A_103 : vector<256xi32>
    %le3A_105 = arith.constant 5 : i32
    %le3A_106 = vector.broadcast %le3A_105 : i32 to vector<256x4096xi32>
    %le3A_107 = arith.cmpi sle, %add3A_62, %le3A_106 : vector<256x4096xi32>
    %convert_element_type3A_108 = arith.extui %le3A_107 : vector<256x4096xi1> to vector<256x4096xi32>
    %reduce_sum3A_109 = arith.constant dense<0> : vector<256xi32>
    %reduce_sum3A_110 = vector.multi_reduction <add>, %convert_element_type3A_108, %reduce_sum3A_109 [1] : vector<256x4096xi32> to vector<256xi32>
    %min3A_111 = arith.constant 4095 : i32
    %min3A_112 = vector.broadcast %min3A_111 : i32 to vector<256xi32>
    %min3A_113 = arith.minsi %reduce_sum3A_110, %min3A_112 : vector<256xi32>
    %le3A_114 = arith.constant 6 : i32
    %le3A_115 = vector.broadcast %le3A_114 : i32 to vector<256x4096xi32>
    %le3A_116 = arith.cmpi sle, %add3A_62, %le3A_115 : vector<256x4096xi32>
    %convert_element_type3A_117 = arith.extui %le3A_116 : vector<256x4096xi1> to vector<256x4096xi32>
    %reduce_sum3A_118 = arith.constant dense<0> : vector<256xi32>
    %reduce_sum3A_119 = vector.multi_reduction <add>, %convert_element_type3A_117, %reduce_sum3A_118 [1] : vector<256x4096xi32> to vector<256xi32>
    %min3A_120 = arith.constant 4095 : i32
    %min3A_121 = vector.broadcast %min3A_120 : i32 to vector<256xi32>
    %min3A_122 = arith.minsi %reduce_sum3A_119, %min3A_121 : vector<256xi32>
    %le3A_123 = arith.constant 7 : i32
    %le3A_124 = vector.broadcast %le3A_123 : i32 to vector<256x4096xi32>
    %le3A_125 = arith.cmpi sle, %add3A_62, %le3A_124 : vector<256x4096xi32>
    %convert_element_type3A_126 = arith.extui %le3A_125 : vector<256x4096xi1> to vector<256x4096xi32>
    %reduce_sum3A_127 = arith.constant dense<0> : vector<256xi32>
    %reduce_sum3A_128 = vector.multi_reduction <add>, %convert_element_type3A_126, %reduce_sum3A_127 [1] : vector<256x4096xi32> to vector<256xi32>
    %min3A_129 = arith.constant 4095 : i32
    %min3A_130 = vector.broadcast %min3A_129 : i32 to vector<256xi32>
    %min3A_131 = arith.minsi %reduce_sum3A_128, %min3A_130 : vector<256xi32>
    %le3A_132 = arith.constant 8 : i32
    %le3A_133 = vector.broadcast %le3A_132 : i32 to vector<256x4096xi32>
    %le3A_134 = arith.cmpi sle, %add3A_62, %le3A_133 : vector<256x4096xi32>
    %convert_element_type3A_135 = arith.extui %le3A_134 : vector<256x4096xi1> to vector<256x4096xi32>
    %reduce_sum3A_136 = arith.constant dense<0> : vector<256xi32>
    %reduce_sum3A_137 = vector.multi_reduction <add>, %convert_element_type3A_135, %reduce_sum3A_136 [1] : vector<256x4096xi32> to vector<256xi32>
    %min3A_138 = arith.constant 4095 : i32
    %min3A_139 = vector.broadcast %min3A_138 : i32 to vector<256xi32>
    %min3A_140 = arith.minsi %reduce_sum3A_137, %min3A_139 : vector<256xi32>
    %le3A_141 = arith.constant 9 : i32
    %le3A_142 = vector.broadcast %le3A_141 : i32 to vector<256x4096xi32>
    %le3A_143 = arith.cmpi sle, %add3A_62, %le3A_142 : vector<256x4096xi32>
    %convert_element_type3A_144 = arith.extui %le3A_143 : vector<256x4096xi1> to vector<256x4096xi32>
    %reduce_sum3A_145 = arith.constant dense<0> : vector<256xi32>
    %reduce_sum3A_146 = vector.multi_reduction <add>, %convert_element_type3A_144, %reduce_sum3A_145 [1] : vector<256x4096xi32> to vector<256xi32>
    %min3A_147 = arith.constant 4095 : i32
    %min3A_148 = vector.broadcast %min3A_147 : i32 to vector<256xi32>
    %min3A_149 = arith.minsi %reduce_sum3A_146, %min3A_148 : vector<256xi32>
    %le3A_150 = arith.constant 10 : i32
    %le3A_151 = vector.broadcast %le3A_150 : i32 to vector<256x4096xi32>
    %le3A_152 = arith.cmpi sle, %add3A_62, %le3A_151 : vector<256x4096xi32>
    %convert_element_type3A_153 = arith.extui %le3A_152 : vector<256x4096xi1> to vector<256x4096xi32>
    %reduce_sum3A_154 = arith.constant dense<0> : vector<256xi32>
    %reduce_sum3A_155 = vector.multi_reduction <add>, %convert_element_type3A_153, %reduce_sum3A_154 [1] : vector<256x4096xi32> to vector<256xi32>
    %min3A_156 = arith.constant 4095 : i32
    %min3A_157 = vector.broadcast %min3A_156 : i32 to vector<256xi32>
    %min3A_158 = arith.minsi %reduce_sum3A_155, %min3A_157 : vector<256xi32>
    %le3A_159 = arith.constant 11 : i32
    %le3A_160 = vector.broadcast %le3A_159 : i32 to vector<256x4096xi32>
    %le3A_161 = arith.cmpi sle, %add3A_62, %le3A_160 : vector<256x4096xi32>
    %convert_element_type3A_162 = arith.extui %le3A_161 : vector<256x4096xi1> to vector<256x4096xi32>
    %reduce_sum3A_163 = arith.constant dense<0> : vector<256xi32>
    %reduce_sum3A_164 = vector.multi_reduction <add>, %convert_element_type3A_162, %reduce_sum3A_163 [1] : vector<256x4096xi32> to vector<256xi32>
    %min3A_165 = arith.constant 4095 : i32
    %min3A_166 = vector.broadcast %min3A_165 : i32 to vector<256xi32>
    %min3A_167 = arith.minsi %reduce_sum3A_164, %min3A_166 : vector<256xi32>
    %le3A_168 = arith.constant 12 : i32
    %le3A_169 = vector.broadcast %le3A_168 : i32 to vector<256x4096xi32>
    %le3A_170 = arith.cmpi sle, %add3A_62, %le3A_169 : vector<256x4096xi32>
    %convert_element_type3A_171 = arith.extui %le3A_170 : vector<256x4096xi1> to vector<256x4096xi32>
    %reduce_sum3A_172 = arith.constant dense<0> : vector<256xi32>
    %reduce_sum3A_173 = vector.multi_reduction <add>, %convert_element_type3A_171, %reduce_sum3A_172 [1] : vector<256x4096xi32> to vector<256xi32>
    %min3A_174 = arith.constant 4095 : i32
    %min3A_175 = vector.broadcast %min3A_174 : i32 to vector<256xi32>
    %min3A_176 = arith.minsi %reduce_sum3A_173, %min3A_175 : vector<256xi32>
    %le3A_177 = arith.constant 13 : i32
    %le3A_178 = vector.broadcast %le3A_177 : i32 to vector<256x4096xi32>
    %le3A_179 = arith.cmpi sle, %add3A_62, %le3A_178 : vector<256x4096xi32>
    %convert_element_type3A_180 = arith.extui %le3A_179 : vector<256x4096xi1> to vector<256x4096xi32>
    %reduce_sum3A_181 = arith.constant dense<0> : vector<256xi32>
    %reduce_sum3A_182 = vector.multi_reduction <add>, %convert_element_type3A_180, %reduce_sum3A_181 [1] : vector<256x4096xi32> to vector<256xi32>
    %min3A_183 = arith.constant 4095 : i32
    %min3A_184 = vector.broadcast %min3A_183 : i32 to vector<256xi32>
    %min3A_185 = arith.minsi %reduce_sum3A_182, %min3A_184 : vector<256xi32>
    %le3A_186 = arith.constant 14 : i32
    %le3A_187 = vector.broadcast %le3A_186 : i32 to vector<256x4096xi32>
    %le3A_188 = arith.cmpi sle, %add3A_62, %le3A_187 : vector<256x4096xi32>
    %convert_element_type3A_189 = arith.extui %le3A_188 : vector<256x4096xi1> to vector<256x4096xi32>
    %reduce_sum3A_190 = arith.constant dense<0> : vector<256xi32>
    %reduce_sum3A_191 = vector.multi_reduction <add>, %convert_element_type3A_189, %reduce_sum3A_190 [1] : vector<256x4096xi32> to vector<256xi32>
    %min3A_192 = arith.constant 4095 : i32
    %min3A_193 = vector.broadcast %min3A_192 : i32 to vector<256xi32>
    %min3A_194 = arith.minsi %reduce_sum3A_191, %min3A_193 : vector<256xi32>
    %le3A_195 = arith.constant 15 : i32
    %le3A_196 = vector.broadcast %le3A_195 : i32 to vector<256x4096xi32>
    %le3A_197 = arith.cmpi sle, %add3A_62, %le3A_196 : vector<256x4096xi32>
    %convert_element_type3A_198 = arith.extui %le3A_197 : vector<256x4096xi1> to vector<256x4096xi32>
    %reduce_sum3A_199 = arith.constant dense<0> : vector<256xi32>
    %reduce_sum3A_200 = vector.multi_reduction <add>, %convert_element_type3A_198, %reduce_sum3A_199 [1] : vector<256x4096xi32> to vector<256xi32>
    %min3A_201 = arith.constant 4095 : i32
    %min3A_202 = vector.broadcast %min3A_201 : i32 to vector<256xi32>
    %min3A_203 = arith.minsi %reduce_sum3A_200, %min3A_202 : vector<256xi32>
    %le3A_204 = arith.constant 16 : i32
    %le3A_205 = vector.broadcast %le3A_204 : i32 to vector<256x4096xi32>
    %le3A_206 = arith.cmpi sle, %add3A_62, %le3A_205 : vector<256x4096xi32>
    %convert_element_type3A_207 = arith.extui %le3A_206 : vector<256x4096xi1> to vector<256x4096xi32>
    %reduce_sum3A_208 = arith.constant dense<0> : vector<256xi32>
    %reduce_sum3A_209 = vector.multi_reduction <add>, %convert_element_type3A_207, %reduce_sum3A_208 [1] : vector<256x4096xi32> to vector<256xi32>
    %min3A_210 = arith.constant 4095 : i32
    %min3A_211 = vector.broadcast %min3A_210 : i32 to vector<256xi32>
    %min3A_212 = arith.minsi %reduce_sum3A_209, %min3A_211 : vector<256xi32>
    %le3A_213 = arith.constant 17 : i32
    %le3A_214 = vector.broadcast %le3A_213 : i32 to vector<256x4096xi32>
    %le3A_215 = arith.cmpi sle, %add3A_62, %le3A_214 : vector<256x4096xi32>
    %convert_element_type3A_216 = arith.extui %le3A_215 : vector<256x4096xi1> to vector<256x4096xi32>
    %reduce_sum3A_217 = arith.constant dense<0> : vector<256xi32>
    %reduce_sum3A_218 = vector.multi_reduction <add>, %convert_element_type3A_216, %reduce_sum3A_217 [1] : vector<256x4096xi32> to vector<256xi32>
    %min3A_219 = arith.constant 4095 : i32
    %min3A_220 = vector.broadcast %min3A_219 : i32 to vector<256xi32>
    %min3A_221 = arith.minsi %reduce_sum3A_218, %min3A_220 : vector<256xi32>
    %le3A_222 = arith.constant 18 : i32
    %le3A_223 = vector.broadcast %le3A_222 : i32 to vector<256x4096xi32>
    %le3A_224 = arith.cmpi sle, %add3A_62, %le3A_223 : vector<256x4096xi32>
    %convert_element_type3A_225 = arith.extui %le3A_224 : vector<256x4096xi1> to vector<256x4096xi32>
    %reduce_sum3A_226 = arith.constant dense<0> : vector<256xi32>
    %reduce_sum3A_227 = vector.multi_reduction <add>, %convert_element_type3A_225, %reduce_sum3A_226 [1] : vector<256x4096xi32> to vector<256xi32>
    %min3A_228 = arith.constant 4095 : i32
    %min3A_229 = vector.broadcast %min3A_228 : i32 to vector<256xi32>
    %min3A_230 = arith.minsi %reduce_sum3A_227, %min3A_229 : vector<256xi32>
    %le3A_231 = arith.constant 19 : i32
    %le3A_232 = vector.broadcast %le3A_231 : i32 to vector<256x4096xi32>
    %le3A_233 = arith.cmpi sle, %add3A_62, %le3A_232 : vector<256x4096xi32>
    %convert_element_type3A_234 = arith.extui %le3A_233 : vector<256x4096xi1> to vector<256x4096xi32>
    %reduce_sum3A_235 = arith.constant dense<0> : vector<256xi32>
    %reduce_sum3A_236 = vector.multi_reduction <add>, %convert_element_type3A_234, %reduce_sum3A_235 [1] : vector<256x4096xi32> to vector<256xi32>
    %min3A_237 = arith.constant 4095 : i32
    %min3A_238 = vector.broadcast %min3A_237 : i32 to vector<256xi32>
    %min3A_239 = arith.minsi %reduce_sum3A_236, %min3A_238 : vector<256xi32>
    %le3A_240 = arith.constant 20 : i32
    %le3A_241 = vector.broadcast %le3A_240 : i32 to vector<256x4096xi32>
    %le3A_242 = arith.cmpi sle, %add3A_62, %le3A_241 : vector<256x4096xi32>
    %convert_element_type3A_243 = arith.extui %le3A_242 : vector<256x4096xi1> to vector<256x4096xi32>
    %reduce_sum3A_244 = arith.constant dense<0> : vector<256xi32>
    %reduce_sum3A_245 = vector.multi_reduction <add>, %convert_element_type3A_243, %reduce_sum3A_244 [1] : vector<256x4096xi32> to vector<256xi32>
    %min3A_246 = arith.constant 4095 : i32
    %min3A_247 = vector.broadcast %min3A_246 : i32 to vector<256xi32>
    %min3A_248 = arith.minsi %reduce_sum3A_245, %min3A_247 : vector<256xi32>
    %le3A_249 = arith.constant 21 : i32
    %le3A_250 = vector.broadcast %le3A_249 : i32 to vector<256x4096xi32>
    %le3A_251 = arith.cmpi sle, %add3A_62, %le3A_250 : vector<256x4096xi32>
    %convert_element_type3A_252 = arith.extui %le3A_251 : vector<256x4096xi1> to vector<256x4096xi32>
    %reduce_sum3A_253 = arith.constant dense<0> : vector<256xi32>
    %reduce_sum3A_254 = vector.multi_reduction <add>, %convert_element_type3A_252, %reduce_sum3A_253 [1] : vector<256x4096xi32> to vector<256xi32>
    %min3A_255 = arith.constant 4095 : i32
    %min3A_256 = vector.broadcast %min3A_255 : i32 to vector<256xi32>
    %min3A_257 = arith.minsi %reduce_sum3A_254, %min3A_256 : vector<256xi32>
    %le3A_258 = arith.constant 22 : i32
    %le3A_259 = vector.broadcast %le3A_258 : i32 to vector<256x4096xi32>
    %le3A_260 = arith.cmpi sle, %add3A_62, %le3A_259 : vector<256x4096xi32>
    %convert_element_type3A_261 = arith.extui %le3A_260 : vector<256x4096xi1> to vector<256x4096xi32>
    %reduce_sum3A_262 = arith.constant dense<0> : vector<256xi32>
    %reduce_sum3A_263 = vector.multi_reduction <add>, %convert_element_type3A_261, %reduce_sum3A_262 [1] : vector<256x4096xi32> to vector<256xi32>
    %min3A_264 = arith.constant 4095 : i32
    %min3A_265 = vector.broadcast %min3A_264 : i32 to vector<256xi32>
    %min3A_266 = arith.minsi %reduce_sum3A_263, %min3A_265 : vector<256xi32>
    %le3A_267 = arith.constant 23 : i32
    %le3A_268 = vector.broadcast %le3A_267 : i32 to vector<256x4096xi32>
    %le3A_269 = arith.cmpi sle, %add3A_62, %le3A_268 : vector<256x4096xi32>
    %convert_element_type3A_270 = arith.extui %le3A_269 : vector<256x4096xi1> to vector<256x4096xi32>
    %reduce_sum3A_271 = arith.constant dense<0> : vector<256xi32>
    %reduce_sum3A_272 = vector.multi_reduction <add>, %convert_element_type3A_270, %reduce_sum3A_271 [1] : vector<256x4096xi32> to vector<256xi32>
    %min3A_273 = arith.constant 4095 : i32
    %min3A_274 = vector.broadcast %min3A_273 : i32 to vector<256xi32>
    %min3A_275 = arith.minsi %reduce_sum3A_272, %min3A_274 : vector<256xi32>
    %le3A_276 = arith.constant 24 : i32
    %le3A_277 = vector.broadcast %le3A_276 : i32 to vector<256x4096xi32>
    %le3A_278 = arith.cmpi sle, %add3A_62, %le3A_277 : vector<256x4096xi32>
    %convert_element_type3A_279 = arith.extui %le3A_278 : vector<256x4096xi1> to vector<256x4096xi32>
    %reduce_sum3A_280 = arith.constant dense<0> : vector<256xi32>
    %reduce_sum3A_281 = vector.multi_reduction <add>, %convert_element_type3A_279, %reduce_sum3A_280 [1] : vector<256x4096xi32> to vector<256xi32>
    %min3A_282 = arith.constant 4095 : i32
    %min3A_283 = vector.broadcast %min3A_282 : i32 to vector<256xi32>
    %min3A_284 = arith.minsi %reduce_sum3A_281, %min3A_283 : vector<256xi32>
    %le3A_285 = arith.constant 25 : i32
    %le3A_286 = vector.broadcast %le3A_285 : i32 to vector<256x4096xi32>
    %le3A_287 = arith.cmpi sle, %add3A_62, %le3A_286 : vector<256x4096xi32>
    %convert_element_type3A_288 = arith.extui %le3A_287 : vector<256x4096xi1> to vector<256x4096xi32>
    %reduce_sum3A_289 = arith.constant dense<0> : vector<256xi32>
    %reduce_sum3A_290 = vector.multi_reduction <add>, %convert_element_type3A_288, %reduce_sum3A_289 [1] : vector<256x4096xi32> to vector<256xi32>
    %min3A_291 = arith.constant 4095 : i32
    %min3A_292 = vector.broadcast %min3A_291 : i32 to vector<256xi32>
    %min3A_293 = arith.minsi %reduce_sum3A_290, %min3A_292 : vector<256xi32>
    %le3A_294 = arith.constant 26 : i32
    %le3A_295 = vector.broadcast %le3A_294 : i32 to vector<256x4096xi32>
    %le3A_296 = arith.cmpi sle, %add3A_62, %le3A_295 : vector<256x4096xi32>
    %convert_element_type3A_297 = arith.extui %le3A_296 : vector<256x4096xi1> to vector<256x4096xi32>
    %reduce_sum3A_298 = arith.constant dense<0> : vector<256xi32>
    %reduce_sum3A_299 = vector.multi_reduction <add>, %convert_element_type3A_297, %reduce_sum3A_298 [1] : vector<256x4096xi32> to vector<256xi32>
    %min3A_300 = arith.constant 4095 : i32
    %min3A_301 = vector.broadcast %min3A_300 : i32 to vector<256xi32>
    %min3A_302 = arith.minsi %reduce_sum3A_299, %min3A_301 : vector<256xi32>
    %le3A_303 = arith.constant 27 : i32
    %le3A_304 = vector.broadcast %le3A_303 : i32 to vector<256x4096xi32>
    %le3A_305 = arith.cmpi sle, %add3A_62, %le3A_304 : vector<256x4096xi32>
    %convert_element_type3A_306 = arith.extui %le3A_305 : vector<256x4096xi1> to vector<256x4096xi32>
    %reduce_sum3A_307 = arith.constant dense<0> : vector<256xi32>
    %reduce_sum3A_308 = vector.multi_reduction <add>, %convert_element_type3A_306, %reduce_sum3A_307 [1] : vector<256x4096xi32> to vector<256xi32>
    %min3A_309 = arith.constant 4095 : i32
    %min3A_310 = vector.broadcast %min3A_309 : i32 to vector<256xi32>
    %min3A_311 = arith.minsi %reduce_sum3A_308, %min3A_310 : vector<256xi32>
    %le3A_312 = arith.constant 28 : i32
    %le3A_313 = vector.broadcast %le3A_312 : i32 to vector<256x4096xi32>
    %le3A_314 = arith.cmpi sle, %add3A_62, %le3A_313 : vector<256x4096xi32>
    %convert_element_type3A_315 = arith.extui %le3A_314 : vector<256x4096xi1> to vector<256x4096xi32>
    %reduce_sum3A_316 = arith.constant dense<0> : vector<256xi32>
    %reduce_sum3A_317 = vector.multi_reduction <add>, %convert_element_type3A_315, %reduce_sum3A_316 [1] : vector<256x4096xi32> to vector<256xi32>
    %min3A_318 = arith.constant 4095 : i32
    %min3A_319 = vector.broadcast %min3A_318 : i32 to vector<256xi32>
    %min3A_320 = arith.minsi %reduce_sum3A_317, %min3A_319 : vector<256xi32>
    %le3A_321 = arith.constant 29 : i32
    %le3A_322 = vector.broadcast %le3A_321 : i32 to vector<256x4096xi32>
    %le3A_323 = arith.cmpi sle, %add3A_62, %le3A_322 : vector<256x4096xi32>
    %convert_element_type3A_324 = arith.extui %le3A_323 : vector<256x4096xi1> to vector<256x4096xi32>
    %reduce_sum3A_325 = arith.constant dense<0> : vector<256xi32>
    %reduce_sum3A_326 = vector.multi_reduction <add>, %convert_element_type3A_324, %reduce_sum3A_325 [1] : vector<256x4096xi32> to vector<256xi32>
    %min3A_327 = arith.constant 4095 : i32
    %min3A_328 = vector.broadcast %min3A_327 : i32 to vector<256xi32>
    %min3A_329 = arith.minsi %reduce_sum3A_326, %min3A_328 : vector<256xi32>
    %le3A_330 = arith.constant 30 : i32
    %le3A_331 = vector.broadcast %le3A_330 : i32 to vector<256x4096xi32>
    %le3A_332 = arith.cmpi sle, %add3A_62, %le3A_331 : vector<256x4096xi32>
    %convert_element_type3A_333 = arith.extui %le3A_332 : vector<256x4096xi1> to vector<256x4096xi32>
    %reduce_sum3A_334 = arith.constant dense<0> : vector<256xi32>
    %reduce_sum3A_335 = vector.multi_reduction <add>, %convert_element_type3A_333, %reduce_sum3A_334 [1] : vector<256x4096xi32> to vector<256xi32>
    %min3A_336 = arith.constant 4095 : i32
    %min3A_337 = vector.broadcast %min3A_336 : i32 to vector<256xi32>
    %min3A_338 = arith.minsi %reduce_sum3A_335, %min3A_337 : vector<256xi32>
    %le3A_339 = arith.constant 31 : i32
    %le3A_340 = vector.broadcast %le3A_339 : i32 to vector<256x4096xi32>
    %le3A_341 = arith.cmpi sle, %add3A_62, %le3A_340 : vector<256x4096xi32>
    %convert_element_type3A_342 = arith.extui %le3A_341 : vector<256x4096xi1> to vector<256x4096xi32>
    %reduce_sum3A_343 = arith.constant dense<0> : vector<256xi32>
    %reduce_sum3A_344 = vector.multi_reduction <add>, %convert_element_type3A_342, %reduce_sum3A_343 [1] : vector<256x4096xi32> to vector<256xi32>
    %min3A_345 = arith.constant 4095 : i32
    %min3A_346 = vector.broadcast %min3A_345 : i32 to vector<256xi32>
    %min3A_347 = arith.minsi %reduce_sum3A_344, %min3A_346 : vector<256xi32>
    %eq3A = arith.constant 4095 : i32
    %eq3A_348 = vector.broadcast %eq3A : i32 to vector<256xi32>
    %eq3A_349 = arith.cmpi eq, %min3A_77, %eq3A_348 : vector<256xi32>
    %select_n3A = arith.select %eq3A_349, %min3A_68, %min3A_77 : vector<256xi1>, vector<256xi32>
    %eq3A_350 = arith.constant 4095 : i32
    %eq3A_351 = vector.broadcast %eq3A_350 : i32 to vector<256xi32>
    %eq3A_352 = arith.cmpi eq, %min3A_86, %eq3A_351 : vector<256xi32>
    %select_n3A_353 = arith.select %eq3A_352, %min3A_68, %min3A_86 : vector<256xi1>, vector<256xi32>
    %eq3A_354 = arith.constant 4095 : i32
    %eq3A_355 = vector.broadcast %eq3A_354 : i32 to vector<256xi32>
    %eq3A_356 = arith.cmpi eq, %min3A_95, %eq3A_355 : vector<256xi32>
    %select_n3A_357 = arith.select %eq3A_356, %min3A_68, %min3A_95 : vector<256xi1>, vector<256xi32>
    %eq3A_358 = arith.constant 4095 : i32
    %eq3A_359 = vector.broadcast %eq3A_358 : i32 to vector<256xi32>
    %eq3A_360 = arith.cmpi eq, %min3A_104, %eq3A_359 : vector<256xi32>
    %select_n3A_361 = arith.select %eq3A_360, %min3A_68, %min3A_104 : vector<256xi1>, vector<256xi32>
    %eq3A_362 = arith.constant 4095 : i32
    %eq3A_363 = vector.broadcast %eq3A_362 : i32 to vector<256xi32>
    %eq3A_364 = arith.cmpi eq, %min3A_113, %eq3A_363 : vector<256xi32>
    %select_n3A_365 = arith.select %eq3A_364, %min3A_68, %min3A_113 : vector<256xi1>, vector<256xi32>
    %eq3A_366 = arith.constant 4095 : i32
    %eq3A_367 = vector.broadcast %eq3A_366 : i32 to vector<256xi32>
    %eq3A_368 = arith.cmpi eq, %min3A_122, %eq3A_367 : vector<256xi32>
    %select_n3A_369 = arith.select %eq3A_368, %min3A_68, %min3A_122 : vector<256xi1>, vector<256xi32>
    %eq3A_370 = arith.constant 4095 : i32
    %eq3A_371 = vector.broadcast %eq3A_370 : i32 to vector<256xi32>
    %eq3A_372 = arith.cmpi eq, %min3A_131, %eq3A_371 : vector<256xi32>
    %select_n3A_373 = arith.select %eq3A_372, %min3A_68, %min3A_131 : vector<256xi1>, vector<256xi32>
    %eq3A_374 = arith.constant 4095 : i32
    %eq3A_375 = vector.broadcast %eq3A_374 : i32 to vector<256xi32>
    %eq3A_376 = arith.cmpi eq, %min3A_140, %eq3A_375 : vector<256xi32>
    %select_n3A_377 = arith.select %eq3A_376, %min3A_68, %min3A_140 : vector<256xi1>, vector<256xi32>
    %eq3A_378 = arith.constant 4095 : i32
    %eq3A_379 = vector.broadcast %eq3A_378 : i32 to vector<256xi32>
    %eq3A_380 = arith.cmpi eq, %min3A_149, %eq3A_379 : vector<256xi32>
    %select_n3A_381 = arith.select %eq3A_380, %min3A_68, %min3A_149 : vector<256xi1>, vector<256xi32>
    %eq3A_382 = arith.constant 4095 : i32
    %eq3A_383 = vector.broadcast %eq3A_382 : i32 to vector<256xi32>
    %eq3A_384 = arith.cmpi eq, %min3A_158, %eq3A_383 : vector<256xi32>
    %select_n3A_385 = arith.select %eq3A_384, %min3A_68, %min3A_158 : vector<256xi1>, vector<256xi32>
    %eq3A_386 = arith.constant 4095 : i32
    %eq3A_387 = vector.broadcast %eq3A_386 : i32 to vector<256xi32>
    %eq3A_388 = arith.cmpi eq, %min3A_167, %eq3A_387 : vector<256xi32>
    %select_n3A_389 = arith.select %eq3A_388, %min3A_68, %min3A_167 : vector<256xi1>, vector<256xi32>
    %eq3A_390 = arith.constant 4095 : i32
    %eq3A_391 = vector.broadcast %eq3A_390 : i32 to vector<256xi32>
    %eq3A_392 = arith.cmpi eq, %min3A_176, %eq3A_391 : vector<256xi32>
    %select_n3A_393 = arith.select %eq3A_392, %min3A_68, %min3A_176 : vector<256xi1>, vector<256xi32>
    %eq3A_394 = arith.constant 4095 : i32
    %eq3A_395 = vector.broadcast %eq3A_394 : i32 to vector<256xi32>
    %eq3A_396 = arith.cmpi eq, %min3A_185, %eq3A_395 : vector<256xi32>
    %select_n3A_397 = arith.select %eq3A_396, %min3A_68, %min3A_185 : vector<256xi1>, vector<256xi32>
    %eq3A_398 = arith.constant 4095 : i32
    %eq3A_399 = vector.broadcast %eq3A_398 : i32 to vector<256xi32>
    %eq3A_400 = arith.cmpi eq, %min3A_194, %eq3A_399 : vector<256xi32>
    %select_n3A_401 = arith.select %eq3A_400, %min3A_68, %min3A_194 : vector<256xi1>, vector<256xi32>
    %eq3A_402 = arith.constant 4095 : i32
    %eq3A_403 = vector.broadcast %eq3A_402 : i32 to vector<256xi32>
    %eq3A_404 = arith.cmpi eq, %min3A_203, %eq3A_403 : vector<256xi32>
    %select_n3A_405 = arith.select %eq3A_404, %min3A_68, %min3A_203 : vector<256xi1>, vector<256xi32>
    %eq3A_406 = arith.constant 4095 : i32
    %eq3A_407 = vector.broadcast %eq3A_406 : i32 to vector<256xi32>
    %eq3A_408 = arith.cmpi eq, %min3A_212, %eq3A_407 : vector<256xi32>
    %select_n3A_409 = arith.select %eq3A_408, %min3A_68, %min3A_212 : vector<256xi1>, vector<256xi32>
    %eq3A_410 = arith.constant 4095 : i32
    %eq3A_411 = vector.broadcast %eq3A_410 : i32 to vector<256xi32>
    %eq3A_412 = arith.cmpi eq, %min3A_221, %eq3A_411 : vector<256xi32>
    %select_n3A_413 = arith.select %eq3A_412, %min3A_68, %min3A_221 : vector<256xi1>, vector<256xi32>
    %eq3A_414 = arith.constant 4095 : i32
    %eq3A_415 = vector.broadcast %eq3A_414 : i32 to vector<256xi32>
    %eq3A_416 = arith.cmpi eq, %min3A_230, %eq3A_415 : vector<256xi32>
    %select_n3A_417 = arith.select %eq3A_416, %min3A_68, %min3A_230 : vector<256xi1>, vector<256xi32>
    %eq3A_418 = arith.constant 4095 : i32
    %eq3A_419 = vector.broadcast %eq3A_418 : i32 to vector<256xi32>
    %eq3A_420 = arith.cmpi eq, %min3A_239, %eq3A_419 : vector<256xi32>
    %select_n3A_421 = arith.select %eq3A_420, %min3A_68, %min3A_239 : vector<256xi1>, vector<256xi32>
    %eq3A_422 = arith.constant 4095 : i32
    %eq3A_423 = vector.broadcast %eq3A_422 : i32 to vector<256xi32>
    %eq3A_424 = arith.cmpi eq, %min3A_248, %eq3A_423 : vector<256xi32>
    %select_n3A_425 = arith.select %eq3A_424, %min3A_68, %min3A_248 : vector<256xi1>, vector<256xi32>
    %eq3A_426 = arith.constant 4095 : i32
    %eq3A_427 = vector.broadcast %eq3A_426 : i32 to vector<256xi32>
    %eq3A_428 = arith.cmpi eq, %min3A_257, %eq3A_427 : vector<256xi32>
    %select_n3A_429 = arith.select %eq3A_428, %min3A_68, %min3A_257 : vector<256xi1>, vector<256xi32>
    %eq3A_430 = arith.constant 4095 : i32
    %eq3A_431 = vector.broadcast %eq3A_430 : i32 to vector<256xi32>
    %eq3A_432 = arith.cmpi eq, %min3A_266, %eq3A_431 : vector<256xi32>
    %select_n3A_433 = arith.select %eq3A_432, %min3A_68, %min3A_266 : vector<256xi1>, vector<256xi32>
    %eq3A_434 = arith.constant 4095 : i32
    %eq3A_435 = vector.broadcast %eq3A_434 : i32 to vector<256xi32>
    %eq3A_436 = arith.cmpi eq, %min3A_275, %eq3A_435 : vector<256xi32>
    %select_n3A_437 = arith.select %eq3A_436, %min3A_68, %min3A_275 : vector<256xi1>, vector<256xi32>
    %eq3A_438 = arith.constant 4095 : i32
    %eq3A_439 = vector.broadcast %eq3A_438 : i32 to vector<256xi32>
    %eq3A_440 = arith.cmpi eq, %min3A_284, %eq3A_439 : vector<256xi32>
    %select_n3A_441 = arith.select %eq3A_440, %min3A_68, %min3A_284 : vector<256xi1>, vector<256xi32>
    %eq3A_442 = arith.constant 4095 : i32
    %eq3A_443 = vector.broadcast %eq3A_442 : i32 to vector<256xi32>
    %eq3A_444 = arith.cmpi eq, %min3A_293, %eq3A_443 : vector<256xi32>
    %select_n3A_445 = arith.select %eq3A_444, %min3A_68, %min3A_293 : vector<256xi1>, vector<256xi32>
    %eq3A_446 = arith.constant 4095 : i32
    %eq3A_447 = vector.broadcast %eq3A_446 : i32 to vector<256xi32>
    %eq3A_448 = arith.cmpi eq, %min3A_302, %eq3A_447 : vector<256xi32>
    %select_n3A_449 = arith.select %eq3A_448, %min3A_68, %min3A_302 : vector<256xi1>, vector<256xi32>
    %eq3A_450 = arith.constant 4095 : i32
    %eq3A_451 = vector.broadcast %eq3A_450 : i32 to vector<256xi32>
    %eq3A_452 = arith.cmpi eq, %min3A_311, %eq3A_451 : vector<256xi32>
    %select_n3A_453 = arith.select %eq3A_452, %min3A_68, %min3A_311 : vector<256xi1>, vector<256xi32>
    %eq3A_454 = arith.constant 4095 : i32
    %eq3A_455 = vector.broadcast %eq3A_454 : i32 to vector<256xi32>
    %eq3A_456 = arith.cmpi eq, %min3A_320, %eq3A_455 : vector<256xi32>
    %select_n3A_457 = arith.select %eq3A_456, %min3A_68, %min3A_320 : vector<256xi1>, vector<256xi32>
    %eq3A_458 = arith.constant 4095 : i32
    %eq3A_459 = vector.broadcast %eq3A_458 : i32 to vector<256xi32>
    %eq3A_460 = arith.cmpi eq, %min3A_329, %eq3A_459 : vector<256xi32>
    %select_n3A_461 = arith.select %eq3A_460, %min3A_68, %min3A_329 : vector<256xi1>, vector<256xi32>
    %eq3A_462 = arith.constant 4095 : i32
    %eq3A_463 = vector.broadcast %eq3A_462 : i32 to vector<256xi32>
    %eq3A_464 = arith.cmpi eq, %min3A_338, %eq3A_463 : vector<256xi32>
    %select_n3A_465 = arith.select %eq3A_464, %min3A_68, %min3A_338 : vector<256xi1>, vector<256xi32>
    %eq3A_466 = arith.constant 4095 : i32
    %eq3A_467 = vector.broadcast %eq3A_466 : i32 to vector<256xi32>
    %eq3A_468 = arith.cmpi eq, %min3A_347, %eq3A_467 : vector<256xi32>
    %select_n3A_469 = arith.select %eq3A_468, %min3A_68, %min3A_347 : vector<256xi1>, vector<256xi32>
    %broadcast_in_dim3A_470 = vector.shape_cast %min3A_68 : vector<256xi32> to vector<256x1xi32>
    %broadcast_in_dim3A_471 = vector.shape_cast %select_n3A : vector<256xi32> to vector<256x1xi32>
    %broadcast_in_dim3A_472 = vector.shape_cast %select_n3A_353 : vector<256xi32> to vector<256x1xi32>
    %broadcast_in_dim3A_473 = vector.shape_cast %select_n3A_357 : vector<256xi32> to vector<256x1xi32>
    %broadcast_in_dim3A_474 = vector.shape_cast %select_n3A_361 : vector<256xi32> to vector<256x1xi32>
    %broadcast_in_dim3A_475 = vector.shape_cast %select_n3A_365 : vector<256xi32> to vector<256x1xi32>
    %broadcast_in_dim3A_476 = vector.shape_cast %select_n3A_369 : vector<256xi32> to vector<256x1xi32>
    %broadcast_in_dim3A_477 = vector.shape_cast %select_n3A_373 : vector<256xi32> to vector<256x1xi32>
    %broadcast_in_dim3A_478 = vector.shape_cast %select_n3A_377 : vector<256xi32> to vector<256x1xi32>
    %broadcast_in_dim3A_479 = vector.shape_cast %select_n3A_381 : vector<256xi32> to vector<256x1xi32>
    %broadcast_in_dim3A_480 = vector.shape_cast %select_n3A_385 : vector<256xi32> to vector<256x1xi32>
    %broadcast_in_dim3A_481 = vector.shape_cast %select_n3A_389 : vector<256xi32> to vector<256x1xi32>
    %broadcast_in_dim3A_482 = vector.shape_cast %select_n3A_393 : vector<256xi32> to vector<256x1xi32>
    %broadcast_in_dim3A_483 = vector.shape_cast %select_n3A_397 : vector<256xi32> to vector<256x1xi32>
    %broadcast_in_dim3A_484 = vector.shape_cast %select_n3A_401 : vector<256xi32> to vector<256x1xi32>
    %broadcast_in_dim3A_485 = vector.shape_cast %select_n3A_405 : vector<256xi32> to vector<256x1xi32>
    %broadcast_in_dim3A_486 = vector.shape_cast %select_n3A_409 : vector<256xi32> to vector<256x1xi32>
    %broadcast_in_dim3A_487 = vector.shape_cast %select_n3A_413 : vector<256xi32> to vector<256x1xi32>
    %broadcast_in_dim3A_488 = vector.shape_cast %select_n3A_417 : vector<256xi32> to vector<256x1xi32>
    %broadcast_in_dim3A_489 = vector.shape_cast %select_n3A_421 : vector<256xi32> to vector<256x1xi32>
    %broadcast_in_dim3A_490 = vector.shape_cast %select_n3A_425 : vector<256xi32> to vector<256x1xi32>
    %broadcast_in_dim3A_491 = vector.shape_cast %select_n3A_429 : vector<256xi32> to vector<256x1xi32>
    %broadcast_in_dim3A_492 = vector.shape_cast %select_n3A_433 : vector<256xi32> to vector<256x1xi32>
    %broadcast_in_dim3A_493 = vector.shape_cast %select_n3A_437 : vector<256xi32> to vector<256x1xi32>
    %broadcast_in_dim3A_494 = vector.shape_cast %select_n3A_441 : vector<256xi32> to vector<256x1xi32>
    %broadcast_in_dim3A_495 = vector.shape_cast %select_n3A_445 : vector<256xi32> to vector<256x1xi32>
    %broadcast_in_dim3A_496 = vector.shape_cast %select_n3A_449 : vector<256xi32> to vector<256x1xi32>
    %broadcast_in_dim3A_497 = vector.shape_cast %select_n3A_453 : vector<256xi32> to vector<256x1xi32>
    %broadcast_in_dim3A_498 = vector.shape_cast %select_n3A_457 : vector<256xi32> to vector<256x1xi32>
    %broadcast_in_dim3A_499 = vector.shape_cast %select_n3A_461 : vector<256xi32> to vector<256x1xi32>
    %broadcast_in_dim3A_500 = vector.shape_cast %select_n3A_465 : vector<256xi32> to vector<256x1xi32>
    %broadcast_in_dim3A_501 = vector.shape_cast %select_n3A_469 : vector<256xi32> to vector<256x1xi32>
    %concatenate3A_502 = tpu.concatenate %broadcast_in_dim3A_470, %broadcast_in_dim3A_471, %broadcast_in_dim3A_472, %broadcast_in_dim3A_473, %broadcast_in_dim3A_474, %broadcast_in_dim3A_475, %broadcast_in_dim3A_476, %broadcast_in_dim3A_477, %broadcast_in_dim3A_478, %broadcast_in_dim3A_479, %broadcast_in_dim3A_480, %broadcast_in_dim3A_481, %broadcast_in_dim3A_482, %broadcast_in_dim3A_483, %broadcast_in_dim3A_484, %broadcast_in_dim3A_485, %broadcast_in_dim3A_486, %broadcast_in_dim3A_487, %broadcast_in_dim3A_488, %broadcast_in_dim3A_489, %broadcast_in_dim3A_490, %broadcast_in_dim3A_491, %broadcast_in_dim3A_492, %broadcast_in_dim3A_493, %broadcast_in_dim3A_494, %broadcast_in_dim3A_495, %broadcast_in_dim3A_496, %broadcast_in_dim3A_497, %broadcast_in_dim3A_498, %broadcast_in_dim3A_499, %broadcast_in_dim3A_500, %broadcast_in_dim3A_501 in 1 : vector<256x1xi32>, vector<256x1xi32>, vector<256x1xi32>, vector<256x1xi32>, vector<256x1xi32>, vector<256x1xi32>, vector<256x1xi32>, vector<256x1xi32>, vector<256x1xi32>, vector<256x1xi32>, vector<256x1xi32>, vector<256x1xi32>, vector<256x1xi32>, vector<256x1xi32>, vector<256x1xi32>, vector<256x1xi32>, vector<256x1xi32>, vector<256x1xi32>, vector<256x1xi32>, vector<256x1xi32>, vector<256x1xi32>, vector<256x1xi32>, vector<256x1xi32>, vector<256x1xi32>, vector<256x1xi32>, vector<256x1xi32>, vector<256x1xi32>, vector<256x1xi32>, vector<256x1xi32>, vector<256x1xi32>, vector<256x1xi32>, vector<256x1xi32> -> vector<256x32xi32>
    %swap3A = arith.constant 0 : index
    %swap3A_503 = arith.constant 0 : index
    %swap3A_504 = arith.constant 0 : index
    %swap3A_505 = vector.load %arg3[%swap3A, %swap3A_503, %swap3A_504] : memref<1x256x32xi32, #tpu.memory_space<vmem>>, vector<1x256x32xi32>
    %swap3A_506 = vector.shape_cast %swap3A_505 : vector<1x256x32xi32> to vector<256x32xi32>
    %swap3A_507 = vector.shape_cast %concatenate3A_502 : vector<256x32xi32> to vector<1x256x32xi32>
    tpu.vector_store %arg3[%swap3A, %swap3A_503, %swap3A_504], %swap3A_507 {strides = array<i32>} : memref<1x256x32xi32, #tpu.memory_space<vmem>>, vector<1x256x32xi32>,
    return
  }
  func.func @transform_0(%arg0: i32, %arg1: i32) -> (i32, i32, i32) {
    %c0_i32 = arith.constant 0 : i32
    %c0_i32_0 = arith.constant 0 : i32
    return %arg0, %arg1, %c0_i32 : i32, i32, i32
  }
  func.func @transform_1(%arg0: i32, %arg1: i32) -> (i32, i32, i32) {
    %c0_i32 = arith.constant 0 : i32
    %c0_i32_0 = arith.constant 0 : i32
    return %arg0, %arg1, %c0_i32 : i32, i32, i32
  }
}

module attributes {stable_mosaic.version = 14 : i64} {
  func.func @_ball_kernel(%arg0: i32, %arg1: i32, %arg2: memref<1x256x1024xf32, #tpu.memory_space<vmem>>, %arg3: memref<1x256x16xi32, #tpu.memory_space<vmem>>) attributes {dimension_semantics = [#tpu.dimension_semantics<arbitrary>, #tpu.dimension_semantics<arbitrary>], iteration_bounds = array<i64: 8, 1>, scalar_prefetch = 0 : i64, scratch_operands = 0 : i64, tpu.core_type = #tpu.core_type<tc>, window_params = [{transform_indices = @transform_0, window_bounds = array<i64: 1, 256, 1024>}, {transform_indices = @transform_1, window_bounds = array<i64: 1, 256, 16>}]} {
    %get3A = arith.constant 0 : index
    %get3A_0 = arith.constant 0 : index
    %get3A_1 = arith.constant 0 : index
    %get3A_2 = vector.load %arg2[%get3A, %get3A_0, %get3A_1] : memref<1x256x1024xf32, #tpu.memory_space<vmem>>, vector<1x256x1024xf32>
    %get3A_3 = vector.shape_cast %get3A_2 : vector<1x256x1024xf32> to vector<256x1024xf32>
    %gt3A = arith.constant 0.00999999977 : f32
    %gt3A_4 = vector.broadcast %gt3A : f32 to vector<256x1024xf32>
    %gt3A_5 = arith.cmpf ogt, %get3A_3, %gt3A_4 : vector<256x1024xf32>
    %not3A = arith.constant dense<true> : vector<256x1024xi1>
    %not3A_6 = arith.xori %gt3A_5, %not3A : vector<256x1024xi1>
    %convert_element_type3A = arith.extui %not3A_6 : vector<256x1024xi1> to vector<256x1024xi32>
    %broadcast_in_dim3A = arith.constant 0 : i32
    %broadcast_in_dim3A_7 = vector.broadcast %broadcast_in_dim3A : i32 to vector<256x1xi32>
    %slice3A = vector.extract_strided_slice %convert_element_type3A {offsets = [0, 0], sizes = [256, 1023], strides = [1, 1]} : vector<256x1024xi32> to vector<256x1023xi32>
    %concatenate3A = tpu.concatenate %broadcast_in_dim3A_7, %slice3A in 1 : vector<256x1xi32>, vector<256x1023xi32> -> vector<256x1024xi32>
    %add3A = arith.addi %convert_element_type3A, %concatenate3A : vector<256x1024xi32>
    %broadcast_in_dim3A_8 = arith.constant 0 : i32
    %broadcast_in_dim3A_9 = vector.broadcast %broadcast_in_dim3A_8 : i32 to vector<256x2xi32>
    %slice3A_10 = vector.extract_strided_slice %add3A {offsets = [0, 0], sizes = [256, 1022], strides = [1, 1]} : vector<256x1024xi32> to vector<256x1022xi32>
    %concatenate3A_11 = tpu.concatenate %broadcast_in_dim3A_9, %slice3A_10 in 1 : vector<256x2xi32>, vector<256x1022xi32> -> vector<256x1024xi32>
    %add3A_12 = arith.addi %add3A, %concatenate3A_11 : vector<256x1024xi32>
    %broadcast_in_dim3A_13 = arith.constant 0 : i32
    %broadcast_in_dim3A_14 = vector.broadcast %broadcast_in_dim3A_13 : i32 to vector<256x4xi32>
    %slice3A_15 = vector.extract_strided_slice %add3A_12 {offsets = [0, 0], sizes = [256, 1020], strides = [1, 1]} : vector<256x1024xi32> to vector<256x1020xi32>
    %concatenate3A_16 = tpu.concatenate %broadcast_in_dim3A_14, %slice3A_15 in 1 : vector<256x4xi32>, vector<256x1020xi32> -> vector<256x1024xi32>
    %add3A_17 = arith.addi %add3A_12, %concatenate3A_16 : vector<256x1024xi32>
    %broadcast_in_dim3A_18 = arith.constant 0 : i32
    %broadcast_in_dim3A_19 = vector.broadcast %broadcast_in_dim3A_18 : i32 to vector<256x8xi32>
    %slice3A_20 = vector.extract_strided_slice %add3A_17 {offsets = [0, 0], sizes = [256, 1016], strides = [1, 1]} : vector<256x1024xi32> to vector<256x1016xi32>
    %concatenate3A_21 = tpu.concatenate %broadcast_in_dim3A_19, %slice3A_20 in 1 : vector<256x8xi32>, vector<256x1016xi32> -> vector<256x1024xi32>
    %add3A_22 = arith.addi %add3A_17, %concatenate3A_21 : vector<256x1024xi32>
    %broadcast_in_dim3A_23 = arith.constant 0 : i32
    %broadcast_in_dim3A_24 = vector.broadcast %broadcast_in_dim3A_23 : i32 to vector<256x16xi32>
    %slice3A_25 = vector.extract_strided_slice %add3A_22 {offsets = [0, 0], sizes = [256, 1008], strides = [1, 1]} : vector<256x1024xi32> to vector<256x1008xi32>
    %concatenate3A_26 = tpu.concatenate %broadcast_in_dim3A_24, %slice3A_25 in 1 : vector<256x16xi32>, vector<256x1008xi32> -> vector<256x1024xi32>
    %add3A_27 = arith.addi %add3A_22, %concatenate3A_26 : vector<256x1024xi32>
    %broadcast_in_dim3A_28 = arith.constant 0 : i32
    %broadcast_in_dim3A_29 = vector.broadcast %broadcast_in_dim3A_28 : i32 to vector<256x32xi32>
    %slice3A_30 = vector.extract_strided_slice %add3A_27 {offsets = [0, 0], sizes = [256, 992], strides = [1, 1]} : vector<256x1024xi32> to vector<256x992xi32>
    %concatenate3A_31 = tpu.concatenate %broadcast_in_dim3A_29, %slice3A_30 in 1 : vector<256x32xi32>, vector<256x992xi32> -> vector<256x1024xi32>
    %add3A_32 = arith.addi %add3A_27, %concatenate3A_31 : vector<256x1024xi32>
    %broadcast_in_dim3A_33 = arith.constant 0 : i32
    %broadcast_in_dim3A_34 = vector.broadcast %broadcast_in_dim3A_33 : i32 to vector<256x64xi32>
    %slice3A_35 = vector.extract_strided_slice %add3A_32 {offsets = [0, 0], sizes = [256, 960], strides = [1, 1]} : vector<256x1024xi32> to vector<256x960xi32>
    %concatenate3A_36 = tpu.concatenate %broadcast_in_dim3A_34, %slice3A_35 in 1 : vector<256x64xi32>, vector<256x960xi32> -> vector<256x1024xi32>
    %add3A_37 = arith.addi %add3A_32, %concatenate3A_36 : vector<256x1024xi32>
    %broadcast_in_dim3A_38 = arith.constant 0 : i32
    %broadcast_in_dim3A_39 = vector.broadcast %broadcast_in_dim3A_38 : i32 to vector<256x128xi32>
    %slice3A_40 = vector.extract_strided_slice %add3A_37 {offsets = [0, 0], sizes = [256, 896], strides = [1, 1]} : vector<256x1024xi32> to vector<256x896xi32>
    %concatenate3A_41 = tpu.concatenate %broadcast_in_dim3A_39, %slice3A_40 in 1 : vector<256x128xi32>, vector<256x896xi32> -> vector<256x1024xi32>
    %add3A_42 = arith.addi %add3A_37, %concatenate3A_41 : vector<256x1024xi32>
    %broadcast_in_dim3A_43 = arith.constant 0 : i32
    %broadcast_in_dim3A_44 = vector.broadcast %broadcast_in_dim3A_43 : i32 to vector<256x256xi32>
    %slice3A_45 = vector.extract_strided_slice %add3A_42 {offsets = [0, 0], sizes = [256, 768], strides = [1, 1]} : vector<256x1024xi32> to vector<256x768xi32>
    %concatenate3A_46 = tpu.concatenate %broadcast_in_dim3A_44, %slice3A_45 in 1 : vector<256x256xi32>, vector<256x768xi32> -> vector<256x1024xi32>
    %add3A_47 = arith.addi %add3A_42, %concatenate3A_46 : vector<256x1024xi32>
    %broadcast_in_dim3A_48 = arith.constant 0 : i32
    %broadcast_in_dim3A_49 = vector.broadcast %broadcast_in_dim3A_48 : i32 to vector<256x512xi32>
    %slice3A_50 = vector.extract_strided_slice %add3A_47 {offsets = [0, 0], sizes = [256, 512], strides = [1, 1]} : vector<256x1024xi32> to vector<256x512xi32>
    %concatenate3A_51 = tpu.concatenate %broadcast_in_dim3A_49, %slice3A_50 in 1 : vector<256x512xi32>, vector<256x512xi32> -> vector<256x1024xi32>
    %add3A_52 = arith.addi %add3A_47, %concatenate3A_51 : vector<256x1024xi32>
    %le3A = arith.constant 0 : i32
    %le3A_53 = vector.broadcast %le3A : i32 to vector<256x1024xi32>
    %le3A_54 = arith.cmpi sle, %add3A_52, %le3A_53 : vector<256x1024xi32>
    %convert_element_type3A_55 = arith.extui %le3A_54 : vector<256x1024xi1> to vector<256x1024xi32>
    %reduce_sum3A = arith.constant dense<0> : vector<256xi32>
    %reduce_sum3A_56 = vector.multi_reduction <add>, %convert_element_type3A_55, %reduce_sum3A [1] : vector<256x1024xi32> to vector<256xi32>
    %min3A = arith.constant 1023 : i32
    %min3A_57 = vector.broadcast %min3A : i32 to vector<256xi32>
    %min3A_58 = arith.minsi %reduce_sum3A_56, %min3A_57 : vector<256xi32>
    %le3A_59 = arith.constant 1 : i32
    %le3A_60 = vector.broadcast %le3A_59 : i32 to vector<256x1024xi32>
    %le3A_61 = arith.cmpi sle, %add3A_52, %le3A_60 : vector<256x1024xi32>
    %convert_element_type3A_62 = arith.extui %le3A_61 : vector<256x1024xi1> to vector<256x1024xi32>
    %reduce_sum3A_63 = arith.constant dense<0> : vector<256xi32>
    %reduce_sum3A_64 = vector.multi_reduction <add>, %convert_element_type3A_62, %reduce_sum3A_63 [1] : vector<256x1024xi32> to vector<256xi32>
    %min3A_65 = arith.constant 1023 : i32
    %min3A_66 = vector.broadcast %min3A_65 : i32 to vector<256xi32>
    %min3A_67 = arith.minsi %reduce_sum3A_64, %min3A_66 : vector<256xi32>
    %le3A_68 = arith.constant 2 : i32
    %le3A_69 = vector.broadcast %le3A_68 : i32 to vector<256x1024xi32>
    %le3A_70 = arith.cmpi sle, %add3A_52, %le3A_69 : vector<256x1024xi32>
    %convert_element_type3A_71 = arith.extui %le3A_70 : vector<256x1024xi1> to vector<256x1024xi32>
    %reduce_sum3A_72 = arith.constant dense<0> : vector<256xi32>
    %reduce_sum3A_73 = vector.multi_reduction <add>, %convert_element_type3A_71, %reduce_sum3A_72 [1] : vector<256x1024xi32> to vector<256xi32>
    %min3A_74 = arith.constant 1023 : i32
    %min3A_75 = vector.broadcast %min3A_74 : i32 to vector<256xi32>
    %min3A_76 = arith.minsi %reduce_sum3A_73, %min3A_75 : vector<256xi32>
    %le3A_77 = arith.constant 3 : i32
    %le3A_78 = vector.broadcast %le3A_77 : i32 to vector<256x1024xi32>
    %le3A_79 = arith.cmpi sle, %add3A_52, %le3A_78 : vector<256x1024xi32>
    %convert_element_type3A_80 = arith.extui %le3A_79 : vector<256x1024xi1> to vector<256x1024xi32>
    %reduce_sum3A_81 = arith.constant dense<0> : vector<256xi32>
    %reduce_sum3A_82 = vector.multi_reduction <add>, %convert_element_type3A_80, %reduce_sum3A_81 [1] : vector<256x1024xi32> to vector<256xi32>
    %min3A_83 = arith.constant 1023 : i32
    %min3A_84 = vector.broadcast %min3A_83 : i32 to vector<256xi32>
    %min3A_85 = arith.minsi %reduce_sum3A_82, %min3A_84 : vector<256xi32>
    %le3A_86 = arith.constant 4 : i32
    %le3A_87 = vector.broadcast %le3A_86 : i32 to vector<256x1024xi32>
    %le3A_88 = arith.cmpi sle, %add3A_52, %le3A_87 : vector<256x1024xi32>
    %convert_element_type3A_89 = arith.extui %le3A_88 : vector<256x1024xi1> to vector<256x1024xi32>
    %reduce_sum3A_90 = arith.constant dense<0> : vector<256xi32>
    %reduce_sum3A_91 = vector.multi_reduction <add>, %convert_element_type3A_89, %reduce_sum3A_90 [1] : vector<256x1024xi32> to vector<256xi32>
    %min3A_92 = arith.constant 1023 : i32
    %min3A_93 = vector.broadcast %min3A_92 : i32 to vector<256xi32>
    %min3A_94 = arith.minsi %reduce_sum3A_91, %min3A_93 : vector<256xi32>
    %le3A_95 = arith.constant 5 : i32
    %le3A_96 = vector.broadcast %le3A_95 : i32 to vector<256x1024xi32>
    %le3A_97 = arith.cmpi sle, %add3A_52, %le3A_96 : vector<256x1024xi32>
    %convert_element_type3A_98 = arith.extui %le3A_97 : vector<256x1024xi1> to vector<256x1024xi32>
    %reduce_sum3A_99 = arith.constant dense<0> : vector<256xi32>
    %reduce_sum3A_100 = vector.multi_reduction <add>, %convert_element_type3A_98, %reduce_sum3A_99 [1] : vector<256x1024xi32> to vector<256xi32>
    %min3A_101 = arith.constant 1023 : i32
    %min3A_102 = vector.broadcast %min3A_101 : i32 to vector<256xi32>
    %min3A_103 = arith.minsi %reduce_sum3A_100, %min3A_102 : vector<256xi32>
    %le3A_104 = arith.constant 6 : i32
    %le3A_105 = vector.broadcast %le3A_104 : i32 to vector<256x1024xi32>
    %le3A_106 = arith.cmpi sle, %add3A_52, %le3A_105 : vector<256x1024xi32>
    %convert_element_type3A_107 = arith.extui %le3A_106 : vector<256x1024xi1> to vector<256x1024xi32>
    %reduce_sum3A_108 = arith.constant dense<0> : vector<256xi32>
    %reduce_sum3A_109 = vector.multi_reduction <add>, %convert_element_type3A_107, %reduce_sum3A_108 [1] : vector<256x1024xi32> to vector<256xi32>
    %min3A_110 = arith.constant 1023 : i32
    %min3A_111 = vector.broadcast %min3A_110 : i32 to vector<256xi32>
    %min3A_112 = arith.minsi %reduce_sum3A_109, %min3A_111 : vector<256xi32>
    %le3A_113 = arith.constant 7 : i32
    %le3A_114 = vector.broadcast %le3A_113 : i32 to vector<256x1024xi32>
    %le3A_115 = arith.cmpi sle, %add3A_52, %le3A_114 : vector<256x1024xi32>
    %convert_element_type3A_116 = arith.extui %le3A_115 : vector<256x1024xi1> to vector<256x1024xi32>
    %reduce_sum3A_117 = arith.constant dense<0> : vector<256xi32>
    %reduce_sum3A_118 = vector.multi_reduction <add>, %convert_element_type3A_116, %reduce_sum3A_117 [1] : vector<256x1024xi32> to vector<256xi32>
    %min3A_119 = arith.constant 1023 : i32
    %min3A_120 = vector.broadcast %min3A_119 : i32 to vector<256xi32>
    %min3A_121 = arith.minsi %reduce_sum3A_118, %min3A_120 : vector<256xi32>
    %le3A_122 = arith.constant 8 : i32
    %le3A_123 = vector.broadcast %le3A_122 : i32 to vector<256x1024xi32>
    %le3A_124 = arith.cmpi sle, %add3A_52, %le3A_123 : vector<256x1024xi32>
    %convert_element_type3A_125 = arith.extui %le3A_124 : vector<256x1024xi1> to vector<256x1024xi32>
    %reduce_sum3A_126 = arith.constant dense<0> : vector<256xi32>
    %reduce_sum3A_127 = vector.multi_reduction <add>, %convert_element_type3A_125, %reduce_sum3A_126 [1] : vector<256x1024xi32> to vector<256xi32>
    %min3A_128 = arith.constant 1023 : i32
    %min3A_129 = vector.broadcast %min3A_128 : i32 to vector<256xi32>
    %min3A_130 = arith.minsi %reduce_sum3A_127, %min3A_129 : vector<256xi32>
    %le3A_131 = arith.constant 9 : i32
    %le3A_132 = vector.broadcast %le3A_131 : i32 to vector<256x1024xi32>
    %le3A_133 = arith.cmpi sle, %add3A_52, %le3A_132 : vector<256x1024xi32>
    %convert_element_type3A_134 = arith.extui %le3A_133 : vector<256x1024xi1> to vector<256x1024xi32>
    %reduce_sum3A_135 = arith.constant dense<0> : vector<256xi32>
    %reduce_sum3A_136 = vector.multi_reduction <add>, %convert_element_type3A_134, %reduce_sum3A_135 [1] : vector<256x1024xi32> to vector<256xi32>
    %min3A_137 = arith.constant 1023 : i32
    %min3A_138 = vector.broadcast %min3A_137 : i32 to vector<256xi32>
    %min3A_139 = arith.minsi %reduce_sum3A_136, %min3A_138 : vector<256xi32>
    %le3A_140 = arith.constant 10 : i32
    %le3A_141 = vector.broadcast %le3A_140 : i32 to vector<256x1024xi32>
    %le3A_142 = arith.cmpi sle, %add3A_52, %le3A_141 : vector<256x1024xi32>
    %convert_element_type3A_143 = arith.extui %le3A_142 : vector<256x1024xi1> to vector<256x1024xi32>
    %reduce_sum3A_144 = arith.constant dense<0> : vector<256xi32>
    %reduce_sum3A_145 = vector.multi_reduction <add>, %convert_element_type3A_143, %reduce_sum3A_144 [1] : vector<256x1024xi32> to vector<256xi32>
    %min3A_146 = arith.constant 1023 : i32
    %min3A_147 = vector.broadcast %min3A_146 : i32 to vector<256xi32>
    %min3A_148 = arith.minsi %reduce_sum3A_145, %min3A_147 : vector<256xi32>
    %le3A_149 = arith.constant 11 : i32
    %le3A_150 = vector.broadcast %le3A_149 : i32 to vector<256x1024xi32>
    %le3A_151 = arith.cmpi sle, %add3A_52, %le3A_150 : vector<256x1024xi32>
    %convert_element_type3A_152 = arith.extui %le3A_151 : vector<256x1024xi1> to vector<256x1024xi32>
    %reduce_sum3A_153 = arith.constant dense<0> : vector<256xi32>
    %reduce_sum3A_154 = vector.multi_reduction <add>, %convert_element_type3A_152, %reduce_sum3A_153 [1] : vector<256x1024xi32> to vector<256xi32>
    %min3A_155 = arith.constant 1023 : i32
    %min3A_156 = vector.broadcast %min3A_155 : i32 to vector<256xi32>
    %min3A_157 = arith.minsi %reduce_sum3A_154, %min3A_156 : vector<256xi32>
    %le3A_158 = arith.constant 12 : i32
    %le3A_159 = vector.broadcast %le3A_158 : i32 to vector<256x1024xi32>
    %le3A_160 = arith.cmpi sle, %add3A_52, %le3A_159 : vector<256x1024xi32>
    %convert_element_type3A_161 = arith.extui %le3A_160 : vector<256x1024xi1> to vector<256x1024xi32>
    %reduce_sum3A_162 = arith.constant dense<0> : vector<256xi32>
    %reduce_sum3A_163 = vector.multi_reduction <add>, %convert_element_type3A_161, %reduce_sum3A_162 [1] : vector<256x1024xi32> to vector<256xi32>
    %min3A_164 = arith.constant 1023 : i32
    %min3A_165 = vector.broadcast %min3A_164 : i32 to vector<256xi32>
    %min3A_166 = arith.minsi %reduce_sum3A_163, %min3A_165 : vector<256xi32>
    %le3A_167 = arith.constant 13 : i32
    %le3A_168 = vector.broadcast %le3A_167 : i32 to vector<256x1024xi32>
    %le3A_169 = arith.cmpi sle, %add3A_52, %le3A_168 : vector<256x1024xi32>
    %convert_element_type3A_170 = arith.extui %le3A_169 : vector<256x1024xi1> to vector<256x1024xi32>
    %reduce_sum3A_171 = arith.constant dense<0> : vector<256xi32>
    %reduce_sum3A_172 = vector.multi_reduction <add>, %convert_element_type3A_170, %reduce_sum3A_171 [1] : vector<256x1024xi32> to vector<256xi32>
    %min3A_173 = arith.constant 1023 : i32
    %min3A_174 = vector.broadcast %min3A_173 : i32 to vector<256xi32>
    %min3A_175 = arith.minsi %reduce_sum3A_172, %min3A_174 : vector<256xi32>
    %le3A_176 = arith.constant 14 : i32
    %le3A_177 = vector.broadcast %le3A_176 : i32 to vector<256x1024xi32>
    %le3A_178 = arith.cmpi sle, %add3A_52, %le3A_177 : vector<256x1024xi32>
    %convert_element_type3A_179 = arith.extui %le3A_178 : vector<256x1024xi1> to vector<256x1024xi32>
    %reduce_sum3A_180 = arith.constant dense<0> : vector<256xi32>
    %reduce_sum3A_181 = vector.multi_reduction <add>, %convert_element_type3A_179, %reduce_sum3A_180 [1] : vector<256x1024xi32> to vector<256xi32>
    %min3A_182 = arith.constant 1023 : i32
    %min3A_183 = vector.broadcast %min3A_182 : i32 to vector<256xi32>
    %min3A_184 = arith.minsi %reduce_sum3A_181, %min3A_183 : vector<256xi32>
    %le3A_185 = arith.constant 15 : i32
    %le3A_186 = vector.broadcast %le3A_185 : i32 to vector<256x1024xi32>
    %le3A_187 = arith.cmpi sle, %add3A_52, %le3A_186 : vector<256x1024xi32>
    %convert_element_type3A_188 = arith.extui %le3A_187 : vector<256x1024xi1> to vector<256x1024xi32>
    %reduce_sum3A_189 = arith.constant dense<0> : vector<256xi32>
    %reduce_sum3A_190 = vector.multi_reduction <add>, %convert_element_type3A_188, %reduce_sum3A_189 [1] : vector<256x1024xi32> to vector<256xi32>
    %min3A_191 = arith.constant 1023 : i32
    %min3A_192 = vector.broadcast %min3A_191 : i32 to vector<256xi32>
    %min3A_193 = arith.minsi %reduce_sum3A_190, %min3A_192 : vector<256xi32>
    %eq3A = arith.constant 1023 : i32
    %eq3A_194 = vector.broadcast %eq3A : i32 to vector<256xi32>
    %eq3A_195 = arith.cmpi eq, %min3A_67, %eq3A_194 : vector<256xi32>
    %select_n3A = arith.select %eq3A_195, %min3A_58, %min3A_67 : vector<256xi1>, vector<256xi32>
    %eq3A_196 = arith.constant 1023 : i32
    %eq3A_197 = vector.broadcast %eq3A_196 : i32 to vector<256xi32>
    %eq3A_198 = arith.cmpi eq, %min3A_76, %eq3A_197 : vector<256xi32>
    %select_n3A_199 = arith.select %eq3A_198, %min3A_58, %min3A_76 : vector<256xi1>, vector<256xi32>
    %eq3A_200 = arith.constant 1023 : i32
    %eq3A_201 = vector.broadcast %eq3A_200 : i32 to vector<256xi32>
    %eq3A_202 = arith.cmpi eq, %min3A_85, %eq3A_201 : vector<256xi32>
    %select_n3A_203 = arith.select %eq3A_202, %min3A_58, %min3A_85 : vector<256xi1>, vector<256xi32>
    %eq3A_204 = arith.constant 1023 : i32
    %eq3A_205 = vector.broadcast %eq3A_204 : i32 to vector<256xi32>
    %eq3A_206 = arith.cmpi eq, %min3A_94, %eq3A_205 : vector<256xi32>
    %select_n3A_207 = arith.select %eq3A_206, %min3A_58, %min3A_94 : vector<256xi1>, vector<256xi32>
    %eq3A_208 = arith.constant 1023 : i32
    %eq3A_209 = vector.broadcast %eq3A_208 : i32 to vector<256xi32>
    %eq3A_210 = arith.cmpi eq, %min3A_103, %eq3A_209 : vector<256xi32>
    %select_n3A_211 = arith.select %eq3A_210, %min3A_58, %min3A_103 : vector<256xi1>, vector<256xi32>
    %eq3A_212 = arith.constant 1023 : i32
    %eq3A_213 = vector.broadcast %eq3A_212 : i32 to vector<256xi32>
    %eq3A_214 = arith.cmpi eq, %min3A_112, %eq3A_213 : vector<256xi32>
    %select_n3A_215 = arith.select %eq3A_214, %min3A_58, %min3A_112 : vector<256xi1>, vector<256xi32>
    %eq3A_216 = arith.constant 1023 : i32
    %eq3A_217 = vector.broadcast %eq3A_216 : i32 to vector<256xi32>
    %eq3A_218 = arith.cmpi eq, %min3A_121, %eq3A_217 : vector<256xi32>
    %select_n3A_219 = arith.select %eq3A_218, %min3A_58, %min3A_121 : vector<256xi1>, vector<256xi32>
    %eq3A_220 = arith.constant 1023 : i32
    %eq3A_221 = vector.broadcast %eq3A_220 : i32 to vector<256xi32>
    %eq3A_222 = arith.cmpi eq, %min3A_130, %eq3A_221 : vector<256xi32>
    %select_n3A_223 = arith.select %eq3A_222, %min3A_58, %min3A_130 : vector<256xi1>, vector<256xi32>
    %eq3A_224 = arith.constant 1023 : i32
    %eq3A_225 = vector.broadcast %eq3A_224 : i32 to vector<256xi32>
    %eq3A_226 = arith.cmpi eq, %min3A_139, %eq3A_225 : vector<256xi32>
    %select_n3A_227 = arith.select %eq3A_226, %min3A_58, %min3A_139 : vector<256xi1>, vector<256xi32>
    %eq3A_228 = arith.constant 1023 : i32
    %eq3A_229 = vector.broadcast %eq3A_228 : i32 to vector<256xi32>
    %eq3A_230 = arith.cmpi eq, %min3A_148, %eq3A_229 : vector<256xi32>
    %select_n3A_231 = arith.select %eq3A_230, %min3A_58, %min3A_148 : vector<256xi1>, vector<256xi32>
    %eq3A_232 = arith.constant 1023 : i32
    %eq3A_233 = vector.broadcast %eq3A_232 : i32 to vector<256xi32>
    %eq3A_234 = arith.cmpi eq, %min3A_157, %eq3A_233 : vector<256xi32>
    %select_n3A_235 = arith.select %eq3A_234, %min3A_58, %min3A_157 : vector<256xi1>, vector<256xi32>
    %eq3A_236 = arith.constant 1023 : i32
    %eq3A_237 = vector.broadcast %eq3A_236 : i32 to vector<256xi32>
    %eq3A_238 = arith.cmpi eq, %min3A_166, %eq3A_237 : vector<256xi32>
    %select_n3A_239 = arith.select %eq3A_238, %min3A_58, %min3A_166 : vector<256xi1>, vector<256xi32>
    %eq3A_240 = arith.constant 1023 : i32
    %eq3A_241 = vector.broadcast %eq3A_240 : i32 to vector<256xi32>
    %eq3A_242 = arith.cmpi eq, %min3A_175, %eq3A_241 : vector<256xi32>
    %select_n3A_243 = arith.select %eq3A_242, %min3A_58, %min3A_175 : vector<256xi1>, vector<256xi32>
    %eq3A_244 = arith.constant 1023 : i32
    %eq3A_245 = vector.broadcast %eq3A_244 : i32 to vector<256xi32>
    %eq3A_246 = arith.cmpi eq, %min3A_184, %eq3A_245 : vector<256xi32>
    %select_n3A_247 = arith.select %eq3A_246, %min3A_58, %min3A_184 : vector<256xi1>, vector<256xi32>
    %eq3A_248 = arith.constant 1023 : i32
    %eq3A_249 = vector.broadcast %eq3A_248 : i32 to vector<256xi32>
    %eq3A_250 = arith.cmpi eq, %min3A_193, %eq3A_249 : vector<256xi32>
    %select_n3A_251 = arith.select %eq3A_250, %min3A_58, %min3A_193 : vector<256xi1>, vector<256xi32>
    %broadcast_in_dim3A_252 = vector.shape_cast %min3A_58 : vector<256xi32> to vector<256x1xi32>
    %broadcast_in_dim3A_253 = vector.shape_cast %select_n3A : vector<256xi32> to vector<256x1xi32>
    %broadcast_in_dim3A_254 = vector.shape_cast %select_n3A_199 : vector<256xi32> to vector<256x1xi32>
    %broadcast_in_dim3A_255 = vector.shape_cast %select_n3A_203 : vector<256xi32> to vector<256x1xi32>
    %broadcast_in_dim3A_256 = vector.shape_cast %select_n3A_207 : vector<256xi32> to vector<256x1xi32>
    %broadcast_in_dim3A_257 = vector.shape_cast %select_n3A_211 : vector<256xi32> to vector<256x1xi32>
    %broadcast_in_dim3A_258 = vector.shape_cast %select_n3A_215 : vector<256xi32> to vector<256x1xi32>
    %broadcast_in_dim3A_259 = vector.shape_cast %select_n3A_219 : vector<256xi32> to vector<256x1xi32>
    %broadcast_in_dim3A_260 = vector.shape_cast %select_n3A_223 : vector<256xi32> to vector<256x1xi32>
    %broadcast_in_dim3A_261 = vector.shape_cast %select_n3A_227 : vector<256xi32> to vector<256x1xi32>
    %broadcast_in_dim3A_262 = vector.shape_cast %select_n3A_231 : vector<256xi32> to vector<256x1xi32>
    %broadcast_in_dim3A_263 = vector.shape_cast %select_n3A_235 : vector<256xi32> to vector<256x1xi32>
    %broadcast_in_dim3A_264 = vector.shape_cast %select_n3A_239 : vector<256xi32> to vector<256x1xi32>
    %broadcast_in_dim3A_265 = vector.shape_cast %select_n3A_243 : vector<256xi32> to vector<256x1xi32>
    %broadcast_in_dim3A_266 = vector.shape_cast %select_n3A_247 : vector<256xi32> to vector<256x1xi32>
    %broadcast_in_dim3A_267 = vector.shape_cast %select_n3A_251 : vector<256xi32> to vector<256x1xi32>
    %concatenate3A_268 = tpu.concatenate %broadcast_in_dim3A_252, %broadcast_in_dim3A_253, %broadcast_in_dim3A_254, %broadcast_in_dim3A_255, %broadcast_in_dim3A_256, %broadcast_in_dim3A_257, %broadcast_in_dim3A_258, %broadcast_in_dim3A_259, %broadcast_in_dim3A_260, %broadcast_in_dim3A_261, %broadcast_in_dim3A_262, %broadcast_in_dim3A_263, %broadcast_in_dim3A_264, %broadcast_in_dim3A_265, %broadcast_in_dim3A_266, %broadcast_in_dim3A_267 in 1 : vector<256x1xi32>, vector<256x1xi32>, vector<256x1xi32>, vector<256x1xi32>, vector<256x1xi32>, vector<256x1xi32>, vector<256x1xi32>, vector<256x1xi32>, vector<256x1xi32>, vector<256x1xi32>, vector<256x1xi32>, vector<256x1xi32>, vector<256x1xi32>, vector<256x1xi32>, vector<256x1xi32>, vector<256x1xi32> -> vector<256x16xi32>
    %swap3A = arith.constant 0 : index
    %swap3A_269 = arith.constant 0 : index
    %swap3A_270 = arith.constant 0 : index
    %swap3A_271 = vector.load %arg3[%swap3A, %swap3A_269, %swap3A_270] : memref<1x256x16xi32, #tpu.memory_space<vmem>>, vector<1x256x16xi32>
    %swap3A_272 = vector.shape_cast %swap3A_271 : vector<1x256x16xi32> to vector<256x16xi32>
    %swap3A_273 = vector.shape_cast %concatenate3A_268 : vector<256x16xi32> to vector<1x256x16xi32>
    tpu.vector_store %arg3[%swap3A, %swap3A_269, %swap3A_270], %swap3A_273 {strides = array<i32>} : memref<1x256x16xi32, #tpu.memory_space<vmem>>, vector<1x256x16xi32>,
    return
  }
  func.func @transform_0(%arg0: i32, %arg1: i32) -> (i32, i32, i32) {
    %c0_i32 = arith.constant 0 : i32
    %c0_i32_0 = arith.constant 0 : i32
    return %arg0, %arg1, %c0_i32 : i32, i32, i32
  }
  func.func @transform_1(%arg0: i32, %arg1: i32) -> (i32, i32, i32) {
    %c0_i32 = arith.constant 0 : i32
    %c0_i32_0 = arith.constant 0 : i32
    return %arg0, %arg1, %c0_i32 : i32, i32, i32
  }
}

module attributes {stable_mosaic.version = 14 : i64} {
  func.func @_ball_kernel(%arg0: i32, %arg1: i32, %arg2: memref<1x256x1024xf32, #tpu.memory_space<vmem>>, %arg3: memref<1x256x32xi32, #tpu.memory_space<vmem>>) attributes {dimension_semantics = [#tpu.dimension_semantics<arbitrary>, #tpu.dimension_semantics<arbitrary>], iteration_bounds = array<i64: 8, 1>, scalar_prefetch = 0 : i64, scratch_operands = 0 : i64, tpu.core_type = #tpu.core_type<tc>, window_params = [{transform_indices = @transform_0, window_bounds = array<i64: 1, 256, 1024>}, {transform_indices = @transform_1, window_bounds = array<i64: 1, 256, 32>}]} {
    %get3A = arith.constant 0 : index
    %get3A_0 = arith.constant 0 : index
    %get3A_1 = arith.constant 0 : index
    %get3A_2 = vector.load %arg2[%get3A, %get3A_0, %get3A_1] : memref<1x256x1024xf32, #tpu.memory_space<vmem>>, vector<1x256x1024xf32>
    %get3A_3 = vector.shape_cast %get3A_2 : vector<1x256x1024xf32> to vector<256x1024xf32>
    %gt3A = arith.constant 4.000000e-02 : f32
    %gt3A_4 = vector.broadcast %gt3A : f32 to vector<256x1024xf32>
    %gt3A_5 = arith.cmpf ogt, %get3A_3, %gt3A_4 : vector<256x1024xf32>
    %not3A = arith.constant dense<true> : vector<256x1024xi1>
    %not3A_6 = arith.xori %gt3A_5, %not3A : vector<256x1024xi1>
    %convert_element_type3A = arith.extui %not3A_6 : vector<256x1024xi1> to vector<256x1024xi32>
    %broadcast_in_dim3A = arith.constant 0 : i32
    %broadcast_in_dim3A_7 = vector.broadcast %broadcast_in_dim3A : i32 to vector<256x1xi32>
    %slice3A = vector.extract_strided_slice %convert_element_type3A {offsets = [0, 0], sizes = [256, 1023], strides = [1, 1]} : vector<256x1024xi32> to vector<256x1023xi32>
    %concatenate3A = tpu.concatenate %broadcast_in_dim3A_7, %slice3A in 1 : vector<256x1xi32>, vector<256x1023xi32> -> vector<256x1024xi32>
    %add3A = arith.addi %convert_element_type3A, %concatenate3A : vector<256x1024xi32>
    %broadcast_in_dim3A_8 = arith.constant 0 : i32
    %broadcast_in_dim3A_9 = vector.broadcast %broadcast_in_dim3A_8 : i32 to vector<256x2xi32>
    %slice3A_10 = vector.extract_strided_slice %add3A {offsets = [0, 0], sizes = [256, 1022], strides = [1, 1]} : vector<256x1024xi32> to vector<256x1022xi32>
    %concatenate3A_11 = tpu.concatenate %broadcast_in_dim3A_9, %slice3A_10 in 1 : vector<256x2xi32>, vector<256x1022xi32> -> vector<256x1024xi32>
    %add3A_12 = arith.addi %add3A, %concatenate3A_11 : vector<256x1024xi32>
    %broadcast_in_dim3A_13 = arith.constant 0 : i32
    %broadcast_in_dim3A_14 = vector.broadcast %broadcast_in_dim3A_13 : i32 to vector<256x4xi32>
    %slice3A_15 = vector.extract_strided_slice %add3A_12 {offsets = [0, 0], sizes = [256, 1020], strides = [1, 1]} : vector<256x1024xi32> to vector<256x1020xi32>
    %concatenate3A_16 = tpu.concatenate %broadcast_in_dim3A_14, %slice3A_15 in 1 : vector<256x4xi32>, vector<256x1020xi32> -> vector<256x1024xi32>
    %add3A_17 = arith.addi %add3A_12, %concatenate3A_16 : vector<256x1024xi32>
    %broadcast_in_dim3A_18 = arith.constant 0 : i32
    %broadcast_in_dim3A_19 = vector.broadcast %broadcast_in_dim3A_18 : i32 to vector<256x8xi32>
    %slice3A_20 = vector.extract_strided_slice %add3A_17 {offsets = [0, 0], sizes = [256, 1016], strides = [1, 1]} : vector<256x1024xi32> to vector<256x1016xi32>
    %concatenate3A_21 = tpu.concatenate %broadcast_in_dim3A_19, %slice3A_20 in 1 : vector<256x8xi32>, vector<256x1016xi32> -> vector<256x1024xi32>
    %add3A_22 = arith.addi %add3A_17, %concatenate3A_21 : vector<256x1024xi32>
    %broadcast_in_dim3A_23 = arith.constant 0 : i32
    %broadcast_in_dim3A_24 = vector.broadcast %broadcast_in_dim3A_23 : i32 to vector<256x16xi32>
    %slice3A_25 = vector.extract_strided_slice %add3A_22 {offsets = [0, 0], sizes = [256, 1008], strides = [1, 1]} : vector<256x1024xi32> to vector<256x1008xi32>
    %concatenate3A_26 = tpu.concatenate %broadcast_in_dim3A_24, %slice3A_25 in 1 : vector<256x16xi32>, vector<256x1008xi32> -> vector<256x1024xi32>
    %add3A_27 = arith.addi %add3A_22, %concatenate3A_26 : vector<256x1024xi32>
    %broadcast_in_dim3A_28 = arith.constant 0 : i32
    %broadcast_in_dim3A_29 = vector.broadcast %broadcast_in_dim3A_28 : i32 to vector<256x32xi32>
    %slice3A_30 = vector.extract_strided_slice %add3A_27 {offsets = [0, 0], sizes = [256, 992], strides = [1, 1]} : vector<256x1024xi32> to vector<256x992xi32>
    %concatenate3A_31 = tpu.concatenate %broadcast_in_dim3A_29, %slice3A_30 in 1 : vector<256x32xi32>, vector<256x992xi32> -> vector<256x1024xi32>
    %add3A_32 = arith.addi %add3A_27, %concatenate3A_31 : vector<256x1024xi32>
    %broadcast_in_dim3A_33 = arith.constant 0 : i32
    %broadcast_in_dim3A_34 = vector.broadcast %broadcast_in_dim3A_33 : i32 to vector<256x64xi32>
    %slice3A_35 = vector.extract_strided_slice %add3A_32 {offsets = [0, 0], sizes = [256, 960], strides = [1, 1]} : vector<256x1024xi32> to vector<256x960xi32>
    %concatenate3A_36 = tpu.concatenate %broadcast_in_dim3A_34, %slice3A_35 in 1 : vector<256x64xi32>, vector<256x960xi32> -> vector<256x1024xi32>
    %add3A_37 = arith.addi %add3A_32, %concatenate3A_36 : vector<256x1024xi32>
    %broadcast_in_dim3A_38 = arith.constant 0 : i32
    %broadcast_in_dim3A_39 = vector.broadcast %broadcast_in_dim3A_38 : i32 to vector<256x128xi32>
    %slice3A_40 = vector.extract_strided_slice %add3A_37 {offsets = [0, 0], sizes = [256, 896], strides = [1, 1]} : vector<256x1024xi32> to vector<256x896xi32>
    %concatenate3A_41 = tpu.concatenate %broadcast_in_dim3A_39, %slice3A_40 in 1 : vector<256x128xi32>, vector<256x896xi32> -> vector<256x1024xi32>
    %add3A_42 = arith.addi %add3A_37, %concatenate3A_41 : vector<256x1024xi32>
    %broadcast_in_dim3A_43 = arith.constant 0 : i32
    %broadcast_in_dim3A_44 = vector.broadcast %broadcast_in_dim3A_43 : i32 to vector<256x256xi32>
    %slice3A_45 = vector.extract_strided_slice %add3A_42 {offsets = [0, 0], sizes = [256, 768], strides = [1, 1]} : vector<256x1024xi32> to vector<256x768xi32>
    %concatenate3A_46 = tpu.concatenate %broadcast_in_dim3A_44, %slice3A_45 in 1 : vector<256x256xi32>, vector<256x768xi32> -> vector<256x1024xi32>
    %add3A_47 = arith.addi %add3A_42, %concatenate3A_46 : vector<256x1024xi32>
    %broadcast_in_dim3A_48 = arith.constant 0 : i32
    %broadcast_in_dim3A_49 = vector.broadcast %broadcast_in_dim3A_48 : i32 to vector<256x512xi32>
    %slice3A_50 = vector.extract_strided_slice %add3A_47 {offsets = [0, 0], sizes = [256, 512], strides = [1, 1]} : vector<256x1024xi32> to vector<256x512xi32>
    %concatenate3A_51 = tpu.concatenate %broadcast_in_dim3A_49, %slice3A_50 in 1 : vector<256x512xi32>, vector<256x512xi32> -> vector<256x1024xi32>
    %add3A_52 = arith.addi %add3A_47, %concatenate3A_51 : vector<256x1024xi32>
    %le3A = arith.constant 0 : i32
    %le3A_53 = vector.broadcast %le3A : i32 to vector<256x1024xi32>
    %le3A_54 = arith.cmpi sle, %add3A_52, %le3A_53 : vector<256x1024xi32>
    %convert_element_type3A_55 = arith.extui %le3A_54 : vector<256x1024xi1> to vector<256x1024xi32>
    %reduce_sum3A = arith.constant dense<0> : vector<256xi32>
    %reduce_sum3A_56 = vector.multi_reduction <add>, %convert_element_type3A_55, %reduce_sum3A [1] : vector<256x1024xi32> to vector<256xi32>
    %min3A = arith.constant 1023 : i32
    %min3A_57 = vector.broadcast %min3A : i32 to vector<256xi32>
    %min3A_58 = arith.minsi %reduce_sum3A_56, %min3A_57 : vector<256xi32>
    %le3A_59 = arith.constant 1 : i32
    %le3A_60 = vector.broadcast %le3A_59 : i32 to vector<256x1024xi32>
    %le3A_61 = arith.cmpi sle, %add3A_52, %le3A_60 : vector<256x1024xi32>
    %convert_element_type3A_62 = arith.extui %le3A_61 : vector<256x1024xi1> to vector<256x1024xi32>
    %reduce_sum3A_63 = arith.constant dense<0> : vector<256xi32>
    %reduce_sum3A_64 = vector.multi_reduction <add>, %convert_element_type3A_62, %reduce_sum3A_63 [1] : vector<256x1024xi32> to vector<256xi32>
    %min3A_65 = arith.constant 1023 : i32
    %min3A_66 = vector.broadcast %min3A_65 : i32 to vector<256xi32>
    %min3A_67 = arith.minsi %reduce_sum3A_64, %min3A_66 : vector<256xi32>
    %le3A_68 = arith.constant 2 : i32
    %le3A_69 = vector.broadcast %le3A_68 : i32 to vector<256x1024xi32>
    %le3A_70 = arith.cmpi sle, %add3A_52, %le3A_69 : vector<256x1024xi32>
    %convert_element_type3A_71 = arith.extui %le3A_70 : vector<256x1024xi1> to vector<256x1024xi32>
    %reduce_sum3A_72 = arith.constant dense<0> : vector<256xi32>
    %reduce_sum3A_73 = vector.multi_reduction <add>, %convert_element_type3A_71, %reduce_sum3A_72 [1] : vector<256x1024xi32> to vector<256xi32>
    %min3A_74 = arith.constant 1023 : i32
    %min3A_75 = vector.broadcast %min3A_74 : i32 to vector<256xi32>
    %min3A_76 = arith.minsi %reduce_sum3A_73, %min3A_75 : vector<256xi32>
    %le3A_77 = arith.constant 3 : i32
    %le3A_78 = vector.broadcast %le3A_77 : i32 to vector<256x1024xi32>
    %le3A_79 = arith.cmpi sle, %add3A_52, %le3A_78 : vector<256x1024xi32>
    %convert_element_type3A_80 = arith.extui %le3A_79 : vector<256x1024xi1> to vector<256x1024xi32>
    %reduce_sum3A_81 = arith.constant dense<0> : vector<256xi32>
    %reduce_sum3A_82 = vector.multi_reduction <add>, %convert_element_type3A_80, %reduce_sum3A_81 [1] : vector<256x1024xi32> to vector<256xi32>
    %min3A_83 = arith.constant 1023 : i32
    %min3A_84 = vector.broadcast %min3A_83 : i32 to vector<256xi32>
    %min3A_85 = arith.minsi %reduce_sum3A_82, %min3A_84 : vector<256xi32>
    %le3A_86 = arith.constant 4 : i32
    %le3A_87 = vector.broadcast %le3A_86 : i32 to vector<256x1024xi32>
    %le3A_88 = arith.cmpi sle, %add3A_52, %le3A_87 : vector<256x1024xi32>
    %convert_element_type3A_89 = arith.extui %le3A_88 : vector<256x1024xi1> to vector<256x1024xi32>
    %reduce_sum3A_90 = arith.constant dense<0> : vector<256xi32>
    %reduce_sum3A_91 = vector.multi_reduction <add>, %convert_element_type3A_89, %reduce_sum3A_90 [1] : vector<256x1024xi32> to vector<256xi32>
    %min3A_92 = arith.constant 1023 : i32
    %min3A_93 = vector.broadcast %min3A_92 : i32 to vector<256xi32>
    %min3A_94 = arith.minsi %reduce_sum3A_91, %min3A_93 : vector<256xi32>
    %le3A_95 = arith.constant 5 : i32
    %le3A_96 = vector.broadcast %le3A_95 : i32 to vector<256x1024xi32>
    %le3A_97 = arith.cmpi sle, %add3A_52, %le3A_96 : vector<256x1024xi32>
    %convert_element_type3A_98 = arith.extui %le3A_97 : vector<256x1024xi1> to vector<256x1024xi32>
    %reduce_sum3A_99 = arith.constant dense<0> : vector<256xi32>
    %reduce_sum3A_100 = vector.multi_reduction <add>, %convert_element_type3A_98, %reduce_sum3A_99 [1] : vector<256x1024xi32> to vector<256xi32>
    %min3A_101 = arith.constant 1023 : i32
    %min3A_102 = vector.broadcast %min3A_101 : i32 to vector<256xi32>
    %min3A_103 = arith.minsi %reduce_sum3A_100, %min3A_102 : vector<256xi32>
    %le3A_104 = arith.constant 6 : i32
    %le3A_105 = vector.broadcast %le3A_104 : i32 to vector<256x1024xi32>
    %le3A_106 = arith.cmpi sle, %add3A_52, %le3A_105 : vector<256x1024xi32>
    %convert_element_type3A_107 = arith.extui %le3A_106 : vector<256x1024xi1> to vector<256x1024xi32>
    %reduce_sum3A_108 = arith.constant dense<0> : vector<256xi32>
    %reduce_sum3A_109 = vector.multi_reduction <add>, %convert_element_type3A_107, %reduce_sum3A_108 [1] : vector<256x1024xi32> to vector<256xi32>
    %min3A_110 = arith.constant 1023 : i32
    %min3A_111 = vector.broadcast %min3A_110 : i32 to vector<256xi32>
    %min3A_112 = arith.minsi %reduce_sum3A_109, %min3A_111 : vector<256xi32>
    %le3A_113 = arith.constant 7 : i32
    %le3A_114 = vector.broadcast %le3A_113 : i32 to vector<256x1024xi32>
    %le3A_115 = arith.cmpi sle, %add3A_52, %le3A_114 : vector<256x1024xi32>
    %convert_element_type3A_116 = arith.extui %le3A_115 : vector<256x1024xi1> to vector<256x1024xi32>
    %reduce_sum3A_117 = arith.constant dense<0> : vector<256xi32>
    %reduce_sum3A_118 = vector.multi_reduction <add>, %convert_element_type3A_116, %reduce_sum3A_117 [1] : vector<256x1024xi32> to vector<256xi32>
    %min3A_119 = arith.constant 1023 : i32
    %min3A_120 = vector.broadcast %min3A_119 : i32 to vector<256xi32>
    %min3A_121 = arith.minsi %reduce_sum3A_118, %min3A_120 : vector<256xi32>
    %le3A_122 = arith.constant 8 : i32
    %le3A_123 = vector.broadcast %le3A_122 : i32 to vector<256x1024xi32>
    %le3A_124 = arith.cmpi sle, %add3A_52, %le3A_123 : vector<256x1024xi32>
    %convert_element_type3A_125 = arith.extui %le3A_124 : vector<256x1024xi1> to vector<256x1024xi32>
    %reduce_sum3A_126 = arith.constant dense<0> : vector<256xi32>
    %reduce_sum3A_127 = vector.multi_reduction <add>, %convert_element_type3A_125, %reduce_sum3A_126 [1] : vector<256x1024xi32> to vector<256xi32>
    %min3A_128 = arith.constant 1023 : i32
    %min3A_129 = vector.broadcast %min3A_128 : i32 to vector<256xi32>
    %min3A_130 = arith.minsi %reduce_sum3A_127, %min3A_129 : vector<256xi32>
    %le3A_131 = arith.constant 9 : i32
    %le3A_132 = vector.broadcast %le3A_131 : i32 to vector<256x1024xi32>
    %le3A_133 = arith.cmpi sle, %add3A_52, %le3A_132 : vector<256x1024xi32>
    %convert_element_type3A_134 = arith.extui %le3A_133 : vector<256x1024xi1> to vector<256x1024xi32>
    %reduce_sum3A_135 = arith.constant dense<0> : vector<256xi32>
    %reduce_sum3A_136 = vector.multi_reduction <add>, %convert_element_type3A_134, %reduce_sum3A_135 [1] : vector<256x1024xi32> to vector<256xi32>
    %min3A_137 = arith.constant 1023 : i32
    %min3A_138 = vector.broadcast %min3A_137 : i32 to vector<256xi32>
    %min3A_139 = arith.minsi %reduce_sum3A_136, %min3A_138 : vector<256xi32>
    %le3A_140 = arith.constant 10 : i32
    %le3A_141 = vector.broadcast %le3A_140 : i32 to vector<256x1024xi32>
    %le3A_142 = arith.cmpi sle, %add3A_52, %le3A_141 : vector<256x1024xi32>
    %convert_element_type3A_143 = arith.extui %le3A_142 : vector<256x1024xi1> to vector<256x1024xi32>
    %reduce_sum3A_144 = arith.constant dense<0> : vector<256xi32>
    %reduce_sum3A_145 = vector.multi_reduction <add>, %convert_element_type3A_143, %reduce_sum3A_144 [1] : vector<256x1024xi32> to vector<256xi32>
    %min3A_146 = arith.constant 1023 : i32
    %min3A_147 = vector.broadcast %min3A_146 : i32 to vector<256xi32>
    %min3A_148 = arith.minsi %reduce_sum3A_145, %min3A_147 : vector<256xi32>
    %le3A_149 = arith.constant 11 : i32
    %le3A_150 = vector.broadcast %le3A_149 : i32 to vector<256x1024xi32>
    %le3A_151 = arith.cmpi sle, %add3A_52, %le3A_150 : vector<256x1024xi32>
    %convert_element_type3A_152 = arith.extui %le3A_151 : vector<256x1024xi1> to vector<256x1024xi32>
    %reduce_sum3A_153 = arith.constant dense<0> : vector<256xi32>
    %reduce_sum3A_154 = vector.multi_reduction <add>, %convert_element_type3A_152, %reduce_sum3A_153 [1] : vector<256x1024xi32> to vector<256xi32>
    %min3A_155 = arith.constant 1023 : i32
    %min3A_156 = vector.broadcast %min3A_155 : i32 to vector<256xi32>
    %min3A_157 = arith.minsi %reduce_sum3A_154, %min3A_156 : vector<256xi32>
    %le3A_158 = arith.constant 12 : i32
    %le3A_159 = vector.broadcast %le3A_158 : i32 to vector<256x1024xi32>
    %le3A_160 = arith.cmpi sle, %add3A_52, %le3A_159 : vector<256x1024xi32>
    %convert_element_type3A_161 = arith.extui %le3A_160 : vector<256x1024xi1> to vector<256x1024xi32>
    %reduce_sum3A_162 = arith.constant dense<0> : vector<256xi32>
    %reduce_sum3A_163 = vector.multi_reduction <add>, %convert_element_type3A_161, %reduce_sum3A_162 [1] : vector<256x1024xi32> to vector<256xi32>
    %min3A_164 = arith.constant 1023 : i32
    %min3A_165 = vector.broadcast %min3A_164 : i32 to vector<256xi32>
    %min3A_166 = arith.minsi %reduce_sum3A_163, %min3A_165 : vector<256xi32>
    %le3A_167 = arith.constant 13 : i32
    %le3A_168 = vector.broadcast %le3A_167 : i32 to vector<256x1024xi32>
    %le3A_169 = arith.cmpi sle, %add3A_52, %le3A_168 : vector<256x1024xi32>
    %convert_element_type3A_170 = arith.extui %le3A_169 : vector<256x1024xi1> to vector<256x1024xi32>
    %reduce_sum3A_171 = arith.constant dense<0> : vector<256xi32>
    %reduce_sum3A_172 = vector.multi_reduction <add>, %convert_element_type3A_170, %reduce_sum3A_171 [1] : vector<256x1024xi32> to vector<256xi32>
    %min3A_173 = arith.constant 1023 : i32
    %min3A_174 = vector.broadcast %min3A_173 : i32 to vector<256xi32>
    %min3A_175 = arith.minsi %reduce_sum3A_172, %min3A_174 : vector<256xi32>
    %le3A_176 = arith.constant 14 : i32
    %le3A_177 = vector.broadcast %le3A_176 : i32 to vector<256x1024xi32>
    %le3A_178 = arith.cmpi sle, %add3A_52, %le3A_177 : vector<256x1024xi32>
    %convert_element_type3A_179 = arith.extui %le3A_178 : vector<256x1024xi1> to vector<256x1024xi32>
    %reduce_sum3A_180 = arith.constant dense<0> : vector<256xi32>
    %reduce_sum3A_181 = vector.multi_reduction <add>, %convert_element_type3A_179, %reduce_sum3A_180 [1] : vector<256x1024xi32> to vector<256xi32>
    %min3A_182 = arith.constant 1023 : i32
    %min3A_183 = vector.broadcast %min3A_182 : i32 to vector<256xi32>
    %min3A_184 = arith.minsi %reduce_sum3A_181, %min3A_183 : vector<256xi32>
    %le3A_185 = arith.constant 15 : i32
    %le3A_186 = vector.broadcast %le3A_185 : i32 to vector<256x1024xi32>
    %le3A_187 = arith.cmpi sle, %add3A_52, %le3A_186 : vector<256x1024xi32>
    %convert_element_type3A_188 = arith.extui %le3A_187 : vector<256x1024xi1> to vector<256x1024xi32>
    %reduce_sum3A_189 = arith.constant dense<0> : vector<256xi32>
    %reduce_sum3A_190 = vector.multi_reduction <add>, %convert_element_type3A_188, %reduce_sum3A_189 [1] : vector<256x1024xi32> to vector<256xi32>
    %min3A_191 = arith.constant 1023 : i32
    %min3A_192 = vector.broadcast %min3A_191 : i32 to vector<256xi32>
    %min3A_193 = arith.minsi %reduce_sum3A_190, %min3A_192 : vector<256xi32>
    %le3A_194 = arith.constant 16 : i32
    %le3A_195 = vector.broadcast %le3A_194 : i32 to vector<256x1024xi32>
    %le3A_196 = arith.cmpi sle, %add3A_52, %le3A_195 : vector<256x1024xi32>
    %convert_element_type3A_197 = arith.extui %le3A_196 : vector<256x1024xi1> to vector<256x1024xi32>
    %reduce_sum3A_198 = arith.constant dense<0> : vector<256xi32>
    %reduce_sum3A_199 = vector.multi_reduction <add>, %convert_element_type3A_197, %reduce_sum3A_198 [1] : vector<256x1024xi32> to vector<256xi32>
    %min3A_200 = arith.constant 1023 : i32
    %min3A_201 = vector.broadcast %min3A_200 : i32 to vector<256xi32>
    %min3A_202 = arith.minsi %reduce_sum3A_199, %min3A_201 : vector<256xi32>
    %le3A_203 = arith.constant 17 : i32
    %le3A_204 = vector.broadcast %le3A_203 : i32 to vector<256x1024xi32>
    %le3A_205 = arith.cmpi sle, %add3A_52, %le3A_204 : vector<256x1024xi32>
    %convert_element_type3A_206 = arith.extui %le3A_205 : vector<256x1024xi1> to vector<256x1024xi32>
    %reduce_sum3A_207 = arith.constant dense<0> : vector<256xi32>
    %reduce_sum3A_208 = vector.multi_reduction <add>, %convert_element_type3A_206, %reduce_sum3A_207 [1] : vector<256x1024xi32> to vector<256xi32>
    %min3A_209 = arith.constant 1023 : i32
    %min3A_210 = vector.broadcast %min3A_209 : i32 to vector<256xi32>
    %min3A_211 = arith.minsi %reduce_sum3A_208, %min3A_210 : vector<256xi32>
    %le3A_212 = arith.constant 18 : i32
    %le3A_213 = vector.broadcast %le3A_212 : i32 to vector<256x1024xi32>
    %le3A_214 = arith.cmpi sle, %add3A_52, %le3A_213 : vector<256x1024xi32>
    %convert_element_type3A_215 = arith.extui %le3A_214 : vector<256x1024xi1> to vector<256x1024xi32>
    %reduce_sum3A_216 = arith.constant dense<0> : vector<256xi32>
    %reduce_sum3A_217 = vector.multi_reduction <add>, %convert_element_type3A_215, %reduce_sum3A_216 [1] : vector<256x1024xi32> to vector<256xi32>
    %min3A_218 = arith.constant 1023 : i32
    %min3A_219 = vector.broadcast %min3A_218 : i32 to vector<256xi32>
    %min3A_220 = arith.minsi %reduce_sum3A_217, %min3A_219 : vector<256xi32>
    %le3A_221 = arith.constant 19 : i32
    %le3A_222 = vector.broadcast %le3A_221 : i32 to vector<256x1024xi32>
    %le3A_223 = arith.cmpi sle, %add3A_52, %le3A_222 : vector<256x1024xi32>
    %convert_element_type3A_224 = arith.extui %le3A_223 : vector<256x1024xi1> to vector<256x1024xi32>
    %reduce_sum3A_225 = arith.constant dense<0> : vector<256xi32>
    %reduce_sum3A_226 = vector.multi_reduction <add>, %convert_element_type3A_224, %reduce_sum3A_225 [1] : vector<256x1024xi32> to vector<256xi32>
    %min3A_227 = arith.constant 1023 : i32
    %min3A_228 = vector.broadcast %min3A_227 : i32 to vector<256xi32>
    %min3A_229 = arith.minsi %reduce_sum3A_226, %min3A_228 : vector<256xi32>
    %le3A_230 = arith.constant 20 : i32
    %le3A_231 = vector.broadcast %le3A_230 : i32 to vector<256x1024xi32>
    %le3A_232 = arith.cmpi sle, %add3A_52, %le3A_231 : vector<256x1024xi32>
    %convert_element_type3A_233 = arith.extui %le3A_232 : vector<256x1024xi1> to vector<256x1024xi32>
    %reduce_sum3A_234 = arith.constant dense<0> : vector<256xi32>
    %reduce_sum3A_235 = vector.multi_reduction <add>, %convert_element_type3A_233, %reduce_sum3A_234 [1] : vector<256x1024xi32> to vector<256xi32>
    %min3A_236 = arith.constant 1023 : i32
    %min3A_237 = vector.broadcast %min3A_236 : i32 to vector<256xi32>
    %min3A_238 = arith.minsi %reduce_sum3A_235, %min3A_237 : vector<256xi32>
    %le3A_239 = arith.constant 21 : i32
    %le3A_240 = vector.broadcast %le3A_239 : i32 to vector<256x1024xi32>
    %le3A_241 = arith.cmpi sle, %add3A_52, %le3A_240 : vector<256x1024xi32>
    %convert_element_type3A_242 = arith.extui %le3A_241 : vector<256x1024xi1> to vector<256x1024xi32>
    %reduce_sum3A_243 = arith.constant dense<0> : vector<256xi32>
    %reduce_sum3A_244 = vector.multi_reduction <add>, %convert_element_type3A_242, %reduce_sum3A_243 [1] : vector<256x1024xi32> to vector<256xi32>
    %min3A_245 = arith.constant 1023 : i32
    %min3A_246 = vector.broadcast %min3A_245 : i32 to vector<256xi32>
    %min3A_247 = arith.minsi %reduce_sum3A_244, %min3A_246 : vector<256xi32>
    %le3A_248 = arith.constant 22 : i32
    %le3A_249 = vector.broadcast %le3A_248 : i32 to vector<256x1024xi32>
    %le3A_250 = arith.cmpi sle, %add3A_52, %le3A_249 : vector<256x1024xi32>
    %convert_element_type3A_251 = arith.extui %le3A_250 : vector<256x1024xi1> to vector<256x1024xi32>
    %reduce_sum3A_252 = arith.constant dense<0> : vector<256xi32>
    %reduce_sum3A_253 = vector.multi_reduction <add>, %convert_element_type3A_251, %reduce_sum3A_252 [1] : vector<256x1024xi32> to vector<256xi32>
    %min3A_254 = arith.constant 1023 : i32
    %min3A_255 = vector.broadcast %min3A_254 : i32 to vector<256xi32>
    %min3A_256 = arith.minsi %reduce_sum3A_253, %min3A_255 : vector<256xi32>
    %le3A_257 = arith.constant 23 : i32
    %le3A_258 = vector.broadcast %le3A_257 : i32 to vector<256x1024xi32>
    %le3A_259 = arith.cmpi sle, %add3A_52, %le3A_258 : vector<256x1024xi32>
    %convert_element_type3A_260 = arith.extui %le3A_259 : vector<256x1024xi1> to vector<256x1024xi32>
    %reduce_sum3A_261 = arith.constant dense<0> : vector<256xi32>
    %reduce_sum3A_262 = vector.multi_reduction <add>, %convert_element_type3A_260, %reduce_sum3A_261 [1] : vector<256x1024xi32> to vector<256xi32>
    %min3A_263 = arith.constant 1023 : i32
    %min3A_264 = vector.broadcast %min3A_263 : i32 to vector<256xi32>
    %min3A_265 = arith.minsi %reduce_sum3A_262, %min3A_264 : vector<256xi32>
    %le3A_266 = arith.constant 24 : i32
    %le3A_267 = vector.broadcast %le3A_266 : i32 to vector<256x1024xi32>
    %le3A_268 = arith.cmpi sle, %add3A_52, %le3A_267 : vector<256x1024xi32>
    %convert_element_type3A_269 = arith.extui %le3A_268 : vector<256x1024xi1> to vector<256x1024xi32>
    %reduce_sum3A_270 = arith.constant dense<0> : vector<256xi32>
    %reduce_sum3A_271 = vector.multi_reduction <add>, %convert_element_type3A_269, %reduce_sum3A_270 [1] : vector<256x1024xi32> to vector<256xi32>
    %min3A_272 = arith.constant 1023 : i32
    %min3A_273 = vector.broadcast %min3A_272 : i32 to vector<256xi32>
    %min3A_274 = arith.minsi %reduce_sum3A_271, %min3A_273 : vector<256xi32>
    %le3A_275 = arith.constant 25 : i32
    %le3A_276 = vector.broadcast %le3A_275 : i32 to vector<256x1024xi32>
    %le3A_277 = arith.cmpi sle, %add3A_52, %le3A_276 : vector<256x1024xi32>
    %convert_element_type3A_278 = arith.extui %le3A_277 : vector<256x1024xi1> to vector<256x1024xi32>
    %reduce_sum3A_279 = arith.constant dense<0> : vector<256xi32>
    %reduce_sum3A_280 = vector.multi_reduction <add>, %convert_element_type3A_278, %reduce_sum3A_279 [1] : vector<256x1024xi32> to vector<256xi32>
    %min3A_281 = arith.constant 1023 : i32
    %min3A_282 = vector.broadcast %min3A_281 : i32 to vector<256xi32>
    %min3A_283 = arith.minsi %reduce_sum3A_280, %min3A_282 : vector<256xi32>
    %le3A_284 = arith.constant 26 : i32
    %le3A_285 = vector.broadcast %le3A_284 : i32 to vector<256x1024xi32>
    %le3A_286 = arith.cmpi sle, %add3A_52, %le3A_285 : vector<256x1024xi32>
    %convert_element_type3A_287 = arith.extui %le3A_286 : vector<256x1024xi1> to vector<256x1024xi32>
    %reduce_sum3A_288 = arith.constant dense<0> : vector<256xi32>
    %reduce_sum3A_289 = vector.multi_reduction <add>, %convert_element_type3A_287, %reduce_sum3A_288 [1] : vector<256x1024xi32> to vector<256xi32>
    %min3A_290 = arith.constant 1023 : i32
    %min3A_291 = vector.broadcast %min3A_290 : i32 to vector<256xi32>
    %min3A_292 = arith.minsi %reduce_sum3A_289, %min3A_291 : vector<256xi32>
    %le3A_293 = arith.constant 27 : i32
    %le3A_294 = vector.broadcast %le3A_293 : i32 to vector<256x1024xi32>
    %le3A_295 = arith.cmpi sle, %add3A_52, %le3A_294 : vector<256x1024xi32>
    %convert_element_type3A_296 = arith.extui %le3A_295 : vector<256x1024xi1> to vector<256x1024xi32>
    %reduce_sum3A_297 = arith.constant dense<0> : vector<256xi32>
    %reduce_sum3A_298 = vector.multi_reduction <add>, %convert_element_type3A_296, %reduce_sum3A_297 [1] : vector<256x1024xi32> to vector<256xi32>
    %min3A_299 = arith.constant 1023 : i32
    %min3A_300 = vector.broadcast %min3A_299 : i32 to vector<256xi32>
    %min3A_301 = arith.minsi %reduce_sum3A_298, %min3A_300 : vector<256xi32>
    %le3A_302 = arith.constant 28 : i32
    %le3A_303 = vector.broadcast %le3A_302 : i32 to vector<256x1024xi32>
    %le3A_304 = arith.cmpi sle, %add3A_52, %le3A_303 : vector<256x1024xi32>
    %convert_element_type3A_305 = arith.extui %le3A_304 : vector<256x1024xi1> to vector<256x1024xi32>
    %reduce_sum3A_306 = arith.constant dense<0> : vector<256xi32>
    %reduce_sum3A_307 = vector.multi_reduction <add>, %convert_element_type3A_305, %reduce_sum3A_306 [1] : vector<256x1024xi32> to vector<256xi32>
    %min3A_308 = arith.constant 1023 : i32
    %min3A_309 = vector.broadcast %min3A_308 : i32 to vector<256xi32>
    %min3A_310 = arith.minsi %reduce_sum3A_307, %min3A_309 : vector<256xi32>
    %le3A_311 = arith.constant 29 : i32
    %le3A_312 = vector.broadcast %le3A_311 : i32 to vector<256x1024xi32>
    %le3A_313 = arith.cmpi sle, %add3A_52, %le3A_312 : vector<256x1024xi32>
    %convert_element_type3A_314 = arith.extui %le3A_313 : vector<256x1024xi1> to vector<256x1024xi32>
    %reduce_sum3A_315 = arith.constant dense<0> : vector<256xi32>
    %reduce_sum3A_316 = vector.multi_reduction <add>, %convert_element_type3A_314, %reduce_sum3A_315 [1] : vector<256x1024xi32> to vector<256xi32>
    %min3A_317 = arith.constant 1023 : i32
    %min3A_318 = vector.broadcast %min3A_317 : i32 to vector<256xi32>
    %min3A_319 = arith.minsi %reduce_sum3A_316, %min3A_318 : vector<256xi32>
    %le3A_320 = arith.constant 30 : i32
    %le3A_321 = vector.broadcast %le3A_320 : i32 to vector<256x1024xi32>
    %le3A_322 = arith.cmpi sle, %add3A_52, %le3A_321 : vector<256x1024xi32>
    %convert_element_type3A_323 = arith.extui %le3A_322 : vector<256x1024xi1> to vector<256x1024xi32>
    %reduce_sum3A_324 = arith.constant dense<0> : vector<256xi32>
    %reduce_sum3A_325 = vector.multi_reduction <add>, %convert_element_type3A_323, %reduce_sum3A_324 [1] : vector<256x1024xi32> to vector<256xi32>
    %min3A_326 = arith.constant 1023 : i32
    %min3A_327 = vector.broadcast %min3A_326 : i32 to vector<256xi32>
    %min3A_328 = arith.minsi %reduce_sum3A_325, %min3A_327 : vector<256xi32>
    %le3A_329 = arith.constant 31 : i32
    %le3A_330 = vector.broadcast %le3A_329 : i32 to vector<256x1024xi32>
    %le3A_331 = arith.cmpi sle, %add3A_52, %le3A_330 : vector<256x1024xi32>
    %convert_element_type3A_332 = arith.extui %le3A_331 : vector<256x1024xi1> to vector<256x1024xi32>
    %reduce_sum3A_333 = arith.constant dense<0> : vector<256xi32>
    %reduce_sum3A_334 = vector.multi_reduction <add>, %convert_element_type3A_332, %reduce_sum3A_333 [1] : vector<256x1024xi32> to vector<256xi32>
    %min3A_335 = arith.constant 1023 : i32
    %min3A_336 = vector.broadcast %min3A_335 : i32 to vector<256xi32>
    %min3A_337 = arith.minsi %reduce_sum3A_334, %min3A_336 : vector<256xi32>
    %eq3A = arith.constant 1023 : i32
    %eq3A_338 = vector.broadcast %eq3A : i32 to vector<256xi32>
    %eq3A_339 = arith.cmpi eq, %min3A_67, %eq3A_338 : vector<256xi32>
    %select_n3A = arith.select %eq3A_339, %min3A_58, %min3A_67 : vector<256xi1>, vector<256xi32>
    %eq3A_340 = arith.constant 1023 : i32
    %eq3A_341 = vector.broadcast %eq3A_340 : i32 to vector<256xi32>
    %eq3A_342 = arith.cmpi eq, %min3A_76, %eq3A_341 : vector<256xi32>
    %select_n3A_343 = arith.select %eq3A_342, %min3A_58, %min3A_76 : vector<256xi1>, vector<256xi32>
    %eq3A_344 = arith.constant 1023 : i32
    %eq3A_345 = vector.broadcast %eq3A_344 : i32 to vector<256xi32>
    %eq3A_346 = arith.cmpi eq, %min3A_85, %eq3A_345 : vector<256xi32>
    %select_n3A_347 = arith.select %eq3A_346, %min3A_58, %min3A_85 : vector<256xi1>, vector<256xi32>
    %eq3A_348 = arith.constant 1023 : i32
    %eq3A_349 = vector.broadcast %eq3A_348 : i32 to vector<256xi32>
    %eq3A_350 = arith.cmpi eq, %min3A_94, %eq3A_349 : vector<256xi32>
    %select_n3A_351 = arith.select %eq3A_350, %min3A_58, %min3A_94 : vector<256xi1>, vector<256xi32>
    %eq3A_352 = arith.constant 1023 : i32
    %eq3A_353 = vector.broadcast %eq3A_352 : i32 to vector<256xi32>
    %eq3A_354 = arith.cmpi eq, %min3A_103, %eq3A_353 : vector<256xi32>
    %select_n3A_355 = arith.select %eq3A_354, %min3A_58, %min3A_103 : vector<256xi1>, vector<256xi32>
    %eq3A_356 = arith.constant 1023 : i32
    %eq3A_357 = vector.broadcast %eq3A_356 : i32 to vector<256xi32>
    %eq3A_358 = arith.cmpi eq, %min3A_112, %eq3A_357 : vector<256xi32>
    %select_n3A_359 = arith.select %eq3A_358, %min3A_58, %min3A_112 : vector<256xi1>, vector<256xi32>
    %eq3A_360 = arith.constant 1023 : i32
    %eq3A_361 = vector.broadcast %eq3A_360 : i32 to vector<256xi32>
    %eq3A_362 = arith.cmpi eq, %min3A_121, %eq3A_361 : vector<256xi32>
    %select_n3A_363 = arith.select %eq3A_362, %min3A_58, %min3A_121 : vector<256xi1>, vector<256xi32>
    %eq3A_364 = arith.constant 1023 : i32
    %eq3A_365 = vector.broadcast %eq3A_364 : i32 to vector<256xi32>
    %eq3A_366 = arith.cmpi eq, %min3A_130, %eq3A_365 : vector<256xi32>
    %select_n3A_367 = arith.select %eq3A_366, %min3A_58, %min3A_130 : vector<256xi1>, vector<256xi32>
    %eq3A_368 = arith.constant 1023 : i32
    %eq3A_369 = vector.broadcast %eq3A_368 : i32 to vector<256xi32>
    %eq3A_370 = arith.cmpi eq, %min3A_139, %eq3A_369 : vector<256xi32>
    %select_n3A_371 = arith.select %eq3A_370, %min3A_58, %min3A_139 : vector<256xi1>, vector<256xi32>
    %eq3A_372 = arith.constant 1023 : i32
    %eq3A_373 = vector.broadcast %eq3A_372 : i32 to vector<256xi32>
    %eq3A_374 = arith.cmpi eq, %min3A_148, %eq3A_373 : vector<256xi32>
    %select_n3A_375 = arith.select %eq3A_374, %min3A_58, %min3A_148 : vector<256xi1>, vector<256xi32>
    %eq3A_376 = arith.constant 1023 : i32
    %eq3A_377 = vector.broadcast %eq3A_376 : i32 to vector<256xi32>
    %eq3A_378 = arith.cmpi eq, %min3A_157, %eq3A_377 : vector<256xi32>
    %select_n3A_379 = arith.select %eq3A_378, %min3A_58, %min3A_157 : vector<256xi1>, vector<256xi32>
    %eq3A_380 = arith.constant 1023 : i32
    %eq3A_381 = vector.broadcast %eq3A_380 : i32 to vector<256xi32>
    %eq3A_382 = arith.cmpi eq, %min3A_166, %eq3A_381 : vector<256xi32>
    %select_n3A_383 = arith.select %eq3A_382, %min3A_58, %min3A_166 : vector<256xi1>, vector<256xi32>
    %eq3A_384 = arith.constant 1023 : i32
    %eq3A_385 = vector.broadcast %eq3A_384 : i32 to vector<256xi32>
    %eq3A_386 = arith.cmpi eq, %min3A_175, %eq3A_385 : vector<256xi32>
    %select_n3A_387 = arith.select %eq3A_386, %min3A_58, %min3A_175 : vector<256xi1>, vector<256xi32>
    %eq3A_388 = arith.constant 1023 : i32
    %eq3A_389 = vector.broadcast %eq3A_388 : i32 to vector<256xi32>
    %eq3A_390 = arith.cmpi eq, %min3A_184, %eq3A_389 : vector<256xi32>
    %select_n3A_391 = arith.select %eq3A_390, %min3A_58, %min3A_184 : vector<256xi1>, vector<256xi32>
    %eq3A_392 = arith.constant 1023 : i32
    %eq3A_393 = vector.broadcast %eq3A_392 : i32 to vector<256xi32>
    %eq3A_394 = arith.cmpi eq, %min3A_193, %eq3A_393 : vector<256xi32>
    %select_n3A_395 = arith.select %eq3A_394, %min3A_58, %min3A_193 : vector<256xi1>, vector<256xi32>
    %eq3A_396 = arith.constant 1023 : i32
    %eq3A_397 = vector.broadcast %eq3A_396 : i32 to vector<256xi32>
    %eq3A_398 = arith.cmpi eq, %min3A_202, %eq3A_397 : vector<256xi32>
    %select_n3A_399 = arith.select %eq3A_398, %min3A_58, %min3A_202 : vector<256xi1>, vector<256xi32>
    %eq3A_400 = arith.constant 1023 : i32
    %eq3A_401 = vector.broadcast %eq3A_400 : i32 to vector<256xi32>
    %eq3A_402 = arith.cmpi eq, %min3A_211, %eq3A_401 : vector<256xi32>
    %select_n3A_403 = arith.select %eq3A_402, %min3A_58, %min3A_211 : vector<256xi1>, vector<256xi32>
    %eq3A_404 = arith.constant 1023 : i32
    %eq3A_405 = vector.broadcast %eq3A_404 : i32 to vector<256xi32>
    %eq3A_406 = arith.cmpi eq, %min3A_220, %eq3A_405 : vector<256xi32>
    %select_n3A_407 = arith.select %eq3A_406, %min3A_58, %min3A_220 : vector<256xi1>, vector<256xi32>
    %eq3A_408 = arith.constant 1023 : i32
    %eq3A_409 = vector.broadcast %eq3A_408 : i32 to vector<256xi32>
    %eq3A_410 = arith.cmpi eq, %min3A_229, %eq3A_409 : vector<256xi32>
    %select_n3A_411 = arith.select %eq3A_410, %min3A_58, %min3A_229 : vector<256xi1>, vector<256xi32>
    %eq3A_412 = arith.constant 1023 : i32
    %eq3A_413 = vector.broadcast %eq3A_412 : i32 to vector<256xi32>
    %eq3A_414 = arith.cmpi eq, %min3A_238, %eq3A_413 : vector<256xi32>
    %select_n3A_415 = arith.select %eq3A_414, %min3A_58, %min3A_238 : vector<256xi1>, vector<256xi32>
    %eq3A_416 = arith.constant 1023 : i32
    %eq3A_417 = vector.broadcast %eq3A_416 : i32 to vector<256xi32>
    %eq3A_418 = arith.cmpi eq, %min3A_247, %eq3A_417 : vector<256xi32>
    %select_n3A_419 = arith.select %eq3A_418, %min3A_58, %min3A_247 : vector<256xi1>, vector<256xi32>
    %eq3A_420 = arith.constant 1023 : i32
    %eq3A_421 = vector.broadcast %eq3A_420 : i32 to vector<256xi32>
    %eq3A_422 = arith.cmpi eq, %min3A_256, %eq3A_421 : vector<256xi32>
    %select_n3A_423 = arith.select %eq3A_422, %min3A_58, %min3A_256 : vector<256xi1>, vector<256xi32>
    %eq3A_424 = arith.constant 1023 : i32
    %eq3A_425 = vector.broadcast %eq3A_424 : i32 to vector<256xi32>
    %eq3A_426 = arith.cmpi eq, %min3A_265, %eq3A_425 : vector<256xi32>
    %select_n3A_427 = arith.select %eq3A_426, %min3A_58, %min3A_265 : vector<256xi1>, vector<256xi32>
    %eq3A_428 = arith.constant 1023 : i32
    %eq3A_429 = vector.broadcast %eq3A_428 : i32 to vector<256xi32>
    %eq3A_430 = arith.cmpi eq, %min3A_274, %eq3A_429 : vector<256xi32>
    %select_n3A_431 = arith.select %eq3A_430, %min3A_58, %min3A_274 : vector<256xi1>, vector<256xi32>
    %eq3A_432 = arith.constant 1023 : i32
    %eq3A_433 = vector.broadcast %eq3A_432 : i32 to vector<256xi32>
    %eq3A_434 = arith.cmpi eq, %min3A_283, %eq3A_433 : vector<256xi32>
    %select_n3A_435 = arith.select %eq3A_434, %min3A_58, %min3A_283 : vector<256xi1>, vector<256xi32>
    %eq3A_436 = arith.constant 1023 : i32
    %eq3A_437 = vector.broadcast %eq3A_436 : i32 to vector<256xi32>
    %eq3A_438 = arith.cmpi eq, %min3A_292, %eq3A_437 : vector<256xi32>
    %select_n3A_439 = arith.select %eq3A_438, %min3A_58, %min3A_292 : vector<256xi1>, vector<256xi32>
    %eq3A_440 = arith.constant 1023 : i32
    %eq3A_441 = vector.broadcast %eq3A_440 : i32 to vector<256xi32>
    %eq3A_442 = arith.cmpi eq, %min3A_301, %eq3A_441 : vector<256xi32>
    %select_n3A_443 = arith.select %eq3A_442, %min3A_58, %min3A_301 : vector<256xi1>, vector<256xi32>
    %eq3A_444 = arith.constant 1023 : i32
    %eq3A_445 = vector.broadcast %eq3A_444 : i32 to vector<256xi32>
    %eq3A_446 = arith.cmpi eq, %min3A_310, %eq3A_445 : vector<256xi32>
    %select_n3A_447 = arith.select %eq3A_446, %min3A_58, %min3A_310 : vector<256xi1>, vector<256xi32>
    %eq3A_448 = arith.constant 1023 : i32
    %eq3A_449 = vector.broadcast %eq3A_448 : i32 to vector<256xi32>
    %eq3A_450 = arith.cmpi eq, %min3A_319, %eq3A_449 : vector<256xi32>
    %select_n3A_451 = arith.select %eq3A_450, %min3A_58, %min3A_319 : vector<256xi1>, vector<256xi32>
    %eq3A_452 = arith.constant 1023 : i32
    %eq3A_453 = vector.broadcast %eq3A_452 : i32 to vector<256xi32>
    %eq3A_454 = arith.cmpi eq, %min3A_328, %eq3A_453 : vector<256xi32>
    %select_n3A_455 = arith.select %eq3A_454, %min3A_58, %min3A_328 : vector<256xi1>, vector<256xi32>
    %eq3A_456 = arith.constant 1023 : i32
    %eq3A_457 = vector.broadcast %eq3A_456 : i32 to vector<256xi32>
    %eq3A_458 = arith.cmpi eq, %min3A_337, %eq3A_457 : vector<256xi32>
    %select_n3A_459 = arith.select %eq3A_458, %min3A_58, %min3A_337 : vector<256xi1>, vector<256xi32>
    %broadcast_in_dim3A_460 = vector.shape_cast %min3A_58 : vector<256xi32> to vector<256x1xi32>
    %broadcast_in_dim3A_461 = vector.shape_cast %select_n3A : vector<256xi32> to vector<256x1xi32>
    %broadcast_in_dim3A_462 = vector.shape_cast %select_n3A_343 : vector<256xi32> to vector<256x1xi32>
    %broadcast_in_dim3A_463 = vector.shape_cast %select_n3A_347 : vector<256xi32> to vector<256x1xi32>
    %broadcast_in_dim3A_464 = vector.shape_cast %select_n3A_351 : vector<256xi32> to vector<256x1xi32>
    %broadcast_in_dim3A_465 = vector.shape_cast %select_n3A_355 : vector<256xi32> to vector<256x1xi32>
    %broadcast_in_dim3A_466 = vector.shape_cast %select_n3A_359 : vector<256xi32> to vector<256x1xi32>
    %broadcast_in_dim3A_467 = vector.shape_cast %select_n3A_363 : vector<256xi32> to vector<256x1xi32>
    %broadcast_in_dim3A_468 = vector.shape_cast %select_n3A_367 : vector<256xi32> to vector<256x1xi32>
    %broadcast_in_dim3A_469 = vector.shape_cast %select_n3A_371 : vector<256xi32> to vector<256x1xi32>
    %broadcast_in_dim3A_470 = vector.shape_cast %select_n3A_375 : vector<256xi32> to vector<256x1xi32>
    %broadcast_in_dim3A_471 = vector.shape_cast %select_n3A_379 : vector<256xi32> to vector<256x1xi32>
    %broadcast_in_dim3A_472 = vector.shape_cast %select_n3A_383 : vector<256xi32> to vector<256x1xi32>
    %broadcast_in_dim3A_473 = vector.shape_cast %select_n3A_387 : vector<256xi32> to vector<256x1xi32>
    %broadcast_in_dim3A_474 = vector.shape_cast %select_n3A_391 : vector<256xi32> to vector<256x1xi32>
    %broadcast_in_dim3A_475 = vector.shape_cast %select_n3A_395 : vector<256xi32> to vector<256x1xi32>
    %broadcast_in_dim3A_476 = vector.shape_cast %select_n3A_399 : vector<256xi32> to vector<256x1xi32>
    %broadcast_in_dim3A_477 = vector.shape_cast %select_n3A_403 : vector<256xi32> to vector<256x1xi32>
    %broadcast_in_dim3A_478 = vector.shape_cast %select_n3A_407 : vector<256xi32> to vector<256x1xi32>
    %broadcast_in_dim3A_479 = vector.shape_cast %select_n3A_411 : vector<256xi32> to vector<256x1xi32>
    %broadcast_in_dim3A_480 = vector.shape_cast %select_n3A_415 : vector<256xi32> to vector<256x1xi32>
    %broadcast_in_dim3A_481 = vector.shape_cast %select_n3A_419 : vector<256xi32> to vector<256x1xi32>
    %broadcast_in_dim3A_482 = vector.shape_cast %select_n3A_423 : vector<256xi32> to vector<256x1xi32>
    %broadcast_in_dim3A_483 = vector.shape_cast %select_n3A_427 : vector<256xi32> to vector<256x1xi32>
    %broadcast_in_dim3A_484 = vector.shape_cast %select_n3A_431 : vector<256xi32> to vector<256x1xi32>
    %broadcast_in_dim3A_485 = vector.shape_cast %select_n3A_435 : vector<256xi32> to vector<256x1xi32>
    %broadcast_in_dim3A_486 = vector.shape_cast %select_n3A_439 : vector<256xi32> to vector<256x1xi32>
    %broadcast_in_dim3A_487 = vector.shape_cast %select_n3A_443 : vector<256xi32> to vector<256x1xi32>
    %broadcast_in_dim3A_488 = vector.shape_cast %select_n3A_447 : vector<256xi32> to vector<256x1xi32>
    %broadcast_in_dim3A_489 = vector.shape_cast %select_n3A_451 : vector<256xi32> to vector<256x1xi32>
    %broadcast_in_dim3A_490 = vector.shape_cast %select_n3A_455 : vector<256xi32> to vector<256x1xi32>
    %broadcast_in_dim3A_491 = vector.shape_cast %select_n3A_459 : vector<256xi32> to vector<256x1xi32>
    %concatenate3A_492 = tpu.concatenate %broadcast_in_dim3A_460, %broadcast_in_dim3A_461, %broadcast_in_dim3A_462, %broadcast_in_dim3A_463, %broadcast_in_dim3A_464, %broadcast_in_dim3A_465, %broadcast_in_dim3A_466, %broadcast_in_dim3A_467, %broadcast_in_dim3A_468, %broadcast_in_dim3A_469, %broadcast_in_dim3A_470, %broadcast_in_dim3A_471, %broadcast_in_dim3A_472, %broadcast_in_dim3A_473, %broadcast_in_dim3A_474, %broadcast_in_dim3A_475, %broadcast_in_dim3A_476, %broadcast_in_dim3A_477, %broadcast_in_dim3A_478, %broadcast_in_dim3A_479, %broadcast_in_dim3A_480, %broadcast_in_dim3A_481, %broadcast_in_dim3A_482, %broadcast_in_dim3A_483, %broadcast_in_dim3A_484, %broadcast_in_dim3A_485, %broadcast_in_dim3A_486, %broadcast_in_dim3A_487, %broadcast_in_dim3A_488, %broadcast_in_dim3A_489, %broadcast_in_dim3A_490, %broadcast_in_dim3A_491 in 1 : vector<256x1xi32>, vector<256x1xi32>, vector<256x1xi32>, vector<256x1xi32>, vector<256x1xi32>, vector<256x1xi32>, vector<256x1xi32>, vector<256x1xi32>, vector<256x1xi32>, vector<256x1xi32>, vector<256x1xi32>, vector<256x1xi32>, vector<256x1xi32>, vector<256x1xi32>, vector<256x1xi32>, vector<256x1xi32>, vector<256x1xi32>, vector<256x1xi32>, vector<256x1xi32>, vector<256x1xi32>, vector<256x1xi32>, vector<256x1xi32>, vector<256x1xi32>, vector<256x1xi32>, vector<256x1xi32>, vector<256x1xi32>, vector<256x1xi32>, vector<256x1xi32>, vector<256x1xi32>, vector<256x1xi32>, vector<256x1xi32>, vector<256x1xi32> -> vector<256x32xi32>
    %swap3A = arith.constant 0 : index
    %swap3A_493 = arith.constant 0 : index
    %swap3A_494 = arith.constant 0 : index
    %swap3A_495 = vector.load %arg3[%swap3A, %swap3A_493, %swap3A_494] : memref<1x256x32xi32, #tpu.memory_space<vmem>>, vector<1x256x32xi32>
    %swap3A_496 = vector.shape_cast %swap3A_495 : vector<1x256x32xi32> to vector<256x32xi32>
    %swap3A_497 = vector.shape_cast %concatenate3A_492 : vector<256x32xi32> to vector<1x256x32xi32>
    tpu.vector_store %arg3[%swap3A, %swap3A_493, %swap3A_494], %swap3A_497 {strides = array<i32>} : memref<1x256x32xi32, #tpu.memory_space<vmem>>, vector<1x256x32xi32>,
    return
  }
  func.func @transform_0(%arg0: i32, %arg1: i32) -> (i32, i32, i32) {
    %c0_i32 = arith.constant 0 : i32
    %c0_i32_0 = arith.constant 0 : i32
    return %arg0, %arg1, %c0_i32 : i32, i32, i32
  }
  func.func @transform_1(%arg0: i32, %arg1: i32) -> (i32, i32, i32) {
    %c0_i32 = arith.constant 0 : i32
    %c0_i32_0 = arith.constant 0 : i32
    return %arg0, %arg1, %c0_i32 : i32, i32, i32
  }
}

module attributes {stable_mosaic.version = 14 : i64} {
  func.func @_ball_kernel(%arg0: i32, %arg1: i32, %arg2: memref<1x64x256xf32, #tpu.memory_space<vmem>>, %arg3: memref<1x64x16xi32, #tpu.memory_space<vmem>>) attributes {dimension_semantics = [#tpu.dimension_semantics<arbitrary>, #tpu.dimension_semantics<arbitrary>], iteration_bounds = array<i64: 8, 1>, scalar_prefetch = 0 : i64, scratch_operands = 0 : i64, tpu.core_type = #tpu.core_type<tc>, window_params = [{transform_indices = @transform_0, window_bounds = array<i64: 1, 64, 256>}, {transform_indices = @transform_1, window_bounds = array<i64: 1, 64, 16>}]} {
    %get3A = arith.constant 0 : index
    %get3A_0 = arith.constant 0 : index
    %get3A_1 = arith.constant 0 : index
    %get3A_2 = vector.load %arg2[%get3A, %get3A_0, %get3A_1] : memref<1x64x256xf32, #tpu.memory_space<vmem>>, vector<1x64x256xf32>
    %get3A_3 = vector.shape_cast %get3A_2 : vector<1x64x256xf32> to vector<64x256xf32>
    %gt3A = arith.constant 4.000000e-02 : f32
    %gt3A_4 = vector.broadcast %gt3A : f32 to vector<64x256xf32>
    %gt3A_5 = arith.cmpf ogt, %get3A_3, %gt3A_4 : vector<64x256xf32>
    %not3A = arith.constant dense<true> : vector<64x256xi1>
    %not3A_6 = arith.xori %gt3A_5, %not3A : vector<64x256xi1>
    %convert_element_type3A = arith.extui %not3A_6 : vector<64x256xi1> to vector<64x256xi32>
    %broadcast_in_dim3A = arith.constant 0 : i32
    %broadcast_in_dim3A_7 = vector.broadcast %broadcast_in_dim3A : i32 to vector<64x1xi32>
    %slice3A = vector.extract_strided_slice %convert_element_type3A {offsets = [0, 0], sizes = [64, 255], strides = [1, 1]} : vector<64x256xi32> to vector<64x255xi32>
    %concatenate3A = tpu.concatenate %broadcast_in_dim3A_7, %slice3A in 1 : vector<64x1xi32>, vector<64x255xi32> -> vector<64x256xi32>
    %add3A = arith.addi %convert_element_type3A, %concatenate3A : vector<64x256xi32>
    %broadcast_in_dim3A_8 = arith.constant 0 : i32
    %broadcast_in_dim3A_9 = vector.broadcast %broadcast_in_dim3A_8 : i32 to vector<64x2xi32>
    %slice3A_10 = vector.extract_strided_slice %add3A {offsets = [0, 0], sizes = [64, 254], strides = [1, 1]} : vector<64x256xi32> to vector<64x254xi32>
    %concatenate3A_11 = tpu.concatenate %broadcast_in_dim3A_9, %slice3A_10 in 1 : vector<64x2xi32>, vector<64x254xi32> -> vector<64x256xi32>
    %add3A_12 = arith.addi %add3A, %concatenate3A_11 : vector<64x256xi32>
    %broadcast_in_dim3A_13 = arith.constant 0 : i32
    %broadcast_in_dim3A_14 = vector.broadcast %broadcast_in_dim3A_13 : i32 to vector<64x4xi32>
    %slice3A_15 = vector.extract_strided_slice %add3A_12 {offsets = [0, 0], sizes = [64, 252], strides = [1, 1]} : vector<64x256xi32> to vector<64x252xi32>
    %concatenate3A_16 = tpu.concatenate %broadcast_in_dim3A_14, %slice3A_15 in 1 : vector<64x4xi32>, vector<64x252xi32> -> vector<64x256xi32>
    %add3A_17 = arith.addi %add3A_12, %concatenate3A_16 : vector<64x256xi32>
    %broadcast_in_dim3A_18 = arith.constant 0 : i32
    %broadcast_in_dim3A_19 = vector.broadcast %broadcast_in_dim3A_18 : i32 to vector<64x8xi32>
    %slice3A_20 = vector.extract_strided_slice %add3A_17 {offsets = [0, 0], sizes = [64, 248], strides = [1, 1]} : vector<64x256xi32> to vector<64x248xi32>
    %concatenate3A_21 = tpu.concatenate %broadcast_in_dim3A_19, %slice3A_20 in 1 : vector<64x8xi32>, vector<64x248xi32> -> vector<64x256xi32>
    %add3A_22 = arith.addi %add3A_17, %concatenate3A_21 : vector<64x256xi32>
    %broadcast_in_dim3A_23 = arith.constant 0 : i32
    %broadcast_in_dim3A_24 = vector.broadcast %broadcast_in_dim3A_23 : i32 to vector<64x16xi32>
    %slice3A_25 = vector.extract_strided_slice %add3A_22 {offsets = [0, 0], sizes = [64, 240], strides = [1, 1]} : vector<64x256xi32> to vector<64x240xi32>
    %concatenate3A_26 = tpu.concatenate %broadcast_in_dim3A_24, %slice3A_25 in 1 : vector<64x16xi32>, vector<64x240xi32> -> vector<64x256xi32>
    %add3A_27 = arith.addi %add3A_22, %concatenate3A_26 : vector<64x256xi32>
    %broadcast_in_dim3A_28 = arith.constant 0 : i32
    %broadcast_in_dim3A_29 = vector.broadcast %broadcast_in_dim3A_28 : i32 to vector<64x32xi32>
    %slice3A_30 = vector.extract_strided_slice %add3A_27 {offsets = [0, 0], sizes = [64, 224], strides = [1, 1]} : vector<64x256xi32> to vector<64x224xi32>
    %concatenate3A_31 = tpu.concatenate %broadcast_in_dim3A_29, %slice3A_30 in 1 : vector<64x32xi32>, vector<64x224xi32> -> vector<64x256xi32>
    %add3A_32 = arith.addi %add3A_27, %concatenate3A_31 : vector<64x256xi32>
    %broadcast_in_dim3A_33 = arith.constant 0 : i32
    %broadcast_in_dim3A_34 = vector.broadcast %broadcast_in_dim3A_33 : i32 to vector<64x64xi32>
    %slice3A_35 = vector.extract_strided_slice %add3A_32 {offsets = [0, 0], sizes = [64, 192], strides = [1, 1]} : vector<64x256xi32> to vector<64x192xi32>
    %concatenate3A_36 = tpu.concatenate %broadcast_in_dim3A_34, %slice3A_35 in 1 : vector<64x64xi32>, vector<64x192xi32> -> vector<64x256xi32>
    %add3A_37 = arith.addi %add3A_32, %concatenate3A_36 : vector<64x256xi32>
    %broadcast_in_dim3A_38 = arith.constant 0 : i32
    %broadcast_in_dim3A_39 = vector.broadcast %broadcast_in_dim3A_38 : i32 to vector<64x128xi32>
    %slice3A_40 = vector.extract_strided_slice %add3A_37 {offsets = [0, 0], sizes = [64, 128], strides = [1, 1]} : vector<64x256xi32> to vector<64x128xi32>
    %concatenate3A_41 = tpu.concatenate %broadcast_in_dim3A_39, %slice3A_40 in 1 : vector<64x128xi32>, vector<64x128xi32> -> vector<64x256xi32>
    %add3A_42 = arith.addi %add3A_37, %concatenate3A_41 : vector<64x256xi32>
    %le3A = arith.constant 0 : i32
    %le3A_43 = vector.broadcast %le3A : i32 to vector<64x256xi32>
    %le3A_44 = arith.cmpi sle, %add3A_42, %le3A_43 : vector<64x256xi32>
    %convert_element_type3A_45 = arith.extui %le3A_44 : vector<64x256xi1> to vector<64x256xi32>
    %reduce_sum3A = arith.constant dense<0> : vector<64xi32>
    %reduce_sum3A_46 = vector.multi_reduction <add>, %convert_element_type3A_45, %reduce_sum3A [1] : vector<64x256xi32> to vector<64xi32>
    %min3A = arith.constant 255 : i32
    %min3A_47 = vector.broadcast %min3A : i32 to vector<64xi32>
    %min3A_48 = arith.minsi %reduce_sum3A_46, %min3A_47 : vector<64xi32>
    %le3A_49 = arith.constant 1 : i32
    %le3A_50 = vector.broadcast %le3A_49 : i32 to vector<64x256xi32>
    %le3A_51 = arith.cmpi sle, %add3A_42, %le3A_50 : vector<64x256xi32>
    %convert_element_type3A_52 = arith.extui %le3A_51 : vector<64x256xi1> to vector<64x256xi32>
    %reduce_sum3A_53 = arith.constant dense<0> : vector<64xi32>
    %reduce_sum3A_54 = vector.multi_reduction <add>, %convert_element_type3A_52, %reduce_sum3A_53 [1] : vector<64x256xi32> to vector<64xi32>
    %min3A_55 = arith.constant 255 : i32
    %min3A_56 = vector.broadcast %min3A_55 : i32 to vector<64xi32>
    %min3A_57 = arith.minsi %reduce_sum3A_54, %min3A_56 : vector<64xi32>
    %le3A_58 = arith.constant 2 : i32
    %le3A_59 = vector.broadcast %le3A_58 : i32 to vector<64x256xi32>
    %le3A_60 = arith.cmpi sle, %add3A_42, %le3A_59 : vector<64x256xi32>
    %convert_element_type3A_61 = arith.extui %le3A_60 : vector<64x256xi1> to vector<64x256xi32>
    %reduce_sum3A_62 = arith.constant dense<0> : vector<64xi32>
    %reduce_sum3A_63 = vector.multi_reduction <add>, %convert_element_type3A_61, %reduce_sum3A_62 [1] : vector<64x256xi32> to vector<64xi32>
    %min3A_64 = arith.constant 255 : i32
    %min3A_65 = vector.broadcast %min3A_64 : i32 to vector<64xi32>
    %min3A_66 = arith.minsi %reduce_sum3A_63, %min3A_65 : vector<64xi32>
    %le3A_67 = arith.constant 3 : i32
    %le3A_68 = vector.broadcast %le3A_67 : i32 to vector<64x256xi32>
    %le3A_69 = arith.cmpi sle, %add3A_42, %le3A_68 : vector<64x256xi32>
    %convert_element_type3A_70 = arith.extui %le3A_69 : vector<64x256xi1> to vector<64x256xi32>
    %reduce_sum3A_71 = arith.constant dense<0> : vector<64xi32>
    %reduce_sum3A_72 = vector.multi_reduction <add>, %convert_element_type3A_70, %reduce_sum3A_71 [1] : vector<64x256xi32> to vector<64xi32>
    %min3A_73 = arith.constant 255 : i32
    %min3A_74 = vector.broadcast %min3A_73 : i32 to vector<64xi32>
    %min3A_75 = arith.minsi %reduce_sum3A_72, %min3A_74 : vector<64xi32>
    %le3A_76 = arith.constant 4 : i32
    %le3A_77 = vector.broadcast %le3A_76 : i32 to vector<64x256xi32>
    %le3A_78 = arith.cmpi sle, %add3A_42, %le3A_77 : vector<64x256xi32>
    %convert_element_type3A_79 = arith.extui %le3A_78 : vector<64x256xi1> to vector<64x256xi32>
    %reduce_sum3A_80 = arith.constant dense<0> : vector<64xi32>
    %reduce_sum3A_81 = vector.multi_reduction <add>, %convert_element_type3A_79, %reduce_sum3A_80 [1] : vector<64x256xi32> to vector<64xi32>
    %min3A_82 = arith.constant 255 : i32
    %min3A_83 = vector.broadcast %min3A_82 : i32 to vector<64xi32>
    %min3A_84 = arith.minsi %reduce_sum3A_81, %min3A_83 : vector<64xi32>
    %le3A_85 = arith.constant 5 : i32
    %le3A_86 = vector.broadcast %le3A_85 : i32 to vector<64x256xi32>
    %le3A_87 = arith.cmpi sle, %add3A_42, %le3A_86 : vector<64x256xi32>
    %convert_element_type3A_88 = arith.extui %le3A_87 : vector<64x256xi1> to vector<64x256xi32>
    %reduce_sum3A_89 = arith.constant dense<0> : vector<64xi32>
    %reduce_sum3A_90 = vector.multi_reduction <add>, %convert_element_type3A_88, %reduce_sum3A_89 [1] : vector<64x256xi32> to vector<64xi32>
    %min3A_91 = arith.constant 255 : i32
    %min3A_92 = vector.broadcast %min3A_91 : i32 to vector<64xi32>
    %min3A_93 = arith.minsi %reduce_sum3A_90, %min3A_92 : vector<64xi32>
    %le3A_94 = arith.constant 6 : i32
    %le3A_95 = vector.broadcast %le3A_94 : i32 to vector<64x256xi32>
    %le3A_96 = arith.cmpi sle, %add3A_42, %le3A_95 : vector<64x256xi32>
    %convert_element_type3A_97 = arith.extui %le3A_96 : vector<64x256xi1> to vector<64x256xi32>
    %reduce_sum3A_98 = arith.constant dense<0> : vector<64xi32>
    %reduce_sum3A_99 = vector.multi_reduction <add>, %convert_element_type3A_97, %reduce_sum3A_98 [1] : vector<64x256xi32> to vector<64xi32>
    %min3A_100 = arith.constant 255 : i32
    %min3A_101 = vector.broadcast %min3A_100 : i32 to vector<64xi32>
    %min3A_102 = arith.minsi %reduce_sum3A_99, %min3A_101 : vector<64xi32>
    %le3A_103 = arith.constant 7 : i32
    %le3A_104 = vector.broadcast %le3A_103 : i32 to vector<64x256xi32>
    %le3A_105 = arith.cmpi sle, %add3A_42, %le3A_104 : vector<64x256xi32>
    %convert_element_type3A_106 = arith.extui %le3A_105 : vector<64x256xi1> to vector<64x256xi32>
    %reduce_sum3A_107 = arith.constant dense<0> : vector<64xi32>
    %reduce_sum3A_108 = vector.multi_reduction <add>, %convert_element_type3A_106, %reduce_sum3A_107 [1] : vector<64x256xi32> to vector<64xi32>
    %min3A_109 = arith.constant 255 : i32
    %min3A_110 = vector.broadcast %min3A_109 : i32 to vector<64xi32>
    %min3A_111 = arith.minsi %reduce_sum3A_108, %min3A_110 : vector<64xi32>
    %le3A_112 = arith.constant 8 : i32
    %le3A_113 = vector.broadcast %le3A_112 : i32 to vector<64x256xi32>
    %le3A_114 = arith.cmpi sle, %add3A_42, %le3A_113 : vector<64x256xi32>
    %convert_element_type3A_115 = arith.extui %le3A_114 : vector<64x256xi1> to vector<64x256xi32>
    %reduce_sum3A_116 = arith.constant dense<0> : vector<64xi32>
    %reduce_sum3A_117 = vector.multi_reduction <add>, %convert_element_type3A_115, %reduce_sum3A_116 [1] : vector<64x256xi32> to vector<64xi32>
    %min3A_118 = arith.constant 255 : i32
    %min3A_119 = vector.broadcast %min3A_118 : i32 to vector<64xi32>
    %min3A_120 = arith.minsi %reduce_sum3A_117, %min3A_119 : vector<64xi32>
    %le3A_121 = arith.constant 9 : i32
    %le3A_122 = vector.broadcast %le3A_121 : i32 to vector<64x256xi32>
    %le3A_123 = arith.cmpi sle, %add3A_42, %le3A_122 : vector<64x256xi32>
    %convert_element_type3A_124 = arith.extui %le3A_123 : vector<64x256xi1> to vector<64x256xi32>
    %reduce_sum3A_125 = arith.constant dense<0> : vector<64xi32>
    %reduce_sum3A_126 = vector.multi_reduction <add>, %convert_element_type3A_124, %reduce_sum3A_125 [1] : vector<64x256xi32> to vector<64xi32>
    %min3A_127 = arith.constant 255 : i32
    %min3A_128 = vector.broadcast %min3A_127 : i32 to vector<64xi32>
    %min3A_129 = arith.minsi %reduce_sum3A_126, %min3A_128 : vector<64xi32>
    %le3A_130 = arith.constant 10 : i32
    %le3A_131 = vector.broadcast %le3A_130 : i32 to vector<64x256xi32>
    %le3A_132 = arith.cmpi sle, %add3A_42, %le3A_131 : vector<64x256xi32>
    %convert_element_type3A_133 = arith.extui %le3A_132 : vector<64x256xi1> to vector<64x256xi32>
    %reduce_sum3A_134 = arith.constant dense<0> : vector<64xi32>
    %reduce_sum3A_135 = vector.multi_reduction <add>, %convert_element_type3A_133, %reduce_sum3A_134 [1] : vector<64x256xi32> to vector<64xi32>
    %min3A_136 = arith.constant 255 : i32
    %min3A_137 = vector.broadcast %min3A_136 : i32 to vector<64xi32>
    %min3A_138 = arith.minsi %reduce_sum3A_135, %min3A_137 : vector<64xi32>
    %le3A_139 = arith.constant 11 : i32
    %le3A_140 = vector.broadcast %le3A_139 : i32 to vector<64x256xi32>
    %le3A_141 = arith.cmpi sle, %add3A_42, %le3A_140 : vector<64x256xi32>
    %convert_element_type3A_142 = arith.extui %le3A_141 : vector<64x256xi1> to vector<64x256xi32>
    %reduce_sum3A_143 = arith.constant dense<0> : vector<64xi32>
    %reduce_sum3A_144 = vector.multi_reduction <add>, %convert_element_type3A_142, %reduce_sum3A_143 [1] : vector<64x256xi32> to vector<64xi32>
    %min3A_145 = arith.constant 255 : i32
    %min3A_146 = vector.broadcast %min3A_145 : i32 to vector<64xi32>
    %min3A_147 = arith.minsi %reduce_sum3A_144, %min3A_146 : vector<64xi32>
    %le3A_148 = arith.constant 12 : i32
    %le3A_149 = vector.broadcast %le3A_148 : i32 to vector<64x256xi32>
    %le3A_150 = arith.cmpi sle, %add3A_42, %le3A_149 : vector<64x256xi32>
    %convert_element_type3A_151 = arith.extui %le3A_150 : vector<64x256xi1> to vector<64x256xi32>
    %reduce_sum3A_152 = arith.constant dense<0> : vector<64xi32>
    %reduce_sum3A_153 = vector.multi_reduction <add>, %convert_element_type3A_151, %reduce_sum3A_152 [1] : vector<64x256xi32> to vector<64xi32>
    %min3A_154 = arith.constant 255 : i32
    %min3A_155 = vector.broadcast %min3A_154 : i32 to vector<64xi32>
    %min3A_156 = arith.minsi %reduce_sum3A_153, %min3A_155 : vector<64xi32>
    %le3A_157 = arith.constant 13 : i32
    %le3A_158 = vector.broadcast %le3A_157 : i32 to vector<64x256xi32>
    %le3A_159 = arith.cmpi sle, %add3A_42, %le3A_158 : vector<64x256xi32>
    %convert_element_type3A_160 = arith.extui %le3A_159 : vector<64x256xi1> to vector<64x256xi32>
    %reduce_sum3A_161 = arith.constant dense<0> : vector<64xi32>
    %reduce_sum3A_162 = vector.multi_reduction <add>, %convert_element_type3A_160, %reduce_sum3A_161 [1] : vector<64x256xi32> to vector<64xi32>
    %min3A_163 = arith.constant 255 : i32
    %min3A_164 = vector.broadcast %min3A_163 : i32 to vector<64xi32>
    %min3A_165 = arith.minsi %reduce_sum3A_162, %min3A_164 : vector<64xi32>
    %le3A_166 = arith.constant 14 : i32
    %le3A_167 = vector.broadcast %le3A_166 : i32 to vector<64x256xi32>
    %le3A_168 = arith.cmpi sle, %add3A_42, %le3A_167 : vector<64x256xi32>
    %convert_element_type3A_169 = arith.extui %le3A_168 : vector<64x256xi1> to vector<64x256xi32>
    %reduce_sum3A_170 = arith.constant dense<0> : vector<64xi32>
    %reduce_sum3A_171 = vector.multi_reduction <add>, %convert_element_type3A_169, %reduce_sum3A_170 [1] : vector<64x256xi32> to vector<64xi32>
    %min3A_172 = arith.constant 255 : i32
    %min3A_173 = vector.broadcast %min3A_172 : i32 to vector<64xi32>
    %min3A_174 = arith.minsi %reduce_sum3A_171, %min3A_173 : vector<64xi32>
    %le3A_175 = arith.constant 15 : i32
    %le3A_176 = vector.broadcast %le3A_175 : i32 to vector<64x256xi32>
    %le3A_177 = arith.cmpi sle, %add3A_42, %le3A_176 : vector<64x256xi32>
    %convert_element_type3A_178 = arith.extui %le3A_177 : vector<64x256xi1> to vector<64x256xi32>
    %reduce_sum3A_179 = arith.constant dense<0> : vector<64xi32>
    %reduce_sum3A_180 = vector.multi_reduction <add>, %convert_element_type3A_178, %reduce_sum3A_179 [1] : vector<64x256xi32> to vector<64xi32>
    %min3A_181 = arith.constant 255 : i32
    %min3A_182 = vector.broadcast %min3A_181 : i32 to vector<64xi32>
    %min3A_183 = arith.minsi %reduce_sum3A_180, %min3A_182 : vector<64xi32>
    %eq3A = arith.constant 255 : i32
    %eq3A_184 = vector.broadcast %eq3A : i32 to vector<64xi32>
    %eq3A_185 = arith.cmpi eq, %min3A_57, %eq3A_184 : vector<64xi32>
    %select_n3A = arith.select %eq3A_185, %min3A_48, %min3A_57 : vector<64xi1>, vector<64xi32>
    %eq3A_186 = arith.constant 255 : i32
    %eq3A_187 = vector.broadcast %eq3A_186 : i32 to vector<64xi32>
    %eq3A_188 = arith.cmpi eq, %min3A_66, %eq3A_187 : vector<64xi32>
    %select_n3A_189 = arith.select %eq3A_188, %min3A_48, %min3A_66 : vector<64xi1>, vector<64xi32>
    %eq3A_190 = arith.constant 255 : i32
    %eq3A_191 = vector.broadcast %eq3A_190 : i32 to vector<64xi32>
    %eq3A_192 = arith.cmpi eq, %min3A_75, %eq3A_191 : vector<64xi32>
    %select_n3A_193 = arith.select %eq3A_192, %min3A_48, %min3A_75 : vector<64xi1>, vector<64xi32>
    %eq3A_194 = arith.constant 255 : i32
    %eq3A_195 = vector.broadcast %eq3A_194 : i32 to vector<64xi32>
    %eq3A_196 = arith.cmpi eq, %min3A_84, %eq3A_195 : vector<64xi32>
    %select_n3A_197 = arith.select %eq3A_196, %min3A_48, %min3A_84 : vector<64xi1>, vector<64xi32>
    %eq3A_198 = arith.constant 255 : i32
    %eq3A_199 = vector.broadcast %eq3A_198 : i32 to vector<64xi32>
    %eq3A_200 = arith.cmpi eq, %min3A_93, %eq3A_199 : vector<64xi32>
    %select_n3A_201 = arith.select %eq3A_200, %min3A_48, %min3A_93 : vector<64xi1>, vector<64xi32>
    %eq3A_202 = arith.constant 255 : i32
    %eq3A_203 = vector.broadcast %eq3A_202 : i32 to vector<64xi32>
    %eq3A_204 = arith.cmpi eq, %min3A_102, %eq3A_203 : vector<64xi32>
    %select_n3A_205 = arith.select %eq3A_204, %min3A_48, %min3A_102 : vector<64xi1>, vector<64xi32>
    %eq3A_206 = arith.constant 255 : i32
    %eq3A_207 = vector.broadcast %eq3A_206 : i32 to vector<64xi32>
    %eq3A_208 = arith.cmpi eq, %min3A_111, %eq3A_207 : vector<64xi32>
    %select_n3A_209 = arith.select %eq3A_208, %min3A_48, %min3A_111 : vector<64xi1>, vector<64xi32>
    %eq3A_210 = arith.constant 255 : i32
    %eq3A_211 = vector.broadcast %eq3A_210 : i32 to vector<64xi32>
    %eq3A_212 = arith.cmpi eq, %min3A_120, %eq3A_211 : vector<64xi32>
    %select_n3A_213 = arith.select %eq3A_212, %min3A_48, %min3A_120 : vector<64xi1>, vector<64xi32>
    %eq3A_214 = arith.constant 255 : i32
    %eq3A_215 = vector.broadcast %eq3A_214 : i32 to vector<64xi32>
    %eq3A_216 = arith.cmpi eq, %min3A_129, %eq3A_215 : vector<64xi32>
    %select_n3A_217 = arith.select %eq3A_216, %min3A_48, %min3A_129 : vector<64xi1>, vector<64xi32>
    %eq3A_218 = arith.constant 255 : i32
    %eq3A_219 = vector.broadcast %eq3A_218 : i32 to vector<64xi32>
    %eq3A_220 = arith.cmpi eq, %min3A_138, %eq3A_219 : vector<64xi32>
    %select_n3A_221 = arith.select %eq3A_220, %min3A_48, %min3A_138 : vector<64xi1>, vector<64xi32>
    %eq3A_222 = arith.constant 255 : i32
    %eq3A_223 = vector.broadcast %eq3A_222 : i32 to vector<64xi32>
    %eq3A_224 = arith.cmpi eq, %min3A_147, %eq3A_223 : vector<64xi32>
    %select_n3A_225 = arith.select %eq3A_224, %min3A_48, %min3A_147 : vector<64xi1>, vector<64xi32>
    %eq3A_226 = arith.constant 255 : i32
    %eq3A_227 = vector.broadcast %eq3A_226 : i32 to vector<64xi32>
    %eq3A_228 = arith.cmpi eq, %min3A_156, %eq3A_227 : vector<64xi32>
    %select_n3A_229 = arith.select %eq3A_228, %min3A_48, %min3A_156 : vector<64xi1>, vector<64xi32>
    %eq3A_230 = arith.constant 255 : i32
    %eq3A_231 = vector.broadcast %eq3A_230 : i32 to vector<64xi32>
    %eq3A_232 = arith.cmpi eq, %min3A_165, %eq3A_231 : vector<64xi32>
    %select_n3A_233 = arith.select %eq3A_232, %min3A_48, %min3A_165 : vector<64xi1>, vector<64xi32>
    %eq3A_234 = arith.constant 255 : i32
    %eq3A_235 = vector.broadcast %eq3A_234 : i32 to vector<64xi32>
    %eq3A_236 = arith.cmpi eq, %min3A_174, %eq3A_235 : vector<64xi32>
    %select_n3A_237 = arith.select %eq3A_236, %min3A_48, %min3A_174 : vector<64xi1>, vector<64xi32>
    %eq3A_238 = arith.constant 255 : i32
    %eq3A_239 = vector.broadcast %eq3A_238 : i32 to vector<64xi32>
    %eq3A_240 = arith.cmpi eq, %min3A_183, %eq3A_239 : vector<64xi32>
    %select_n3A_241 = arith.select %eq3A_240, %min3A_48, %min3A_183 : vector<64xi1>, vector<64xi32>
    %broadcast_in_dim3A_242 = vector.shape_cast %min3A_48 : vector<64xi32> to vector<64x1xi32>
    %broadcast_in_dim3A_243 = vector.shape_cast %select_n3A : vector<64xi32> to vector<64x1xi32>
    %broadcast_in_dim3A_244 = vector.shape_cast %select_n3A_189 : vector<64xi32> to vector<64x1xi32>
    %broadcast_in_dim3A_245 = vector.shape_cast %select_n3A_193 : vector<64xi32> to vector<64x1xi32>
    %broadcast_in_dim3A_246 = vector.shape_cast %select_n3A_197 : vector<64xi32> to vector<64x1xi32>
    %broadcast_in_dim3A_247 = vector.shape_cast %select_n3A_201 : vector<64xi32> to vector<64x1xi32>
    %broadcast_in_dim3A_248 = vector.shape_cast %select_n3A_205 : vector<64xi32> to vector<64x1xi32>
    %broadcast_in_dim3A_249 = vector.shape_cast %select_n3A_209 : vector<64xi32> to vector<64x1xi32>
    %broadcast_in_dim3A_250 = vector.shape_cast %select_n3A_213 : vector<64xi32> to vector<64x1xi32>
    %broadcast_in_dim3A_251 = vector.shape_cast %select_n3A_217 : vector<64xi32> to vector<64x1xi32>
    %broadcast_in_dim3A_252 = vector.shape_cast %select_n3A_221 : vector<64xi32> to vector<64x1xi32>
    %broadcast_in_dim3A_253 = vector.shape_cast %select_n3A_225 : vector<64xi32> to vector<64x1xi32>
    %broadcast_in_dim3A_254 = vector.shape_cast %select_n3A_229 : vector<64xi32> to vector<64x1xi32>
    %broadcast_in_dim3A_255 = vector.shape_cast %select_n3A_233 : vector<64xi32> to vector<64x1xi32>
    %broadcast_in_dim3A_256 = vector.shape_cast %select_n3A_237 : vector<64xi32> to vector<64x1xi32>
    %broadcast_in_dim3A_257 = vector.shape_cast %select_n3A_241 : vector<64xi32> to vector<64x1xi32>
    %concatenate3A_258 = tpu.concatenate %broadcast_in_dim3A_242, %broadcast_in_dim3A_243, %broadcast_in_dim3A_244, %broadcast_in_dim3A_245, %broadcast_in_dim3A_246, %broadcast_in_dim3A_247, %broadcast_in_dim3A_248, %broadcast_in_dim3A_249, %broadcast_in_dim3A_250, %broadcast_in_dim3A_251, %broadcast_in_dim3A_252, %broadcast_in_dim3A_253, %broadcast_in_dim3A_254, %broadcast_in_dim3A_255, %broadcast_in_dim3A_256, %broadcast_in_dim3A_257 in 1 : vector<64x1xi32>, vector<64x1xi32>, vector<64x1xi32>, vector<64x1xi32>, vector<64x1xi32>, vector<64x1xi32>, vector<64x1xi32>, vector<64x1xi32>, vector<64x1xi32>, vector<64x1xi32>, vector<64x1xi32>, vector<64x1xi32>, vector<64x1xi32>, vector<64x1xi32>, vector<64x1xi32>, vector<64x1xi32> -> vector<64x16xi32>
    %swap3A = arith.constant 0 : index
    %swap3A_259 = arith.constant 0 : index
    %swap3A_260 = arith.constant 0 : index
    %swap3A_261 = vector.load %arg3[%swap3A, %swap3A_259, %swap3A_260] : memref<1x64x16xi32, #tpu.memory_space<vmem>>, vector<1x64x16xi32>
    %swap3A_262 = vector.shape_cast %swap3A_261 : vector<1x64x16xi32> to vector<64x16xi32>
    %swap3A_263 = vector.shape_cast %concatenate3A_258 : vector<64x16xi32> to vector<1x64x16xi32>
    tpu.vector_store %arg3[%swap3A, %swap3A_259, %swap3A_260], %swap3A_263 {strides = array<i32>} : memref<1x64x16xi32, #tpu.memory_space<vmem>>, vector<1x64x16xi32>,
    return
  }
  func.func @transform_0(%arg0: i32, %arg1: i32) -> (i32, i32, i32) {
    %c0_i32 = arith.constant 0 : i32
    %c0_i32_0 = arith.constant 0 : i32
    return %arg0, %arg1, %c0_i32 : i32, i32, i32
  }
  func.func @transform_1(%arg0: i32, %arg1: i32) -> (i32, i32, i32) {
    %c0_i32 = arith.constant 0 : i32
    %c0_i32_0 = arith.constant 0 : i32
    return %arg0, %arg1, %c0_i32 : i32, i32, i32
  }
}

module attributes {stable_mosaic.version = 14 : i64} {
  func.func @_ball_kernel(%arg0: i32, %arg1: i32, %arg2: memref<1x64x256xf32, #tpu.memory_space<vmem>>, %arg3: memref<1x64x32xi32, #tpu.memory_space<vmem>>) attributes {dimension_semantics = [#tpu.dimension_semantics<arbitrary>, #tpu.dimension_semantics<arbitrary>], iteration_bounds = array<i64: 8, 1>, scalar_prefetch = 0 : i64, scratch_operands = 0 : i64, tpu.core_type = #tpu.core_type<tc>, window_params = [{transform_indices = @transform_0, window_bounds = array<i64: 1, 64, 256>}, {transform_indices = @transform_1, window_bounds = array<i64: 1, 64, 32>}]} {
    %get3A = arith.constant 0 : index
    %get3A_0 = arith.constant 0 : index
    %get3A_1 = arith.constant 0 : index
    %get3A_2 = vector.load %arg2[%get3A, %get3A_0, %get3A_1] : memref<1x64x256xf32, #tpu.memory_space<vmem>>, vector<1x64x256xf32>
    %get3A_3 = vector.shape_cast %get3A_2 : vector<1x64x256xf32> to vector<64x256xf32>
    %gt3A = arith.constant 1.600000e-01 : f32
    %gt3A_4 = vector.broadcast %gt3A : f32 to vector<64x256xf32>
    %gt3A_5 = arith.cmpf ogt, %get3A_3, %gt3A_4 : vector<64x256xf32>
    %not3A = arith.constant dense<true> : vector<64x256xi1>
    %not3A_6 = arith.xori %gt3A_5, %not3A : vector<64x256xi1>
    %convert_element_type3A = arith.extui %not3A_6 : vector<64x256xi1> to vector<64x256xi32>
    %broadcast_in_dim3A = arith.constant 0 : i32
    %broadcast_in_dim3A_7 = vector.broadcast %broadcast_in_dim3A : i32 to vector<64x1xi32>
    %slice3A = vector.extract_strided_slice %convert_element_type3A {offsets = [0, 0], sizes = [64, 255], strides = [1, 1]} : vector<64x256xi32> to vector<64x255xi32>
    %concatenate3A = tpu.concatenate %broadcast_in_dim3A_7, %slice3A in 1 : vector<64x1xi32>, vector<64x255xi32> -> vector<64x256xi32>
    %add3A = arith.addi %convert_element_type3A, %concatenate3A : vector<64x256xi32>
    %broadcast_in_dim3A_8 = arith.constant 0 : i32
    %broadcast_in_dim3A_9 = vector.broadcast %broadcast_in_dim3A_8 : i32 to vector<64x2xi32>
    %slice3A_10 = vector.extract_strided_slice %add3A {offsets = [0, 0], sizes = [64, 254], strides = [1, 1]} : vector<64x256xi32> to vector<64x254xi32>
    %concatenate3A_11 = tpu.concatenate %broadcast_in_dim3A_9, %slice3A_10 in 1 : vector<64x2xi32>, vector<64x254xi32> -> vector<64x256xi32>
    %add3A_12 = arith.addi %add3A, %concatenate3A_11 : vector<64x256xi32>
    %broadcast_in_dim3A_13 = arith.constant 0 : i32
    %broadcast_in_dim3A_14 = vector.broadcast %broadcast_in_dim3A_13 : i32 to vector<64x4xi32>
    %slice3A_15 = vector.extract_strided_slice %add3A_12 {offsets = [0, 0], sizes = [64, 252], strides = [1, 1]} : vector<64x256xi32> to vector<64x252xi32>
    %concatenate3A_16 = tpu.concatenate %broadcast_in_dim3A_14, %slice3A_15 in 1 : vector<64x4xi32>, vector<64x252xi32> -> vector<64x256xi32>
    %add3A_17 = arith.addi %add3A_12, %concatenate3A_16 : vector<64x256xi32>
    %broadcast_in_dim3A_18 = arith.constant 0 : i32
    %broadcast_in_dim3A_19 = vector.broadcast %broadcast_in_dim3A_18 : i32 to vector<64x8xi32>
    %slice3A_20 = vector.extract_strided_slice %add3A_17 {offsets = [0, 0], sizes = [64, 248], strides = [1, 1]} : vector<64x256xi32> to vector<64x248xi32>
    %concatenate3A_21 = tpu.concatenate %broadcast_in_dim3A_19, %slice3A_20 in 1 : vector<64x8xi32>, vector<64x248xi32> -> vector<64x256xi32>
    %add3A_22 = arith.addi %add3A_17, %concatenate3A_21 : vector<64x256xi32>
    %broadcast_in_dim3A_23 = arith.constant 0 : i32
    %broadcast_in_dim3A_24 = vector.broadcast %broadcast_in_dim3A_23 : i32 to vector<64x16xi32>
    %slice3A_25 = vector.extract_strided_slice %add3A_22 {offsets = [0, 0], sizes = [64, 240], strides = [1, 1]} : vector<64x256xi32> to vector<64x240xi32>
    %concatenate3A_26 = tpu.concatenate %broadcast_in_dim3A_24, %slice3A_25 in 1 : vector<64x16xi32>, vector<64x240xi32> -> vector<64x256xi32>
    %add3A_27 = arith.addi %add3A_22, %concatenate3A_26 : vector<64x256xi32>
    %broadcast_in_dim3A_28 = arith.constant 0 : i32
    %broadcast_in_dim3A_29 = vector.broadcast %broadcast_in_dim3A_28 : i32 to vector<64x32xi32>
    %slice3A_30 = vector.extract_strided_slice %add3A_27 {offsets = [0, 0], sizes = [64, 224], strides = [1, 1]} : vector<64x256xi32> to vector<64x224xi32>
    %concatenate3A_31 = tpu.concatenate %broadcast_in_dim3A_29, %slice3A_30 in 1 : vector<64x32xi32>, vector<64x224xi32> -> vector<64x256xi32>
    %add3A_32 = arith.addi %add3A_27, %concatenate3A_31 : vector<64x256xi32>
    %broadcast_in_dim3A_33 = arith.constant 0 : i32
    %broadcast_in_dim3A_34 = vector.broadcast %broadcast_in_dim3A_33 : i32 to vector<64x64xi32>
    %slice3A_35 = vector.extract_strided_slice %add3A_32 {offsets = [0, 0], sizes = [64, 192], strides = [1, 1]} : vector<64x256xi32> to vector<64x192xi32>
    %concatenate3A_36 = tpu.concatenate %broadcast_in_dim3A_34, %slice3A_35 in 1 : vector<64x64xi32>, vector<64x192xi32> -> vector<64x256xi32>
    %add3A_37 = arith.addi %add3A_32, %concatenate3A_36 : vector<64x256xi32>
    %broadcast_in_dim3A_38 = arith.constant 0 : i32
    %broadcast_in_dim3A_39 = vector.broadcast %broadcast_in_dim3A_38 : i32 to vector<64x128xi32>
    %slice3A_40 = vector.extract_strided_slice %add3A_37 {offsets = [0, 0], sizes = [64, 128], strides = [1, 1]} : vector<64x256xi32> to vector<64x128xi32>
    %concatenate3A_41 = tpu.concatenate %broadcast_in_dim3A_39, %slice3A_40 in 1 : vector<64x128xi32>, vector<64x128xi32> -> vector<64x256xi32>
    %add3A_42 = arith.addi %add3A_37, %concatenate3A_41 : vector<64x256xi32>
    %le3A = arith.constant 0 : i32
    %le3A_43 = vector.broadcast %le3A : i32 to vector<64x256xi32>
    %le3A_44 = arith.cmpi sle, %add3A_42, %le3A_43 : vector<64x256xi32>
    %convert_element_type3A_45 = arith.extui %le3A_44 : vector<64x256xi1> to vector<64x256xi32>
    %reduce_sum3A = arith.constant dense<0> : vector<64xi32>
    %reduce_sum3A_46 = vector.multi_reduction <add>, %convert_element_type3A_45, %reduce_sum3A [1] : vector<64x256xi32> to vector<64xi32>
    %min3A = arith.constant 255 : i32
    %min3A_47 = vector.broadcast %min3A : i32 to vector<64xi32>
    %min3A_48 = arith.minsi %reduce_sum3A_46, %min3A_47 : vector<64xi32>
    %le3A_49 = arith.constant 1 : i32
    %le3A_50 = vector.broadcast %le3A_49 : i32 to vector<64x256xi32>
    %le3A_51 = arith.cmpi sle, %add3A_42, %le3A_50 : vector<64x256xi32>
    %convert_element_type3A_52 = arith.extui %le3A_51 : vector<64x256xi1> to vector<64x256xi32>
    %reduce_sum3A_53 = arith.constant dense<0> : vector<64xi32>
    %reduce_sum3A_54 = vector.multi_reduction <add>, %convert_element_type3A_52, %reduce_sum3A_53 [1] : vector<64x256xi32> to vector<64xi32>
    %min3A_55 = arith.constant 255 : i32
    %min3A_56 = vector.broadcast %min3A_55 : i32 to vector<64xi32>
    %min3A_57 = arith.minsi %reduce_sum3A_54, %min3A_56 : vector<64xi32>
    %le3A_58 = arith.constant 2 : i32
    %le3A_59 = vector.broadcast %le3A_58 : i32 to vector<64x256xi32>
    %le3A_60 = arith.cmpi sle, %add3A_42, %le3A_59 : vector<64x256xi32>
    %convert_element_type3A_61 = arith.extui %le3A_60 : vector<64x256xi1> to vector<64x256xi32>
    %reduce_sum3A_62 = arith.constant dense<0> : vector<64xi32>
    %reduce_sum3A_63 = vector.multi_reduction <add>, %convert_element_type3A_61, %reduce_sum3A_62 [1] : vector<64x256xi32> to vector<64xi32>
    %min3A_64 = arith.constant 255 : i32
    %min3A_65 = vector.broadcast %min3A_64 : i32 to vector<64xi32>
    %min3A_66 = arith.minsi %reduce_sum3A_63, %min3A_65 : vector<64xi32>
    %le3A_67 = arith.constant 3 : i32
    %le3A_68 = vector.broadcast %le3A_67 : i32 to vector<64x256xi32>
    %le3A_69 = arith.cmpi sle, %add3A_42, %le3A_68 : vector<64x256xi32>
    %convert_element_type3A_70 = arith.extui %le3A_69 : vector<64x256xi1> to vector<64x256xi32>
    %reduce_sum3A_71 = arith.constant dense<0> : vector<64xi32>
    %reduce_sum3A_72 = vector.multi_reduction <add>, %convert_element_type3A_70, %reduce_sum3A_71 [1] : vector<64x256xi32> to vector<64xi32>
    %min3A_73 = arith.constant 255 : i32
    %min3A_74 = vector.broadcast %min3A_73 : i32 to vector<64xi32>
    %min3A_75 = arith.minsi %reduce_sum3A_72, %min3A_74 : vector<64xi32>
    %le3A_76 = arith.constant 4 : i32
    %le3A_77 = vector.broadcast %le3A_76 : i32 to vector<64x256xi32>
    %le3A_78 = arith.cmpi sle, %add3A_42, %le3A_77 : vector<64x256xi32>
    %convert_element_type3A_79 = arith.extui %le3A_78 : vector<64x256xi1> to vector<64x256xi32>
    %reduce_sum3A_80 = arith.constant dense<0> : vector<64xi32>
    %reduce_sum3A_81 = vector.multi_reduction <add>, %convert_element_type3A_79, %reduce_sum3A_80 [1] : vector<64x256xi32> to vector<64xi32>
    %min3A_82 = arith.constant 255 : i32
    %min3A_83 = vector.broadcast %min3A_82 : i32 to vector<64xi32>
    %min3A_84 = arith.minsi %reduce_sum3A_81, %min3A_83 : vector<64xi32>
    %le3A_85 = arith.constant 5 : i32
    %le3A_86 = vector.broadcast %le3A_85 : i32 to vector<64x256xi32>
    %le3A_87 = arith.cmpi sle, %add3A_42, %le3A_86 : vector<64x256xi32>
    %convert_element_type3A_88 = arith.extui %le3A_87 : vector<64x256xi1> to vector<64x256xi32>
    %reduce_sum3A_89 = arith.constant dense<0> : vector<64xi32>
    %reduce_sum3A_90 = vector.multi_reduction <add>, %convert_element_type3A_88, %reduce_sum3A_89 [1] : vector<64x256xi32> to vector<64xi32>
    %min3A_91 = arith.constant 255 : i32
    %min3A_92 = vector.broadcast %min3A_91 : i32 to vector<64xi32>
    %min3A_93 = arith.minsi %reduce_sum3A_90, %min3A_92 : vector<64xi32>
    %le3A_94 = arith.constant 6 : i32
    %le3A_95 = vector.broadcast %le3A_94 : i32 to vector<64x256xi32>
    %le3A_96 = arith.cmpi sle, %add3A_42, %le3A_95 : vector<64x256xi32>
    %convert_element_type3A_97 = arith.extui %le3A_96 : vector<64x256xi1> to vector<64x256xi32>
    %reduce_sum3A_98 = arith.constant dense<0> : vector<64xi32>
    %reduce_sum3A_99 = vector.multi_reduction <add>, %convert_element_type3A_97, %reduce_sum3A_98 [1] : vector<64x256xi32> to vector<64xi32>
    %min3A_100 = arith.constant 255 : i32
    %min3A_101 = vector.broadcast %min3A_100 : i32 to vector<64xi32>
    %min3A_102 = arith.minsi %reduce_sum3A_99, %min3A_101 : vector<64xi32>
    %le3A_103 = arith.constant 7 : i32
    %le3A_104 = vector.broadcast %le3A_103 : i32 to vector<64x256xi32>
    %le3A_105 = arith.cmpi sle, %add3A_42, %le3A_104 : vector<64x256xi32>
    %convert_element_type3A_106 = arith.extui %le3A_105 : vector<64x256xi1> to vector<64x256xi32>
    %reduce_sum3A_107 = arith.constant dense<0> : vector<64xi32>
    %reduce_sum3A_108 = vector.multi_reduction <add>, %convert_element_type3A_106, %reduce_sum3A_107 [1] : vector<64x256xi32> to vector<64xi32>
    %min3A_109 = arith.constant 255 : i32
    %min3A_110 = vector.broadcast %min3A_109 : i32 to vector<64xi32>
    %min3A_111 = arith.minsi %reduce_sum3A_108, %min3A_110 : vector<64xi32>
    %le3A_112 = arith.constant 8 : i32
    %le3A_113 = vector.broadcast %le3A_112 : i32 to vector<64x256xi32>
    %le3A_114 = arith.cmpi sle, %add3A_42, %le3A_113 : vector<64x256xi32>
    %convert_element_type3A_115 = arith.extui %le3A_114 : vector<64x256xi1> to vector<64x256xi32>
    %reduce_sum3A_116 = arith.constant dense<0> : vector<64xi32>
    %reduce_sum3A_117 = vector.multi_reduction <add>, %convert_element_type3A_115, %reduce_sum3A_116 [1] : vector<64x256xi32> to vector<64xi32>
    %min3A_118 = arith.constant 255 : i32
    %min3A_119 = vector.broadcast %min3A_118 : i32 to vector<64xi32>
    %min3A_120 = arith.minsi %reduce_sum3A_117, %min3A_119 : vector<64xi32>
    %le3A_121 = arith.constant 9 : i32
    %le3A_122 = vector.broadcast %le3A_121 : i32 to vector<64x256xi32>
    %le3A_123 = arith.cmpi sle, %add3A_42, %le3A_122 : vector<64x256xi32>
    %convert_element_type3A_124 = arith.extui %le3A_123 : vector<64x256xi1> to vector<64x256xi32>
    %reduce_sum3A_125 = arith.constant dense<0> : vector<64xi32>
    %reduce_sum3A_126 = vector.multi_reduction <add>, %convert_element_type3A_124, %reduce_sum3A_125 [1] : vector<64x256xi32> to vector<64xi32>
    %min3A_127 = arith.constant 255 : i32
    %min3A_128 = vector.broadcast %min3A_127 : i32 to vector<64xi32>
    %min3A_129 = arith.minsi %reduce_sum3A_126, %min3A_128 : vector<64xi32>
    %le3A_130 = arith.constant 10 : i32
    %le3A_131 = vector.broadcast %le3A_130 : i32 to vector<64x256xi32>
    %le3A_132 = arith.cmpi sle, %add3A_42, %le3A_131 : vector<64x256xi32>
    %convert_element_type3A_133 = arith.extui %le3A_132 : vector<64x256xi1> to vector<64x256xi32>
    %reduce_sum3A_134 = arith.constant dense<0> : vector<64xi32>
    %reduce_sum3A_135 = vector.multi_reduction <add>, %convert_element_type3A_133, %reduce_sum3A_134 [1] : vector<64x256xi32> to vector<64xi32>
    %min3A_136 = arith.constant 255 : i32
    %min3A_137 = vector.broadcast %min3A_136 : i32 to vector<64xi32>
    %min3A_138 = arith.minsi %reduce_sum3A_135, %min3A_137 : vector<64xi32>
    %le3A_139 = arith.constant 11 : i32
    %le3A_140 = vector.broadcast %le3A_139 : i32 to vector<64x256xi32>
    %le3A_141 = arith.cmpi sle, %add3A_42, %le3A_140 : vector<64x256xi32>
    %convert_element_type3A_142 = arith.extui %le3A_141 : vector<64x256xi1> to vector<64x256xi32>
    %reduce_sum3A_143 = arith.constant dense<0> : vector<64xi32>
    %reduce_sum3A_144 = vector.multi_reduction <add>, %convert_element_type3A_142, %reduce_sum3A_143 [1] : vector<64x256xi32> to vector<64xi32>
    %min3A_145 = arith.constant 255 : i32
    %min3A_146 = vector.broadcast %min3A_145 : i32 to vector<64xi32>
    %min3A_147 = arith.minsi %reduce_sum3A_144, %min3A_146 : vector<64xi32>
    %le3A_148 = arith.constant 12 : i32
    %le3A_149 = vector.broadcast %le3A_148 : i32 to vector<64x256xi32>
    %le3A_150 = arith.cmpi sle, %add3A_42, %le3A_149 : vector<64x256xi32>
    %convert_element_type3A_151 = arith.extui %le3A_150 : vector<64x256xi1> to vector<64x256xi32>
    %reduce_sum3A_152 = arith.constant dense<0> : vector<64xi32>
    %reduce_sum3A_153 = vector.multi_reduction <add>, %convert_element_type3A_151, %reduce_sum3A_152 [1] : vector<64x256xi32> to vector<64xi32>
    %min3A_154 = arith.constant 255 : i32
    %min3A_155 = vector.broadcast %min3A_154 : i32 to vector<64xi32>
    %min3A_156 = arith.minsi %reduce_sum3A_153, %min3A_155 : vector<64xi32>
    %le3A_157 = arith.constant 13 : i32
    %le3A_158 = vector.broadcast %le3A_157 : i32 to vector<64x256xi32>
    %le3A_159 = arith.cmpi sle, %add3A_42, %le3A_158 : vector<64x256xi32>
    %convert_element_type3A_160 = arith.extui %le3A_159 : vector<64x256xi1> to vector<64x256xi32>
    %reduce_sum3A_161 = arith.constant dense<0> : vector<64xi32>
    %reduce_sum3A_162 = vector.multi_reduction <add>, %convert_element_type3A_160, %reduce_sum3A_161 [1] : vector<64x256xi32> to vector<64xi32>
    %min3A_163 = arith.constant 255 : i32
    %min3A_164 = vector.broadcast %min3A_163 : i32 to vector<64xi32>
    %min3A_165 = arith.minsi %reduce_sum3A_162, %min3A_164 : vector<64xi32>
    %le3A_166 = arith.constant 14 : i32
    %le3A_167 = vector.broadcast %le3A_166 : i32 to vector<64x256xi32>
    %le3A_168 = arith.cmpi sle, %add3A_42, %le3A_167 : vector<64x256xi32>
    %convert_element_type3A_169 = arith.extui %le3A_168 : vector<64x256xi1> to vector<64x256xi32>
    %reduce_sum3A_170 = arith.constant dense<0> : vector<64xi32>
    %reduce_sum3A_171 = vector.multi_reduction <add>, %convert_element_type3A_169, %reduce_sum3A_170 [1] : vector<64x256xi32> to vector<64xi32>
    %min3A_172 = arith.constant 255 : i32
    %min3A_173 = vector.broadcast %min3A_172 : i32 to vector<64xi32>
    %min3A_174 = arith.minsi %reduce_sum3A_171, %min3A_173 : vector<64xi32>
    %le3A_175 = arith.constant 15 : i32
    %le3A_176 = vector.broadcast %le3A_175 : i32 to vector<64x256xi32>
    %le3A_177 = arith.cmpi sle, %add3A_42, %le3A_176 : vector<64x256xi32>
    %convert_element_type3A_178 = arith.extui %le3A_177 : vector<64x256xi1> to vector<64x256xi32>
    %reduce_sum3A_179 = arith.constant dense<0> : vector<64xi32>
    %reduce_sum3A_180 = vector.multi_reduction <add>, %convert_element_type3A_178, %reduce_sum3A_179 [1] : vector<64x256xi32> to vector<64xi32>
    %min3A_181 = arith.constant 255 : i32
    %min3A_182 = vector.broadcast %min3A_181 : i32 to vector<64xi32>
    %min3A_183 = arith.minsi %reduce_sum3A_180, %min3A_182 : vector<64xi32>
    %le3A_184 = arith.constant 16 : i32
    %le3A_185 = vector.broadcast %le3A_184 : i32 to vector<64x256xi32>
    %le3A_186 = arith.cmpi sle, %add3A_42, %le3A_185 : vector<64x256xi32>
    %convert_element_type3A_187 = arith.extui %le3A_186 : vector<64x256xi1> to vector<64x256xi32>
    %reduce_sum3A_188 = arith.constant dense<0> : vector<64xi32>
    %reduce_sum3A_189 = vector.multi_reduction <add>, %convert_element_type3A_187, %reduce_sum3A_188 [1] : vector<64x256xi32> to vector<64xi32>
    %min3A_190 = arith.constant 255 : i32
    %min3A_191 = vector.broadcast %min3A_190 : i32 to vector<64xi32>
    %min3A_192 = arith.minsi %reduce_sum3A_189, %min3A_191 : vector<64xi32>
    %le3A_193 = arith.constant 17 : i32
    %le3A_194 = vector.broadcast %le3A_193 : i32 to vector<64x256xi32>
    %le3A_195 = arith.cmpi sle, %add3A_42, %le3A_194 : vector<64x256xi32>
    %convert_element_type3A_196 = arith.extui %le3A_195 : vector<64x256xi1> to vector<64x256xi32>
    %reduce_sum3A_197 = arith.constant dense<0> : vector<64xi32>
    %reduce_sum3A_198 = vector.multi_reduction <add>, %convert_element_type3A_196, %reduce_sum3A_197 [1] : vector<64x256xi32> to vector<64xi32>
    %min3A_199 = arith.constant 255 : i32
    %min3A_200 = vector.broadcast %min3A_199 : i32 to vector<64xi32>
    %min3A_201 = arith.minsi %reduce_sum3A_198, %min3A_200 : vector<64xi32>
    %le3A_202 = arith.constant 18 : i32
    %le3A_203 = vector.broadcast %le3A_202 : i32 to vector<64x256xi32>
    %le3A_204 = arith.cmpi sle, %add3A_42, %le3A_203 : vector<64x256xi32>
    %convert_element_type3A_205 = arith.extui %le3A_204 : vector<64x256xi1> to vector<64x256xi32>
    %reduce_sum3A_206 = arith.constant dense<0> : vector<64xi32>
    %reduce_sum3A_207 = vector.multi_reduction <add>, %convert_element_type3A_205, %reduce_sum3A_206 [1] : vector<64x256xi32> to vector<64xi32>
    %min3A_208 = arith.constant 255 : i32
    %min3A_209 = vector.broadcast %min3A_208 : i32 to vector<64xi32>
    %min3A_210 = arith.minsi %reduce_sum3A_207, %min3A_209 : vector<64xi32>
    %le3A_211 = arith.constant 19 : i32
    %le3A_212 = vector.broadcast %le3A_211 : i32 to vector<64x256xi32>
    %le3A_213 = arith.cmpi sle, %add3A_42, %le3A_212 : vector<64x256xi32>
    %convert_element_type3A_214 = arith.extui %le3A_213 : vector<64x256xi1> to vector<64x256xi32>
    %reduce_sum3A_215 = arith.constant dense<0> : vector<64xi32>
    %reduce_sum3A_216 = vector.multi_reduction <add>, %convert_element_type3A_214, %reduce_sum3A_215 [1] : vector<64x256xi32> to vector<64xi32>
    %min3A_217 = arith.constant 255 : i32
    %min3A_218 = vector.broadcast %min3A_217 : i32 to vector<64xi32>
    %min3A_219 = arith.minsi %reduce_sum3A_216, %min3A_218 : vector<64xi32>
    %le3A_220 = arith.constant 20 : i32
    %le3A_221 = vector.broadcast %le3A_220 : i32 to vector<64x256xi32>
    %le3A_222 = arith.cmpi sle, %add3A_42, %le3A_221 : vector<64x256xi32>
    %convert_element_type3A_223 = arith.extui %le3A_222 : vector<64x256xi1> to vector<64x256xi32>
    %reduce_sum3A_224 = arith.constant dense<0> : vector<64xi32>
    %reduce_sum3A_225 = vector.multi_reduction <add>, %convert_element_type3A_223, %reduce_sum3A_224 [1] : vector<64x256xi32> to vector<64xi32>
    %min3A_226 = arith.constant 255 : i32
    %min3A_227 = vector.broadcast %min3A_226 : i32 to vector<64xi32>
    %min3A_228 = arith.minsi %reduce_sum3A_225, %min3A_227 : vector<64xi32>
    %le3A_229 = arith.constant 21 : i32
    %le3A_230 = vector.broadcast %le3A_229 : i32 to vector<64x256xi32>
    %le3A_231 = arith.cmpi sle, %add3A_42, %le3A_230 : vector<64x256xi32>
    %convert_element_type3A_232 = arith.extui %le3A_231 : vector<64x256xi1> to vector<64x256xi32>
    %reduce_sum3A_233 = arith.constant dense<0> : vector<64xi32>
    %reduce_sum3A_234 = vector.multi_reduction <add>, %convert_element_type3A_232, %reduce_sum3A_233 [1] : vector<64x256xi32> to vector<64xi32>
    %min3A_235 = arith.constant 255 : i32
    %min3A_236 = vector.broadcast %min3A_235 : i32 to vector<64xi32>
    %min3A_237 = arith.minsi %reduce_sum3A_234, %min3A_236 : vector<64xi32>
    %le3A_238 = arith.constant 22 : i32
    %le3A_239 = vector.broadcast %le3A_238 : i32 to vector<64x256xi32>
    %le3A_240 = arith.cmpi sle, %add3A_42, %le3A_239 : vector<64x256xi32>
    %convert_element_type3A_241 = arith.extui %le3A_240 : vector<64x256xi1> to vector<64x256xi32>
    %reduce_sum3A_242 = arith.constant dense<0> : vector<64xi32>
    %reduce_sum3A_243 = vector.multi_reduction <add>, %convert_element_type3A_241, %reduce_sum3A_242 [1] : vector<64x256xi32> to vector<64xi32>
    %min3A_244 = arith.constant 255 : i32
    %min3A_245 = vector.broadcast %min3A_244 : i32 to vector<64xi32>
    %min3A_246 = arith.minsi %reduce_sum3A_243, %min3A_245 : vector<64xi32>
    %le3A_247 = arith.constant 23 : i32
    %le3A_248 = vector.broadcast %le3A_247 : i32 to vector<64x256xi32>
    %le3A_249 = arith.cmpi sle, %add3A_42, %le3A_248 : vector<64x256xi32>
    %convert_element_type3A_250 = arith.extui %le3A_249 : vector<64x256xi1> to vector<64x256xi32>
    %reduce_sum3A_251 = arith.constant dense<0> : vector<64xi32>
    %reduce_sum3A_252 = vector.multi_reduction <add>, %convert_element_type3A_250, %reduce_sum3A_251 [1] : vector<64x256xi32> to vector<64xi32>
    %min3A_253 = arith.constant 255 : i32
    %min3A_254 = vector.broadcast %min3A_253 : i32 to vector<64xi32>
    %min3A_255 = arith.minsi %reduce_sum3A_252, %min3A_254 : vector<64xi32>
    %le3A_256 = arith.constant 24 : i32
    %le3A_257 = vector.broadcast %le3A_256 : i32 to vector<64x256xi32>
    %le3A_258 = arith.cmpi sle, %add3A_42, %le3A_257 : vector<64x256xi32>
    %convert_element_type3A_259 = arith.extui %le3A_258 : vector<64x256xi1> to vector<64x256xi32>
    %reduce_sum3A_260 = arith.constant dense<0> : vector<64xi32>
    %reduce_sum3A_261 = vector.multi_reduction <add>, %convert_element_type3A_259, %reduce_sum3A_260 [1] : vector<64x256xi32> to vector<64xi32>
    %min3A_262 = arith.constant 255 : i32
    %min3A_263 = vector.broadcast %min3A_262 : i32 to vector<64xi32>
    %min3A_264 = arith.minsi %reduce_sum3A_261, %min3A_263 : vector<64xi32>
    %le3A_265 = arith.constant 25 : i32
    %le3A_266 = vector.broadcast %le3A_265 : i32 to vector<64x256xi32>
    %le3A_267 = arith.cmpi sle, %add3A_42, %le3A_266 : vector<64x256xi32>
    %convert_element_type3A_268 = arith.extui %le3A_267 : vector<64x256xi1> to vector<64x256xi32>
    %reduce_sum3A_269 = arith.constant dense<0> : vector<64xi32>
    %reduce_sum3A_270 = vector.multi_reduction <add>, %convert_element_type3A_268, %reduce_sum3A_269 [1] : vector<64x256xi32> to vector<64xi32>
    %min3A_271 = arith.constant 255 : i32
    %min3A_272 = vector.broadcast %min3A_271 : i32 to vector<64xi32>
    %min3A_273 = arith.minsi %reduce_sum3A_270, %min3A_272 : vector<64xi32>
    %le3A_274 = arith.constant 26 : i32
    %le3A_275 = vector.broadcast %le3A_274 : i32 to vector<64x256xi32>
    %le3A_276 = arith.cmpi sle, %add3A_42, %le3A_275 : vector<64x256xi32>
    %convert_element_type3A_277 = arith.extui %le3A_276 : vector<64x256xi1> to vector<64x256xi32>
    %reduce_sum3A_278 = arith.constant dense<0> : vector<64xi32>
    %reduce_sum3A_279 = vector.multi_reduction <add>, %convert_element_type3A_277, %reduce_sum3A_278 [1] : vector<64x256xi32> to vector<64xi32>
    %min3A_280 = arith.constant 255 : i32
    %min3A_281 = vector.broadcast %min3A_280 : i32 to vector<64xi32>
    %min3A_282 = arith.minsi %reduce_sum3A_279, %min3A_281 : vector<64xi32>
    %le3A_283 = arith.constant 27 : i32
    %le3A_284 = vector.broadcast %le3A_283 : i32 to vector<64x256xi32>
    %le3A_285 = arith.cmpi sle, %add3A_42, %le3A_284 : vector<64x256xi32>
    %convert_element_type3A_286 = arith.extui %le3A_285 : vector<64x256xi1> to vector<64x256xi32>
    %reduce_sum3A_287 = arith.constant dense<0> : vector<64xi32>
    %reduce_sum3A_288 = vector.multi_reduction <add>, %convert_element_type3A_286, %reduce_sum3A_287 [1] : vector<64x256xi32> to vector<64xi32>
    %min3A_289 = arith.constant 255 : i32
    %min3A_290 = vector.broadcast %min3A_289 : i32 to vector<64xi32>
    %min3A_291 = arith.minsi %reduce_sum3A_288, %min3A_290 : vector<64xi32>
    %le3A_292 = arith.constant 28 : i32
    %le3A_293 = vector.broadcast %le3A_292 : i32 to vector<64x256xi32>
    %le3A_294 = arith.cmpi sle, %add3A_42, %le3A_293 : vector<64x256xi32>
    %convert_element_type3A_295 = arith.extui %le3A_294 : vector<64x256xi1> to vector<64x256xi32>
    %reduce_sum3A_296 = arith.constant dense<0> : vector<64xi32>
    %reduce_sum3A_297 = vector.multi_reduction <add>, %convert_element_type3A_295, %reduce_sum3A_296 [1] : vector<64x256xi32> to vector<64xi32>
    %min3A_298 = arith.constant 255 : i32
    %min3A_299 = vector.broadcast %min3A_298 : i32 to vector<64xi32>
    %min3A_300 = arith.minsi %reduce_sum3A_297, %min3A_299 : vector<64xi32>
    %le3A_301 = arith.constant 29 : i32
    %le3A_302 = vector.broadcast %le3A_301 : i32 to vector<64x256xi32>
    %le3A_303 = arith.cmpi sle, %add3A_42, %le3A_302 : vector<64x256xi32>
    %convert_element_type3A_304 = arith.extui %le3A_303 : vector<64x256xi1> to vector<64x256xi32>
    %reduce_sum3A_305 = arith.constant dense<0> : vector<64xi32>
    %reduce_sum3A_306 = vector.multi_reduction <add>, %convert_element_type3A_304, %reduce_sum3A_305 [1] : vector<64x256xi32> to vector<64xi32>
    %min3A_307 = arith.constant 255 : i32
    %min3A_308 = vector.broadcast %min3A_307 : i32 to vector<64xi32>
    %min3A_309 = arith.minsi %reduce_sum3A_306, %min3A_308 : vector<64xi32>
    %le3A_310 = arith.constant 30 : i32
    %le3A_311 = vector.broadcast %le3A_310 : i32 to vector<64x256xi32>
    %le3A_312 = arith.cmpi sle, %add3A_42, %le3A_311 : vector<64x256xi32>
    %convert_element_type3A_313 = arith.extui %le3A_312 : vector<64x256xi1> to vector<64x256xi32>
    %reduce_sum3A_314 = arith.constant dense<0> : vector<64xi32>
    %reduce_sum3A_315 = vector.multi_reduction <add>, %convert_element_type3A_313, %reduce_sum3A_314 [1] : vector<64x256xi32> to vector<64xi32>
    %min3A_316 = arith.constant 255 : i32
    %min3A_317 = vector.broadcast %min3A_316 : i32 to vector<64xi32>
    %min3A_318 = arith.minsi %reduce_sum3A_315, %min3A_317 : vector<64xi32>
    %le3A_319 = arith.constant 31 : i32
    %le3A_320 = vector.broadcast %le3A_319 : i32 to vector<64x256xi32>
    %le3A_321 = arith.cmpi sle, %add3A_42, %le3A_320 : vector<64x256xi32>
    %convert_element_type3A_322 = arith.extui %le3A_321 : vector<64x256xi1> to vector<64x256xi32>
    %reduce_sum3A_323 = arith.constant dense<0> : vector<64xi32>
    %reduce_sum3A_324 = vector.multi_reduction <add>, %convert_element_type3A_322, %reduce_sum3A_323 [1] : vector<64x256xi32> to vector<64xi32>
    %min3A_325 = arith.constant 255 : i32
    %min3A_326 = vector.broadcast %min3A_325 : i32 to vector<64xi32>
    %min3A_327 = arith.minsi %reduce_sum3A_324, %min3A_326 : vector<64xi32>
    %eq3A = arith.constant 255 : i32
    %eq3A_328 = vector.broadcast %eq3A : i32 to vector<64xi32>
    %eq3A_329 = arith.cmpi eq, %min3A_57, %eq3A_328 : vector<64xi32>
    %select_n3A = arith.select %eq3A_329, %min3A_48, %min3A_57 : vector<64xi1>, vector<64xi32>
    %eq3A_330 = arith.constant 255 : i32
    %eq3A_331 = vector.broadcast %eq3A_330 : i32 to vector<64xi32>
    %eq3A_332 = arith.cmpi eq, %min3A_66, %eq3A_331 : vector<64xi32>
    %select_n3A_333 = arith.select %eq3A_332, %min3A_48, %min3A_66 : vector<64xi1>, vector<64xi32>
    %eq3A_334 = arith.constant 255 : i32
    %eq3A_335 = vector.broadcast %eq3A_334 : i32 to vector<64xi32>
    %eq3A_336 = arith.cmpi eq, %min3A_75, %eq3A_335 : vector<64xi32>
    %select_n3A_337 = arith.select %eq3A_336, %min3A_48, %min3A_75 : vector<64xi1>, vector<64xi32>
    %eq3A_338 = arith.constant 255 : i32
    %eq3A_339 = vector.broadcast %eq3A_338 : i32 to vector<64xi32>
    %eq3A_340 = arith.cmpi eq, %min3A_84, %eq3A_339 : vector<64xi32>
    %select_n3A_341 = arith.select %eq3A_340, %min3A_48, %min3A_84 : vector<64xi1>, vector<64xi32>
    %eq3A_342 = arith.constant 255 : i32
    %eq3A_343 = vector.broadcast %eq3A_342 : i32 to vector<64xi32>
    %eq3A_344 = arith.cmpi eq, %min3A_93, %eq3A_343 : vector<64xi32>
    %select_n3A_345 = arith.select %eq3A_344, %min3A_48, %min3A_93 : vector<64xi1>, vector<64xi32>
    %eq3A_346 = arith.constant 255 : i32
    %eq3A_347 = vector.broadcast %eq3A_346 : i32 to vector<64xi32>
    %eq3A_348 = arith.cmpi eq, %min3A_102, %eq3A_347 : vector<64xi32>
    %select_n3A_349 = arith.select %eq3A_348, %min3A_48, %min3A_102 : vector<64xi1>, vector<64xi32>
    %eq3A_350 = arith.constant 255 : i32
    %eq3A_351 = vector.broadcast %eq3A_350 : i32 to vector<64xi32>
    %eq3A_352 = arith.cmpi eq, %min3A_111, %eq3A_351 : vector<64xi32>
    %select_n3A_353 = arith.select %eq3A_352, %min3A_48, %min3A_111 : vector<64xi1>, vector<64xi32>
    %eq3A_354 = arith.constant 255 : i32
    %eq3A_355 = vector.broadcast %eq3A_354 : i32 to vector<64xi32>
    %eq3A_356 = arith.cmpi eq, %min3A_120, %eq3A_355 : vector<64xi32>
    %select_n3A_357 = arith.select %eq3A_356, %min3A_48, %min3A_120 : vector<64xi1>, vector<64xi32>
    %eq3A_358 = arith.constant 255 : i32
    %eq3A_359 = vector.broadcast %eq3A_358 : i32 to vector<64xi32>
    %eq3A_360 = arith.cmpi eq, %min3A_129, %eq3A_359 : vector<64xi32>
    %select_n3A_361 = arith.select %eq3A_360, %min3A_48, %min3A_129 : vector<64xi1>, vector<64xi32>
    %eq3A_362 = arith.constant 255 : i32
    %eq3A_363 = vector.broadcast %eq3A_362 : i32 to vector<64xi32>
    %eq3A_364 = arith.cmpi eq, %min3A_138, %eq3A_363 : vector<64xi32>
    %select_n3A_365 = arith.select %eq3A_364, %min3A_48, %min3A_138 : vector<64xi1>, vector<64xi32>
    %eq3A_366 = arith.constant 255 : i32
    %eq3A_367 = vector.broadcast %eq3A_366 : i32 to vector<64xi32>
    %eq3A_368 = arith.cmpi eq, %min3A_147, %eq3A_367 : vector<64xi32>
    %select_n3A_369 = arith.select %eq3A_368, %min3A_48, %min3A_147 : vector<64xi1>, vector<64xi32>
    %eq3A_370 = arith.constant 255 : i32
    %eq3A_371 = vector.broadcast %eq3A_370 : i32 to vector<64xi32>
    %eq3A_372 = arith.cmpi eq, %min3A_156, %eq3A_371 : vector<64xi32>
    %select_n3A_373 = arith.select %eq3A_372, %min3A_48, %min3A_156 : vector<64xi1>, vector<64xi32>
    %eq3A_374 = arith.constant 255 : i32
    %eq3A_375 = vector.broadcast %eq3A_374 : i32 to vector<64xi32>
    %eq3A_376 = arith.cmpi eq, %min3A_165, %eq3A_375 : vector<64xi32>
    %select_n3A_377 = arith.select %eq3A_376, %min3A_48, %min3A_165 : vector<64xi1>, vector<64xi32>
    %eq3A_378 = arith.constant 255 : i32
    %eq3A_379 = vector.broadcast %eq3A_378 : i32 to vector<64xi32>
    %eq3A_380 = arith.cmpi eq, %min3A_174, %eq3A_379 : vector<64xi32>
    %select_n3A_381 = arith.select %eq3A_380, %min3A_48, %min3A_174 : vector<64xi1>, vector<64xi32>
    %eq3A_382 = arith.constant 255 : i32
    %eq3A_383 = vector.broadcast %eq3A_382 : i32 to vector<64xi32>
    %eq3A_384 = arith.cmpi eq, %min3A_183, %eq3A_383 : vector<64xi32>
    %select_n3A_385 = arith.select %eq3A_384, %min3A_48, %min3A_183 : vector<64xi1>, vector<64xi32>
    %eq3A_386 = arith.constant 255 : i32
    %eq3A_387 = vector.broadcast %eq3A_386 : i32 to vector<64xi32>
    %eq3A_388 = arith.cmpi eq, %min3A_192, %eq3A_387 : vector<64xi32>
    %select_n3A_389 = arith.select %eq3A_388, %min3A_48, %min3A_192 : vector<64xi1>, vector<64xi32>
    %eq3A_390 = arith.constant 255 : i32
    %eq3A_391 = vector.broadcast %eq3A_390 : i32 to vector<64xi32>
    %eq3A_392 = arith.cmpi eq, %min3A_201, %eq3A_391 : vector<64xi32>
    %select_n3A_393 = arith.select %eq3A_392, %min3A_48, %min3A_201 : vector<64xi1>, vector<64xi32>
    %eq3A_394 = arith.constant 255 : i32
    %eq3A_395 = vector.broadcast %eq3A_394 : i32 to vector<64xi32>
    %eq3A_396 = arith.cmpi eq, %min3A_210, %eq3A_395 : vector<64xi32>
    %select_n3A_397 = arith.select %eq3A_396, %min3A_48, %min3A_210 : vector<64xi1>, vector<64xi32>
    %eq3A_398 = arith.constant 255 : i32
    %eq3A_399 = vector.broadcast %eq3A_398 : i32 to vector<64xi32>
    %eq3A_400 = arith.cmpi eq, %min3A_219, %eq3A_399 : vector<64xi32>
    %select_n3A_401 = arith.select %eq3A_400, %min3A_48, %min3A_219 : vector<64xi1>, vector<64xi32>
    %eq3A_402 = arith.constant 255 : i32
    %eq3A_403 = vector.broadcast %eq3A_402 : i32 to vector<64xi32>
    %eq3A_404 = arith.cmpi eq, %min3A_228, %eq3A_403 : vector<64xi32>
    %select_n3A_405 = arith.select %eq3A_404, %min3A_48, %min3A_228 : vector<64xi1>, vector<64xi32>
    %eq3A_406 = arith.constant 255 : i32
    %eq3A_407 = vector.broadcast %eq3A_406 : i32 to vector<64xi32>
    %eq3A_408 = arith.cmpi eq, %min3A_237, %eq3A_407 : vector<64xi32>
    %select_n3A_409 = arith.select %eq3A_408, %min3A_48, %min3A_237 : vector<64xi1>, vector<64xi32>
    %eq3A_410 = arith.constant 255 : i32
    %eq3A_411 = vector.broadcast %eq3A_410 : i32 to vector<64xi32>
    %eq3A_412 = arith.cmpi eq, %min3A_246, %eq3A_411 : vector<64xi32>
    %select_n3A_413 = arith.select %eq3A_412, %min3A_48, %min3A_246 : vector<64xi1>, vector<64xi32>
    %eq3A_414 = arith.constant 255 : i32
    %eq3A_415 = vector.broadcast %eq3A_414 : i32 to vector<64xi32>
    %eq3A_416 = arith.cmpi eq, %min3A_255, %eq3A_415 : vector<64xi32>
    %select_n3A_417 = arith.select %eq3A_416, %min3A_48, %min3A_255 : vector<64xi1>, vector<64xi32>
    %eq3A_418 = arith.constant 255 : i32
    %eq3A_419 = vector.broadcast %eq3A_418 : i32 to vector<64xi32>
    %eq3A_420 = arith.cmpi eq, %min3A_264, %eq3A_419 : vector<64xi32>
    %select_n3A_421 = arith.select %eq3A_420, %min3A_48, %min3A_264 : vector<64xi1>, vector<64xi32>
    %eq3A_422 = arith.constant 255 : i32
    %eq3A_423 = vector.broadcast %eq3A_422 : i32 to vector<64xi32>
    %eq3A_424 = arith.cmpi eq, %min3A_273, %eq3A_423 : vector<64xi32>
    %select_n3A_425 = arith.select %eq3A_424, %min3A_48, %min3A_273 : vector<64xi1>, vector<64xi32>
    %eq3A_426 = arith.constant 255 : i32
    %eq3A_427 = vector.broadcast %eq3A_426 : i32 to vector<64xi32>
    %eq3A_428 = arith.cmpi eq, %min3A_282, %eq3A_427 : vector<64xi32>
    %select_n3A_429 = arith.select %eq3A_428, %min3A_48, %min3A_282 : vector<64xi1>, vector<64xi32>
    %eq3A_430 = arith.constant 255 : i32
    %eq3A_431 = vector.broadcast %eq3A_430 : i32 to vector<64xi32>
    %eq3A_432 = arith.cmpi eq, %min3A_291, %eq3A_431 : vector<64xi32>
    %select_n3A_433 = arith.select %eq3A_432, %min3A_48, %min3A_291 : vector<64xi1>, vector<64xi32>
    %eq3A_434 = arith.constant 255 : i32
    %eq3A_435 = vector.broadcast %eq3A_434 : i32 to vector<64xi32>
    %eq3A_436 = arith.cmpi eq, %min3A_300, %eq3A_435 : vector<64xi32>
    %select_n3A_437 = arith.select %eq3A_436, %min3A_48, %min3A_300 : vector<64xi1>, vector<64xi32>
    %eq3A_438 = arith.constant 255 : i32
    %eq3A_439 = vector.broadcast %eq3A_438 : i32 to vector<64xi32>
    %eq3A_440 = arith.cmpi eq, %min3A_309, %eq3A_439 : vector<64xi32>
    %select_n3A_441 = arith.select %eq3A_440, %min3A_48, %min3A_309 : vector<64xi1>, vector<64xi32>
    %eq3A_442 = arith.constant 255 : i32
    %eq3A_443 = vector.broadcast %eq3A_442 : i32 to vector<64xi32>
    %eq3A_444 = arith.cmpi eq, %min3A_318, %eq3A_443 : vector<64xi32>
    %select_n3A_445 = arith.select %eq3A_444, %min3A_48, %min3A_318 : vector<64xi1>, vector<64xi32>
    %eq3A_446 = arith.constant 255 : i32
    %eq3A_447 = vector.broadcast %eq3A_446 : i32 to vector<64xi32>
    %eq3A_448 = arith.cmpi eq, %min3A_327, %eq3A_447 : vector<64xi32>
    %select_n3A_449 = arith.select %eq3A_448, %min3A_48, %min3A_327 : vector<64xi1>, vector<64xi32>
    %broadcast_in_dim3A_450 = vector.shape_cast %min3A_48 : vector<64xi32> to vector<64x1xi32>
    %broadcast_in_dim3A_451 = vector.shape_cast %select_n3A : vector<64xi32> to vector<64x1xi32>
    %broadcast_in_dim3A_452 = vector.shape_cast %select_n3A_333 : vector<64xi32> to vector<64x1xi32>
    %broadcast_in_dim3A_453 = vector.shape_cast %select_n3A_337 : vector<64xi32> to vector<64x1xi32>
    %broadcast_in_dim3A_454 = vector.shape_cast %select_n3A_341 : vector<64xi32> to vector<64x1xi32>
    %broadcast_in_dim3A_455 = vector.shape_cast %select_n3A_345 : vector<64xi32> to vector<64x1xi32>
    %broadcast_in_dim3A_456 = vector.shape_cast %select_n3A_349 : vector<64xi32> to vector<64x1xi32>
    %broadcast_in_dim3A_457 = vector.shape_cast %select_n3A_353 : vector<64xi32> to vector<64x1xi32>
    %broadcast_in_dim3A_458 = vector.shape_cast %select_n3A_357 : vector<64xi32> to vector<64x1xi32>
    %broadcast_in_dim3A_459 = vector.shape_cast %select_n3A_361 : vector<64xi32> to vector<64x1xi32>
    %broadcast_in_dim3A_460 = vector.shape_cast %select_n3A_365 : vector<64xi32> to vector<64x1xi32>
    %broadcast_in_dim3A_461 = vector.shape_cast %select_n3A_369 : vector<64xi32> to vector<64x1xi32>
    %broadcast_in_dim3A_462 = vector.shape_cast %select_n3A_373 : vector<64xi32> to vector<64x1xi32>
    %broadcast_in_dim3A_463 = vector.shape_cast %select_n3A_377 : vector<64xi32> to vector<64x1xi32>
    %broadcast_in_dim3A_464 = vector.shape_cast %select_n3A_381 : vector<64xi32> to vector<64x1xi32>
    %broadcast_in_dim3A_465 = vector.shape_cast %select_n3A_385 : vector<64xi32> to vector<64x1xi32>
    %broadcast_in_dim3A_466 = vector.shape_cast %select_n3A_389 : vector<64xi32> to vector<64x1xi32>
    %broadcast_in_dim3A_467 = vector.shape_cast %select_n3A_393 : vector<64xi32> to vector<64x1xi32>
    %broadcast_in_dim3A_468 = vector.shape_cast %select_n3A_397 : vector<64xi32> to vector<64x1xi32>
    %broadcast_in_dim3A_469 = vector.shape_cast %select_n3A_401 : vector<64xi32> to vector<64x1xi32>
    %broadcast_in_dim3A_470 = vector.shape_cast %select_n3A_405 : vector<64xi32> to vector<64x1xi32>
    %broadcast_in_dim3A_471 = vector.shape_cast %select_n3A_409 : vector<64xi32> to vector<64x1xi32>
    %broadcast_in_dim3A_472 = vector.shape_cast %select_n3A_413 : vector<64xi32> to vector<64x1xi32>
    %broadcast_in_dim3A_473 = vector.shape_cast %select_n3A_417 : vector<64xi32> to vector<64x1xi32>
    %broadcast_in_dim3A_474 = vector.shape_cast %select_n3A_421 : vector<64xi32> to vector<64x1xi32>
    %broadcast_in_dim3A_475 = vector.shape_cast %select_n3A_425 : vector<64xi32> to vector<64x1xi32>
    %broadcast_in_dim3A_476 = vector.shape_cast %select_n3A_429 : vector<64xi32> to vector<64x1xi32>
    %broadcast_in_dim3A_477 = vector.shape_cast %select_n3A_433 : vector<64xi32> to vector<64x1xi32>
    %broadcast_in_dim3A_478 = vector.shape_cast %select_n3A_437 : vector<64xi32> to vector<64x1xi32>
    %broadcast_in_dim3A_479 = vector.shape_cast %select_n3A_441 : vector<64xi32> to vector<64x1xi32>
    %broadcast_in_dim3A_480 = vector.shape_cast %select_n3A_445 : vector<64xi32> to vector<64x1xi32>
    %broadcast_in_dim3A_481 = vector.shape_cast %select_n3A_449 : vector<64xi32> to vector<64x1xi32>
    %concatenate3A_482 = tpu.concatenate %broadcast_in_dim3A_450, %broadcast_in_dim3A_451, %broadcast_in_dim3A_452, %broadcast_in_dim3A_453, %broadcast_in_dim3A_454, %broadcast_in_dim3A_455, %broadcast_in_dim3A_456, %broadcast_in_dim3A_457, %broadcast_in_dim3A_458, %broadcast_in_dim3A_459, %broadcast_in_dim3A_460, %broadcast_in_dim3A_461, %broadcast_in_dim3A_462, %broadcast_in_dim3A_463, %broadcast_in_dim3A_464, %broadcast_in_dim3A_465, %broadcast_in_dim3A_466, %broadcast_in_dim3A_467, %broadcast_in_dim3A_468, %broadcast_in_dim3A_469, %broadcast_in_dim3A_470, %broadcast_in_dim3A_471, %broadcast_in_dim3A_472, %broadcast_in_dim3A_473, %broadcast_in_dim3A_474, %broadcast_in_dim3A_475, %broadcast_in_dim3A_476, %broadcast_in_dim3A_477, %broadcast_in_dim3A_478, %broadcast_in_dim3A_479, %broadcast_in_dim3A_480, %broadcast_in_dim3A_481 in 1 : vector<64x1xi32>, vector<64x1xi32>, vector<64x1xi32>, vector<64x1xi32>, vector<64x1xi32>, vector<64x1xi32>, vector<64x1xi32>, vector<64x1xi32>, vector<64x1xi32>, vector<64x1xi32>, vector<64x1xi32>, vector<64x1xi32>, vector<64x1xi32>, vector<64x1xi32>, vector<64x1xi32>, vector<64x1xi32>, vector<64x1xi32>, vector<64x1xi32>, vector<64x1xi32>, vector<64x1xi32>, vector<64x1xi32>, vector<64x1xi32>, vector<64x1xi32>, vector<64x1xi32>, vector<64x1xi32>, vector<64x1xi32>, vector<64x1xi32>, vector<64x1xi32>, vector<64x1xi32>, vector<64x1xi32>, vector<64x1xi32>, vector<64x1xi32> -> vector<64x32xi32>
    %swap3A = arith.constant 0 : index
    %swap3A_483 = arith.constant 0 : index
    %swap3A_484 = arith.constant 0 : index
    %swap3A_485 = vector.load %arg3[%swap3A, %swap3A_483, %swap3A_484] : memref<1x64x32xi32, #tpu.memory_space<vmem>>, vector<1x64x32xi32>
    %swap3A_486 = vector.shape_cast %swap3A_485 : vector<1x64x32xi32> to vector<64x32xi32>
    %swap3A_487 = vector.shape_cast %concatenate3A_482 : vector<64x32xi32> to vector<1x64x32xi32>
    tpu.vector_store %arg3[%swap3A, %swap3A_483, %swap3A_484], %swap3A_487 {strides = array<i32>} : memref<1x64x32xi32, #tpu.memory_space<vmem>>, vector<1x64x32xi32>,
    return
  }
  func.func @transform_0(%arg0: i32, %arg1: i32) -> (i32, i32, i32) {
    %c0_i32 = arith.constant 0 : i32
    %c0_i32_0 = arith.constant 0 : i32
    return %arg0, %arg1, %c0_i32 : i32, i32, i32
  }
  func.func @transform_1(%arg0: i32, %arg1: i32) -> (i32, i32, i32) {
    %c0_i32 = arith.constant 0 : i32
    %c0_i32_0 = arith.constant 0 : i32
    return %arg0, %arg1, %c0_i32 : i32, i32, i32
  }
}

module attributes {stable_mosaic.version = 14 : i64} {
  func.func @_ball_kernel(%arg0: i32, %arg1: i32, %arg2: memref<1x16x64xf32, #tpu.memory_space<vmem>>, %arg3: memref<1x16x16xi32, #tpu.memory_space<vmem>>) attributes {dimension_semantics = [#tpu.dimension_semantics<arbitrary>, #tpu.dimension_semantics<arbitrary>], iteration_bounds = array<i64: 8, 1>, scalar_prefetch = 0 : i64, scratch_operands = 0 : i64, tpu.core_type = #tpu.core_type<tc>, window_params = [{transform_indices = @transform_0, window_bounds = array<i64: 1, 16, 64>}, {transform_indices = @transform_1, window_bounds = array<i64: 1, 16, 16>}]} {
    %get3A = arith.constant 0 : index
    %get3A_0 = arith.constant 0 : index
    %get3A_1 = arith.constant 0 : index
    %get3A_2 = vector.load %arg2[%get3A, %get3A_0, %get3A_1] : memref<1x16x64xf32, #tpu.memory_space<vmem>>, vector<1x16x64xf32>
    %get3A_3 = vector.shape_cast %get3A_2 : vector<1x16x64xf32> to vector<16x64xf32>
    %gt3A = arith.constant 1.600000e-01 : f32
    %gt3A_4 = vector.broadcast %gt3A : f32 to vector<16x64xf32>
    %gt3A_5 = arith.cmpf ogt, %get3A_3, %gt3A_4 : vector<16x64xf32>
    %not3A = arith.constant dense<true> : vector<16x64xi1>
    %not3A_6 = arith.xori %gt3A_5, %not3A : vector<16x64xi1>
    %convert_element_type3A = arith.extui %not3A_6 : vector<16x64xi1> to vector<16x64xi32>
    %broadcast_in_dim3A = arith.constant 0 : i32
    %broadcast_in_dim3A_7 = vector.broadcast %broadcast_in_dim3A : i32 to vector<16x1xi32>
    %slice3A = vector.extract_strided_slice %convert_element_type3A {offsets = [0, 0], sizes = [16, 63], strides = [1, 1]} : vector<16x64xi32> to vector<16x63xi32>
    %concatenate3A = tpu.concatenate %broadcast_in_dim3A_7, %slice3A in 1 : vector<16x1xi32>, vector<16x63xi32> -> vector<16x64xi32>
    %add3A = arith.addi %convert_element_type3A, %concatenate3A : vector<16x64xi32>
    %broadcast_in_dim3A_8 = arith.constant 0 : i32
    %broadcast_in_dim3A_9 = vector.broadcast %broadcast_in_dim3A_8 : i32 to vector<16x2xi32>
    %slice3A_10 = vector.extract_strided_slice %add3A {offsets = [0, 0], sizes = [16, 62], strides = [1, 1]} : vector<16x64xi32> to vector<16x62xi32>
    %concatenate3A_11 = tpu.concatenate %broadcast_in_dim3A_9, %slice3A_10 in 1 : vector<16x2xi32>, vector<16x62xi32> -> vector<16x64xi32>
    %add3A_12 = arith.addi %add3A, %concatenate3A_11 : vector<16x64xi32>
    %broadcast_in_dim3A_13 = arith.constant 0 : i32
    %broadcast_in_dim3A_14 = vector.broadcast %broadcast_in_dim3A_13 : i32 to vector<16x4xi32>
    %slice3A_15 = vector.extract_strided_slice %add3A_12 {offsets = [0, 0], sizes = [16, 60], strides = [1, 1]} : vector<16x64xi32> to vector<16x60xi32>
    %concatenate3A_16 = tpu.concatenate %broadcast_in_dim3A_14, %slice3A_15 in 1 : vector<16x4xi32>, vector<16x60xi32> -> vector<16x64xi32>
    %add3A_17 = arith.addi %add3A_12, %concatenate3A_16 : vector<16x64xi32>
    %broadcast_in_dim3A_18 = arith.constant 0 : i32
    %broadcast_in_dim3A_19 = vector.broadcast %broadcast_in_dim3A_18 : i32 to vector<16x8xi32>
    %slice3A_20 = vector.extract_strided_slice %add3A_17 {offsets = [0, 0], sizes = [16, 56], strides = [1, 1]} : vector<16x64xi32> to vector<16x56xi32>
    %concatenate3A_21 = tpu.concatenate %broadcast_in_dim3A_19, %slice3A_20 in 1 : vector<16x8xi32>, vector<16x56xi32> -> vector<16x64xi32>
    %add3A_22 = arith.addi %add3A_17, %concatenate3A_21 : vector<16x64xi32>
    %broadcast_in_dim3A_23 = arith.constant 0 : i32
    %broadcast_in_dim3A_24 = vector.broadcast %broadcast_in_dim3A_23 : i32 to vector<16x16xi32>
    %slice3A_25 = vector.extract_strided_slice %add3A_22 {offsets = [0, 0], sizes = [16, 48], strides = [1, 1]} : vector<16x64xi32> to vector<16x48xi32>
    %concatenate3A_26 = tpu.concatenate %broadcast_in_dim3A_24, %slice3A_25 in 1 : vector<16x16xi32>, vector<16x48xi32> -> vector<16x64xi32>
    %add3A_27 = arith.addi %add3A_22, %concatenate3A_26 : vector<16x64xi32>
    %broadcast_in_dim3A_28 = arith.constant 0 : i32
    %broadcast_in_dim3A_29 = vector.broadcast %broadcast_in_dim3A_28 : i32 to vector<16x32xi32>
    %slice3A_30 = vector.extract_strided_slice %add3A_27 {offsets = [0, 0], sizes = [16, 32], strides = [1, 1]} : vector<16x64xi32> to vector<16x32xi32>
    %concatenate3A_31 = tpu.concatenate %broadcast_in_dim3A_29, %slice3A_30 in 1 : vector<16x32xi32>, vector<16x32xi32> -> vector<16x64xi32>
    %add3A_32 = arith.addi %add3A_27, %concatenate3A_31 : vector<16x64xi32>
    %le3A = arith.constant 0 : i32
    %le3A_33 = vector.broadcast %le3A : i32 to vector<16x64xi32>
    %le3A_34 = arith.cmpi sle, %add3A_32, %le3A_33 : vector<16x64xi32>
    %convert_element_type3A_35 = arith.extui %le3A_34 : vector<16x64xi1> to vector<16x64xi32>
    %reduce_sum3A = arith.constant dense<0> : vector<16xi32>
    %reduce_sum3A_36 = vector.multi_reduction <add>, %convert_element_type3A_35, %reduce_sum3A [1] : vector<16x64xi32> to vector<16xi32>
    %min3A = arith.constant 63 : i32
    %min3A_37 = vector.broadcast %min3A : i32 to vector<16xi32>
    %min3A_38 = arith.minsi %reduce_sum3A_36, %min3A_37 : vector<16xi32>
    %le3A_39 = arith.constant 1 : i32
    %le3A_40 = vector.broadcast %le3A_39 : i32 to vector<16x64xi32>
    %le3A_41 = arith.cmpi sle, %add3A_32, %le3A_40 : vector<16x64xi32>
    %convert_element_type3A_42 = arith.extui %le3A_41 : vector<16x64xi1> to vector<16x64xi32>
    %reduce_sum3A_43 = arith.constant dense<0> : vector<16xi32>
    %reduce_sum3A_44 = vector.multi_reduction <add>, %convert_element_type3A_42, %reduce_sum3A_43 [1] : vector<16x64xi32> to vector<16xi32>
    %min3A_45 = arith.constant 63 : i32
    %min3A_46 = vector.broadcast %min3A_45 : i32 to vector<16xi32>
    %min3A_47 = arith.minsi %reduce_sum3A_44, %min3A_46 : vector<16xi32>
    %le3A_48 = arith.constant 2 : i32
    %le3A_49 = vector.broadcast %le3A_48 : i32 to vector<16x64xi32>
    %le3A_50 = arith.cmpi sle, %add3A_32, %le3A_49 : vector<16x64xi32>
    %convert_element_type3A_51 = arith.extui %le3A_50 : vector<16x64xi1> to vector<16x64xi32>
    %reduce_sum3A_52 = arith.constant dense<0> : vector<16xi32>
    %reduce_sum3A_53 = vector.multi_reduction <add>, %convert_element_type3A_51, %reduce_sum3A_52 [1] : vector<16x64xi32> to vector<16xi32>
    %min3A_54 = arith.constant 63 : i32
    %min3A_55 = vector.broadcast %min3A_54 : i32 to vector<16xi32>
    %min3A_56 = arith.minsi %reduce_sum3A_53, %min3A_55 : vector<16xi32>
    %le3A_57 = arith.constant 3 : i32
    %le3A_58 = vector.broadcast %le3A_57 : i32 to vector<16x64xi32>
    %le3A_59 = arith.cmpi sle, %add3A_32, %le3A_58 : vector<16x64xi32>
    %convert_element_type3A_60 = arith.extui %le3A_59 : vector<16x64xi1> to vector<16x64xi32>
    %reduce_sum3A_61 = arith.constant dense<0> : vector<16xi32>
    %reduce_sum3A_62 = vector.multi_reduction <add>, %convert_element_type3A_60, %reduce_sum3A_61 [1] : vector<16x64xi32> to vector<16xi32>
    %min3A_63 = arith.constant 63 : i32
    %min3A_64 = vector.broadcast %min3A_63 : i32 to vector<16xi32>
    %min3A_65 = arith.minsi %reduce_sum3A_62, %min3A_64 : vector<16xi32>
    %le3A_66 = arith.constant 4 : i32
    %le3A_67 = vector.broadcast %le3A_66 : i32 to vector<16x64xi32>
    %le3A_68 = arith.cmpi sle, %add3A_32, %le3A_67 : vector<16x64xi32>
    %convert_element_type3A_69 = arith.extui %le3A_68 : vector<16x64xi1> to vector<16x64xi32>
    %reduce_sum3A_70 = arith.constant dense<0> : vector<16xi32>
    %reduce_sum3A_71 = vector.multi_reduction <add>, %convert_element_type3A_69, %reduce_sum3A_70 [1] : vector<16x64xi32> to vector<16xi32>
    %min3A_72 = arith.constant 63 : i32
    %min3A_73 = vector.broadcast %min3A_72 : i32 to vector<16xi32>
    %min3A_74 = arith.minsi %reduce_sum3A_71, %min3A_73 : vector<16xi32>
    %le3A_75 = arith.constant 5 : i32
    %le3A_76 = vector.broadcast %le3A_75 : i32 to vector<16x64xi32>
    %le3A_77 = arith.cmpi sle, %add3A_32, %le3A_76 : vector<16x64xi32>
    %convert_element_type3A_78 = arith.extui %le3A_77 : vector<16x64xi1> to vector<16x64xi32>
    %reduce_sum3A_79 = arith.constant dense<0> : vector<16xi32>
    %reduce_sum3A_80 = vector.multi_reduction <add>, %convert_element_type3A_78, %reduce_sum3A_79 [1] : vector<16x64xi32> to vector<16xi32>
    %min3A_81 = arith.constant 63 : i32
    %min3A_82 = vector.broadcast %min3A_81 : i32 to vector<16xi32>
    %min3A_83 = arith.minsi %reduce_sum3A_80, %min3A_82 : vector<16xi32>
    %le3A_84 = arith.constant 6 : i32
    %le3A_85 = vector.broadcast %le3A_84 : i32 to vector<16x64xi32>
    %le3A_86 = arith.cmpi sle, %add3A_32, %le3A_85 : vector<16x64xi32>
    %convert_element_type3A_87 = arith.extui %le3A_86 : vector<16x64xi1> to vector<16x64xi32>
    %reduce_sum3A_88 = arith.constant dense<0> : vector<16xi32>
    %reduce_sum3A_89 = vector.multi_reduction <add>, %convert_element_type3A_87, %reduce_sum3A_88 [1] : vector<16x64xi32> to vector<16xi32>
    %min3A_90 = arith.constant 63 : i32
    %min3A_91 = vector.broadcast %min3A_90 : i32 to vector<16xi32>
    %min3A_92 = arith.minsi %reduce_sum3A_89, %min3A_91 : vector<16xi32>
    %le3A_93 = arith.constant 7 : i32
    %le3A_94 = vector.broadcast %le3A_93 : i32 to vector<16x64xi32>
    %le3A_95 = arith.cmpi sle, %add3A_32, %le3A_94 : vector<16x64xi32>
    %convert_element_type3A_96 = arith.extui %le3A_95 : vector<16x64xi1> to vector<16x64xi32>
    %reduce_sum3A_97 = arith.constant dense<0> : vector<16xi32>
    %reduce_sum3A_98 = vector.multi_reduction <add>, %convert_element_type3A_96, %reduce_sum3A_97 [1] : vector<16x64xi32> to vector<16xi32>
    %min3A_99 = arith.constant 63 : i32
    %min3A_100 = vector.broadcast %min3A_99 : i32 to vector<16xi32>
    %min3A_101 = arith.minsi %reduce_sum3A_98, %min3A_100 : vector<16xi32>
    %le3A_102 = arith.constant 8 : i32
    %le3A_103 = vector.broadcast %le3A_102 : i32 to vector<16x64xi32>
    %le3A_104 = arith.cmpi sle, %add3A_32, %le3A_103 : vector<16x64xi32>
    %convert_element_type3A_105 = arith.extui %le3A_104 : vector<16x64xi1> to vector<16x64xi32>
    %reduce_sum3A_106 = arith.constant dense<0> : vector<16xi32>
    %reduce_sum3A_107 = vector.multi_reduction <add>, %convert_element_type3A_105, %reduce_sum3A_106 [1] : vector<16x64xi32> to vector<16xi32>
    %min3A_108 = arith.constant 63 : i32
    %min3A_109 = vector.broadcast %min3A_108 : i32 to vector<16xi32>
    %min3A_110 = arith.minsi %reduce_sum3A_107, %min3A_109 : vector<16xi32>
    %le3A_111 = arith.constant 9 : i32
    %le3A_112 = vector.broadcast %le3A_111 : i32 to vector<16x64xi32>
    %le3A_113 = arith.cmpi sle, %add3A_32, %le3A_112 : vector<16x64xi32>
    %convert_element_type3A_114 = arith.extui %le3A_113 : vector<16x64xi1> to vector<16x64xi32>
    %reduce_sum3A_115 = arith.constant dense<0> : vector<16xi32>
    %reduce_sum3A_116 = vector.multi_reduction <add>, %convert_element_type3A_114, %reduce_sum3A_115 [1] : vector<16x64xi32> to vector<16xi32>
    %min3A_117 = arith.constant 63 : i32
    %min3A_118 = vector.broadcast %min3A_117 : i32 to vector<16xi32>
    %min3A_119 = arith.minsi %reduce_sum3A_116, %min3A_118 : vector<16xi32>
    %le3A_120 = arith.constant 10 : i32
    %le3A_121 = vector.broadcast %le3A_120 : i32 to vector<16x64xi32>
    %le3A_122 = arith.cmpi sle, %add3A_32, %le3A_121 : vector<16x64xi32>
    %convert_element_type3A_123 = arith.extui %le3A_122 : vector<16x64xi1> to vector<16x64xi32>
    %reduce_sum3A_124 = arith.constant dense<0> : vector<16xi32>
    %reduce_sum3A_125 = vector.multi_reduction <add>, %convert_element_type3A_123, %reduce_sum3A_124 [1] : vector<16x64xi32> to vector<16xi32>
    %min3A_126 = arith.constant 63 : i32
    %min3A_127 = vector.broadcast %min3A_126 : i32 to vector<16xi32>
    %min3A_128 = arith.minsi %reduce_sum3A_125, %min3A_127 : vector<16xi32>
    %le3A_129 = arith.constant 11 : i32
    %le3A_130 = vector.broadcast %le3A_129 : i32 to vector<16x64xi32>
    %le3A_131 = arith.cmpi sle, %add3A_32, %le3A_130 : vector<16x64xi32>
    %convert_element_type3A_132 = arith.extui %le3A_131 : vector<16x64xi1> to vector<16x64xi32>
    %reduce_sum3A_133 = arith.constant dense<0> : vector<16xi32>
    %reduce_sum3A_134 = vector.multi_reduction <add>, %convert_element_type3A_132, %reduce_sum3A_133 [1] : vector<16x64xi32> to vector<16xi32>
    %min3A_135 = arith.constant 63 : i32
    %min3A_136 = vector.broadcast %min3A_135 : i32 to vector<16xi32>
    %min3A_137 = arith.minsi %reduce_sum3A_134, %min3A_136 : vector<16xi32>
    %le3A_138 = arith.constant 12 : i32
    %le3A_139 = vector.broadcast %le3A_138 : i32 to vector<16x64xi32>
    %le3A_140 = arith.cmpi sle, %add3A_32, %le3A_139 : vector<16x64xi32>
    %convert_element_type3A_141 = arith.extui %le3A_140 : vector<16x64xi1> to vector<16x64xi32>
    %reduce_sum3A_142 = arith.constant dense<0> : vector<16xi32>
    %reduce_sum3A_143 = vector.multi_reduction <add>, %convert_element_type3A_141, %reduce_sum3A_142 [1] : vector<16x64xi32> to vector<16xi32>
    %min3A_144 = arith.constant 63 : i32
    %min3A_145 = vector.broadcast %min3A_144 : i32 to vector<16xi32>
    %min3A_146 = arith.minsi %reduce_sum3A_143, %min3A_145 : vector<16xi32>
    %le3A_147 = arith.constant 13 : i32
    %le3A_148 = vector.broadcast %le3A_147 : i32 to vector<16x64xi32>
    %le3A_149 = arith.cmpi sle, %add3A_32, %le3A_148 : vector<16x64xi32>
    %convert_element_type3A_150 = arith.extui %le3A_149 : vector<16x64xi1> to vector<16x64xi32>
    %reduce_sum3A_151 = arith.constant dense<0> : vector<16xi32>
    %reduce_sum3A_152 = vector.multi_reduction <add>, %convert_element_type3A_150, %reduce_sum3A_151 [1] : vector<16x64xi32> to vector<16xi32>
    %min3A_153 = arith.constant 63 : i32
    %min3A_154 = vector.broadcast %min3A_153 : i32 to vector<16xi32>
    %min3A_155 = arith.minsi %reduce_sum3A_152, %min3A_154 : vector<16xi32>
    %le3A_156 = arith.constant 14 : i32
    %le3A_157 = vector.broadcast %le3A_156 : i32 to vector<16x64xi32>
    %le3A_158 = arith.cmpi sle, %add3A_32, %le3A_157 : vector<16x64xi32>
    %convert_element_type3A_159 = arith.extui %le3A_158 : vector<16x64xi1> to vector<16x64xi32>
    %reduce_sum3A_160 = arith.constant dense<0> : vector<16xi32>
    %reduce_sum3A_161 = vector.multi_reduction <add>, %convert_element_type3A_159, %reduce_sum3A_160 [1] : vector<16x64xi32> to vector<16xi32>
    %min3A_162 = arith.constant 63 : i32
    %min3A_163 = vector.broadcast %min3A_162 : i32 to vector<16xi32>
    %min3A_164 = arith.minsi %reduce_sum3A_161, %min3A_163 : vector<16xi32>
    %le3A_165 = arith.constant 15 : i32
    %le3A_166 = vector.broadcast %le3A_165 : i32 to vector<16x64xi32>
    %le3A_167 = arith.cmpi sle, %add3A_32, %le3A_166 : vector<16x64xi32>
    %convert_element_type3A_168 = arith.extui %le3A_167 : vector<16x64xi1> to vector<16x64xi32>
    %reduce_sum3A_169 = arith.constant dense<0> : vector<16xi32>
    %reduce_sum3A_170 = vector.multi_reduction <add>, %convert_element_type3A_168, %reduce_sum3A_169 [1] : vector<16x64xi32> to vector<16xi32>
    %min3A_171 = arith.constant 63 : i32
    %min3A_172 = vector.broadcast %min3A_171 : i32 to vector<16xi32>
    %min3A_173 = arith.minsi %reduce_sum3A_170, %min3A_172 : vector<16xi32>
    %eq3A = arith.constant 63 : i32
    %eq3A_174 = vector.broadcast %eq3A : i32 to vector<16xi32>
    %eq3A_175 = arith.cmpi eq, %min3A_47, %eq3A_174 : vector<16xi32>
    %select_n3A = arith.select %eq3A_175, %min3A_38, %min3A_47 : vector<16xi1>, vector<16xi32>
    %eq3A_176 = arith.constant 63 : i32
    %eq3A_177 = vector.broadcast %eq3A_176 : i32 to vector<16xi32>
    %eq3A_178 = arith.cmpi eq, %min3A_56, %eq3A_177 : vector<16xi32>
    %select_n3A_179 = arith.select %eq3A_178, %min3A_38, %min3A_56 : vector<16xi1>, vector<16xi32>
    %eq3A_180 = arith.constant 63 : i32
    %eq3A_181 = vector.broadcast %eq3A_180 : i32 to vector<16xi32>
    %eq3A_182 = arith.cmpi eq, %min3A_65, %eq3A_181 : vector<16xi32>
    %select_n3A_183 = arith.select %eq3A_182, %min3A_38, %min3A_65 : vector<16xi1>, vector<16xi32>
    %eq3A_184 = arith.constant 63 : i32
    %eq3A_185 = vector.broadcast %eq3A_184 : i32 to vector<16xi32>
    %eq3A_186 = arith.cmpi eq, %min3A_74, %eq3A_185 : vector<16xi32>
    %select_n3A_187 = arith.select %eq3A_186, %min3A_38, %min3A_74 : vector<16xi1>, vector<16xi32>
    %eq3A_188 = arith.constant 63 : i32
    %eq3A_189 = vector.broadcast %eq3A_188 : i32 to vector<16xi32>
    %eq3A_190 = arith.cmpi eq, %min3A_83, %eq3A_189 : vector<16xi32>
    %select_n3A_191 = arith.select %eq3A_190, %min3A_38, %min3A_83 : vector<16xi1>, vector<16xi32>
    %eq3A_192 = arith.constant 63 : i32
    %eq3A_193 = vector.broadcast %eq3A_192 : i32 to vector<16xi32>
    %eq3A_194 = arith.cmpi eq, %min3A_92, %eq3A_193 : vector<16xi32>
    %select_n3A_195 = arith.select %eq3A_194, %min3A_38, %min3A_92 : vector<16xi1>, vector<16xi32>
    %eq3A_196 = arith.constant 63 : i32
    %eq3A_197 = vector.broadcast %eq3A_196 : i32 to vector<16xi32>
    %eq3A_198 = arith.cmpi eq, %min3A_101, %eq3A_197 : vector<16xi32>
    %select_n3A_199 = arith.select %eq3A_198, %min3A_38, %min3A_101 : vector<16xi1>, vector<16xi32>
    %eq3A_200 = arith.constant 63 : i32
    %eq3A_201 = vector.broadcast %eq3A_200 : i32 to vector<16xi32>
    %eq3A_202 = arith.cmpi eq, %min3A_110, %eq3A_201 : vector<16xi32>
    %select_n3A_203 = arith.select %eq3A_202, %min3A_38, %min3A_110 : vector<16xi1>, vector<16xi32>
    %eq3A_204 = arith.constant 63 : i32
    %eq3A_205 = vector.broadcast %eq3A_204 : i32 to vector<16xi32>
    %eq3A_206 = arith.cmpi eq, %min3A_119, %eq3A_205 : vector<16xi32>
    %select_n3A_207 = arith.select %eq3A_206, %min3A_38, %min3A_119 : vector<16xi1>, vector<16xi32>
    %eq3A_208 = arith.constant 63 : i32
    %eq3A_209 = vector.broadcast %eq3A_208 : i32 to vector<16xi32>
    %eq3A_210 = arith.cmpi eq, %min3A_128, %eq3A_209 : vector<16xi32>
    %select_n3A_211 = arith.select %eq3A_210, %min3A_38, %min3A_128 : vector<16xi1>, vector<16xi32>
    %eq3A_212 = arith.constant 63 : i32
    %eq3A_213 = vector.broadcast %eq3A_212 : i32 to vector<16xi32>
    %eq3A_214 = arith.cmpi eq, %min3A_137, %eq3A_213 : vector<16xi32>
    %select_n3A_215 = arith.select %eq3A_214, %min3A_38, %min3A_137 : vector<16xi1>, vector<16xi32>
    %eq3A_216 = arith.constant 63 : i32
    %eq3A_217 = vector.broadcast %eq3A_216 : i32 to vector<16xi32>
    %eq3A_218 = arith.cmpi eq, %min3A_146, %eq3A_217 : vector<16xi32>
    %select_n3A_219 = arith.select %eq3A_218, %min3A_38, %min3A_146 : vector<16xi1>, vector<16xi32>
    %eq3A_220 = arith.constant 63 : i32
    %eq3A_221 = vector.broadcast %eq3A_220 : i32 to vector<16xi32>
    %eq3A_222 = arith.cmpi eq, %min3A_155, %eq3A_221 : vector<16xi32>
    %select_n3A_223 = arith.select %eq3A_222, %min3A_38, %min3A_155 : vector<16xi1>, vector<16xi32>
    %eq3A_224 = arith.constant 63 : i32
    %eq3A_225 = vector.broadcast %eq3A_224 : i32 to vector<16xi32>
    %eq3A_226 = arith.cmpi eq, %min3A_164, %eq3A_225 : vector<16xi32>
    %select_n3A_227 = arith.select %eq3A_226, %min3A_38, %min3A_164 : vector<16xi1>, vector<16xi32>
    %eq3A_228 = arith.constant 63 : i32
    %eq3A_229 = vector.broadcast %eq3A_228 : i32 to vector<16xi32>
    %eq3A_230 = arith.cmpi eq, %min3A_173, %eq3A_229 : vector<16xi32>
    %select_n3A_231 = arith.select %eq3A_230, %min3A_38, %min3A_173 : vector<16xi1>, vector<16xi32>
    %broadcast_in_dim3A_232 = vector.shape_cast %min3A_38 : vector<16xi32> to vector<16x1xi32>
    %broadcast_in_dim3A_233 = vector.shape_cast %select_n3A : vector<16xi32> to vector<16x1xi32>
    %broadcast_in_dim3A_234 = vector.shape_cast %select_n3A_179 : vector<16xi32> to vector<16x1xi32>
    %broadcast_in_dim3A_235 = vector.shape_cast %select_n3A_183 : vector<16xi32> to vector<16x1xi32>
    %broadcast_in_dim3A_236 = vector.shape_cast %select_n3A_187 : vector<16xi32> to vector<16x1xi32>
    %broadcast_in_dim3A_237 = vector.shape_cast %select_n3A_191 : vector<16xi32> to vector<16x1xi32>
    %broadcast_in_dim3A_238 = vector.shape_cast %select_n3A_195 : vector<16xi32> to vector<16x1xi32>
    %broadcast_in_dim3A_239 = vector.shape_cast %select_n3A_199 : vector<16xi32> to vector<16x1xi32>
    %broadcast_in_dim3A_240 = vector.shape_cast %select_n3A_203 : vector<16xi32> to vector<16x1xi32>
    %broadcast_in_dim3A_241 = vector.shape_cast %select_n3A_207 : vector<16xi32> to vector<16x1xi32>
    %broadcast_in_dim3A_242 = vector.shape_cast %select_n3A_211 : vector<16xi32> to vector<16x1xi32>
    %broadcast_in_dim3A_243 = vector.shape_cast %select_n3A_215 : vector<16xi32> to vector<16x1xi32>
    %broadcast_in_dim3A_244 = vector.shape_cast %select_n3A_219 : vector<16xi32> to vector<16x1xi32>
    %broadcast_in_dim3A_245 = vector.shape_cast %select_n3A_223 : vector<16xi32> to vector<16x1xi32>
    %broadcast_in_dim3A_246 = vector.shape_cast %select_n3A_227 : vector<16xi32> to vector<16x1xi32>
    %broadcast_in_dim3A_247 = vector.shape_cast %select_n3A_231 : vector<16xi32> to vector<16x1xi32>
    %concatenate3A_248 = tpu.concatenate %broadcast_in_dim3A_232, %broadcast_in_dim3A_233, %broadcast_in_dim3A_234, %broadcast_in_dim3A_235, %broadcast_in_dim3A_236, %broadcast_in_dim3A_237, %broadcast_in_dim3A_238, %broadcast_in_dim3A_239, %broadcast_in_dim3A_240, %broadcast_in_dim3A_241, %broadcast_in_dim3A_242, %broadcast_in_dim3A_243, %broadcast_in_dim3A_244, %broadcast_in_dim3A_245, %broadcast_in_dim3A_246, %broadcast_in_dim3A_247 in 1 : vector<16x1xi32>, vector<16x1xi32>, vector<16x1xi32>, vector<16x1xi32>, vector<16x1xi32>, vector<16x1xi32>, vector<16x1xi32>, vector<16x1xi32>, vector<16x1xi32>, vector<16x1xi32>, vector<16x1xi32>, vector<16x1xi32>, vector<16x1xi32>, vector<16x1xi32>, vector<16x1xi32>, vector<16x1xi32> -> vector<16x16xi32>
    %swap3A = arith.constant 0 : index
    %swap3A_249 = arith.constant 0 : index
    %swap3A_250 = arith.constant 0 : index
    %swap3A_251 = vector.load %arg3[%swap3A, %swap3A_249, %swap3A_250] : memref<1x16x16xi32, #tpu.memory_space<vmem>>, vector<1x16x16xi32>
    %swap3A_252 = vector.shape_cast %swap3A_251 : vector<1x16x16xi32> to vector<16x16xi32>
    %swap3A_253 = vector.shape_cast %concatenate3A_248 : vector<16x16xi32> to vector<1x16x16xi32>
    tpu.vector_store %arg3[%swap3A, %swap3A_249, %swap3A_250], %swap3A_253 {strides = array<i32>} : memref<1x16x16xi32, #tpu.memory_space<vmem>>, vector<1x16x16xi32>,
    return
  }
  func.func @transform_0(%arg0: i32, %arg1: i32) -> (i32, i32, i32) {
    %c0_i32 = arith.constant 0 : i32
    %c0_i32_0 = arith.constant 0 : i32
    return %arg0, %arg1, %c0_i32 : i32, i32, i32
  }
  func.func @transform_1(%arg0: i32, %arg1: i32) -> (i32, i32, i32) {
    %c0_i32 = arith.constant 0 : i32
    %c0_i32_0 = arith.constant 0 : i32
    return %arg0, %arg1, %c0_i32 : i32, i32, i32
  }
}

module attributes {stable_mosaic.version = 14 : i64} {
  func.func @_ball_kernel(%arg0: i32, %arg1: i32, %arg2: memref<1x16x64xf32, #tpu.memory_space<vmem>>, %arg3: memref<1x16x32xi32, #tpu.memory_space<vmem>>) attributes {dimension_semantics = [#tpu.dimension_semantics<arbitrary>, #tpu.dimension_semantics<arbitrary>], iteration_bounds = array<i64: 8, 1>, scalar_prefetch = 0 : i64, scratch_operands = 0 : i64, tpu.core_type = #tpu.core_type<tc>, window_params = [{transform_indices = @transform_0, window_bounds = array<i64: 1, 16, 64>}, {transform_indices = @transform_1, window_bounds = array<i64: 1, 16, 32>}]} {
    %get3A = arith.constant 0 : index
    %get3A_0 = arith.constant 0 : index
    %get3A_1 = arith.constant 0 : index
    %get3A_2 = vector.load %arg2[%get3A, %get3A_0, %get3A_1] : memref<1x16x64xf32, #tpu.memory_space<vmem>>, vector<1x16x64xf32>
    %get3A_3 = vector.shape_cast %get3A_2 : vector<1x16x64xf32> to vector<16x64xf32>
    %gt3A = arith.constant 6.400000e-01 : f32
    %gt3A_4 = vector.broadcast %gt3A : f32 to vector<16x64xf32>
    %gt3A_5 = arith.cmpf ogt, %get3A_3, %gt3A_4 : vector<16x64xf32>
    %not3A = arith.constant dense<true> : vector<16x64xi1>
    %not3A_6 = arith.xori %gt3A_5, %not3A : vector<16x64xi1>
    %convert_element_type3A = arith.extui %not3A_6 : vector<16x64xi1> to vector<16x64xi32>
    %broadcast_in_dim3A = arith.constant 0 : i32
    %broadcast_in_dim3A_7 = vector.broadcast %broadcast_in_dim3A : i32 to vector<16x1xi32>
    %slice3A = vector.extract_strided_slice %convert_element_type3A {offsets = [0, 0], sizes = [16, 63], strides = [1, 1]} : vector<16x64xi32> to vector<16x63xi32>
    %concatenate3A = tpu.concatenate %broadcast_in_dim3A_7, %slice3A in 1 : vector<16x1xi32>, vector<16x63xi32> -> vector<16x64xi32>
    %add3A = arith.addi %convert_element_type3A, %concatenate3A : vector<16x64xi32>
    %broadcast_in_dim3A_8 = arith.constant 0 : i32
    %broadcast_in_dim3A_9 = vector.broadcast %broadcast_in_dim3A_8 : i32 to vector<16x2xi32>
    %slice3A_10 = vector.extract_strided_slice %add3A {offsets = [0, 0], sizes = [16, 62], strides = [1, 1]} : vector<16x64xi32> to vector<16x62xi32>
    %concatenate3A_11 = tpu.concatenate %broadcast_in_dim3A_9, %slice3A_10 in 1 : vector<16x2xi32>, vector<16x62xi32> -> vector<16x64xi32>
    %add3A_12 = arith.addi %add3A, %concatenate3A_11 : vector<16x64xi32>
    %broadcast_in_dim3A_13 = arith.constant 0 : i32
    %broadcast_in_dim3A_14 = vector.broadcast %broadcast_in_dim3A_13 : i32 to vector<16x4xi32>
    %slice3A_15 = vector.extract_strided_slice %add3A_12 {offsets = [0, 0], sizes = [16, 60], strides = [1, 1]} : vector<16x64xi32> to vector<16x60xi32>
    %concatenate3A_16 = tpu.concatenate %broadcast_in_dim3A_14, %slice3A_15 in 1 : vector<16x4xi32>, vector<16x60xi32> -> vector<16x64xi32>
    %add3A_17 = arith.addi %add3A_12, %concatenate3A_16 : vector<16x64xi32>
    %broadcast_in_dim3A_18 = arith.constant 0 : i32
    %broadcast_in_dim3A_19 = vector.broadcast %broadcast_in_dim3A_18 : i32 to vector<16x8xi32>
    %slice3A_20 = vector.extract_strided_slice %add3A_17 {offsets = [0, 0], sizes = [16, 56], strides = [1, 1]} : vector<16x64xi32> to vector<16x56xi32>
    %concatenate3A_21 = tpu.concatenate %broadcast_in_dim3A_19, %slice3A_20 in 1 : vector<16x8xi32>, vector<16x56xi32> -> vector<16x64xi32>
    %add3A_22 = arith.addi %add3A_17, %concatenate3A_21 : vector<16x64xi32>
    %broadcast_in_dim3A_23 = arith.constant 0 : i32
    %broadcast_in_dim3A_24 = vector.broadcast %broadcast_in_dim3A_23 : i32 to vector<16x16xi32>
    %slice3A_25 = vector.extract_strided_slice %add3A_22 {offsets = [0, 0], sizes = [16, 48], strides = [1, 1]} : vector<16x64xi32> to vector<16x48xi32>
    %concatenate3A_26 = tpu.concatenate %broadcast_in_dim3A_24, %slice3A_25 in 1 : vector<16x16xi32>, vector<16x48xi32> -> vector<16x64xi32>
    %add3A_27 = arith.addi %add3A_22, %concatenate3A_26 : vector<16x64xi32>
    %broadcast_in_dim3A_28 = arith.constant 0 : i32
    %broadcast_in_dim3A_29 = vector.broadcast %broadcast_in_dim3A_28 : i32 to vector<16x32xi32>
    %slice3A_30 = vector.extract_strided_slice %add3A_27 {offsets = [0, 0], sizes = [16, 32], strides = [1, 1]} : vector<16x64xi32> to vector<16x32xi32>
    %concatenate3A_31 = tpu.concatenate %broadcast_in_dim3A_29, %slice3A_30 in 1 : vector<16x32xi32>, vector<16x32xi32> -> vector<16x64xi32>
    %add3A_32 = arith.addi %add3A_27, %concatenate3A_31 : vector<16x64xi32>
    %le3A = arith.constant 0 : i32
    %le3A_33 = vector.broadcast %le3A : i32 to vector<16x64xi32>
    %le3A_34 = arith.cmpi sle, %add3A_32, %le3A_33 : vector<16x64xi32>
    %convert_element_type3A_35 = arith.extui %le3A_34 : vector<16x64xi1> to vector<16x64xi32>
    %reduce_sum3A = arith.constant dense<0> : vector<16xi32>
    %reduce_sum3A_36 = vector.multi_reduction <add>, %convert_element_type3A_35, %reduce_sum3A [1] : vector<16x64xi32> to vector<16xi32>
    %min3A = arith.constant 63 : i32
    %min3A_37 = vector.broadcast %min3A : i32 to vector<16xi32>
    %min3A_38 = arith.minsi %reduce_sum3A_36, %min3A_37 : vector<16xi32>
    %le3A_39 = arith.constant 1 : i32
    %le3A_40 = vector.broadcast %le3A_39 : i32 to vector<16x64xi32>
    %le3A_41 = arith.cmpi sle, %add3A_32, %le3A_40 : vector<16x64xi32>
    %convert_element_type3A_42 = arith.extui %le3A_41 : vector<16x64xi1> to vector<16x64xi32>
    %reduce_sum3A_43 = arith.constant dense<0> : vector<16xi32>
    %reduce_sum3A_44 = vector.multi_reduction <add>, %convert_element_type3A_42, %reduce_sum3A_43 [1] : vector<16x64xi32> to vector<16xi32>
    %min3A_45 = arith.constant 63 : i32
    %min3A_46 = vector.broadcast %min3A_45 : i32 to vector<16xi32>
    %min3A_47 = arith.minsi %reduce_sum3A_44, %min3A_46 : vector<16xi32>
    %le3A_48 = arith.constant 2 : i32
    %le3A_49 = vector.broadcast %le3A_48 : i32 to vector<16x64xi32>
    %le3A_50 = arith.cmpi sle, %add3A_32, %le3A_49 : vector<16x64xi32>
    %convert_element_type3A_51 = arith.extui %le3A_50 : vector<16x64xi1> to vector<16x64xi32>
    %reduce_sum3A_52 = arith.constant dense<0> : vector<16xi32>
    %reduce_sum3A_53 = vector.multi_reduction <add>, %convert_element_type3A_51, %reduce_sum3A_52 [1] : vector<16x64xi32> to vector<16xi32>
    %min3A_54 = arith.constant 63 : i32
    %min3A_55 = vector.broadcast %min3A_54 : i32 to vector<16xi32>
    %min3A_56 = arith.minsi %reduce_sum3A_53, %min3A_55 : vector<16xi32>
    %le3A_57 = arith.constant 3 : i32
    %le3A_58 = vector.broadcast %le3A_57 : i32 to vector<16x64xi32>
    %le3A_59 = arith.cmpi sle, %add3A_32, %le3A_58 : vector<16x64xi32>
    %convert_element_type3A_60 = arith.extui %le3A_59 : vector<16x64xi1> to vector<16x64xi32>
    %reduce_sum3A_61 = arith.constant dense<0> : vector<16xi32>
    %reduce_sum3A_62 = vector.multi_reduction <add>, %convert_element_type3A_60, %reduce_sum3A_61 [1] : vector<16x64xi32> to vector<16xi32>
    %min3A_63 = arith.constant 63 : i32
    %min3A_64 = vector.broadcast %min3A_63 : i32 to vector<16xi32>
    %min3A_65 = arith.minsi %reduce_sum3A_62, %min3A_64 : vector<16xi32>
    %le3A_66 = arith.constant 4 : i32
    %le3A_67 = vector.broadcast %le3A_66 : i32 to vector<16x64xi32>
    %le3A_68 = arith.cmpi sle, %add3A_32, %le3A_67 : vector<16x64xi32>
    %convert_element_type3A_69 = arith.extui %le3A_68 : vector<16x64xi1> to vector<16x64xi32>
    %reduce_sum3A_70 = arith.constant dense<0> : vector<16xi32>
    %reduce_sum3A_71 = vector.multi_reduction <add>, %convert_element_type3A_69, %reduce_sum3A_70 [1] : vector<16x64xi32> to vector<16xi32>
    %min3A_72 = arith.constant 63 : i32
    %min3A_73 = vector.broadcast %min3A_72 : i32 to vector<16xi32>
    %min3A_74 = arith.minsi %reduce_sum3A_71, %min3A_73 : vector<16xi32>
    %le3A_75 = arith.constant 5 : i32
    %le3A_76 = vector.broadcast %le3A_75 : i32 to vector<16x64xi32>
    %le3A_77 = arith.cmpi sle, %add3A_32, %le3A_76 : vector<16x64xi32>
    %convert_element_type3A_78 = arith.extui %le3A_77 : vector<16x64xi1> to vector<16x64xi32>
    %reduce_sum3A_79 = arith.constant dense<0> : vector<16xi32>
    %reduce_sum3A_80 = vector.multi_reduction <add>, %convert_element_type3A_78, %reduce_sum3A_79 [1] : vector<16x64xi32> to vector<16xi32>
    %min3A_81 = arith.constant 63 : i32
    %min3A_82 = vector.broadcast %min3A_81 : i32 to vector<16xi32>
    %min3A_83 = arith.minsi %reduce_sum3A_80, %min3A_82 : vector<16xi32>
    %le3A_84 = arith.constant 6 : i32
    %le3A_85 = vector.broadcast %le3A_84 : i32 to vector<16x64xi32>
    %le3A_86 = arith.cmpi sle, %add3A_32, %le3A_85 : vector<16x64xi32>
    %convert_element_type3A_87 = arith.extui %le3A_86 : vector<16x64xi1> to vector<16x64xi32>
    %reduce_sum3A_88 = arith.constant dense<0> : vector<16xi32>
    %reduce_sum3A_89 = vector.multi_reduction <add>, %convert_element_type3A_87, %reduce_sum3A_88 [1] : vector<16x64xi32> to vector<16xi32>
    %min3A_90 = arith.constant 63 : i32
    %min3A_91 = vector.broadcast %min3A_90 : i32 to vector<16xi32>
    %min3A_92 = arith.minsi %reduce_sum3A_89, %min3A_91 : vector<16xi32>
    %le3A_93 = arith.constant 7 : i32
    %le3A_94 = vector.broadcast %le3A_93 : i32 to vector<16x64xi32>
    %le3A_95 = arith.cmpi sle, %add3A_32, %le3A_94 : vector<16x64xi32>
    %convert_element_type3A_96 = arith.extui %le3A_95 : vector<16x64xi1> to vector<16x64xi32>
    %reduce_sum3A_97 = arith.constant dense<0> : vector<16xi32>
    %reduce_sum3A_98 = vector.multi_reduction <add>, %convert_element_type3A_96, %reduce_sum3A_97 [1] : vector<16x64xi32> to vector<16xi32>
    %min3A_99 = arith.constant 63 : i32
    %min3A_100 = vector.broadcast %min3A_99 : i32 to vector<16xi32>
    %min3A_101 = arith.minsi %reduce_sum3A_98, %min3A_100 : vector<16xi32>
    %le3A_102 = arith.constant 8 : i32
    %le3A_103 = vector.broadcast %le3A_102 : i32 to vector<16x64xi32>
    %le3A_104 = arith.cmpi sle, %add3A_32, %le3A_103 : vector<16x64xi32>
    %convert_element_type3A_105 = arith.extui %le3A_104 : vector<16x64xi1> to vector<16x64xi32>
    %reduce_sum3A_106 = arith.constant dense<0> : vector<16xi32>
    %reduce_sum3A_107 = vector.multi_reduction <add>, %convert_element_type3A_105, %reduce_sum3A_106 [1] : vector<16x64xi32> to vector<16xi32>
    %min3A_108 = arith.constant 63 : i32
    %min3A_109 = vector.broadcast %min3A_108 : i32 to vector<16xi32>
    %min3A_110 = arith.minsi %reduce_sum3A_107, %min3A_109 : vector<16xi32>
    %le3A_111 = arith.constant 9 : i32
    %le3A_112 = vector.broadcast %le3A_111 : i32 to vector<16x64xi32>
    %le3A_113 = arith.cmpi sle, %add3A_32, %le3A_112 : vector<16x64xi32>
    %convert_element_type3A_114 = arith.extui %le3A_113 : vector<16x64xi1> to vector<16x64xi32>
    %reduce_sum3A_115 = arith.constant dense<0> : vector<16xi32>
    %reduce_sum3A_116 = vector.multi_reduction <add>, %convert_element_type3A_114, %reduce_sum3A_115 [1] : vector<16x64xi32> to vector<16xi32>
    %min3A_117 = arith.constant 63 : i32
    %min3A_118 = vector.broadcast %min3A_117 : i32 to vector<16xi32>
    %min3A_119 = arith.minsi %reduce_sum3A_116, %min3A_118 : vector<16xi32>
    %le3A_120 = arith.constant 10 : i32
    %le3A_121 = vector.broadcast %le3A_120 : i32 to vector<16x64xi32>
    %le3A_122 = arith.cmpi sle, %add3A_32, %le3A_121 : vector<16x64xi32>
    %convert_element_type3A_123 = arith.extui %le3A_122 : vector<16x64xi1> to vector<16x64xi32>
    %reduce_sum3A_124 = arith.constant dense<0> : vector<16xi32>
    %reduce_sum3A_125 = vector.multi_reduction <add>, %convert_element_type3A_123, %reduce_sum3A_124 [1] : vector<16x64xi32> to vector<16xi32>
    %min3A_126 = arith.constant 63 : i32
    %min3A_127 = vector.broadcast %min3A_126 : i32 to vector<16xi32>
    %min3A_128 = arith.minsi %reduce_sum3A_125, %min3A_127 : vector<16xi32>
    %le3A_129 = arith.constant 11 : i32
    %le3A_130 = vector.broadcast %le3A_129 : i32 to vector<16x64xi32>
    %le3A_131 = arith.cmpi sle, %add3A_32, %le3A_130 : vector<16x64xi32>
    %convert_element_type3A_132 = arith.extui %le3A_131 : vector<16x64xi1> to vector<16x64xi32>
    %reduce_sum3A_133 = arith.constant dense<0> : vector<16xi32>
    %reduce_sum3A_134 = vector.multi_reduction <add>, %convert_element_type3A_132, %reduce_sum3A_133 [1] : vector<16x64xi32> to vector<16xi32>
    %min3A_135 = arith.constant 63 : i32
    %min3A_136 = vector.broadcast %min3A_135 : i32 to vector<16xi32>
    %min3A_137 = arith.minsi %reduce_sum3A_134, %min3A_136 : vector<16xi32>
    %le3A_138 = arith.constant 12 : i32
    %le3A_139 = vector.broadcast %le3A_138 : i32 to vector<16x64xi32>
    %le3A_140 = arith.cmpi sle, %add3A_32, %le3A_139 : vector<16x64xi32>
    %convert_element_type3A_141 = arith.extui %le3A_140 : vector<16x64xi1> to vector<16x64xi32>
    %reduce_sum3A_142 = arith.constant dense<0> : vector<16xi32>
    %reduce_sum3A_143 = vector.multi_reduction <add>, %convert_element_type3A_141, %reduce_sum3A_142 [1] : vector<16x64xi32> to vector<16xi32>
    %min3A_144 = arith.constant 63 : i32
    %min3A_145 = vector.broadcast %min3A_144 : i32 to vector<16xi32>
    %min3A_146 = arith.minsi %reduce_sum3A_143, %min3A_145 : vector<16xi32>
    %le3A_147 = arith.constant 13 : i32
    %le3A_148 = vector.broadcast %le3A_147 : i32 to vector<16x64xi32>
    %le3A_149 = arith.cmpi sle, %add3A_32, %le3A_148 : vector<16x64xi32>
    %convert_element_type3A_150 = arith.extui %le3A_149 : vector<16x64xi1> to vector<16x64xi32>
    %reduce_sum3A_151 = arith.constant dense<0> : vector<16xi32>
    %reduce_sum3A_152 = vector.multi_reduction <add>, %convert_element_type3A_150, %reduce_sum3A_151 [1] : vector<16x64xi32> to vector<16xi32>
    %min3A_153 = arith.constant 63 : i32
    %min3A_154 = vector.broadcast %min3A_153 : i32 to vector<16xi32>
    %min3A_155 = arith.minsi %reduce_sum3A_152, %min3A_154 : vector<16xi32>
    %le3A_156 = arith.constant 14 : i32
    %le3A_157 = vector.broadcast %le3A_156 : i32 to vector<16x64xi32>
    %le3A_158 = arith.cmpi sle, %add3A_32, %le3A_157 : vector<16x64xi32>
    %convert_element_type3A_159 = arith.extui %le3A_158 : vector<16x64xi1> to vector<16x64xi32>
    %reduce_sum3A_160 = arith.constant dense<0> : vector<16xi32>
    %reduce_sum3A_161 = vector.multi_reduction <add>, %convert_element_type3A_159, %reduce_sum3A_160 [1] : vector<16x64xi32> to vector<16xi32>
    %min3A_162 = arith.constant 63 : i32
    %min3A_163 = vector.broadcast %min3A_162 : i32 to vector<16xi32>
    %min3A_164 = arith.minsi %reduce_sum3A_161, %min3A_163 : vector<16xi32>
    %le3A_165 = arith.constant 15 : i32
    %le3A_166 = vector.broadcast %le3A_165 : i32 to vector<16x64xi32>
    %le3A_167 = arith.cmpi sle, %add3A_32, %le3A_166 : vector<16x64xi32>
    %convert_element_type3A_168 = arith.extui %le3A_167 : vector<16x64xi1> to vector<16x64xi32>
    %reduce_sum3A_169 = arith.constant dense<0> : vector<16xi32>
    %reduce_sum3A_170 = vector.multi_reduction <add>, %convert_element_type3A_168, %reduce_sum3A_169 [1] : vector<16x64xi32> to vector<16xi32>
    %min3A_171 = arith.constant 63 : i32
    %min3A_172 = vector.broadcast %min3A_171 : i32 to vector<16xi32>
    %min3A_173 = arith.minsi %reduce_sum3A_170, %min3A_172 : vector<16xi32>
    %le3A_174 = arith.constant 16 : i32
    %le3A_175 = vector.broadcast %le3A_174 : i32 to vector<16x64xi32>
    %le3A_176 = arith.cmpi sle, %add3A_32, %le3A_175 : vector<16x64xi32>
    %convert_element_type3A_177 = arith.extui %le3A_176 : vector<16x64xi1> to vector<16x64xi32>
    %reduce_sum3A_178 = arith.constant dense<0> : vector<16xi32>
    %reduce_sum3A_179 = vector.multi_reduction <add>, %convert_element_type3A_177, %reduce_sum3A_178 [1] : vector<16x64xi32> to vector<16xi32>
    %min3A_180 = arith.constant 63 : i32
    %min3A_181 = vector.broadcast %min3A_180 : i32 to vector<16xi32>
    %min3A_182 = arith.minsi %reduce_sum3A_179, %min3A_181 : vector<16xi32>
    %le3A_183 = arith.constant 17 : i32
    %le3A_184 = vector.broadcast %le3A_183 : i32 to vector<16x64xi32>
    %le3A_185 = arith.cmpi sle, %add3A_32, %le3A_184 : vector<16x64xi32>
    %convert_element_type3A_186 = arith.extui %le3A_185 : vector<16x64xi1> to vector<16x64xi32>
    %reduce_sum3A_187 = arith.constant dense<0> : vector<16xi32>
    %reduce_sum3A_188 = vector.multi_reduction <add>, %convert_element_type3A_186, %reduce_sum3A_187 [1] : vector<16x64xi32> to vector<16xi32>
    %min3A_189 = arith.constant 63 : i32
    %min3A_190 = vector.broadcast %min3A_189 : i32 to vector<16xi32>
    %min3A_191 = arith.minsi %reduce_sum3A_188, %min3A_190 : vector<16xi32>
    %le3A_192 = arith.constant 18 : i32
    %le3A_193 = vector.broadcast %le3A_192 : i32 to vector<16x64xi32>
    %le3A_194 = arith.cmpi sle, %add3A_32, %le3A_193 : vector<16x64xi32>
    %convert_element_type3A_195 = arith.extui %le3A_194 : vector<16x64xi1> to vector<16x64xi32>
    %reduce_sum3A_196 = arith.constant dense<0> : vector<16xi32>
    %reduce_sum3A_197 = vector.multi_reduction <add>, %convert_element_type3A_195, %reduce_sum3A_196 [1] : vector<16x64xi32> to vector<16xi32>
    %min3A_198 = arith.constant 63 : i32
    %min3A_199 = vector.broadcast %min3A_198 : i32 to vector<16xi32>
    %min3A_200 = arith.minsi %reduce_sum3A_197, %min3A_199 : vector<16xi32>
    %le3A_201 = arith.constant 19 : i32
    %le3A_202 = vector.broadcast %le3A_201 : i32 to vector<16x64xi32>
    %le3A_203 = arith.cmpi sle, %add3A_32, %le3A_202 : vector<16x64xi32>
    %convert_element_type3A_204 = arith.extui %le3A_203 : vector<16x64xi1> to vector<16x64xi32>
    %reduce_sum3A_205 = arith.constant dense<0> : vector<16xi32>
    %reduce_sum3A_206 = vector.multi_reduction <add>, %convert_element_type3A_204, %reduce_sum3A_205 [1] : vector<16x64xi32> to vector<16xi32>
    %min3A_207 = arith.constant 63 : i32
    %min3A_208 = vector.broadcast %min3A_207 : i32 to vector<16xi32>
    %min3A_209 = arith.minsi %reduce_sum3A_206, %min3A_208 : vector<16xi32>
    %le3A_210 = arith.constant 20 : i32
    %le3A_211 = vector.broadcast %le3A_210 : i32 to vector<16x64xi32>
    %le3A_212 = arith.cmpi sle, %add3A_32, %le3A_211 : vector<16x64xi32>
    %convert_element_type3A_213 = arith.extui %le3A_212 : vector<16x64xi1> to vector<16x64xi32>
    %reduce_sum3A_214 = arith.constant dense<0> : vector<16xi32>
    %reduce_sum3A_215 = vector.multi_reduction <add>, %convert_element_type3A_213, %reduce_sum3A_214 [1] : vector<16x64xi32> to vector<16xi32>
    %min3A_216 = arith.constant 63 : i32
    %min3A_217 = vector.broadcast %min3A_216 : i32 to vector<16xi32>
    %min3A_218 = arith.minsi %reduce_sum3A_215, %min3A_217 : vector<16xi32>
    %le3A_219 = arith.constant 21 : i32
    %le3A_220 = vector.broadcast %le3A_219 : i32 to vector<16x64xi32>
    %le3A_221 = arith.cmpi sle, %add3A_32, %le3A_220 : vector<16x64xi32>
    %convert_element_type3A_222 = arith.extui %le3A_221 : vector<16x64xi1> to vector<16x64xi32>
    %reduce_sum3A_223 = arith.constant dense<0> : vector<16xi32>
    %reduce_sum3A_224 = vector.multi_reduction <add>, %convert_element_type3A_222, %reduce_sum3A_223 [1] : vector<16x64xi32> to vector<16xi32>
    %min3A_225 = arith.constant 63 : i32
    %min3A_226 = vector.broadcast %min3A_225 : i32 to vector<16xi32>
    %min3A_227 = arith.minsi %reduce_sum3A_224, %min3A_226 : vector<16xi32>
    %le3A_228 = arith.constant 22 : i32
    %le3A_229 = vector.broadcast %le3A_228 : i32 to vector<16x64xi32>
    %le3A_230 = arith.cmpi sle, %add3A_32, %le3A_229 : vector<16x64xi32>
    %convert_element_type3A_231 = arith.extui %le3A_230 : vector<16x64xi1> to vector<16x64xi32>
    %reduce_sum3A_232 = arith.constant dense<0> : vector<16xi32>
    %reduce_sum3A_233 = vector.multi_reduction <add>, %convert_element_type3A_231, %reduce_sum3A_232 [1] : vector<16x64xi32> to vector<16xi32>
    %min3A_234 = arith.constant 63 : i32
    %min3A_235 = vector.broadcast %min3A_234 : i32 to vector<16xi32>
    %min3A_236 = arith.minsi %reduce_sum3A_233, %min3A_235 : vector<16xi32>
    %le3A_237 = arith.constant 23 : i32
    %le3A_238 = vector.broadcast %le3A_237 : i32 to vector<16x64xi32>
    %le3A_239 = arith.cmpi sle, %add3A_32, %le3A_238 : vector<16x64xi32>
    %convert_element_type3A_240 = arith.extui %le3A_239 : vector<16x64xi1> to vector<16x64xi32>
    %reduce_sum3A_241 = arith.constant dense<0> : vector<16xi32>
    %reduce_sum3A_242 = vector.multi_reduction <add>, %convert_element_type3A_240, %reduce_sum3A_241 [1] : vector<16x64xi32> to vector<16xi32>
    %min3A_243 = arith.constant 63 : i32
    %min3A_244 = vector.broadcast %min3A_243 : i32 to vector<16xi32>
    %min3A_245 = arith.minsi %reduce_sum3A_242, %min3A_244 : vector<16xi32>
    %le3A_246 = arith.constant 24 : i32
    %le3A_247 = vector.broadcast %le3A_246 : i32 to vector<16x64xi32>
    %le3A_248 = arith.cmpi sle, %add3A_32, %le3A_247 : vector<16x64xi32>
    %convert_element_type3A_249 = arith.extui %le3A_248 : vector<16x64xi1> to vector<16x64xi32>
    %reduce_sum3A_250 = arith.constant dense<0> : vector<16xi32>
    %reduce_sum3A_251 = vector.multi_reduction <add>, %convert_element_type3A_249, %reduce_sum3A_250 [1] : vector<16x64xi32> to vector<16xi32>
    %min3A_252 = arith.constant 63 : i32
    %min3A_253 = vector.broadcast %min3A_252 : i32 to vector<16xi32>
    %min3A_254 = arith.minsi %reduce_sum3A_251, %min3A_253 : vector<16xi32>
    %le3A_255 = arith.constant 25 : i32
    %le3A_256 = vector.broadcast %le3A_255 : i32 to vector<16x64xi32>
    %le3A_257 = arith.cmpi sle, %add3A_32, %le3A_256 : vector<16x64xi32>
    %convert_element_type3A_258 = arith.extui %le3A_257 : vector<16x64xi1> to vector<16x64xi32>
    %reduce_sum3A_259 = arith.constant dense<0> : vector<16xi32>
    %reduce_sum3A_260 = vector.multi_reduction <add>, %convert_element_type3A_258, %reduce_sum3A_259 [1] : vector<16x64xi32> to vector<16xi32>
    %min3A_261 = arith.constant 63 : i32
    %min3A_262 = vector.broadcast %min3A_261 : i32 to vector<16xi32>
    %min3A_263 = arith.minsi %reduce_sum3A_260, %min3A_262 : vector<16xi32>
    %le3A_264 = arith.constant 26 : i32
    %le3A_265 = vector.broadcast %le3A_264 : i32 to vector<16x64xi32>
    %le3A_266 = arith.cmpi sle, %add3A_32, %le3A_265 : vector<16x64xi32>
    %convert_element_type3A_267 = arith.extui %le3A_266 : vector<16x64xi1> to vector<16x64xi32>
    %reduce_sum3A_268 = arith.constant dense<0> : vector<16xi32>
    %reduce_sum3A_269 = vector.multi_reduction <add>, %convert_element_type3A_267, %reduce_sum3A_268 [1] : vector<16x64xi32> to vector<16xi32>
    %min3A_270 = arith.constant 63 : i32
    %min3A_271 = vector.broadcast %min3A_270 : i32 to vector<16xi32>
    %min3A_272 = arith.minsi %reduce_sum3A_269, %min3A_271 : vector<16xi32>
    %le3A_273 = arith.constant 27 : i32
    %le3A_274 = vector.broadcast %le3A_273 : i32 to vector<16x64xi32>
    %le3A_275 = arith.cmpi sle, %add3A_32, %le3A_274 : vector<16x64xi32>
    %convert_element_type3A_276 = arith.extui %le3A_275 : vector<16x64xi1> to vector<16x64xi32>
    %reduce_sum3A_277 = arith.constant dense<0> : vector<16xi32>
    %reduce_sum3A_278 = vector.multi_reduction <add>, %convert_element_type3A_276, %reduce_sum3A_277 [1] : vector<16x64xi32> to vector<16xi32>
    %min3A_279 = arith.constant 63 : i32
    %min3A_280 = vector.broadcast %min3A_279 : i32 to vector<16xi32>
    %min3A_281 = arith.minsi %reduce_sum3A_278, %min3A_280 : vector<16xi32>
    %le3A_282 = arith.constant 28 : i32
    %le3A_283 = vector.broadcast %le3A_282 : i32 to vector<16x64xi32>
    %le3A_284 = arith.cmpi sle, %add3A_32, %le3A_283 : vector<16x64xi32>
    %convert_element_type3A_285 = arith.extui %le3A_284 : vector<16x64xi1> to vector<16x64xi32>
    %reduce_sum3A_286 = arith.constant dense<0> : vector<16xi32>
    %reduce_sum3A_287 = vector.multi_reduction <add>, %convert_element_type3A_285, %reduce_sum3A_286 [1] : vector<16x64xi32> to vector<16xi32>
    %min3A_288 = arith.constant 63 : i32
    %min3A_289 = vector.broadcast %min3A_288 : i32 to vector<16xi32>
    %min3A_290 = arith.minsi %reduce_sum3A_287, %min3A_289 : vector<16xi32>
    %le3A_291 = arith.constant 29 : i32
    %le3A_292 = vector.broadcast %le3A_291 : i32 to vector<16x64xi32>
    %le3A_293 = arith.cmpi sle, %add3A_32, %le3A_292 : vector<16x64xi32>
    %convert_element_type3A_294 = arith.extui %le3A_293 : vector<16x64xi1> to vector<16x64xi32>
    %reduce_sum3A_295 = arith.constant dense<0> : vector<16xi32>
    %reduce_sum3A_296 = vector.multi_reduction <add>, %convert_element_type3A_294, %reduce_sum3A_295 [1] : vector<16x64xi32> to vector<16xi32>
    %min3A_297 = arith.constant 63 : i32
    %min3A_298 = vector.broadcast %min3A_297 : i32 to vector<16xi32>
    %min3A_299 = arith.minsi %reduce_sum3A_296, %min3A_298 : vector<16xi32>
    %le3A_300 = arith.constant 30 : i32
    %le3A_301 = vector.broadcast %le3A_300 : i32 to vector<16x64xi32>
    %le3A_302 = arith.cmpi sle, %add3A_32, %le3A_301 : vector<16x64xi32>
    %convert_element_type3A_303 = arith.extui %le3A_302 : vector<16x64xi1> to vector<16x64xi32>
    %reduce_sum3A_304 = arith.constant dense<0> : vector<16xi32>
    %reduce_sum3A_305 = vector.multi_reduction <add>, %convert_element_type3A_303, %reduce_sum3A_304 [1] : vector<16x64xi32> to vector<16xi32>
    %min3A_306 = arith.constant 63 : i32
    %min3A_307 = vector.broadcast %min3A_306 : i32 to vector<16xi32>
    %min3A_308 = arith.minsi %reduce_sum3A_305, %min3A_307 : vector<16xi32>
    %le3A_309 = arith.constant 31 : i32
    %le3A_310 = vector.broadcast %le3A_309 : i32 to vector<16x64xi32>
    %le3A_311 = arith.cmpi sle, %add3A_32, %le3A_310 : vector<16x64xi32>
    %convert_element_type3A_312 = arith.extui %le3A_311 : vector<16x64xi1> to vector<16x64xi32>
    %reduce_sum3A_313 = arith.constant dense<0> : vector<16xi32>
    %reduce_sum3A_314 = vector.multi_reduction <add>, %convert_element_type3A_312, %reduce_sum3A_313 [1] : vector<16x64xi32> to vector<16xi32>
    %min3A_315 = arith.constant 63 : i32
    %min3A_316 = vector.broadcast %min3A_315 : i32 to vector<16xi32>
    %min3A_317 = arith.minsi %reduce_sum3A_314, %min3A_316 : vector<16xi32>
    %eq3A = arith.constant 63 : i32
    %eq3A_318 = vector.broadcast %eq3A : i32 to vector<16xi32>
    %eq3A_319 = arith.cmpi eq, %min3A_47, %eq3A_318 : vector<16xi32>
    %select_n3A = arith.select %eq3A_319, %min3A_38, %min3A_47 : vector<16xi1>, vector<16xi32>
    %eq3A_320 = arith.constant 63 : i32
    %eq3A_321 = vector.broadcast %eq3A_320 : i32 to vector<16xi32>
    %eq3A_322 = arith.cmpi eq, %min3A_56, %eq3A_321 : vector<16xi32>
    %select_n3A_323 = arith.select %eq3A_322, %min3A_38, %min3A_56 : vector<16xi1>, vector<16xi32>
    %eq3A_324 = arith.constant 63 : i32
    %eq3A_325 = vector.broadcast %eq3A_324 : i32 to vector<16xi32>
    %eq3A_326 = arith.cmpi eq, %min3A_65, %eq3A_325 : vector<16xi32>
    %select_n3A_327 = arith.select %eq3A_326, %min3A_38, %min3A_65 : vector<16xi1>, vector<16xi32>
    %eq3A_328 = arith.constant 63 : i32
    %eq3A_329 = vector.broadcast %eq3A_328 : i32 to vector<16xi32>
    %eq3A_330 = arith.cmpi eq, %min3A_74, %eq3A_329 : vector<16xi32>
    %select_n3A_331 = arith.select %eq3A_330, %min3A_38, %min3A_74 : vector<16xi1>, vector<16xi32>
    %eq3A_332 = arith.constant 63 : i32
    %eq3A_333 = vector.broadcast %eq3A_332 : i32 to vector<16xi32>
    %eq3A_334 = arith.cmpi eq, %min3A_83, %eq3A_333 : vector<16xi32>
    %select_n3A_335 = arith.select %eq3A_334, %min3A_38, %min3A_83 : vector<16xi1>, vector<16xi32>
    %eq3A_336 = arith.constant 63 : i32
    %eq3A_337 = vector.broadcast %eq3A_336 : i32 to vector<16xi32>
    %eq3A_338 = arith.cmpi eq, %min3A_92, %eq3A_337 : vector<16xi32>
    %select_n3A_339 = arith.select %eq3A_338, %min3A_38, %min3A_92 : vector<16xi1>, vector<16xi32>
    %eq3A_340 = arith.constant 63 : i32
    %eq3A_341 = vector.broadcast %eq3A_340 : i32 to vector<16xi32>
    %eq3A_342 = arith.cmpi eq, %min3A_101, %eq3A_341 : vector<16xi32>
    %select_n3A_343 = arith.select %eq3A_342, %min3A_38, %min3A_101 : vector<16xi1>, vector<16xi32>
    %eq3A_344 = arith.constant 63 : i32
    %eq3A_345 = vector.broadcast %eq3A_344 : i32 to vector<16xi32>
    %eq3A_346 = arith.cmpi eq, %min3A_110, %eq3A_345 : vector<16xi32>
    %select_n3A_347 = arith.select %eq3A_346, %min3A_38, %min3A_110 : vector<16xi1>, vector<16xi32>
    %eq3A_348 = arith.constant 63 : i32
    %eq3A_349 = vector.broadcast %eq3A_348 : i32 to vector<16xi32>
    %eq3A_350 = arith.cmpi eq, %min3A_119, %eq3A_349 : vector<16xi32>
    %select_n3A_351 = arith.select %eq3A_350, %min3A_38, %min3A_119 : vector<16xi1>, vector<16xi32>
    %eq3A_352 = arith.constant 63 : i32
    %eq3A_353 = vector.broadcast %eq3A_352 : i32 to vector<16xi32>
    %eq3A_354 = arith.cmpi eq, %min3A_128, %eq3A_353 : vector<16xi32>
    %select_n3A_355 = arith.select %eq3A_354, %min3A_38, %min3A_128 : vector<16xi1>, vector<16xi32>
    %eq3A_356 = arith.constant 63 : i32
    %eq3A_357 = vector.broadcast %eq3A_356 : i32 to vector<16xi32>
    %eq3A_358 = arith.cmpi eq, %min3A_137, %eq3A_357 : vector<16xi32>
    %select_n3A_359 = arith.select %eq3A_358, %min3A_38, %min3A_137 : vector<16xi1>, vector<16xi32>
    %eq3A_360 = arith.constant 63 : i32
    %eq3A_361 = vector.broadcast %eq3A_360 : i32 to vector<16xi32>
    %eq3A_362 = arith.cmpi eq, %min3A_146, %eq3A_361 : vector<16xi32>
    %select_n3A_363 = arith.select %eq3A_362, %min3A_38, %min3A_146 : vector<16xi1>, vector<16xi32>
    %eq3A_364 = arith.constant 63 : i32
    %eq3A_365 = vector.broadcast %eq3A_364 : i32 to vector<16xi32>
    %eq3A_366 = arith.cmpi eq, %min3A_155, %eq3A_365 : vector<16xi32>
    %select_n3A_367 = arith.select %eq3A_366, %min3A_38, %min3A_155 : vector<16xi1>, vector<16xi32>
    %eq3A_368 = arith.constant 63 : i32
    %eq3A_369 = vector.broadcast %eq3A_368 : i32 to vector<16xi32>
    %eq3A_370 = arith.cmpi eq, %min3A_164, %eq3A_369 : vector<16xi32>
    %select_n3A_371 = arith.select %eq3A_370, %min3A_38, %min3A_164 : vector<16xi1>, vector<16xi32>
    %eq3A_372 = arith.constant 63 : i32
    %eq3A_373 = vector.broadcast %eq3A_372 : i32 to vector<16xi32>
    %eq3A_374 = arith.cmpi eq, %min3A_173, %eq3A_373 : vector<16xi32>
    %select_n3A_375 = arith.select %eq3A_374, %min3A_38, %min3A_173 : vector<16xi1>, vector<16xi32>
    %eq3A_376 = arith.constant 63 : i32
    %eq3A_377 = vector.broadcast %eq3A_376 : i32 to vector<16xi32>
    %eq3A_378 = arith.cmpi eq, %min3A_182, %eq3A_377 : vector<16xi32>
    %select_n3A_379 = arith.select %eq3A_378, %min3A_38, %min3A_182 : vector<16xi1>, vector<16xi32>
    %eq3A_380 = arith.constant 63 : i32
    %eq3A_381 = vector.broadcast %eq3A_380 : i32 to vector<16xi32>
    %eq3A_382 = arith.cmpi eq, %min3A_191, %eq3A_381 : vector<16xi32>
    %select_n3A_383 = arith.select %eq3A_382, %min3A_38, %min3A_191 : vector<16xi1>, vector<16xi32>
    %eq3A_384 = arith.constant 63 : i32
    %eq3A_385 = vector.broadcast %eq3A_384 : i32 to vector<16xi32>
    %eq3A_386 = arith.cmpi eq, %min3A_200, %eq3A_385 : vector<16xi32>
    %select_n3A_387 = arith.select %eq3A_386, %min3A_38, %min3A_200 : vector<16xi1>, vector<16xi32>
    %eq3A_388 = arith.constant 63 : i32
    %eq3A_389 = vector.broadcast %eq3A_388 : i32 to vector<16xi32>
    %eq3A_390 = arith.cmpi eq, %min3A_209, %eq3A_389 : vector<16xi32>
    %select_n3A_391 = arith.select %eq3A_390, %min3A_38, %min3A_209 : vector<16xi1>, vector<16xi32>
    %eq3A_392 = arith.constant 63 : i32
    %eq3A_393 = vector.broadcast %eq3A_392 : i32 to vector<16xi32>
    %eq3A_394 = arith.cmpi eq, %min3A_218, %eq3A_393 : vector<16xi32>
    %select_n3A_395 = arith.select %eq3A_394, %min3A_38, %min3A_218 : vector<16xi1>, vector<16xi32>
    %eq3A_396 = arith.constant 63 : i32
    %eq3A_397 = vector.broadcast %eq3A_396 : i32 to vector<16xi32>
    %eq3A_398 = arith.cmpi eq, %min3A_227, %eq3A_397 : vector<16xi32>
    %select_n3A_399 = arith.select %eq3A_398, %min3A_38, %min3A_227 : vector<16xi1>, vector<16xi32>
    %eq3A_400 = arith.constant 63 : i32
    %eq3A_401 = vector.broadcast %eq3A_400 : i32 to vector<16xi32>
    %eq3A_402 = arith.cmpi eq, %min3A_236, %eq3A_401 : vector<16xi32>
    %select_n3A_403 = arith.select %eq3A_402, %min3A_38, %min3A_236 : vector<16xi1>, vector<16xi32>
    %eq3A_404 = arith.constant 63 : i32
    %eq3A_405 = vector.broadcast %eq3A_404 : i32 to vector<16xi32>
    %eq3A_406 = arith.cmpi eq, %min3A_245, %eq3A_405 : vector<16xi32>
    %select_n3A_407 = arith.select %eq3A_406, %min3A_38, %min3A_245 : vector<16xi1>, vector<16xi32>
    %eq3A_408 = arith.constant 63 : i32
    %eq3A_409 = vector.broadcast %eq3A_408 : i32 to vector<16xi32>
    %eq3A_410 = arith.cmpi eq, %min3A_254, %eq3A_409 : vector<16xi32>
    %select_n3A_411 = arith.select %eq3A_410, %min3A_38, %min3A_254 : vector<16xi1>, vector<16xi32>
    %eq3A_412 = arith.constant 63 : i32
    %eq3A_413 = vector.broadcast %eq3A_412 : i32 to vector<16xi32>
    %eq3A_414 = arith.cmpi eq, %min3A_263, %eq3A_413 : vector<16xi32>
    %select_n3A_415 = arith.select %eq3A_414, %min3A_38, %min3A_263 : vector<16xi1>, vector<16xi32>
    %eq3A_416 = arith.constant 63 : i32
    %eq3A_417 = vector.broadcast %eq3A_416 : i32 to vector<16xi32>
    %eq3A_418 = arith.cmpi eq, %min3A_272, %eq3A_417 : vector<16xi32>
    %select_n3A_419 = arith.select %eq3A_418, %min3A_38, %min3A_272 : vector<16xi1>, vector<16xi32>
    %eq3A_420 = arith.constant 63 : i32
    %eq3A_421 = vector.broadcast %eq3A_420 : i32 to vector<16xi32>
    %eq3A_422 = arith.cmpi eq, %min3A_281, %eq3A_421 : vector<16xi32>
    %select_n3A_423 = arith.select %eq3A_422, %min3A_38, %min3A_281 : vector<16xi1>, vector<16xi32>
    %eq3A_424 = arith.constant 63 : i32
    %eq3A_425 = vector.broadcast %eq3A_424 : i32 to vector<16xi32>
    %eq3A_426 = arith.cmpi eq, %min3A_290, %eq3A_425 : vector<16xi32>
    %select_n3A_427 = arith.select %eq3A_426, %min3A_38, %min3A_290 : vector<16xi1>, vector<16xi32>
    %eq3A_428 = arith.constant 63 : i32
    %eq3A_429 = vector.broadcast %eq3A_428 : i32 to vector<16xi32>
    %eq3A_430 = arith.cmpi eq, %min3A_299, %eq3A_429 : vector<16xi32>
    %select_n3A_431 = arith.select %eq3A_430, %min3A_38, %min3A_299 : vector<16xi1>, vector<16xi32>
    %eq3A_432 = arith.constant 63 : i32
    %eq3A_433 = vector.broadcast %eq3A_432 : i32 to vector<16xi32>
    %eq3A_434 = arith.cmpi eq, %min3A_308, %eq3A_433 : vector<16xi32>
    %select_n3A_435 = arith.select %eq3A_434, %min3A_38, %min3A_308 : vector<16xi1>, vector<16xi32>
    %eq3A_436 = arith.constant 63 : i32
    %eq3A_437 = vector.broadcast %eq3A_436 : i32 to vector<16xi32>
    %eq3A_438 = arith.cmpi eq, %min3A_317, %eq3A_437 : vector<16xi32>
    %select_n3A_439 = arith.select %eq3A_438, %min3A_38, %min3A_317 : vector<16xi1>, vector<16xi32>
    %broadcast_in_dim3A_440 = vector.shape_cast %min3A_38 : vector<16xi32> to vector<16x1xi32>
    %broadcast_in_dim3A_441 = vector.shape_cast %select_n3A : vector<16xi32> to vector<16x1xi32>
    %broadcast_in_dim3A_442 = vector.shape_cast %select_n3A_323 : vector<16xi32> to vector<16x1xi32>
    %broadcast_in_dim3A_443 = vector.shape_cast %select_n3A_327 : vector<16xi32> to vector<16x1xi32>
    %broadcast_in_dim3A_444 = vector.shape_cast %select_n3A_331 : vector<16xi32> to vector<16x1xi32>
    %broadcast_in_dim3A_445 = vector.shape_cast %select_n3A_335 : vector<16xi32> to vector<16x1xi32>
    %broadcast_in_dim3A_446 = vector.shape_cast %select_n3A_339 : vector<16xi32> to vector<16x1xi32>
    %broadcast_in_dim3A_447 = vector.shape_cast %select_n3A_343 : vector<16xi32> to vector<16x1xi32>
    %broadcast_in_dim3A_448 = vector.shape_cast %select_n3A_347 : vector<16xi32> to vector<16x1xi32>
    %broadcast_in_dim3A_449 = vector.shape_cast %select_n3A_351 : vector<16xi32> to vector<16x1xi32>
    %broadcast_in_dim3A_450 = vector.shape_cast %select_n3A_355 : vector<16xi32> to vector<16x1xi32>
    %broadcast_in_dim3A_451 = vector.shape_cast %select_n3A_359 : vector<16xi32> to vector<16x1xi32>
    %broadcast_in_dim3A_452 = vector.shape_cast %select_n3A_363 : vector<16xi32> to vector<16x1xi32>
    %broadcast_in_dim3A_453 = vector.shape_cast %select_n3A_367 : vector<16xi32> to vector<16x1xi32>
    %broadcast_in_dim3A_454 = vector.shape_cast %select_n3A_371 : vector<16xi32> to vector<16x1xi32>
    %broadcast_in_dim3A_455 = vector.shape_cast %select_n3A_375 : vector<16xi32> to vector<16x1xi32>
    %broadcast_in_dim3A_456 = vector.shape_cast %select_n3A_379 : vector<16xi32> to vector<16x1xi32>
    %broadcast_in_dim3A_457 = vector.shape_cast %select_n3A_383 : vector<16xi32> to vector<16x1xi32>
    %broadcast_in_dim3A_458 = vector.shape_cast %select_n3A_387 : vector<16xi32> to vector<16x1xi32>
    %broadcast_in_dim3A_459 = vector.shape_cast %select_n3A_391 : vector<16xi32> to vector<16x1xi32>
    %broadcast_in_dim3A_460 = vector.shape_cast %select_n3A_395 : vector<16xi32> to vector<16x1xi32>
    %broadcast_in_dim3A_461 = vector.shape_cast %select_n3A_399 : vector<16xi32> to vector<16x1xi32>
    %broadcast_in_dim3A_462 = vector.shape_cast %select_n3A_403 : vector<16xi32> to vector<16x1xi32>
    %broadcast_in_dim3A_463 = vector.shape_cast %select_n3A_407 : vector<16xi32> to vector<16x1xi32>
    %broadcast_in_dim3A_464 = vector.shape_cast %select_n3A_411 : vector<16xi32> to vector<16x1xi32>
    %broadcast_in_dim3A_465 = vector.shape_cast %select_n3A_415 : vector<16xi32> to vector<16x1xi32>
    %broadcast_in_dim3A_466 = vector.shape_cast %select_n3A_419 : vector<16xi32> to vector<16x1xi32>
    %broadcast_in_dim3A_467 = vector.shape_cast %select_n3A_423 : vector<16xi32> to vector<16x1xi32>
    %broadcast_in_dim3A_468 = vector.shape_cast %select_n3A_427 : vector<16xi32> to vector<16x1xi32>
    %broadcast_in_dim3A_469 = vector.shape_cast %select_n3A_431 : vector<16xi32> to vector<16x1xi32>
    %broadcast_in_dim3A_470 = vector.shape_cast %select_n3A_435 : vector<16xi32> to vector<16x1xi32>
    %broadcast_in_dim3A_471 = vector.shape_cast %select_n3A_439 : vector<16xi32> to vector<16x1xi32>
    %concatenate3A_472 = tpu.concatenate %broadcast_in_dim3A_440, %broadcast_in_dim3A_441, %broadcast_in_dim3A_442, %broadcast_in_dim3A_443, %broadcast_in_dim3A_444, %broadcast_in_dim3A_445, %broadcast_in_dim3A_446, %broadcast_in_dim3A_447, %broadcast_in_dim3A_448, %broadcast_in_dim3A_449, %broadcast_in_dim3A_450, %broadcast_in_dim3A_451, %broadcast_in_dim3A_452, %broadcast_in_dim3A_453, %broadcast_in_dim3A_454, %broadcast_in_dim3A_455, %broadcast_in_dim3A_456, %broadcast_in_dim3A_457, %broadcast_in_dim3A_458, %broadcast_in_dim3A_459, %broadcast_in_dim3A_460, %broadcast_in_dim3A_461, %broadcast_in_dim3A_462, %broadcast_in_dim3A_463, %broadcast_in_dim3A_464, %broadcast_in_dim3A_465, %broadcast_in_dim3A_466, %broadcast_in_dim3A_467, %broadcast_in_dim3A_468, %broadcast_in_dim3A_469, %broadcast_in_dim3A_470, %broadcast_in_dim3A_471 in 1 : vector<16x1xi32>, vector<16x1xi32>, vector<16x1xi32>, vector<16x1xi32>, vector<16x1xi32>, vector<16x1xi32>, vector<16x1xi32>, vector<16x1xi32>, vector<16x1xi32>, vector<16x1xi32>, vector<16x1xi32>, vector<16x1xi32>, vector<16x1xi32>, vector<16x1xi32>, vector<16x1xi32>, vector<16x1xi32>, vector<16x1xi32>, vector<16x1xi32>, vector<16x1xi32>, vector<16x1xi32>, vector<16x1xi32>, vector<16x1xi32>, vector<16x1xi32>, vector<16x1xi32>, vector<16x1xi32>, vector<16x1xi32>, vector<16x1xi32>, vector<16x1xi32>, vector<16x1xi32>, vector<16x1xi32>, vector<16x1xi32>, vector<16x1xi32> -> vector<16x32xi32>
    %swap3A = arith.constant 0 : index
    %swap3A_473 = arith.constant 0 : index
    %swap3A_474 = arith.constant 0 : index
    %swap3A_475 = vector.load %arg3[%swap3A, %swap3A_473, %swap3A_474] : memref<1x16x32xi32, #tpu.memory_space<vmem>>, vector<1x16x32xi32>
    %swap3A_476 = vector.shape_cast %swap3A_475 : vector<1x16x32xi32> to vector<16x32xi32>
    %swap3A_477 = vector.shape_cast %concatenate3A_472 : vector<16x32xi32> to vector<1x16x32xi32>
    tpu.vector_store %arg3[%swap3A, %swap3A_473, %swap3A_474], %swap3A_477 {strides = array<i32>} : memref<1x16x32xi32, #tpu.memory_space<vmem>>, vector<1x16x32xi32>,
    return
  }
  func.func @transform_0(%arg0: i32, %arg1: i32) -> (i32, i32, i32) {
    %c0_i32 = arith.constant 0 : i32
    %c0_i32_0 = arith.constant 0 : i32
    return %arg0, %arg1, %c0_i32 : i32, i32, i32
  }
  func.func @transform_1(%arg0: i32, %arg1: i32) -> (i32, i32, i32) {
    %c0_i32 = arith.constant 0 : i32
    %c0_i32_0 = arith.constant 0 : i32
    return %arg0, %arg1, %c0_i32 : i32, i32, i32
  }
}

</mosaic_0001>

<sc_bundles>
// kernel: gather_offload_async_start.1
scs
__scs_entry_jumppad:
0x0: {  	(pc) =	sbr.rel $0x88, $3  }
0x1: {  	(tag) =	ssettag $0x0;
	lr =	simm.s32 $0x1  }
0x2: {  	[smem:$0x3F16] =	sst lr;
	_ =	strace $0xD0000000  }
0x3: {  	_ = 	snop  }
0x4: {  	_ = 	snop  }
0x5: {  	_ = 	snop  }
0x6: {  	_ = 	snop  }
0x7: {  	_ = 	snop  }
__scs_overlays_trampoline_lowered:
0x8: {  	[smem:$0x3F25] =	sst s0  }
0x9: {  	[smem:$0x3F26] =	sst s1  }
0xa: {  	[smem:$0x3F27] =	sst s2  }
0xb: {  	[smem:$0x3F28] =	sst s3  }
0xc: {  	[smem:$0x3F29] =	sst s4  }
0xd: {  	[smem:$0x3F2A] =	sst s5  }
0xe: {  	[smem:$0x3F2B] =	sst s6  }
0xf: {  	[smem:$0x3F2C] =	sst s7  }
0x10: {  	[smem:$0x3F2D] =	sst s8  }
0x11: {  	[smem:$0x3F2E] =	sst s9;
	s0 =	simm.s32 @!p0 $0x0  }
0x12: {  	s1 =	sld [smem:$0x3F14];
	s0 =	simm.s32 @p0 $0x1  }
0x13: {  	[smem:$0x3F2F] =	sst s0;
	s0 =	simm.s32 @!p1 $0x0  }
0x14: {  	s2 =	sld [smem:$0x3F13];
	s0 =	simm.s32 @p1 $0x1  }
0x15: {  	[smem:$0x3F30] =	sst s0;
	s0 =	simm.s32 @!p2 $0x0  }
0x16: {  	s3 =	sld [smem:$0x3FDB];
	s0 =	simm.s32 @p2 $0x1  }
0x17: {  	s4 =	simm.s32 $0x1BF5;
	[smem:$0x3F32] =	sst s0  }
0x18: {  	s0 =	sld [smem:$0x3F15];
	_ =	swait.ge [sflag:s4], $0x0  }
0x19: {  	s7 =	sld [smem:$0x3F16]  }
0x1a: {  	s8 =	sadd.s32 $0xFFFFE003, lr  }
0x1b: {  	s9 =	sadd.s32 $0xFFFFFEF7, lr;
	s5 =	simm.s32 $0xFFFFFFFF;
	p2 =	slt.u32 s8, $0xFFFFF086  }
0x1c: {  	p1 =	slt.u32 s9, $0xF7A;
	s5 =	simm.s32 @!p2 $0x0  }
0x1d: {  	s5 =	simm.s32 @p1 $0x1;
	p0 =	seq.s32 s7, s2  }
0x1e: {  	s7 =	smul.u32 @!p0 $0xF7A, s2;
	p2 =	seq.s32 @!p0 s5, $0x0  }
0x1f: {  	s9 =	smul.u32 $0xF7A, s1;
	s8 =	simm.s32 @!p0 $0x1BF5;
	p2 =	por !p2, p0  }
0x20: {  	[sflag:s8] =	ssyncset.s32 @!p0 $0xFFFFF086;
	s6 =	sadd.s32 @!p0 s3, s7;
	s7 =	simm.s32 @!p0 $0x108  }
0x21: {  	s3 =	sadd.s32 s3, s9;
	s6 =	sadd.s32 @!p0 $0x88, s6;
	s7 =	simm.s32 @p2 $0x1082  }
0x22: {  	[simem:s7], [sflag:s8] =	dma.local @!p0 [hbm:s6], $0xF7A  }
0x23: {  	s9 =	sor.u32 $0xD0000000, s2;
	s6 =	simm.s32 $0x108;
	_ =	swait.ge @!p0 [sflag:s8], $0x0  }
0x24: {  	s3 =	sadd.s32 $0x88, s3;
	s6 =	simm.s32 @!p1 $0x1082;
	[sflag:s4] =	ssyncset.s32 $0xFFFFF086  }
0x25: {  	[simem:s6], [sflag:s4] =	dma.local [hbm:s3], $0xF7A  }
0x26: {  	[smem:$0x3F16] =	sst s1;
	(tag) =	ssettag s2;
	_ =	strace s9  }
0x27: {  	s1 =	sld [smem:$0x3F26]  }
0x28: {  	s2 =	sld [smem:$0x3F27]  }
0x29: {  	s4 =	sld [smem:$0x3F29]  }
0x2a: {  	p0 =	seq.s32 s5, $0x0;
	s5 =	sld [smem:$0x3F2A]  }
0x2b: {  	s6 =	sld [smem:$0x3F2B]  }
0x2c: {  	s7 =	sld [smem:$0x3F2C]  }
0x2d: {  	s3 =	simm.s32 $0x108;
	s8 =	sld [smem:$0x3F2D]  }
0x2e: {  	s3 =	simm.s32 @!p0 $0x1082;
	s9 =	sld [smem:$0x3F2E]  }
0x2f: {  	lr =	sadd.s32 s0, s3;
	s0 =	sld [smem:$0x3F25]  }
0x30: {  	s3 =	sld [smem:$0x3F28]  }
0x31: {  	[smem:$0x3F31] =	sst s10  }
0x32: {  	s10 =	sld [smem:$0x3F2F];
	_ =	sdelay $0x3  }
0x33: {  	p0 =	seq.s32 s10, $0x1;
	s10 =	sld [smem:$0x3F31];
	_ =	sdelay $0x3  }
0x34: {  	[smem:$0x3F31] =	sst s10  }
0x35: {  	s10 =	sld [smem:$0x3F30];
	_ =	sdelay $0x3  }
0x36: {  	p1 =	seq.s32 s10, $0x1;
	s10 =	sld [smem:$0x3F31];
	_ =	sdelay $0x3  }
0x37: {  	[smem:$0x3F31] =	sst s10  }
0x38: {  	s10 =	sld [smem:$0x3F32]  }
0x39: {  	_ = 	snop;
	(pc) =	sbr.ind lr, $3  }
0x3a: {  	_ = 	snop  }
0x3b: {  	_ = 	snop  }
0x3c: {  	p2 =	seq.s32 s10, $0x1;
	s10 =	sld [smem:$0x3F31]  }
0x3d: {  	_ =	shalt  }
0x3e: {  	_ =	shalt  }
0x3f: {  	_ =	shalt  }
0x40: {  	_ =	shalt  }
0x41: {  	_ =	shalt  }
0x42: {  	_ =	shalt  }
0x43: {  	_ =	shalt  }
0x44: {  	_ =	shalt  }
0x45: {  	_ =	shalt  }
0x46: {  	_ =	shalt  }
0x47: {  	_ =	shalt  }
0x48: {  	_ =	shalt  }
0x49: {  	_ =	shalt  }
0x4a: {  	_ =	shalt  }
0x4b: {  	_ =	shalt  }
0x4c: {  	_ =	shalt  }
0x4d: {  	_ =	shalt  }
0x4e: {  	_ =	shalt  }
0x4f: {  	_ =	shalt  }
0x50: {  	_ =	shalt  }
0x51: {  	_ =	shalt  }
0x52: {  	_ =	shalt  }
0x53: {  	_ =	shalt  }
0x54: {  	_ =	shalt  }
0x55: {  	_ =	shalt  }
0x56: {  	_ =	shalt  }
0x57: {  	_ =	shalt  }
0x58: {  	_ =	shalt  }
0x59: {  	_ =	shalt  }
0x5a: {  	_ =	shalt  }
0x5b: {  	_ =	shalt  }
0x5c: {  	_ =	shalt  }
0x5d: {  	_ =	shalt  }
0x5e: {  	_ =	shalt  }
0x5f: {  	_ =	shalt  }
0x60: {  	_ =	shalt  }
0x61: {  	_ =	shalt  }
0x62: {  	_ =	shalt  }
0x63: {  	_ =	shalt  }
0x64: {  	_ =	shalt  }
0x65: {  	_ =	shalt  }
0x66: {  	_ =	shalt  }
0x67: {  	_ =	shalt  }
0x68: {  	_ =	shalt  }
0x69: {  	_ =	shalt  }
0x6a: {  	_ =	shalt  }
0x6b: {  	_ =	shalt  }
0x6c: {  	_ =	shalt  }
0x6d: {  	_ =	shalt  }
0x6e: {  	_ =	shalt  }
0x6f: {  	_ =	shalt  }
0x70: {  	_ =	shalt  }
0x71: {  	_ =	shalt  }
0x72: {  	_ =	shalt  }
0x73: {  	_ =	shalt  }
0x74: {  	_ =	shalt  }
0x75: {  	_ =	shalt  }
0x76: {  	_ =	shalt  }
0x77: {  	_ =	shalt  }
0x78: {  	_ =	shalt  }
0x79: {  	_ =	shalt  }
0x7a: {  	_ =	shalt  }
0x7b: {  	_ =	shalt  }
0x7c: {  	_ =	shalt  }
0x7d: {  	_ =	shalt  }
0x7e: {  	_ =	shalt  }
0x7f: {  	_ =	shalt  }
0x80: {  	_ =	shalt  }
0x81: {  	_ =	shalt  }
0x82: {  	_ =	shalt  }
0x83: {  	_ =	shalt  }
0x84: {  	_ =	shalt  }
0x85: {  	_ =	shalt  }
0x86: {  	_ =	shalt  }
0x87: {  	_ =	shalt  }
.Lfunc_end0:
.L_simem_size_0:
called_computation.1_lowered:
.L_overlay_start_0:
0x88: {  	s2 =	sld [smem:$0x3FD9]  }
0x89: {  	s3 =	sld [smem:$0x3FFE];
	_ =	sdelay $0x1  }
0x8a: {  	s1 =	srdreg.scid  }
0x8b: {  	s0 =	sand.u32 $0x1, s1  }
0x8c: {  	s17 =	sshll.u32 s0, $0xA;
	s2 =	sadd.s32 s3, s2  }
0x8d: {  	s2 =	sadd.s32 s2, s17  }
0x8e: {  	[smem:$0x3F3D] =	sst s2  }
0x8f: {  	_ = 	snop  }
0x90: {  	s2 =	sld [smem:$0x3FD0];
	(tm) =	ssettm $0x1  }
0x91: {  	s18 =	sld [smem:$0x3FFB];
	_ =	sdelay $0x3  }
0x92: {  	_ =	strace s18  }
0x93: {  	s3 =	sld [smem:$0x3FFC];
	_ =	sdelay $0x3  }
0x94: {  	_ =	strace s3  }
0x95: {  	s3 =	sld [smem:$0x3FFD];
	_ =	sdelay $0x3  }
0x96: {  	_ =	strace s3  }
0x97: {  	_ =	strace $0x8FFFFFFF  }
0x98: {  	s19 =	sld [smem:$0x3FDB];
	_ =	sdelay $0x1  }
0x99: {  	s4 =	simm.s32 $_scs_section_size  }
0x9a: {  	s5 =	simm.s32 $_size__tile_overlayer_lowered;
	s6 =	simm.s32 $_tile_overlayer_lowered  }
0x9b: {  	s22 =	simm.s32 $0x1BFF;
	s21 =	sshll.u32 s6, $0x1;
	s3 =	sadd.s32 s4, s19  }
0x9c: {  	s7 =	simm.s32 $0x0;
	s20 =	sshll.u32 s5, $0x1;
	s5 =	sadd.s32 s21, s3  }
0x9d: {  	[timem:s7], [sflag:s22] =	dma.local [hbm:s5], s20  }
0x9e: {  	_ =	swait.ge [sflag:s22], s20  }
0x9f: {  	s4 =	ssub.s32 $0x0, s20;
	[sflag:s22] =	ssyncset.done $0x0  }
0xa0: {  	[sflag:s22] =	ssyncadd.s32 s4;
	_ =	sdelay $0x1  }
0xa1: {  	s23 =	simm.s32 $0x1B8B  }
0xa2: {  	_ =	swait.ge [sflag:s23], $0x1  }
0xa3: {  	[sflag:s23] =	ssyncset.done $0x0  }
0xa4: {  	s25 =	simm.s32 $0x1B8E;
	s24 =	sld [smem:$0x3FFE];
	[sflag:s23] =	ssyncadd.s32 $0xFFFFFFFF  }
0xa5: {  	s26 =	simm.s32 $execute0_lowered;
	[smem:$0x3FD2] =	sst s25  }
0xa6: {  	s5 =	sshll.u32 s26, $0x1;
	_ =	strace $0x8000004C;
	[dreg:$0x1] =	wrdreg $0xFFFFFFFF  }
0xa7: {  	s28 =	simm.s32 $_size_execute0_lowered;
	s3 =	sadd.s32 s3, s5;
	[dreg:$0x0] =	wrdreg $0x0  }
0xa8: {  	s5 =	sshll.u32 s28, $0x1;
	[dreg:$0x2] =	wrdreg s3  }
0xa9: {  	[dreg:$0x3] =	wrdreg s5  }
0xaa: {  	[dreg:$0x4] =	wrdreg $0xC0  }
0xab: {  	_ =	task [dreg:s7], $0x5FFFF  }
0xac: {  	[dreg:$0x1] =	wrdreg $0xFFFFFFFF  }
0xad: {  	[dreg:$0x0] =	wrdreg $0x60  }
0xae: {  	[dreg:$0x2] =	wrdreg s24  }
0xaf: {  	[dreg:$0x3] =	wrdreg s2  }
0xb0: {  	[dreg:$0x4] =	wrdreg $0x9  }
0xb1: {  	_ =	task.clear_ibuf [dreg:s7], $0x5FFFF;
	_ =	strace $0x9000004C  }
0xb2: {  	s29 =	simm.s32 $0x9;
	_ =	strace $0x8000004E  }
0xb3: {  	_ =	swait.ge [sflag:s29], $0x1  }
0xb4: {  	[sflag:s29] =	ssyncadd.s32 $0xFFFFFFFF  }
0xb5: {  	_ =	strace $0x9000004E  }
0xb6: {  	_ =	sfence  }
0xb7: {  	s30 =	sld [smem:$0x0];
	_ =	sdelay $0x2  }
0xb8: {  	s31 =	sshll.u32 s1, $0xD;
	s1 =	sshrl.u32 s1, $0x2  }
0xb9: {  	s3 =	sand.u32 $0x4000, s31;
	s1 =	sadd.s32 s1, s30  }
0xba: {  	s0 =	sor.u32 s3, s0;
	s1 =	sshll.u32 s1, $0x11  }
0xbb: {  	s0 =	sor.u32 s1, s0  }
0xbc: {  	s0 =	sadd.s32 $0x8F2B, s0  }
0xbd: {  	[sflag:s0] =	ssyncadd.remote.s32 $0x1  }
0xbe: {  	_ =	sfence.sel $0xFFFF  }
0xbf: {  	[dreg:$0x0] =	wrdreg $0xFFFFFFFF;
	(pc) =	sbr.abs _section_cstart, $3  }
0xc0: {  	[dreg:$0x1] =	wrdreg $0xFFFFFFFF  }
0xc1: {  	_ =	task.clear_ibuf [dreg:s7], $0x2FFFF;
	_ =	strace $0x9FFFFFFF  }
0xc2: {  	(tm) =	ssettm $0x7FFFFFFF  }
0xc3: {  	_ =	shalt  }
tec
execute0_lowered:
.L_overlay_start_1:
0x0: {  	(tag) =	ssettag $0x1  }
0x1: {  	s7 =	rddreg [dreg:$0x0]  }
0x2: {  	s2 =	rddreg [dreg:$0x1]  }
0x3: {  	s0 =	rddreg [dreg:$0x2]  }
0x4: {  	s1 =	srdreg.scid;
	_ =	strace $0x8000004D;
	s4 =	simm.s32 $0x1  }
0x5: {  	s9 =	simm.s32 $0x3;
	s12 =	simm.s32 $0x0;
	s5 =	sshll.u32 s1, $0x4  }
.Ltmp0:
0x6: {  	s1 =	stileid.u32;
	s5 =	sand.u32 $0x10, s5;
	(pc) =	sbr.rel .LBB2_1-.Ltmp0, $4  }
0x7: {  	s10 =	simm.s32 $0x0;
	s3 =	sadd.s32 $0xE1000, s7;
	s6 =	sor.u32 s1, s5  }
0x8: {  	[sflag:s4] =	ssyncpa.u1 $0x0;
	s5 =	simm.s32 $0x2;
	s6 =	sshll.u32 s6, $0x6  }
0x9: {  	s7 =	sadd.s32 $0x8C600, s7;
	[sflag:s5] =	ssyncpa.u1 $0x0;
	s8 =	sadd.s32 $0x40, s6  }
0xa: {  	vm0 =	vmmov $0xff;
	vm1 =	vcmask $0x3F20;
	[sflag:s9] =	ssyncpa.u1 $0x0;
	s9 =	simm.s32 $0x40;
	s11 =	smov.u32 s6  }
.LBB2_9:
0xb: {  	p0 =	seq.s32 s10, $0x2  }
.Ltmp1:
0xc: {  	_ = 	snop;
	(pc) =	sbr.rel @p0 .LBB2_11-.Ltmp1, $1  }
0xd: {  	_ =	sdelay $0x3  }
.LBB2_10:
0xe: {  	s12 =	sadd.s32 $0x40, s11  }
0xf: {  	s13 =	smov.u32 s6;
	p0 =	slt.s32 s12, s8  }
0x10: {  	s13 =	smov.u32 @p0 s12  }
0x11: {  	s10 =	sadd.s32 $0x1, s10;
	s12 =	smov.u32 s11;
	s11 =	smov.u32 s13  }
.LBB2_1:
0x12: {  	p0 =	sne.s32 s10, $0x0  }
.Ltmp2:
0x13: {  	_ = 	snop;
	(pc) =	sbr.rel @!p0 .LBB2_2-.Ltmp2, $1  }
0x14: {  	_ =	sdelay $0x3  }
0x15: {  	s13 =	sand.u32 $0x1, s10  }
0x16: {  	p0 =	seq.s32 s13, $0x0  }
.Ltmp3:
0x17: {  	_ = 	snop;
	(pc) =	sbr.rel @p0 .LBB2_9-.Ltmp3, $1  }
0x18: {  	_ =	sdelay $0x3  }
0x19: {  	_ =	swait.ge [sflag:s5], $0x40  }
0x1a: {  	[sflag:s5] =	ssyncset.done $0x0  }
0x1b: {  	s13 =	simm.s32 $0x0;
	[sflag:s5] =	ssyncadd.s32 $0xFFFFFFC0  }
0x1c: {  	v0 =	vld.msk [tilespmem:s13+$0x40 ss:$0x1], $0xffff;
	_ =	sdelay $0x4  }
0x1d: {  	v1 =	vshll.u32 v0, $0x4  }
0x1e: {  	vm2 =	veq.s32 v0, $0x80000000;
	v0 =	vshll.u32 v0, $0x11;
	v1 =	vand.u32 $0x1FF80, v1  }
0x1f: {  	v0 =	vand.u32 $0xE0000, v0;
	v1 =	vsel vm2, $0xFFFFFF80, v1  }
0x20: {  	v0 =	vsel vm2, $0xFFFE0000, v0;
	v2 =	vand.u32 $0xFFFFFC00, v1  }
0x21: {  	v1 =	vand.u32 $0x380, v1;
	v0 =	vadd.s32 v0, v2  }
0x22: {  	v0 =	vor.u32 v1, v0  }
0x23: {  	v0 =	vshrl.u32 v0, $0x3;
	_ =	sdelay $0x3  }
0x24: {  	s13 =	simm.s32 $0x2080  }
0x25: {  	[tilespmem:s13], [sflag:$0x1] =	stream.indirect_vreg.gather [hbm:s3], $0x80, v0, vm0, $0x38;
	[tilespmem:$0x4080] =	vst v63  }
0x26: {  	s14 =	simm.s32 $0x2480;
	s31 =	simm.s32 $0x10  }
0x27: {  	[tilespmem:s14], [sflag:$0x1] =	stream.indirect_vreg.gather [hbm:s3], $0x80, v0, vm1, $0x38;
	[tilespmem:$0x4080] =	vst v63  }
0x28: {  	s14 =	simm.s32 $0x80;
	v0 =	vld.msk [tilespmem:s31+$0x40 ss:$0x1], $0xffff  }
.LBB2_5:
0x29: {  	p0 =	sne.s32 s14, $0xC0;
	_ =	sdelay $0x4  }
0x2a: {  	v1 =	vshll.u32 v0, $0x4  }
0x2b: {  	vm2 =	veq.s32 v0, $0x80000000;
	v0 =	vshll.u32 v0, $0x11;
	v1 =	vand.u32 $0x1FF80, v1  }
0x2c: {  	v0 =	vand.u32 $0xE0000, v0;
	v1 =	vsel vm2, $0xFFFFFF80, v1  }
0x2d: {  	v0 =	vsel vm2, $0xFFFE0000, v0;
	v2 =	vand.u32 $0xFFFFFC00, v1  }
0x2e: {  	v1 =	vand.u32 $0x380, v1;
	v0 =	vadd.s32 v0, v2  }
0x2f: {  	v0 =	vor.u32 v1, v0  }
0x30: {  	v0 =	vshrl.u32 v0, $0x3;
	_ =	sdelay $0x3  }
.Ltmp4:
0x31: {  	s13 =	sadd.s32 $0x800, s13;
	(pc) =	sbr.rel @p0 .LBB2_5-.Ltmp4, $4  }
0x32: {  	[tilespmem:s13], [sflag:$0x1] =	stream.indirect_vreg.gather [hbm:s3], $0x80, v0, vm0, $0x38;
	[tilespmem:$0x4080] =	vst v63  }
0x33: {  	s15 =	sshra.s32 s14, $0x2;
	s16 =	sadd.s32 $0x400, s13  }
0x34: {  	[tilespmem:s16], [sflag:$0x1] =	stream.indirect_vreg.gather [hbm:s3], $0x80, v0, vm1, $0x38;
	[tilespmem:$0x4080] =	vst v63  }
0x35: {  	s14 =	sadd.s32 $0x40, s14;
	v0 =	vld.msk [tilespmem:s15+$0x40 ss:$0x1], $0xffff  }
0x36: {  	_ =	sdelay $0x3  }
0x37: {  	v1 =	vshll.u32 v0, $0x4  }
0x38: {  	vm2 =	veq.s32 v0, $0x80000000;
	v63 =	vshll.u32 v0, $0x11;
	v1 =	vand.u32 $0x1FF80, v1  }
0x39: {  	v0 =	vand.u32 $0xE0000, v63;
	v1 =	vsel vm2, $0xFFFFFF80, v1  }
0x3a: {  	v0 =	vsel vm2, $0xFFFE0000, v0;
	v2 =	vand.u32 $0xFFFFFC00, v1  }
0x3b: {  	v1 =	vand.u32 $0x380, v1;
	v0 =	vadd.s32 v0, v2  }
0x3c: {  	v0 =	vor.u32 v1, v0  }
0x3d: {  	v0 =	vshrl.u32 v0, $0x3;
	_ =	sdelay $0x3  }
0x3e: {  	s13 =	sadd.s32 $0x800, s13  }
0x3f: {  	[tilespmem:s13], [sflag:$0x1] =	stream.indirect_vreg.gather [hbm:s3], $0x80, v0, vm0, $0x38;
	[tilespmem:$0x4080] =	vst v63  }
0x40: {  	s13 =	sadd.s32 $0x400, s13  }
0x41: {  	[tilespmem:s13], [sflag:$0x1] =	stream.indirect_vreg.gather [hbm:s3], $0x80, v0, vm1, $0x38;
	[tilespmem:$0x4080] =	vst v63  }
0x42: {  	s12 =	sshll.u32 s12, $0x4;
	s14 =	simm.s32 $0x80;
	_ =	swait.ge [sflag:s4], $0x2000  }
0x43: {  	s15 =	simm.s32 $0x2480;
	s12 =	sadd.s32 s12, s2;
	[sflag:s4] =	ssyncset.done $0x0  }
0x44: {  	s16 =	sadd.s32 $0x0, s12;
	s13 =	simm.s32 $0x2080;
	[sflag:s4] =	ssyncadd.s32 $0xFFFFE000  }
.LBB2_7:
0x45: {  	[hbm:s16] =	stream.linear.scatter [tilespmem:s13], [sflag:$0x3], $0x400, $0x38;
	[tilespmem:$0x4080] =	vst v63  }
0x46: {  	s16 =	smov.u32 s14;
	s13 =	smov.u32 s15;
	p0 =	sne.s32 s14, $0x380  }
.Ltmp5:
0x47: {  	s14 =	sadd.s32 $0x80, s14;
	(pc) =	sbr.rel @p0 .LBB2_7-.Ltmp5, $2  }
0x48: {  	_ =	sdelay $0x2  }
0x49: {  	s15 =	sadd.s32 $0x400, s15;
	s16 =	sadd.s32 s16, s12  }
.Ltmp6:
0x4a: {  	(pc) =	sbr.rel .LBB2_9-.Ltmp6, $2  }
0x4b: {  	_ =	sdelay $0x2  }
0x4c: {  	[hbm:s16] =	stream.linear.scatter [tilespmem:s13], [sflag:$0x3], $0x400, $0x38;
	[tilespmem:$0x4080] =	vst v63  }
.LBB2_2:
.Ltmp7:
0x4d: {  	(pc) =	sbr.rel .LBB2_10-.Ltmp7, $4  }
0x4e: {  	_ = 	snop  }
0x4f: {  	s12 =	sshrl.u32 s11, $0x3  }
0x50: {  	s13 =	sand.u32 $0x7, s11;
	s12 =	sadd.s32 s7, s12  }
0x51: {  	[tilespmem:s9], [sflag:$0x2] =	stream.linear.gather [hbm4b:s12+s13], $0x40, $0x38;
	[tilespmem:$0x4080] =	vst v63  }
.LBB2_11:
0x52: {  	s2 =	simm.s32 $0x3  }
0x53: {  	_ =	swait.ge [sflag:s2], $0x2000  }
0x54: {  	[sflag:s2] =	ssyncset.done $0x0  }
0x55: {  	[sflag:s2] =	ssyncadd.s32 $0xFFFFE000  }
0x56: {  	_ =	sfence.sel $0x180000  }
0x57: {  	s3 =	simm.s32 $0x2;
	[bflag:$0x0] =	sbarrier.arrive $0xFFFF  }
0x58: {  	[sflag:s3] =	ssyncpa.u1 $0x1  }
0x59: {  	s31 =	simm.s32 $0x1;
	[sflag:s2] =	ssyncpa.u1 $0x1  }
0x5a: {  	[sflag:s31] =	ssyncpa.u1 $0x1  }
0x5b: {  	p0 =	sne.s32 s1, $0x0;
	_ =	strace $0x9000004D  }
0x5c: {  	s0 =	sadd.s32 @!p0 $0x100000, s0;
	[bflag:$0x2] =	sbarrier.arrive $0xFFFF  }
0x5d: {  	[sflag:s0] =	ssyncadd.tile.s32 @!p0 $0x1;
	_ =	shalt  }
.Lfunc_end2:
_tile_overlayer_lowered:
.L_overlay_start_2:
0x5e: {  	(tag) =	ssettag $0x2  }
0x5f: {  	s0 =	rddreg [dreg:$0x0];
	s2 =	stileid.u32  }
0x60: {  	s1 =	rddreg [dreg:$0x1];
	p0 =	sne.s32 s2, $0x0  }
0x61: {  	s3 =	rddreg [dreg:$0x2];
	[bflag:$0x3] =	sbarrier.arrive $0xFFFF;
	s2 =	simm.s32 @!p0 $0x1C01  }
0x62: {  	[timem:s3], [sflag:s2] =	dma.local @!p0 [hbm:s0], s1  }
0x63: {  	s0 =	simm.s32 @!p0 $0x1  }
0x64: {  	_ =	swait.ge @!p0 [sflag:s0], s1  }
0x65: {  	s1 =	ssub.s32 @!p0 $0x0, s1;
	[sflag:s0] =	ssyncset.done @!p0 $0x0  }
0x66: {  	[sflag:s0] =	ssyncadd.s32 @!p0 s1  }
0x67: {  	[bflag:$0x3] =	sbarrier.arrive $0xFFFF  }
0x68: {  	_ =	shalt  }

// kernel: gather_offload_async_start.2
scs
__scs_entry_jumppad:
0x0: {  	(pc) =	sbr.rel $0x88, $3  }
0x1: {  	(tag) =	ssettag $0x0;
	lr =	simm.s32 $0x1  }
0x2: {  	[smem:$0x3F16] =	sst lr;
	_ =	strace $0xD0000000  }
0x3: {  	_ = 	snop  }
0x4: {  	_ = 	snop  }
0x5: {  	_ = 	snop  }
0x6: {  	_ = 	snop  }
0x7: {  	_ = 	snop  }
__scs_overlays_trampoline_lowered:
0x8: {  	[smem:$0x3F25] =	sst s0  }
0x9: {  	[smem:$0x3F26] =	sst s1  }
0xa: {  	[smem:$0x3F27] =	sst s2  }
0xb: {  	[smem:$0x3F28] =	sst s3  }
0xc: {  	[smem:$0x3F29] =	sst s4  }
0xd: {  	[smem:$0x3F2A] =	sst s5  }
0xe: {  	[smem:$0x3F2B] =	sst s6  }
0xf: {  	[smem:$0x3F2C] =	sst s7  }
0x10: {  	[smem:$0x3F2D] =	sst s8  }
0x11: {  	[smem:$0x3F2E] =	sst s9;
	s0 =	simm.s32 @!p0 $0x0  }
0x12: {  	s1 =	sld [smem:$0x3F14];
	s0 =	simm.s32 @p0 $0x1  }
0x13: {  	[smem:$0x3F2F] =	sst s0;
	s0 =	simm.s32 @!p1 $0x0  }
0x14: {  	s2 =	sld [smem:$0x3F13];
	s0 =	simm.s32 @p1 $0x1  }
0x15: {  	[smem:$0x3F30] =	sst s0;
	s0 =	simm.s32 @!p2 $0x0  }
0x16: {  	s3 =	sld [smem:$0x3FDB];
	s0 =	simm.s32 @p2 $0x1  }
0x17: {  	s4 =	simm.s32 $0x1BF5;
	[smem:$0x3F32] =	sst s0  }
0x18: {  	s0 =	sld [smem:$0x3F15];
	_ =	swait.ge [sflag:s4], $0x0  }
0x19: {  	s7 =	sld [smem:$0x3F16]  }
0x1a: {  	s8 =	sadd.s32 $0xFFFFE003, lr  }
0x1b: {  	s9 =	sadd.s32 $0xFFFFFEF7, lr;
	s5 =	simm.s32 $0xFFFFFFFF;
	p2 =	slt.u32 s8, $0xFFFFF086  }
0x1c: {  	p1 =	slt.u32 s9, $0xF7A;
	s5 =	simm.s32 @!p2 $0x0  }
0x1d: {  	s5 =	simm.s32 @p1 $0x1;
	p0 =	seq.s32 s7, s2  }
0x1e: {  	s7 =	smul.u32 @!p0 $0xF7A, s2;
	p2 =	seq.s32 @!p0 s5, $0x0  }
0x1f: {  	s9 =	smul.u32 $0xF7A, s1;
	s8 =	simm.s32 @!p0 $0x1BF5;
	p2 =	por !p2, p0  }
0x20: {  	[sflag:s8] =	ssyncset.s32 @!p0 $0xFFFFF086;
	s6 =	sadd.s32 @!p0 s3, s7;
	s7 =	simm.s32 @!p0 $0x108  }
0x21: {  	s3 =	sadd.s32 s3, s9;
	s6 =	sadd.s32 @!p0 $0x88, s6;
	s7 =	simm.s32 @p2 $0x1082  }
0x22: {  	[simem:s7], [sflag:s8] =	dma.local @!p0 [hbm:s6], $0xF7A  }
0x23: {  	s9 =	sor.u32 $0xD0000000, s2;
	s6 =	simm.s32 $0x108;
	_ =	swait.ge @!p0 [sflag:s8], $0x0  }
0x24: {  	s3 =	sadd.s32 $0x88, s3;
	s6 =	simm.s32 @!p1 $0x1082;
	[sflag:s4] =	ssyncset.s32 $0xFFFFF086  }
0x25: {  	[simem:s6], [sflag:s4] =	dma.local [hbm:s3], $0xF7A  }
0x26: {  	[smem:$0x3F16] =	sst s1;
	(tag) =	ssettag s2;
	_ =	strace s9  }
0x27: {  	s1 =	sld [smem:$0x3F26]  }
0x28: {  	s2 =	sld [smem:$0x3F27]  }
0x29: {  	s4 =	sld [smem:$0x3F29]  }
0x2a: {  	p0 =	seq.s32 s5, $0x0;
	s5 =	sld [smem:$0x3F2A]  }
0x2b: {  	s6 =	sld [smem:$0x3F2B]  }
0x2c: {  	s7 =	sld [smem:$0x3F2C]  }
0x2d: {  	s3 =	simm.s32 $0x108;
	s8 =	sld [smem:$0x3F2D]  }
0x2e: {  	s3 =	simm.s32 @!p0 $0x1082;
	s9 =	sld [smem:$0x3F2E]  }
0x2f: {  	lr =	sadd.s32 s0, s3;
	s0 =	sld [smem:$0x3F25]  }
0x30: {  	s3 =	sld [smem:$0x3F28]  }
0x31: {  	[smem:$0x3F31] =	sst s10  }
0x32: {  	s10 =	sld [smem:$0x3F2F];
	_ =	sdelay $0x3  }
0x33: {  	p0 =	seq.s32 s10, $0x1;
	s10 =	sld [smem:$0x3F31];
	_ =	sdelay $0x3  }
0x34: {  	[smem:$0x3F31] =	sst s10  }
0x35: {  	s10 =	sld [smem:$0x3F30];
	_ =	sdelay $0x3  }
0x36: {  	p1 =	seq.s32 s10, $0x1;
	s10 =	sld [smem:$0x3F31];
	_ =	sdelay $0x3  }
0x37: {  	[smem:$0x3F31] =	sst s10  }
0x38: {  	s10 =	sld [smem:$0x3F32]  }
0x39: {  	_ = 	snop;
	(pc) =	sbr.ind lr, $3  }
0x3a: {  	_ = 	snop  }
0x3b: {  	_ = 	snop  }
0x3c: {  	p2 =	seq.s32 s10, $0x1;
	s10 =	sld [smem:$0x3F31]  }
0x3d: {  	_ =	shalt  }
0x3e: {  	_ =	shalt  }
0x3f: {  	_ =	shalt  }
0x40: {  	_ =	shalt  }
0x41: {  	_ =	shalt  }
0x42: {  	_ =	shalt  }
0x43: {  	_ =	shalt  }
0x44: {  	_ =	shalt  }
0x45: {  	_ =	shalt  }
0x46: {  	_ =	shalt  }
0x47: {  	_ =	shalt  }
0x48: {  	_ =	shalt  }
0x49: {  	_ =	shalt  }
0x4a: {  	_ =	shalt  }
0x4b: {  	_ =	shalt  }
0x4c: {  	_ =	shalt  }
0x4d: {  	_ =	shalt  }
0x4e: {  	_ =	shalt  }
0x4f: {  	_ =	shalt  }
0x50: {  	_ =	shalt  }
0x51: {  	_ =	shalt  }
0x52: {  	_ =	shalt  }
0x53: {  	_ =	shalt  }
0x54: {  	_ =	shalt  }
0x55: {  	_ =	shalt  }
0x56: {  	_ =	shalt  }
0x57: {  	_ =	shalt  }
0x58: {  	_ =	shalt  }
0x59: {  	_ =	shalt  }
0x5a: {  	_ =	shalt  }
0x5b: {  	_ =	shalt  }
0x5c: {  	_ =	shalt  }
0x5d: {  	_ =	shalt  }
0x5e: {  	_ =	shalt  }
0x5f: {  	_ =	shalt  }
0x60: {  	_ =	shalt  }
0x61: {  	_ =	shalt  }
0x62: {  	_ =	shalt  }
0x63: {  	_ =	shalt  }
0x64: {  	_ =	shalt  }
0x65: {  	_ =	shalt  }
0x66: {  	_ =	shalt  }
0x67: {  	_ =	shalt  }
0x68: {  	_ =	shalt  }
0x69: {  	_ =	shalt  }
0x6a: {  	_ =	shalt  }
0x6b: {  	_ =	shalt  }
0x6c: {  	_ =	shalt  }
0x6d: {  	_ =	shalt  }
0x6e: {  	_ =	shalt  }
0x6f: {  	_ =	shalt  }
0x70: {  	_ =	shalt  }
0x71: {  	_ =	shalt  }
0x72: {  	_ =	shalt  }
0x73: {  	_ =	shalt  }
0x74: {  	_ =	shalt  }
0x75: {  	_ =	shalt  }
0x76: {  	_ =	shalt  }
0x77: {  	_ =	shalt  }
0x78: {  	_ =	shalt  }
0x79: {  	_ =	shalt  }
0x7a: {  	_ =	shalt  }
0x7b: {  	_ =	shalt  }
0x7c: {  	_ =	shalt  }
0x7d: {  	_ =	shalt  }
0x7e: {  	_ =	shalt  }
0x7f: {  	_ =	shalt  }
0x80: {  	_ =	shalt  }
0x81: {  	_ =	shalt  }
0x82: {  	_ =	shalt  }
0x83: {  	_ =	shalt  }
0x84: {  	_ =	shalt  }
0x85: {  	_ =	shalt  }
0x86: {  	_ =	shalt  }
0x87: {  	_ =	shalt  }
.Lfunc_end0:
.L_simem_size_0:
called_computation.2_lowered:
.L_overlay_start_0:
0x88: {  	s2 =	sld [smem:$0x3FD9]  }
0x89: {  	s3 =	sld [smem:$0x3FFE];
	_ =	sdelay $0x1  }
0x8a: {  	s1 =	srdreg.scid  }
0x8b: {  	s0 =	sand.u32 $0x1, s1  }
0x8c: {  	s16 =	sshll.u32 s0, $0xA;
	s2 =	sadd.s32 s3, s2  }
0x8d: {  	s2 =	sadd.s32 s2, s16  }
0x8e: {  	[smem:$0x3F3D] =	sst s2  }
0x8f: {  	_ = 	snop  }
0x90: {  	(tm) =	ssettm $0x1  }
0x91: {  	s17 =	sld [smem:$0x3FFB];
	_ =	sdelay $0x3  }
0x92: {  	_ =	strace s17  }
0x93: {  	s2 =	sld [smem:$0x3FFC];
	_ =	sdelay $0x3  }
0x94: {  	_ =	strace s2  }
0x95: {  	s2 =	sld [smem:$0x3FFD];
	_ =	sdelay $0x3  }
0x96: {  	_ =	strace s2  }
0x97: {  	_ =	strace $0x8FFFFFFF  }
0x98: {  	s18 =	sld [smem:$0x3FDB];
	_ =	sdelay $0x1  }
0x99: {  	s19 =	simm.s32 $_scs_section_size  }
0x9a: {  	s4 =	simm.s32 $_size__tile_overlayer_lowered;
	s5 =	simm.s32 $_tile_overlayer_lowered  }
0x9b: {  	s22 =	simm.s32 $0x1BFF;
	s21 =	sshll.u32 s5, $0x1;
	s2 =	sadd.s32 s19, s18  }
0x9c: {  	s6 =	simm.s32 $0x0;
	s20 =	sshll.u32 s4, $0x1;
	s4 =	sadd.s32 s21, s2  }
0x9d: {  	[timem:s6], [sflag:s22] =	dma.local [hbm:s4], s20  }
0x9e: {  	_ =	swait.ge [sflag:s22], s20  }
0x9f: {  	s3 =	ssub.s32 $0x0, s20;
	[sflag:s22] =	ssyncset.done $0x0  }
0xa0: {  	[sflag:s22] =	ssyncadd.s32 s3;
	_ =	sdelay $0x1  }
0xa1: {  	s23 =	simm.s32 $0x1B8B  }
0xa2: {  	_ =	swait.ge [sflag:s23], $0x1  }
0xa3: {  	[sflag:s23] =	ssyncset.done $0x0  }
0xa4: {  	s25 =	simm.s32 $0x1B8E;
	s24 =	sld [smem:$0x3FFE];
	[sflag:s23] =	ssyncadd.s32 $0xFFFFFFFF  }
0xa5: {  	s26 =	simm.s32 $execute0_lowered;
	[smem:$0x3FD2] =	sst s25  }
0xa6: {  	s4 =	sshll.u32 s26, $0x1;
	_ =	strace $0x8000004F;
	[dreg:$0x1] =	wrdreg $0xFFFFFFFF  }
0xa7: {  	s28 =	simm.s32 $_size_execute0_lowered;
	s2 =	sadd.s32 s2, s4;
	[dreg:$0x0] =	wrdreg $0x0  }
0xa8: {  	s4 =	sshll.u32 s28, $0x1;
	[dreg:$0x2] =	wrdreg s2  }
0xa9: {  	[dreg:$0x3] =	wrdreg s4  }
0xaa: {  	[dreg:$0x4] =	wrdreg $0xC0  }
0xab: {  	_ =	task [dreg:s6], $0x5FFFF  }
0xac: {  	[dreg:$0x1] =	wrdreg $0xFFFFFFFF  }
0xad: {  	[dreg:$0x0] =	wrdreg $0x60  }
0xae: {  	[dreg:$0x2] =	wrdreg s24  }
0xaf: {  	[dreg:$0x3] =	wrdreg $0x9  }
0xb0: {  	_ =	task.clear_ibuf [dreg:s6], $0x4FFFF;
	_ =	strace $0x9000004F  }
0xb1: {  	s29 =	simm.s32 $0x9;
	_ =	strace $0x80000051  }
0xb2: {  	_ =	swait.ge [sflag:s29], $0x1  }
0xb3: {  	[sflag:s29] =	ssyncadd.s32 $0xFFFFFFFF  }
0xb4: {  	_ =	strace $0x90000051  }
0xb5: {  	_ =	sfence  }
0xb6: {  	s30 =	sld [smem:$0x0];
	_ =	sdelay $0x2  }
0xb7: {  	s31 =	sshll.u32 s1, $0xD;
	s1 =	sshrl.u32 s1, $0x2  }
0xb8: {  	s3 =	sand.u32 $0x4000, s31;
	s1 =	sadd.s32 s1, s30  }
0xb9: {  	s0 =	sor.u32 s3, s0;
	s1 =	sshll.u32 s1, $0x11  }
0xba: {  	s0 =	sor.u32 s1, s0  }
0xbb: {  	s0 =	sadd.s32 $0x8F2B, s0  }
0xbc: {  	[sflag:s0] =	ssyncadd.remote.s32 $0x1  }
0xbd: {  	_ =	sfence.sel $0xFFFF  }
0xbe: {  	[dreg:$0x0] =	wrdreg $0xFFFFFFFF;
	(pc) =	sbr.abs _section_cstart, $3  }
0xbf: {  	[dreg:$0x1] =	wrdreg $0xFFFFFFFF  }
0xc0: {  	_ =	task.clear_ibuf [dreg:s6], $0x2FFFF;
	_ =	strace $0x9FFFFFFF  }
0xc1: {  	(tm) =	ssettm $0x7FFFFFFF  }
tec
execute0_lowered:
.L_overlay_start_1:
0x0: {  	(tag) =	ssettag $0x1  }
0x1: {  	s1 =	srdreg.scid  }
0x2: {  	s0 =	stileid.u32;
	s8 =	rddreg [dreg:$0x0];
	s5 =	simm.s32 $0x1  }
0x3: {  	s9 =	simm.s32 $0x1;
	s10 =	simm.s32 $0x3;
	s1 =	sshll.u32 s1, $0x5  }
0x4: {  	s13 =	simm.s32 $0x0;
	s2 =	sshll.u32 s0, $0x6;
	s3 =	sand.u32 $0x20, s1  }
0x5: {  	s12 =	simm.s32 $0x0;
	s4 =	sadd.s32 $0x8C600, s8;
	s2 =	sor.u32 s2, s3  }
0x6: {  	s1 =	rddreg [dreg:$0x1];
	_ =	strace $0x80000050;
	s7 =	ssub.s32 $0x600, s2  }
.Ltmp0:
0x7: {  	s3 =	sadd.s32 $0x90600, s8;
	s6 =	sand.u32 $0x3E0, s7;
	(pc) =	sbr.rel .LBB2_1-.Ltmp0, $4  }
0x8: {  	[sflag:s5] =	ssyncpa.u1 $0x0;
	s8 =	sadd.s32 $0x90400, s8;
	p0 =	sne.s32 s6, $0x0  }
0x9: {  	s7 =	sshrl.u32 s7, $0xA;
	s6 =	simm.s32 $0x2;
	s9 =	simm.s32 @!p0 $0x0  }
0xa: {  	s11 =	smov.u32 s2;
	[sflag:s6] =	ssyncpa.u1 $0x0;
	s7 =	sadd.s32 s9, s7  }
0xb: {  	vm0 =	vmmov $0xffff;
	[sflag:s10] =	ssyncpa.u1 $0x0;
	s10 =	simm.s32 $0x0;
	s9 =	sadd.s32 $0x1, s7  }
.LBB2_5:
0xc: {  	s15 =	sadd.s32 $0x400, s11  }
0xd: {  	p1 =	sgt.s32 s15, $0x5FF  }
0xe: {  	s15 =	smov.u32 @p1 s2;
	p1 =	sne.s32 s12, s9  }
.Ltmp1:
0xf: {  	p0 =	slt.u32 s12, $0x2;
	(pc) =	sbr.rel @!p1 .LBB2_6-.Ltmp1, $4  }
0x10: {  	s14 =	simm.s32 @!p0 $0x3  }
0x11: {  	_ =	swait.ge @!p0 [sflag:s14], $0x20  }
0x12: {  	s16 =	sadd.s32 $0x1, s12;
	s13 =	smov.u32 s11;
	[sflag:s14] =	ssyncset.done @!p0 $0x0  }
0x13: {  	s12 =	smov.u32 s16;
	s11 =	smov.u32 s15;
	[sflag:s14] =	ssyncadd.s32 @!p0 $0xFFFFFFE0  }
.LBB2_1:
0x14: {  	p0 =	sge.u32 s12, s7  }
0x15: {  	s14 =	sxor.u32 @!p0 $0xFFFFFFFF, s12  }
0x16: {  	s31 =	sadd.s32 $0xFFFFFFFF, s12;
	s15 =	sshrl.u32 @!p0 s11, $0x3;
	s14 =	sshll.u32 @!p0 s14, $0x5  }
0x17: {  	s16 =	sand.u32 @!p0 $0x7, s11;
	s15 =	sadd.s32 @!p0 s4, s15;
	s14 =	sand.u32 @!p0 $0x20, s14  }
0x18: {  	[tilespmem:s14], [sflag:$0x2] =	stream.linear.gather @!p0 [hbm4b:s15+s16], $0x20, $0x38;
	[tilespmem:$0x80] =	vst v63  }
0x19: {  	p0 =	sge.u32 s31, s7  }
.Ltmp2:
0x1a: {  	_ = 	snop;
	(pc) =	sbr.rel @p0 .LBB2_5-.Ltmp2, $1  }
0x1b: {  	_ =	sdelay $0x3  }
0x1c: {  	_ =	swait.ge [sflag:s6], $0x20;
	s14 =	sshll.u32 s12, $0x5;
	s16 =	simm.s32 $0x0  }
0x1d: {  	p0 =	por $0x1, $0x1;
	[sflag:s6] =	ssyncset.done $0x0;
	s15 =	sand.u32 $0x20, s14  }
0x1e: {  	[sflag:s6] =	ssyncadd.s32 $0xFFFFFFE0;
	(ifvalue) =	ssetifvalue $0x7FFFFFFF;
	s14 =	sor.u32 $0x40, s15  }
.LBB2_3:
0x1f: {  	s17 =	sadd.s32 s16, s15  }
0x20: {  	v0 =	vld.msk [tilespmem:s17+$0x0 ss:$0x1], $0xffff;
	_ =	sdelay $0x4  }
0x21: {  	vm1 =	veq.s32 v0, $0x80000000;
	v1 =	vshrl.u32 v0, $0x2  }
0x22: {  	v2 =	vshrl.u32 v0, $0x3;
	v0 =	vshll.u32 v0, $0xB;
	v1 =	vand.u32 $0x780, v1  }
0x23: {  	v2 =	vand.u32 $0x3F, v2;
	v0 =	vand.u32 $0x3800, v0;
	v1 =	vsel vm1, $0xFFFFFF80, v1  }
0x24: {  	v2 =	vsel vm1, $0xFFFFFFFF, v2;
	v0 =	vsel vm1, $0xFFFFF800, v0;
	v3 =	vand.u32 $0xFFFFFC00, v1  }
0x25: {  	v63 =	vand.u32 $0xFFFFFC00, v2;
	v0 =	vadd.s32 v0, v3  }
0x26: {  	v1 =	vand.u32 $0x380, v1;
	v0 =	vadd.s32 v63, v0  }
0x27: {  	v2 =	vand.u32 $0x7F, v2;
	v0 =	vor.u32 v1, v0  }
0x28: {  	p1 =	por p0, p0;
	v0 =	vor.u32 v2, v0  }
.Ltmp3:
0x29: {  	_ = 	snop;
	(pc) =	sbr.rel @p1 .LBB2_3-.Ltmp3, $4  }
0x2a: {  	_ = 	snop  }
0x2b: {  	s31 =	sadd.s32 s16, s14  }
0x2c: {  	s16 =	simm.s32 $0x10;
	p0 =	por $0x0, $0x0;
	(ifvalue) =	ssetifvalue $0x7FFFFFFF  }
0x2d: {  	[tilespmem:s31], [sflag:$0x1] =	stream.indirect_vreg.gather [hbm4b:s3+s10], $0x1, v0, vm0, $0x4038;
	[tilespmem:$0x80] =	vst v63  }
.Ltmp4:
0x2e: {  	(pc) =	sbr.rel .LBB2_5-.Ltmp4, $4  }
0x2f: {  	_ =	swait.ge [sflag:s5], $0x20  }
0x30: {  	s15 =	sshrl.u32 s13, $0x3;
	[sflag:s5] =	ssyncset.done $0x0  }
0x31: {  	s31 =	sand.u32 $0x7, s13;
	s15 =	sadd.s32 s8, s15;
	[sflag:s5] =	ssyncadd.s32 $0xFFFFFFE0  }
0x32: {  	[hbm4b:s15+s31] =	stream.linear.scatter [tilespmem:s14], [sflag:$0x3], $0x20, $0x38;
	[tilespmem:$0x80] =	vst v63  }
.LBB2_6:
0x33: {  	_ =	sfence.sel $0x180000  }
0x34: {  	s2 =	simm.s32 $0x2;
	[bflag:$0x0] =	sbarrier.arrive $0xFFFF  }
0x35: {  	s30 =	simm.s32 $0x3;
	[sflag:s2] =	ssyncpa.u1 $0x1  }
0x36: {  	s31 =	simm.s32 $0x1;
	[sflag:s30] =	ssyncpa.u1 $0x1  }
0x37: {  	[sflag:s31] =	ssyncpa.u1 $0x1  }
0x38: {  	p0 =	sne.s32 s0, $0x0;
	_ =	strace $0x90000050  }
0x39: {  	s0 =	sadd.s32 @!p0 $0x100000, s1;
	[bflag:$0x2] =	sbarrier.arrive $0xFFFF  }
0x3a: {  	[sflag:s0] =	ssyncadd.tile.s32 @!p0 $0x1;
	_ =	shalt  }
.Lfunc_end2:
_tile_overlayer_lowered:
.L_overlay_start_2:
0x3b: {  	(tag) =	ssettag $0x2  }
0x3c: {  	s0 =	rddreg [dreg:$0x0];
	s2 =	stileid.u32  }
0x3d: {  	s1 =	rddreg [dreg:$0x1];
	p0 =	sne.s32 s2, $0x0  }
0x3e: {  	s3 =	rddreg [dreg:$0x2];
	[bflag:$0x3] =	sbarrier.arrive $0xFFFF;
	s2 =	simm.s32 @!p0 $0x1C01  }
0x3f: {  	[timem:s3], [sflag:s2] =	dma.local @!p0 [hbm:s0], s1  }
0x40: {  	s0 =	simm.s32 @!p0 $0x1  }
0x41: {  	_ =	swait.ge @!p0 [sflag:s0], s1  }
0x42: {  	s1 =	ssub.s32 @!p0 $0x0, s1;
	[sflag:s0] =	ssyncset.done @!p0 $0x0  }
0x43: {  	[sflag:s0] =	ssyncadd.s32 @!p0 s1  }
0x44: {  	[bflag:$0x3] =	sbarrier.arrive $0xFFFF  }
0x45: {  	_ =	shalt  }

// kernel: gather_offload_async_start.3
scs
__scs_entry_jumppad:
0x0: {  	(pc) =	sbr.rel $0x88, $3  }
0x1: {  	(tag) =	ssettag $0x0;
	lr =	simm.s32 $0x1  }
0x2: {  	[smem:$0x3F16] =	sst lr;
	_ =	strace $0xD0000000  }
0x3: {  	_ = 	snop  }
0x4: {  	_ = 	snop  }
0x5: {  	_ = 	snop  }
0x6: {  	_ = 	snop  }
0x7: {  	_ = 	snop  }
__scs_overlays_trampoline_lowered:
0x8: {  	[smem:$0x3F25] =	sst s0  }
0x9: {  	[smem:$0x3F26] =	sst s1  }
0xa: {  	[smem:$0x3F27] =	sst s2  }
0xb: {  	[smem:$0x3F28] =	sst s3  }
0xc: {  	[smem:$0x3F29] =	sst s4  }
0xd: {  	[smem:$0x3F2A] =	sst s5  }
0xe: {  	[smem:$0x3F2B] =	sst s6  }
0xf: {  	[smem:$0x3F2C] =	sst s7  }
0x10: {  	[smem:$0x3F2D] =	sst s8  }
0x11: {  	[smem:$0x3F2E] =	sst s9;
	s0 =	simm.s32 @!p0 $0x0  }
0x12: {  	s1 =	sld [smem:$0x3F14];
	s0 =	simm.s32 @p0 $0x1  }
0x13: {  	[smem:$0x3F2F] =	sst s0;
	s0 =	simm.s32 @!p1 $0x0  }
0x14: {  	s2 =	sld [smem:$0x3F13];
	s0 =	simm.s32 @p1 $0x1  }
0x15: {  	[smem:$0x3F30] =	sst s0;
	s0 =	simm.s32 @!p2 $0x0  }
0x16: {  	s3 =	sld [smem:$0x3FDB];
	s0 =	simm.s32 @p2 $0x1  }
0x17: {  	s4 =	simm.s32 $0x1BF5;
	[smem:$0x3F32] =	sst s0  }
0x18: {  	s0 =	sld [smem:$0x3F15];
	_ =	swait.ge [sflag:s4], $0x0  }
0x19: {  	s7 =	sld [smem:$0x3F16]  }
0x1a: {  	s8 =	sadd.s32 $0xFFFFE003, lr  }
0x1b: {  	s9 =	sadd.s32 $0xFFFFFEF7, lr;
	s5 =	simm.s32 $0xFFFFFFFF;
	p2 =	slt.u32 s8, $0xFFFFF086  }
0x1c: {  	p1 =	slt.u32 s9, $0xF7A;
	s5 =	simm.s32 @!p2 $0x0  }
0x1d: {  	s5 =	simm.s32 @p1 $0x1;
	p0 =	seq.s32 s7, s2  }
0x1e: {  	s7 =	smul.u32 @!p0 $0xF7A, s2;
	p2 =	seq.s32 @!p0 s5, $0x0  }
0x1f: {  	s9 =	smul.u32 $0xF7A, s1;
	s8 =	simm.s32 @!p0 $0x1BF5;
	p2 =	por !p2, p0  }
0x20: {  	[sflag:s8] =	ssyncset.s32 @!p0 $0xFFFFF086;
	s6 =	sadd.s32 @!p0 s3, s7;
	s7 =	simm.s32 @!p0 $0x108  }
0x21: {  	s3 =	sadd.s32 s3, s9;
	s6 =	sadd.s32 @!p0 $0x88, s6;
	s7 =	simm.s32 @p2 $0x1082  }
0x22: {  	[simem:s7], [sflag:s8] =	dma.local @!p0 [hbm:s6], $0xF7A  }
0x23: {  	s9 =	sor.u32 $0xD0000000, s2;
	s6 =	simm.s32 $0x108;
	_ =	swait.ge @!p0 [sflag:s8], $0x0  }
0x24: {  	s3 =	sadd.s32 $0x88, s3;
	s6 =	simm.s32 @!p1 $0x1082;
	[sflag:s4] =	ssyncset.s32 $0xFFFFF086  }
0x25: {  	[simem:s6], [sflag:s4] =	dma.local [hbm:s3], $0xF7A  }
0x26: {  	[smem:$0x3F16] =	sst s1;
	(tag) =	ssettag s2;
	_ =	strace s9  }
0x27: {  	s1 =	sld [smem:$0x3F26]  }
0x28: {  	s2 =	sld [smem:$0x3F27]  }
0x29: {  	s4 =	sld [smem:$0x3F29]  }
0x2a: {  	p0 =	seq.s32 s5, $0x0;
	s5 =	sld [smem:$0x3F2A]  }
0x2b: {  	s6 =	sld [smem:$0x3F2B]  }
0x2c: {  	s7 =	sld [smem:$0x3F2C]  }
0x2d: {  	s3 =	simm.s32 $0x108;
	s8 =	sld [smem:$0x3F2D]  }
0x2e: {  	s3 =	simm.s32 @!p0 $0x1082;
	s9 =	sld [smem:$0x3F2E]  }
0x2f: {  	lr =	sadd.s32 s0, s3;
	s0 =	sld [smem:$0x3F25]  }
0x30: {  	s3 =	sld [smem:$0x3F28]  }
0x31: {  	[smem:$0x3F31] =	sst s10  }
0x32: {  	s10 =	sld [smem:$0x3F2F];
	_ =	sdelay $0x3  }
0x33: {  	p0 =	seq.s32 s10, $0x1;
	s10 =	sld [smem:$0x3F31];
	_ =	sdelay $0x3  }
0x34: {  	[smem:$0x3F31] =	sst s10  }
0x35: {  	s10 =	sld [smem:$0x3F30];
	_ =	sdelay $0x3  }
0x36: {  	p1 =	seq.s32 s10, $0x1;
	s10 =	sld [smem:$0x3F31];
	_ =	sdelay $0x3  }
0x37: {  	[smem:$0x3F31] =	sst s10  }
0x38: {  	s10 =	sld [smem:$0x3F32]  }
0x39: {  	_ = 	snop;
	(pc) =	sbr.ind lr, $3  }
0x3a: {  	_ = 	snop  }
0x3b: {  	_ = 	snop  }
0x3c: {  	p2 =	seq.s32 s10, $0x1;
	s10 =	sld [smem:$0x3F31]  }
0x3d: {  	_ =	shalt  }
0x3e: {  	_ =	shalt  }
0x3f: {  	_ =	shalt  }
0x40: {  	_ =	shalt  }
0x41: {  	_ =	shalt  }
0x42: {  	_ =	shalt  }
0x43: {  	_ =	shalt  }
0x44: {  	_ =	shalt  }
0x45: {  	_ =	shalt  }
0x46: {  	_ =	shalt  }
0x47: {  	_ =	shalt  }
0x48: {  	_ =	shalt  }
0x49: {  	_ =	shalt  }
0x4a: {  	_ =	shalt  }
0x4b: {  	_ =	shalt  }
0x4c: {  	_ =	shalt  }
0x4d: {  	_ =	shalt  }
0x4e: {  	_ =	shalt  }
0x4f: {  	_ =	shalt  }
0x50: {  	_ =	shalt  }
0x51: {  	_ =	shalt  }
0x52: {  	_ =	shalt  }
0x53: {  	_ =	shalt  }
0x54: {  	_ =	shalt  }
0x55: {  	_ =	shalt  }
0x56: {  	_ =	shalt  }
0x57: {  	_ =	shalt  }
0x58: {  	_ =	shalt  }
0x59: {  	_ =	shalt  }
0x5a: {  	_ =	shalt  }
0x5b: {  	_ =	shalt  }
0x5c: {  	_ =	shalt  }
0x5d: {  	_ =	shalt  }
0x5e: {  	_ =	shalt  }
0x5f: {  	_ =	shalt  }
0x60: {  	_ =	shalt  }
0x61: {  	_ =	shalt  }
0x62: {  	_ =	shalt  }
0x63: {  	_ =	shalt  }
0x64: {  	_ =	shalt  }
0x65: {  	_ =	shalt  }
0x66: {  	_ =	shalt  }
0x67: {  	_ =	shalt  }
0x68: {  	_ =	shalt  }
0x69: {  	_ =	shalt  }
0x6a: {  	_ =	shalt  }
0x6b: {  	_ =	shalt  }
0x6c: {  	_ =	shalt  }
0x6d: {  	_ =	shalt  }
0x6e: {  	_ =	shalt  }
0x6f: {  	_ =	shalt  }
0x70: {  	_ =	shalt  }
0x71: {  	_ =	shalt  }
0x72: {  	_ =	shalt  }
0x73: {  	_ =	shalt  }
0x74: {  	_ =	shalt  }
0x75: {  	_ =	shalt  }
0x76: {  	_ =	shalt  }
0x77: {  	_ =	shalt  }
0x78: {  	_ =	shalt  }
0x79: {  	_ =	shalt  }
0x7a: {  	_ =	shalt  }
0x7b: {  	_ =	shalt  }
0x7c: {  	_ =	shalt  }
0x7d: {  	_ =	shalt  }
0x7e: {  	_ =	shalt  }
0x7f: {  	_ =	shalt  }
0x80: {  	_ =	shalt  }
0x81: {  	_ =	shalt  }
0x82: {  	_ =	shalt  }
0x83: {  	_ =	shalt  }
0x84: {  	_ =	shalt  }
0x85: {  	_ =	shalt  }
0x86: {  	_ =	shalt  }
0x87: {  	_ =	shalt  }
.Lfunc_end0:
.L_simem_size_0:
called_computation.3_lowered:
.L_overlay_start_0:
0x88: {  	s2 =	sld [smem:$0x3FD9]  }
0x89: {  	s3 =	sld [smem:$0x3FFE];
	_ =	sdelay $0x1  }
0x8a: {  	s1 =	srdreg.scid  }
0x8b: {  	s0 =	sand.u32 $0x1, s1  }
0x8c: {  	s16 =	sshll.u32 s0, $0xA;
	s2 =	sadd.s32 s3, s2  }
0x8d: {  	s2 =	sadd.s32 s2, s16  }
0x8e: {  	[smem:$0x3F3D] =	sst s2  }
0x8f: {  	_ = 	snop  }
0x90: {  	(tm) =	ssettm $0x1  }
0x91: {  	s17 =	sld [smem:$0x3FFB];
	_ =	sdelay $0x3  }
0x92: {  	_ =	strace s17  }
0x93: {  	s2 =	sld [smem:$0x3FFC];
	_ =	sdelay $0x3  }
0x94: {  	_ =	strace s2  }
0x95: {  	s2 =	sld [smem:$0x3FFD];
	_ =	sdelay $0x3  }
0x96: {  	_ =	strace s2  }
0x97: {  	_ =	strace $0x8FFFFFFF  }
0x98: {  	s18 =	sld [smem:$0x3FDB];
	_ =	sdelay $0x1  }
0x99: {  	s19 =	simm.s32 $_scs_section_size  }
0x9a: {  	s4 =	simm.s32 $_size__tile_overlayer_lowered;
	s5 =	simm.s32 $_tile_overlayer_lowered  }
0x9b: {  	s22 =	simm.s32 $0x1BFF;
	s21 =	sshll.u32 s5, $0x1;
	s2 =	sadd.s32 s19, s18  }
0x9c: {  	s6 =	simm.s32 $0x0;
	s20 =	sshll.u32 s4, $0x1;
	s4 =	sadd.s32 s21, s2  }
0x9d: {  	[timem:s6], [sflag:s22] =	dma.local [hbm:s4], s20  }
0x9e: {  	_ =	swait.ge [sflag:s22], s20  }
0x9f: {  	s3 =	ssub.s32 $0x0, s20;
	[sflag:s22] =	ssyncset.done $0x0  }
0xa0: {  	[sflag:s22] =	ssyncadd.s32 s3;
	_ =	sdelay $0x1  }
0xa1: {  	s23 =	simm.s32 $0x1B8B  }
0xa2: {  	_ =	swait.ge [sflag:s23], $0x1  }
0xa3: {  	[sflag:s23] =	ssyncset.done $0x0  }
0xa4: {  	s25 =	simm.s32 $0x1B8E;
	s24 =	sld [smem:$0x3FFE];
	[sflag:s23] =	ssyncadd.s32 $0xFFFFFFFF  }
0xa5: {  	s26 =	simm.s32 $execute0_lowered;
	[smem:$0x3FD2] =	sst s25  }
0xa6: {  	s4 =	sshll.u32 s26, $0x1;
	_ =	strace $0x80000052;
	[dreg:$0x1] =	wrdreg $0xFFFFFFFF  }
0xa7: {  	s28 =	simm.s32 $_size_execute0_lowered;
	s2 =	sadd.s32 s2, s4;
	[dreg:$0x0] =	wrdreg $0x0  }
0xa8: {  	s4 =	sshll.u32 s28, $0x1;
	[dreg:$0x2] =	wrdreg s2  }
0xa9: {  	[dreg:$0x3] =	wrdreg s4  }
0xaa: {  	[dreg:$0x4] =	wrdreg $0xC0  }
0xab: {  	_ =	task [dreg:s6], $0x5FFFF  }
0xac: {  	[dreg:$0x1] =	wrdreg $0xFFFFFFFF  }
0xad: {  	[dreg:$0x0] =	wrdreg $0x60  }
0xae: {  	[dreg:$0x2] =	wrdreg s24  }
0xaf: {  	[dreg:$0x3] =	wrdreg $0x9  }
0xb0: {  	_ =	task.clear_ibuf [dreg:s6], $0x4FFFF;
	_ =	strace $0x90000052  }
0xb1: {  	s29 =	simm.s32 $0x9;
	_ =	strace $0x80000054  }
0xb2: {  	_ =	swait.ge [sflag:s29], $0x1  }
0xb3: {  	[sflag:s29] =	ssyncadd.s32 $0xFFFFFFFF  }
0xb4: {  	_ =	strace $0x90000054  }
0xb5: {  	_ =	sfence  }
0xb6: {  	s30 =	sld [smem:$0x0];
	_ =	sdelay $0x2  }
0xb7: {  	s31 =	sshll.u32 s1, $0xD;
	s1 =	sshrl.u32 s1, $0x2  }
0xb8: {  	s3 =	sand.u32 $0x4000, s31;
	s1 =	sadd.s32 s1, s30  }
0xb9: {  	s0 =	sor.u32 s3, s0;
	s1 =	sshll.u32 s1, $0x11  }
0xba: {  	s0 =	sor.u32 s1, s0  }
0xbb: {  	s0 =	sadd.s32 $0x8F2B, s0  }
0xbc: {  	[sflag:s0] =	ssyncadd.remote.s32 $0x1  }
0xbd: {  	_ =	sfence.sel $0xFFFF  }
0xbe: {  	[dreg:$0x0] =	wrdreg $0xFFFFFFFF;
	(pc) =	sbr.abs _section_cstart, $3  }
0xbf: {  	[dreg:$0x1] =	wrdreg $0xFFFFFFFF  }
0xc0: {  	_ =	task.clear_ibuf [dreg:s6], $0x2FFFF;
	_ =	strace $0x9FFFFFFF  }
0xc1: {  	(tm) =	ssettm $0x7FFFFFFF  }
tec
execute0_lowered:
.L_overlay_start_1:
0x0: {  	(tag) =	ssettag $0x1  }
0x1: {  	s0 =	srdreg.scid;
	s5 =	rddreg [dreg:$0x0]  }
0x2: {  	s1 =	stileid.u32;
	s6 =	simm.s32 $0x1;
	s9 =	simm.s32 $0x1  }
0x3: {  	s10 =	simm.s32 $0x3;
	s13 =	simm.s32 $0x0;
	s2 =	sshll.u32 s0, $0x7  }
0x4: {  	s12 =	simm.s32 $0x0;
	s3 =	sshll.u32 s1, $0x8;
	s2 =	sand.u32 $0x80, s2  }
0x5: {  	s0 =	rddreg [dreg:$0x1];
	_ =	strace $0x80000053;
	s2 =	sor.u32 s3, s2  }
0x6: {  	s4 =	sadd.s32 $0x9AE00, s5;
	[sflag:s6] =	ssyncpa.u1 $0x0;
	s8 =	ssub.s32 $0x1800, s2  }
.Ltmp0:
0x7: {  	s3 =	sadd.s32 $0xC1800, s5;
	s7 =	sand.u32 $0xF80, s8;
	(pc) =	sbr.rel .LBB2_1-.Ltmp0, $4  }
0x8: {  	s5 =	sadd.s32 $0x80200, s5;
	s11 =	smov.u32 s2;
	p0 =	sne.s32 s7, $0x0  }
0x9: {  	s8 =	sshrl.u32 s8, $0xC;
	s7 =	simm.s32 $0x2;
	s9 =	simm.s32 @!p0 $0x0  }
0xa: {  	[sflag:s7] =	ssyncpa.u1 $0x0;
	p0 =	por $0x0, $0x0;
	s8 =	sadd.s32 s9, s8  }
0xb: {  	vm0 =	vmmov $0xffff;
	[sflag:s10] =	ssyncpa.u1 $0x0;
	s10 =	simm.s32 $0x0;
	s9 =	sadd.s32 $0x1, s8  }
.LBB2_4:
0xc: {  	v3 =	vshrl.u32 v0, $0x3;
	v4 =	vshrl.u32 v0, $0xB;
	v1 =	vor.u32 v1, v2  }
0xd: {  	v62 =	vshll.u32 v0, $0xE;
	v60 =	vand.u32 $0xFF, v3;
	v61 =	vand.u32 $0x3F, v4  }
0xe: {  	v0 =	vand.u32 $0x1C000, v62;
	v2 =	vsel vm1, $0xFFFFFFFF, v60;
	v3 =	vsel vm1, $0xFFFFFFFF, v61  }
0xf: {  	v0 =	vsel vm1, $0xFFFFC000, v0;
	v63 =	vand.u32 $0x7F, v2;
	v5 =	vshll.u32 v3, $0x8  }
0x10: {  	v2 =	vshll.u32 v2, $0x3;
	v5 =	vand.u32 $0xFFFFF800, v5;
	v0 =	vor.u32 v0, v63  }
0x11: {  	v3 =	vshll.u32 v3, $0x7;
	v2 =	vand.u32 $0xFFFFFC00, v2;
	v0 =	vadd.s32 v5, v0  }
0x12: {  	v3 =	vand.u32 $0x380, v3;
	v0 =	vadd.s32 v2, v0  }
0x13: {  	v0 =	vor.u32 v3, v0;
	_ =	sdelay $0x1  }
0x14: {  	(ifvalue) =	ssetifvalue $0x7FFFFFFF;
	s14 =	sadd.s32 $0x10, s14  }
0x15: {  	[tilespmem:s14], [sflag:$0x1] =	stream.indirect_vreg.gather [hbm4b:s3+s10], $0x1, v1, vm0, $0x4038;
	[tilespmem:$0x200] =	vst v63  }
0x16: {  	(ifvalue) =	ssetifvalue $0x7FFFFFFF;
	s14 =	sadd.s32 $0x10, s14  }
0x17: {  	[tilespmem:s14], [sflag:$0x1] =	stream.indirect_vreg.gather [hbm4b:s3+s10], $0x1, v0, vm0, $0x4038;
	[tilespmem:$0x200] =	vst v63  }
0x18: {  	_ =	swait.ge [sflag:s6], $0x80  }
0x19: {  	s30 =	sshrl.u32 s13, $0x3;
	[sflag:s6] =	ssyncset.done $0x0  }
0x1a: {  	s31 =	sand.u32 $0x7, s13;
	s14 =	sadd.s32 s5, s30;
	[sflag:s6] =	ssyncadd.s32 $0xFFFFFF80  }
0x1b: {  	[hbm4b:s14+s31] =	stream.linear.scatter [tilespmem:s15], [sflag:$0x3], $0x80, $0x38;
	[tilespmem:$0x200] =	vst v63  }
.LBB2_5:
0x1c: {  	s15 =	sadd.s32 $0x1000, s11  }
0x1d: {  	p2 =	sgt.s32 s15, $0x17FF  }
0x1e: {  	s15 =	smov.u32 @p2 s2;
	p2 =	sne.s32 s12, s9  }
.Ltmp1:
0x1f: {  	p1 =	slt.u32 s12, $0x2;
	(pc) =	sbr.rel @!p2 .LBB2_6-.Ltmp1, $4  }
0x20: {  	s14 =	simm.s32 @!p1 $0x3  }
0x21: {  	s16 =	sadd.s32 $0x1, s12;
	_ =	swait.ge @!p1 [sflag:s14], $0x80  }
0x22: {  	s13 =	smov.u32 s11;
	p0 =	por !p0, !p0;
	[sflag:s14] =	ssyncset.done @!p1 $0x0  }
0x23: {  	s12 =	smov.u32 s16;
	s11 =	smov.u32 s15;
	[sflag:s14] =	ssyncadd.s32 @!p1 $0xFFFFFF80  }
.LBB2_1:
0x24: {  	p1 =	sge.u32 s12, s8  }
0x25: {  	s14 =	sxor.u32 @!p1 $0xFFFFFFFF, s12  }
0x26: {  	s31 =	sadd.s32 $0xFFFFFFFF, s12;
	s15 =	sshrl.u32 @!p1 s11, $0x3;
	s14 =	sshll.u32 @!p1 s14, $0x7  }
0x27: {  	s16 =	sand.u32 @!p1 $0x7, s11;
	s15 =	sadd.s32 @!p1 s4, s15;
	s14 =	sand.u32 @!p1 $0x80, s14  }
0x28: {  	[tilespmem:s14], [sflag:$0x2] =	stream.linear.gather @!p1 [hbm4b:s15+s16], $0x80, $0x38;
	[tilespmem:$0x200] =	vst v63  }
0x29: {  	p1 =	sge.u32 s31, s8  }
.Ltmp2:
0x2a: {  	_ = 	snop;
	(pc) =	sbr.rel @p1 .LBB2_5-.Ltmp2, $1  }
0x2b: {  	_ =	sdelay $0x3  }
0x2c: {  	s14 =	simm.s32 $0x1  }
0x2d: {  	_ =	swait.ge [sflag:s7], $0x80;
	s14 =	simm.s32 @!p0 $0x0  }
0x2e: {  	[sflag:s7] =	ssyncset.done $0x0;
	s14 =	sshll.u32 s14, $0x7  }
0x2f: {  	[sflag:s7] =	ssyncadd.s32 $0xFFFFFF80;
	(ifvalue) =	ssetifvalue $0x7FFFFFFF;
	v0 =	vld.msk [tilespmem:s14+$0x0 ss:$0x1], $0xffff;
	_ =	sdelay $0x4  }
0x30: {  	s15 =	sadd.s32 $0x10, s14;
	vm1 =	veq.s32 v0, $0x80000000;
	v1 =	vshrl.u32 v0, $0x3;
	v2 =	vshrl.u32 v0, $0xB  }
0x31: {  	v3 =	vld.msk [tilespmem:s15+$0x0 ss:$0x1], $0xffff;
	v0 =	vshll.u32 v0, $0xE;
	v1 =	vand.u32 $0xFF, v1;
	v2 =	vand.u32 $0x3F, v2  }
0x32: {  	v0 =	vand.u32 $0x1C000, v0;
	v1 =	vsel vm1, $0xFFFFFFFF, v1;
	v2 =	vsel vm1, $0xFFFFFFFF, v2  }
0x33: {  	v0 =	vsel vm1, $0xFFFFC000, v0;
	v4 =	vand.u32 $0x7F, v1;
	v5 =	vshll.u32 v2, $0x8  }
0x34: {  	v1 =	vshll.u32 v1, $0x3;
	v5 =	vand.u32 $0xFFFFF800, v5;
	v0 =	vor.u32 v0, v4  }
0x35: {  	v2 =	vshll.u32 v2, $0x7;
	v1 =	vand.u32 $0xFFFFFC00, v1;
	v0 =	vadd.s32 v5, v0  }
0x36: {  	v62 =	vshrl.u32 v3, $0xB;
	v2 =	vand.u32 $0x380, v2;
	v0 =	vadd.s32 v1, v0  }
0x37: {  	s17 =	sadd.s32 $0x10, s15;
	vm1 =	veq.s32 v3, $0x80000000;
	v1 =	vor.u32 v2, v0;
	v2 =	vshrl.u32 v3, $0x3  }
0x38: {  	v4 =	vand.u32 $0x3F, v62;
	v0 =	vld.msk [tilespmem:s17+$0x0 ss:$0x1], $0xffff;
	v3 =	vshll.u32 v3, $0xE;
	v2 =	vand.u32 $0xFF, v2  }
0x39: {  	v4 =	vsel vm1, $0xFFFFFFFF, v4;
	v3 =	vand.u32 $0x1C000, v3;
	v2 =	vsel vm1, $0xFFFFFFFF, v2  }
0x3a: {  	s31 =	sshll.u32 s12, $0x7;
	v6 =	vshll.u32 v4, $0x8;
	v3 =	vsel vm1, $0xFFFFC000, v3;
	v63 =	vand.u32 $0x7F, v2  }
0x3b: {  	s14 =	sor.u32 $0x100, s14;
	s15 =	sand.u32 $0x80, s31;
	(ifvalue) =	ssetifvalue $0x7FFFFFFF;
	v6 =	vand.u32 $0xFFFFF800, v6;
	v2 =	vshll.u32 v2, $0x3;
	v3 =	vor.u32 v3, v63  }
0x3c: {  	v2 =	vand.u32 $0xFFFFFC00, v2;
	[tilespmem:s14], [sflag:$0x1] =	stream.indirect_vreg.gather [hbm4b:s3+s10], $0x1, v1, vm0, $0x4038;
	v1 =	vshll.u32 v4, $0x7;
	v3 =	vadd.s32 v6, v3;
	[tilespmem:$0x200] =	vst v63  }
0x3d: {  	s16 =	simm.s32 $0x20;
	s15 =	sor.u32 $0x100, s15;
	s17 =	sadd.s32 $0x10, s17;
	vm1 =	veq.s32 v0, $0x80000000;
	v1 =	vand.u32 $0x380, v1;
	v2 =	vadd.s32 v2, v3  }
.LBB2_3:
0x3e: {  	v3 =	vld.msk [tilespmem:s17+$0x0 ss:$0x1], $0xffff;
	v4 =	vshrl.u32 v0, $0x3;
	v5 =	vshrl.u32 v0, $0xB;
	v1 =	vor.u32 v1, v2;
	s16 =	sadd.s32 $0x10, s16  }
0x3f: {  	v0 =	vshll.u32 v0, $0xE;
	v2 =	vand.u32 $0xFF, v4;
	v4 =	vand.u32 $0x3F, v5;
	p1 =	slt.u32 s16, $0x70  }
.Ltmp3:
0x40: {  	v0 =	vand.u32 $0x1C000, v0;
	v2 =	vsel vm1, $0xFFFFFFFF, v2;
	v4 =	vsel vm1, $0xFFFFFFFF, v4;
	(pc) =	sbr.rel @p1 .LBB2_3-.Ltmp3, $4  }
0x41: {  	v0 =	vsel vm1, $0xFFFFC000, v0;
	v5 =	vand.u32 $0x7F, v2;
	v6 =	vshll.u32 v4, $0x8  }
0x42: {  	s14 =	sadd.s32 $0x10, s14;
	v2 =	vshll.u32 v2, $0x3;
	v6 =	vand.u32 $0xFFFFF800, v6;
	v7 =	vor.u32 v0, v5;
	(ifvalue) =	ssetifvalue $0x7FFFFFFF  }
0x43: {  	v4 =	vshll.u32 v4, $0x7;
	v2 =	vand.u32 $0xFFFFFC00, v2;
	v5 =	vadd.s32 v6, v7;
	[tilespmem:s14], [sflag:$0x1] =	stream.indirect_vreg.gather [hbm4b:s3+s10], $0x1, v1, vm0, $0x4038;
	[tilespmem:$0x200] =	vst v63  }
0x44: {  	s17 =	sadd.s32 $0x10, s17;
	vm1 =	veq.s32 v3, $0x80000000;
	v1 =	vand.u32 $0x380, v4;
	v0 =	vmovc v3;
	v2 =	vadd.s32 v2, v5  }
.Ltmp4:
0x45: {  	_ = 	snop;
	(pc) =	sbr.rel .LBB2_4-.Ltmp4, $1  }
0x46: {  	_ =	sdelay $0x3  }
.LBB2_6:
0x47: {  	_ =	sfence.sel $0x180000  }
0x48: {  	s2 =	simm.s32 $0x2;
	[bflag:$0x0] =	sbarrier.arrive $0xFFFF  }
0x49: {  	s30 =	simm.s32 $0x3;
	[sflag:s2] =	ssyncpa.u1 $0x1  }
0x4a: {  	s31 =	simm.s32 $0x1;
	[sflag:s30] =	ssyncpa.u1 $0x1  }
0x4b: {  	[sflag:s31] =	ssyncpa.u1 $0x1  }
0x4c: {  	p0 =	sne.s32 s1, $0x0;
	_ =	strace $0x90000053  }
0x4d: {  	s0 =	sadd.s32 @!p0 $0x100000, s0;
	[bflag:$0x2] =	sbarrier.arrive $0xFFFF  }
0x4e: {  	[sflag:s0] =	ssyncadd.tile.s32 @!p0 $0x1;
	_ =	shalt  }
.Lfunc_end2:
_tile_overlayer_lowered:
.L_overlay_start_2:
0x4f: {  	(tag) =	ssettag $0x2  }
0x50: {  	s0 =	rddreg [dreg:$0x0];
	s2 =	stileid.u32  }
0x51: {  	s1 =	rddreg [dreg:$0x1];
	p0 =	sne.s32 s2, $0x0  }
0x52: {  	s3 =	rddreg [dreg:$0x2];
	[bflag:$0x3] =	sbarrier.arrive $0xFFFF;
	s2 =	simm.s32 @!p0 $0x1C01  }
0x53: {  	[timem:s3], [sflag:s2] =	dma.local @!p0 [hbm:s0], s1  }
0x54: {  	s0 =	simm.s32 @!p0 $0x1  }
0x55: {  	_ =	swait.ge @!p0 [sflag:s0], s1  }
0x56: {  	s1 =	ssub.s32 @!p0 $0x0, s1;
	[sflag:s0] =	ssyncset.done @!p0 $0x0  }
0x57: {  	[sflag:s0] =	ssyncadd.s32 @!p0 s1  }
0x58: {  	[bflag:$0x3] =	sbarrier.arrive $0xFFFF  }
0x59: {  	_ =	shalt  }

// kernel: gather_offload_async_start.4
scs
__scs_entry_jumppad:
0x0: {  	(pc) =	sbr.rel $0x88, $3  }
0x1: {  	(tag) =	ssettag $0x0;
	lr =	simm.s32 $0x1  }
0x2: {  	[smem:$0x3F16] =	sst lr;
	_ =	strace $0xD0000000  }
0x3: {  	_ = 	snop  }
0x4: {  	_ = 	snop  }
0x5: {  	_ = 	snop  }
0x6: {  	_ = 	snop  }
0x7: {  	_ = 	snop  }
__scs_overlays_trampoline_lowered:
0x8: {  	[smem:$0x3F25] =	sst s0  }
0x9: {  	[smem:$0x3F26] =	sst s1  }
0xa: {  	[smem:$0x3F27] =	sst s2  }
0xb: {  	[smem:$0x3F28] =	sst s3  }
0xc: {  	[smem:$0x3F29] =	sst s4  }
0xd: {  	[smem:$0x3F2A] =	sst s5  }
0xe: {  	[smem:$0x3F2B] =	sst s6  }
0xf: {  	[smem:$0x3F2C] =	sst s7  }
0x10: {  	[smem:$0x3F2D] =	sst s8  }
0x11: {  	[smem:$0x3F2E] =	sst s9;
	s0 =	simm.s32 @!p0 $0x0  }
0x12: {  	s1 =	sld [smem:$0x3F14];
	s0 =	simm.s32 @p0 $0x1  }
0x13: {  	[smem:$0x3F2F] =	sst s0;
	s0 =	simm.s32 @!p1 $0x0  }
0x14: {  	s2 =	sld [smem:$0x3F13];
	s0 =	simm.s32 @p1 $0x1  }
0x15: {  	[smem:$0x3F30] =	sst s0;
	s0 =	simm.s32 @!p2 $0x0  }
0x16: {  	s3 =	sld [smem:$0x3FDB];
	s0 =	simm.s32 @p2 $0x1  }
0x17: {  	s4 =	simm.s32 $0x1BF5;
	[smem:$0x3F32] =	sst s0  }
0x18: {  	s0 =	sld [smem:$0x3F15];
	_ =	swait.ge [sflag:s4], $0x0  }
0x19: {  	s7 =	sld [smem:$0x3F16]  }
0x1a: {  	s8 =	sadd.s32 $0xFFFFE003, lr  }
0x1b: {  	s9 =	sadd.s32 $0xFFFFFEF7, lr;
	s5 =	simm.s32 $0xFFFFFFFF;
	p2 =	slt.u32 s8, $0xFFFFF086  }
0x1c: {  	p1 =	slt.u32 s9, $0xF7A;
	s5 =	simm.s32 @!p2 $0x0  }
0x1d: {  	s5 =	simm.s32 @p1 $0x1;
	p0 =	seq.s32 s7, s2  }
0x1e: {  	s7 =	smul.u32 @!p0 $0xF7A, s2;
	p2 =	seq.s32 @!p0 s5, $0x0  }
0x1f: {  	s9 =	smul.u32 $0xF7A, s1;
	s8 =	simm.s32 @!p0 $0x1BF5;
	p2 =	por !p2, p0  }
0x20: {  	[sflag:s8] =	ssyncset.s32 @!p0 $0xFFFFF086;
	s6 =	sadd.s32 @!p0 s3, s7;
	s7 =	simm.s32 @!p0 $0x108  }
0x21: {  	s3 =	sadd.s32 s3, s9;
	s6 =	sadd.s32 @!p0 $0x88, s6;
	s7 =	simm.s32 @p2 $0x1082  }
0x22: {  	[simem:s7], [sflag:s8] =	dma.local @!p0 [hbm:s6], $0xF7A  }
0x23: {  	s9 =	sor.u32 $0xD0000000, s2;
	s6 =	simm.s32 $0x108;
	_ =	swait.ge @!p0 [sflag:s8], $0x0  }
0x24: {  	s3 =	sadd.s32 $0x88, s3;
	s6 =	simm.s32 @!p1 $0x1082;
	[sflag:s4] =	ssyncset.s32 $0xFFFFF086  }
0x25: {  	[simem:s6], [sflag:s4] =	dma.local [hbm:s3], $0xF7A  }
0x26: {  	[smem:$0x3F16] =	sst s1;
	(tag) =	ssettag s2;
	_ =	strace s9  }
0x27: {  	s1 =	sld [smem:$0x3F26]  }
0x28: {  	s2 =	sld [smem:$0x3F27]  }
0x29: {  	s4 =	sld [smem:$0x3F29]  }
0x2a: {  	p0 =	seq.s32 s5, $0x0;
	s5 =	sld [smem:$0x3F2A]  }
0x2b: {  	s6 =	sld [smem:$0x3F2B]  }
0x2c: {  	s7 =	sld [smem:$0x3F2C]  }
0x2d: {  	s3 =	simm.s32 $0x108;
	s8 =	sld [smem:$0x3F2D]  }
0x2e: {  	s3 =	simm.s32 @!p0 $0x1082;
	s9 =	sld [smem:$0x3F2E]  }
0x2f: {  	lr =	sadd.s32 s0, s3;
	s0 =	sld [smem:$0x3F25]  }
0x30: {  	s3 =	sld [smem:$0x3F28]  }
0x31: {  	[smem:$0x3F31] =	sst s10  }
0x32: {  	s10 =	sld [smem:$0x3F2F];
	_ =	sdelay $0x3  }
0x33: {  	p0 =	seq.s32 s10, $0x1;
	s10 =	sld [smem:$0x3F31];
	_ =	sdelay $0x3  }
0x34: {  	[smem:$0x3F31] =	sst s10  }
0x35: {  	s10 =	sld [smem:$0x3F30];
	_ =	sdelay $0x3  }
0x36: {  	p1 =	seq.s32 s10, $0x1;
	s10 =	sld [smem:$0x3F31];
	_ =	sdelay $0x3  }
0x37: {  	[smem:$0x3F31] =	sst s10  }
0x38: {  	s10 =	sld [smem:$0x3F32]  }
0x39: {  	_ = 	snop;
	(pc) =	sbr.ind lr, $3  }
0x3a: {  	_ = 	snop  }
0x3b: {  	_ = 	snop  }
0x3c: {  	p2 =	seq.s32 s10, $0x1;
	s10 =	sld [smem:$0x3F31]  }
0x3d: {  	_ =	shalt  }
0x3e: {  	_ =	shalt  }
0x3f: {  	_ =	shalt  }
0x40: {  	_ =	shalt  }
0x41: {  	_ =	shalt  }
0x42: {  	_ =	shalt  }
0x43: {  	_ =	shalt  }
0x44: {  	_ =	shalt  }
0x45: {  	_ =	shalt  }
0x46: {  	_ =	shalt  }
0x47: {  	_ =	shalt  }
0x48: {  	_ =	shalt  }
0x49: {  	_ =	shalt  }
0x4a: {  	_ =	shalt  }
0x4b: {  	_ =	shalt  }
0x4c: {  	_ =	shalt  }
0x4d: {  	_ =	shalt  }
0x4e: {  	_ =	shalt  }
0x4f: {  	_ =	shalt  }
0x50: {  	_ =	shalt  }
0x51: {  	_ =	shalt  }
0x52: {  	_ =	shalt  }
0x53: {  	_ =	shalt  }
0x54: {  	_ =	shalt  }
0x55: {  	_ =	shalt  }
0x56: {  	_ =	shalt  }
0x57: {  	_ =	shalt  }
0x58: {  	_ =	shalt  }
0x59: {  	_ =	shalt  }
0x5a: {  	_ =	shalt  }
0x5b: {  	_ =	shalt  }
0x5c: {  	_ =	shalt  }
0x5d: {  	_ =	shalt  }
0x5e: {  	_ =	shalt  }
0x5f: {  	_ =	shalt  }
0x60: {  	_ =	shalt  }
0x61: {  	_ =	shalt  }
0x62: {  	_ =	shalt  }
0x63: {  	_ =	shalt  }
0x64: {  	_ =	shalt  }
0x65: {  	_ =	shalt  }
0x66: {  	_ =	shalt  }
0x67: {  	_ =	shalt  }
0x68: {  	_ =	shalt  }
0x69: {  	_ =	shalt  }
0x6a: {  	_ =	shalt  }
0x6b: {  	_ =	shalt  }
0x6c: {  	_ =	shalt  }
0x6d: {  	_ =	shalt  }
0x6e: {  	_ =	shalt  }
0x6f: {  	_ =	shalt  }
0x70: {  	_ =	shalt  }
0x71: {  	_ =	shalt  }
0x72: {  	_ =	shalt  }
0x73: {  	_ =	shalt  }
0x74: {  	_ =	shalt  }
0x75: {  	_ =	shalt  }
0x76: {  	_ =	shalt  }
0x77: {  	_ =	shalt  }
0x78: {  	_ =	shalt  }
0x79: {  	_ =	shalt  }
0x7a: {  	_ =	shalt  }
0x7b: {  	_ =	shalt  }
0x7c: {  	_ =	shalt  }
0x7d: {  	_ =	shalt  }
0x7e: {  	_ =	shalt  }
0x7f: {  	_ =	shalt  }
0x80: {  	_ =	shalt  }
0x81: {  	_ =	shalt  }
0x82: {  	_ =	shalt  }
0x83: {  	_ =	shalt  }
0x84: {  	_ =	shalt  }
0x85: {  	_ =	shalt  }
0x86: {  	_ =	shalt  }
0x87: {  	_ =	shalt  }
.Lfunc_end0:
.L_simem_size_0:
called_computation.4_lowered:
.L_overlay_start_0:
0x88: {  	s2 =	sld [smem:$0x3FD9]  }
0x89: {  	s3 =	sld [smem:$0x3FFE];
	_ =	sdelay $0x1  }
0x8a: {  	s1 =	srdreg.scid  }
0x8b: {  	s0 =	sand.u32 $0x1, s1  }
0x8c: {  	s17 =	sshll.u32 s0, $0xA;
	s2 =	sadd.s32 s3, s2  }
0x8d: {  	s2 =	sadd.s32 s2, s17  }
0x8e: {  	[smem:$0x3F3D] =	sst s2  }
0x8f: {  	_ = 	snop  }
0x90: {  	s2 =	sld [smem:$0x3FD0];
	(tm) =	ssettm $0x1  }
0x91: {  	s18 =	sld [smem:$0x3FFB];
	_ =	sdelay $0x3  }
0x92: {  	_ =	strace s18  }
0x93: {  	s3 =	sld [smem:$0x3FFC];
	_ =	sdelay $0x3  }
0x94: {  	_ =	strace s3  }
0x95: {  	s3 =	sld [smem:$0x3FFD];
	_ =	sdelay $0x3  }
0x96: {  	_ =	strace s3  }
0x97: {  	_ =	strace $0x8FFFFFFF  }
0x98: {  	s19 =	sld [smem:$0x3FDB];
	_ =	sdelay $0x1  }
0x99: {  	s4 =	simm.s32 $_scs_section_size  }
0x9a: {  	s5 =	simm.s32 $_size__tile_overlayer_lowered;
	s6 =	simm.s32 $_tile_overlayer_lowered  }
0x9b: {  	s22 =	simm.s32 $0x1BFF;
	s21 =	sshll.u32 s6, $0x1;
	s3 =	sadd.s32 s4, s19  }
0x9c: {  	s7 =	simm.s32 $0x0;
	s20 =	sshll.u32 s5, $0x1;
	s5 =	sadd.s32 s21, s3  }
0x9d: {  	[timem:s7], [sflag:s22] =	dma.local [hbm:s5], s20  }
0x9e: {  	_ =	swait.ge [sflag:s22], s20  }
0x9f: {  	s4 =	ssub.s32 $0x0, s20;
	[sflag:s22] =	ssyncset.done $0x0  }
0xa0: {  	[sflag:s22] =	ssyncadd.s32 s4;
	_ =	sdelay $0x1  }
0xa1: {  	s23 =	simm.s32 $0x1B8B  }
0xa2: {  	_ =	swait.ge [sflag:s23], $0x1  }
0xa3: {  	[sflag:s23] =	ssyncset.done $0x0  }
0xa4: {  	s25 =	simm.s32 $0x1B8E;
	s24 =	sld [smem:$0x3FFE];
	[sflag:s23] =	ssyncadd.s32 $0xFFFFFFFF  }
0xa5: {  	s26 =	simm.s32 $execute0_lowered;
	[smem:$0x3FD2] =	sst s25  }
0xa6: {  	s5 =	sshll.u32 s26, $0x1;
	_ =	strace $0x80000055;
	[dreg:$0x1] =	wrdreg $0xFFFFFFFF  }
0xa7: {  	s28 =	simm.s32 $_size_execute0_lowered;
	s3 =	sadd.s32 s3, s5;
	[dreg:$0x0] =	wrdreg $0x0  }
0xa8: {  	s5 =	sshll.u32 s28, $0x1;
	[dreg:$0x2] =	wrdreg s3  }
0xa9: {  	[dreg:$0x3] =	wrdreg s5  }
0xaa: {  	[dreg:$0x4] =	wrdreg $0xC0  }
0xab: {  	_ =	task [dreg:s7], $0x5FFFF  }
0xac: {  	[dreg:$0x1] =	wrdreg $0xFFFFFFFF  }
0xad: {  	[dreg:$0x0] =	wrdreg $0x60  }
0xae: {  	[dreg:$0x2] =	wrdreg s24  }
0xaf: {  	[dreg:$0x3] =	wrdreg s2  }
0xb0: {  	[dreg:$0x4] =	wrdreg $0x9  }
0xb1: {  	_ =	task.clear_ibuf [dreg:s7], $0x5FFFF;
	_ =	strace $0x90000055  }
0xb2: {  	s29 =	simm.s32 $0x9;
	_ =	strace $0x80000057  }
0xb3: {  	_ =	swait.ge [sflag:s29], $0x1  }
0xb4: {  	[sflag:s29] =	ssyncadd.s32 $0xFFFFFFFF  }
0xb5: {  	_ =	strace $0x90000057  }
0xb6: {  	_ =	sfence  }
0xb7: {  	s30 =	sld [smem:$0x0];
	_ =	sdelay $0x2  }
0xb8: {  	s31 =	sshll.u32 s1, $0xD;
	s1 =	sshrl.u32 s1, $0x2  }
0xb9: {  	s3 =	sand.u32 $0x4000, s31;
	s1 =	sadd.s32 s1, s30  }
0xba: {  	s0 =	sor.u32 s3, s0;
	s1 =	sshll.u32 s1, $0x11  }
0xbb: {  	s0 =	sor.u32 s1, s0  }
0xbc: {  	s0 =	sadd.s32 $0x8F2B, s0  }
0xbd: {  	[sflag:s0] =	ssyncadd.remote.s32 $0x1  }
0xbe: {  	_ =	sfence.sel $0xFFFF  }
0xbf: {  	[dreg:$0x0] =	wrdreg $0xFFFFFFFF;
	(pc) =	sbr.abs _section_cstart, $3  }
0xc0: {  	[dreg:$0x1] =	wrdreg $0xFFFFFFFF  }
0xc1: {  	_ =	task.clear_ibuf [dreg:s7], $0x2FFFF;
	_ =	strace $0x9FFFFFFF  }
0xc2: {  	(tm) =	ssettm $0x7FFFFFFF  }
0xc3: {  	_ =	shalt  }
tec
execute0_lowered:
.L_overlay_start_1:
0x0: {  	(tag) =	ssettag $0x1  }
0x1: {  	s1 =	srdreg.scid;
	s5 =	rddreg [dreg:$0x0]  }
0x2: {  	s0 =	stileid.u32;
	s2 =	rddreg [dreg:$0x1];
	s6 =	simm.s32 $0x1  }
0x3: {  	s9 =	simm.s32 $0x1;
	s10 =	simm.s32 $0x3;
	s1 =	sshll.u32 s1, $0x9  }
0x4: {  	s13 =	simm.s32 $0x0;
	s3 =	sshll.u32 s0, $0xA;
	s4 =	sand.u32 $0x200, s1  }
0x5: {  	s12 =	simm.s32 $0x0;
	s1 =	rddreg [dreg:$0x2];
	s3 =	sor.u32 s3, s4  }
0x6: {  	_ =	strace $0x80000056;
	s4 =	sadd.s32 $0x149000, s5;
	s8 =	ssub.s32 $0x6000, s3  }
.Ltmp0:
0x7: {  	s5 =	sadd.s32 $0x139800, s5;
	s7 =	sand.u32 $0x3E00, s8;
	(pc) =	sbr.rel .LBB2_1-.Ltmp0, $4  }
0x8: {  	[sflag:s6] =	ssyncpa.u1 $0x0;
	s11 =	smov.u32 s3;
	p0 =	sne.s32 s7, $0x0  }
0x9: {  	s8 =	sshrl.u32 s8, $0xE;
	s7 =	simm.s32 $0x2;
	s9 =	simm.s32 @!p0 $0x0  }
0xa: {  	[sflag:s7] =	ssyncpa.u1 $0x0;
	p0 =	por $0x0, $0x0;
	s8 =	sadd.s32 s9, s8  }
0xb: {  	vm0 =	vmmov $0xffff;
	[sflag:s10] =	ssyncpa.u1 $0x0;
	s10 =	simm.s32 $0x0;
	s9 =	sadd.s32 $0x1, s8  }
.LBB2_4:
0xc: {  	v3 =	vshrl.u32 v0, $0x3;
	v4 =	vshrl.u32 v0, $0xD;
	v1 =	vor.u32 v1, v2  }
0xd: {  	v62 =	vshll.u32 v0, $0x12;
	v60 =	vand.u32 $0x3FF, v3;
	v61 =	vand.u32 $0xFF, v4  }
0xe: {  	v0 =	vand.u32 $0x1C0000, v62;
	v2 =	vsel vm1, $0xFFFFFFFF, v60;
	v3 =	vsel vm1, $0xFFFFFFFF, v61  }
0xf: {  	v0 =	vsel vm1, $0xFFFC0000, v0;
	v63 =	vand.u32 $0x7F, v3;
	v5 =	vshll.u32 v2, $0x8  }
0x10: {  	v3 =	vshll.u32 v3, $0x3;
	v5 =	vand.u32 $0xFFFFF800, v5;
	v0 =	vor.u32 v0, v63  }
0x11: {  	v2 =	vshll.u32 v2, $0x7;
	v3 =	vand.u32 $0xFFFFFC00, v3;
	v0 =	vadd.s32 v5, v0  }
0x12: {  	v2 =	vand.u32 $0x380, v2;
	v0 =	vadd.s32 v3, v0  }
0x13: {  	v0 =	vor.u32 v2, v0;
	_ =	sdelay $0x1  }
0x14: {  	(ifvalue) =	ssetifvalue $0x7FFFFFFF;
	s14 =	sadd.s32 $0x10, s14  }
0x15: {  	[tilespmem:s14], [sflag:$0x1] =	stream.indirect_vreg.gather [hbm4b:s4+s10], $0x1, v1, vm0, $0x4038;
	[tilespmem:$0x800] =	vst v63  }
0x16: {  	(ifvalue) =	ssetifvalue $0x7FFFFFFF;
	s14 =	sadd.s32 $0x10, s14  }
0x17: {  	[tilespmem:s14], [sflag:$0x1] =	stream.indirect_vreg.gather [hbm4b:s4+s10], $0x1, v0, vm0, $0x4038;
	[tilespmem:$0x800] =	vst v63  }
0x18: {  	_ =	swait.ge [sflag:s6], $0x200  }
0x19: {  	s30 =	sshrl.u32 s13, $0x3;
	[sflag:s6] =	ssyncset.done $0x0  }
0x1a: {  	s31 =	sand.u32 $0x7, s13;
	s14 =	sadd.s32 s2, s30;
	[sflag:s6] =	ssyncadd.s32 $0xFFFFFE00  }
0x1b: {  	[hbm4b:s14+s31] =	stream.linear.scatter [tilespmem:s15], [sflag:$0x3], $0x200, $0x38;
	[tilespmem:$0x800] =	vst v63  }
.LBB2_5:
0x1c: {  	s15 =	sadd.s32 $0x4000, s11  }
0x1d: {  	p2 =	sgt.s32 s15, $0x5FFF  }
0x1e: {  	s15 =	smov.u32 @p2 s3;
	p2 =	sne.s32 s12, s9  }
.Ltmp1:
0x1f: {  	p1 =	slt.u32 s12, $0x2;
	(pc) =	sbr.rel @!p2 .LBB2_6-.Ltmp1, $4  }
0x20: {  	s14 =	simm.s32 @!p1 $0x3  }
0x21: {  	s16 =	sadd.s32 $0x1, s12;
	_ =	swait.ge @!p1 [sflag:s14], $0x200  }
0x22: {  	s13 =	smov.u32 s11;
	p0 =	por !p0, !p0;
	[sflag:s14] =	ssyncset.done @!p1 $0x0  }
0x23: {  	s12 =	smov.u32 s16;
	s11 =	smov.u32 s15;
	[sflag:s14] =	ssyncadd.s32 @!p1 $0xFFFFFE00  }
.LBB2_1:
0x24: {  	p1 =	sge.u32 s12, s8  }
0x25: {  	s14 =	sxor.u32 @!p1 $0xFFFFFFFF, s12  }
0x26: {  	s31 =	sadd.s32 $0xFFFFFFFF, s12;
	s15 =	sshrl.u32 @!p1 s11, $0x3;
	s14 =	sshll.u32 @!p1 s14, $0x9  }
0x27: {  	s16 =	sand.u32 @!p1 $0x7, s11;
	s15 =	sadd.s32 @!p1 s5, s15;
	s14 =	sand.u32 @!p1 $0x200, s14  }
0x28: {  	[tilespmem:s14], [sflag:$0x2] =	stream.linear.gather @!p1 [hbm4b:s15+s16], $0x200, $0x38;
	[tilespmem:$0x800] =	vst v63  }
0x29: {  	p1 =	sge.u32 s31, s8  }
.Ltmp2:
0x2a: {  	_ = 	snop;
	(pc) =	sbr.rel @p1 .LBB2_5-.Ltmp2, $1  }
0x2b: {  	_ =	sdelay $0x3  }
0x2c: {  	s14 =	simm.s32 $0x1  }
0x2d: {  	_ =	swait.ge [sflag:s7], $0x200;
	s14 =	simm.s32 @!p0 $0x0  }
0x2e: {  	[sflag:s7] =	ssyncset.done $0x0;
	s14 =	sshll.u32 s14, $0x9  }
0x2f: {  	[sflag:s7] =	ssyncadd.s32 $0xFFFFFE00;
	(ifvalue) =	ssetifvalue $0x7FFFFFFF;
	v0 =	vld.msk [tilespmem:s14+$0x0 ss:$0x1], $0xffff;
	_ =	sdelay $0x4  }
0x30: {  	s15 =	sadd.s32 $0x10, s14;
	vm1 =	veq.s32 v0, $0x80000000;
	v1 =	vshrl.u32 v0, $0x3;
	v2 =	vshrl.u32 v0, $0xD  }
0x31: {  	v3 =	vld.msk [tilespmem:s15+$0x0 ss:$0x1], $0xffff;
	v0 =	vshll.u32 v0, $0x12;
	v1 =	vand.u32 $0x3FF, v1;
	v2 =	vand.u32 $0xFF, v2  }
0x32: {  	v0 =	vand.u32 $0x1C0000, v0;
	v1 =	vsel vm1, $0xFFFFFFFF, v1;
	v2 =	vsel vm1, $0xFFFFFFFF, v2  }
0x33: {  	v0 =	vsel vm1, $0xFFFC0000, v0;
	v4 =	vand.u32 $0x7F, v2;
	v5 =	vshll.u32 v1, $0x8  }
0x34: {  	v2 =	vshll.u32 v2, $0x3;
	v5 =	vand.u32 $0xFFFFF800, v5;
	v0 =	vor.u32 v0, v4  }
0x35: {  	v1 =	vshll.u32 v1, $0x7;
	v2 =	vand.u32 $0xFFFFFC00, v2;
	v0 =	vadd.s32 v5, v0  }
0x36: {  	v62 =	vshrl.u32 v3, $0xD;
	v1 =	vand.u32 $0x380, v1;
	v0 =	vadd.s32 v2, v0  }
0x37: {  	s17 =	sadd.s32 $0x10, s15;
	vm1 =	veq.s32 v3, $0x80000000;
	v2 =	vshrl.u32 v3, $0x3;
	v1 =	vor.u32 v1, v0  }
0x38: {  	v4 =	vand.u32 $0xFF, v62;
	v3 =	vshll.u32 v3, $0x12;
	v0 =	vld.msk [tilespmem:s17+$0x0 ss:$0x1], $0xffff;
	v2 =	vand.u32 $0x3FF, v2  }
0x39: {  	v4 =	vsel vm1, $0xFFFFFFFF, v4;
	v3 =	vand.u32 $0x1C0000, v3;
	v2 =	vsel vm1, $0xFFFFFFFF, v2  }
0x3a: {  	s31 =	sshll.u32 s12, $0x9;
	v63 =	vand.u32 $0x7F, v4;
	v3 =	vsel vm1, $0xFFFC0000, v3;
	v6 =	vshll.u32 v2, $0x8  }
0x3b: {  	s14 =	sor.u32 $0x400, s14;
	s15 =	sand.u32 $0x200, s31;
	v4 =	vshll.u32 v4, $0x3;
	(ifvalue) =	ssetifvalue $0x7FFFFFFF;
	v3 =	vor.u32 v3, v63;
	v6 =	vand.u32 $0xFFFFF800, v6  }
0x3c: {  	v4 =	vand.u32 $0xFFFFFC00, v4;
	[tilespmem:s14], [sflag:$0x1] =	stream.indirect_vreg.gather [hbm4b:s4+s10], $0x1, v1, vm0, $0x4038;
	v1 =	vshll.u32 v2, $0x7;
	v2 =	vadd.s32 v6, v3;
	[tilespmem:$0x800] =	vst v63  }
0x3d: {  	s16 =	simm.s32 $0x20;
	s15 =	sor.u32 $0x400, s15;
	s17 =	sadd.s32 $0x10, s17;
	vm1 =	veq.s32 v0, $0x80000000;
	v1 =	vand.u32 $0x380, v1;
	v2 =	vadd.s32 v4, v2  }
.LBB2_3:
0x3e: {  	v3 =	vld.msk [tilespmem:s17+$0x0 ss:$0x1], $0xffff;
	v4 =	vshrl.u32 v0, $0x3;
	v5 =	vshrl.u32 v0, $0xD;
	v1 =	vor.u32 v1, v2;
	s16 =	sadd.s32 $0x10, s16  }
0x3f: {  	v0 =	vshll.u32 v0, $0x12;
	v2 =	vand.u32 $0x3FF, v4;
	v4 =	vand.u32 $0xFF, v5;
	p1 =	slt.u32 s16, $0x1F0  }
.Ltmp3:
0x40: {  	v0 =	vand.u32 $0x1C0000, v0;
	v2 =	vsel vm1, $0xFFFFFFFF, v2;
	v4 =	vsel vm1, $0xFFFFFFFF, v4;
	(pc) =	sbr.rel @p1 .LBB2_3-.Ltmp3, $4  }
0x41: {  	v0 =	vsel vm1, $0xFFFC0000, v0;
	v5 =	vand.u32 $0x7F, v4;
	v6 =	vshll.u32 v2, $0x8  }
0x42: {  	s14 =	sadd.s32 $0x10, s14;
	v4 =	vshll.u32 v4, $0x3;
	v6 =	vand.u32 $0xFFFFF800, v6;
	v7 =	vor.u32 v0, v5;
	(ifvalue) =	ssetifvalue $0x7FFFFFFF  }
0x43: {  	v2 =	vshll.u32 v2, $0x7;
	v4 =	vand.u32 $0xFFFFFC00, v4;
	v5 =	vadd.s32 v6, v7;
	[tilespmem:s14], [sflag:$0x1] =	stream.indirect_vreg.gather [hbm4b:s4+s10], $0x1, v1, vm0, $0x4038;
	[tilespmem:$0x800] =	vst v63  }
0x44: {  	s17 =	sadd.s32 $0x10, s17;
	vm1 =	veq.s32 v3, $0x80000000;
	v1 =	vand.u32 $0x380, v2;
	v0 =	vmovc v3;
	v2 =	vadd.s32 v4, v5  }
.Ltmp4:
0x45: {  	_ = 	snop;
	(pc) =	sbr.rel .LBB2_4-.Ltmp4, $1  }
0x46: {  	_ =	sdelay $0x3  }
.LBB2_6:
0x47: {  	_ =	sfence.sel $0x180000  }
0x48: {  	s2 =	simm.s32 $0x2;
	[bflag:$0x0] =	sbarrier.arrive $0xFFFF  }
0x49: {  	s30 =	simm.s32 $0x3;
	[sflag:s2] =	ssyncpa.u1 $0x1  }
0x4a: {  	s31 =	simm.s32 $0x1;
	[sflag:s30] =	ssyncpa.u1 $0x1  }
0x4b: {  	[sflag:s31] =	ssyncpa.u1 $0x1  }
0x4c: {  	p0 =	sne.s32 s0, $0x0;
	_ =	strace $0x90000056  }
0x4d: {  	s0 =	sadd.s32 @!p0 $0x100000, s1;
	[bflag:$0x2] =	sbarrier.arrive $0xFFFF  }
0x4e: {  	[sflag:s0] =	ssyncadd.tile.s32 @!p0 $0x1;
	_ =	shalt  }
.Lfunc_end2:
_tile_overlayer_lowered:
.L_overlay_start_2:
0x4f: {  	(tag) =	ssettag $0x2  }
0x50: {  	s0 =	rddreg [dreg:$0x0];
	s2 =	stileid.u32  }
0x51: {  	s1 =	rddreg [dreg:$0x1];
	p0 =	sne.s32 s2, $0x0  }
0x52: {  	s3 =	rddreg [dreg:$0x2];
	[bflag:$0x3] =	sbarrier.arrive $0xFFFF;
	s2 =	simm.s32 @!p0 $0x1C01  }
0x53: {  	[timem:s3], [sflag:s2] =	dma.local @!p0 [hbm:s0], s1  }
0x54: {  	s0 =	simm.s32 @!p0 $0x1  }
0x55: {  	_ =	swait.ge @!p0 [sflag:s0], s1  }
0x56: {  	s1 =	ssub.s32 @!p0 $0x0, s1;
	[sflag:s0] =	ssyncset.done @!p0 $0x0  }
0x57: {  	[sflag:s0] =	ssyncadd.s32 @!p0 s1  }
0x58: {  	[bflag:$0x3] =	sbarrier.arrive $0xFFFF  }
0x59: {  	_ =	shalt  }

// kernel: gather_offload_async_start.5
scs
__scs_entry_jumppad:
0x0: {  	(pc) =	sbr.rel $0x88, $3  }
0x1: {  	(tag) =	ssettag $0x0;
	lr =	simm.s32 $0x1  }
0x2: {  	[smem:$0x3F16] =	sst lr;
	_ =	strace $0xD0000000  }
0x3: {  	_ = 	snop  }
0x4: {  	_ = 	snop  }
0x5: {  	_ = 	snop  }
0x6: {  	_ = 	snop  }
0x7: {  	_ = 	snop  }
__scs_overlays_trampoline_lowered:
0x8: {  	[smem:$0x3F25] =	sst s0  }
0x9: {  	[smem:$0x3F26] =	sst s1  }
0xa: {  	[smem:$0x3F27] =	sst s2  }
0xb: {  	[smem:$0x3F28] =	sst s3  }
0xc: {  	[smem:$0x3F29] =	sst s4  }
0xd: {  	[smem:$0x3F2A] =	sst s5  }
0xe: {  	[smem:$0x3F2B] =	sst s6  }
0xf: {  	[smem:$0x3F2C] =	sst s7  }
0x10: {  	[smem:$0x3F2D] =	sst s8  }
0x11: {  	[smem:$0x3F2E] =	sst s9;
	s0 =	simm.s32 @!p0 $0x0  }
0x12: {  	s1 =	sld [smem:$0x3F14];
	s0 =	simm.s32 @p0 $0x1  }
0x13: {  	[smem:$0x3F2F] =	sst s0;
	s0 =	simm.s32 @!p1 $0x0  }
0x14: {  	s2 =	sld [smem:$0x3F13];
	s0 =	simm.s32 @p1 $0x1  }
0x15: {  	[smem:$0x3F30] =	sst s0;
	s0 =	simm.s32 @!p2 $0x0  }
0x16: {  	s3 =	sld [smem:$0x3FDB];
	s0 =	simm.s32 @p2 $0x1  }
0x17: {  	s4 =	simm.s32 $0x1BF5;
	[smem:$0x3F32] =	sst s0  }
0x18: {  	s0 =	sld [smem:$0x3F15];
	_ =	swait.ge [sflag:s4], $0x0  }
0x19: {  	s7 =	sld [smem:$0x3F16]  }
0x1a: {  	s8 =	sadd.s32 $0xFFFFE003, lr  }
0x1b: {  	s9 =	sadd.s32 $0xFFFFFEF7, lr;
	s5 =	simm.s32 $0xFFFFFFFF;
	p2 =	slt.u32 s8, $0xFFFFF086  }
0x1c: {  	p1 =	slt.u32 s9, $0xF7A;
	s5 =	simm.s32 @!p2 $0x0  }
0x1d: {  	s5 =	simm.s32 @p1 $0x1;
	p0 =	seq.s32 s7, s2  }
0x1e: {  	s7 =	smul.u32 @!p0 $0xF7A, s2;
	p2 =	seq.s32 @!p0 s5, $0x0  }
0x1f: {  	s9 =	smul.u32 $0xF7A, s1;
	s8 =	simm.s32 @!p0 $0x1BF5;
	p2 =	por !p2, p0  }
0x20: {  	[sflag:s8] =	ssyncset.s32 @!p0 $0xFFFFF086;
	s6 =	sadd.s32 @!p0 s3, s7;
	s7 =	simm.s32 @!p0 $0x108  }
0x21: {  	s3 =	sadd.s32 s3, s9;
	s6 =	sadd.s32 @!p0 $0x88, s6;
	s7 =	simm.s32 @p2 $0x1082  }
0x22: {  	[simem:s7], [sflag:s8] =	dma.local @!p0 [hbm:s6], $0xF7A  }
0x23: {  	s9 =	sor.u32 $0xD0000000, s2;
	s6 =	simm.s32 $0x108;
	_ =	swait.ge @!p0 [sflag:s8], $0x0  }
0x24: {  	s3 =	sadd.s32 $0x88, s3;
	s6 =	simm.s32 @!p1 $0x1082;
	[sflag:s4] =	ssyncset.s32 $0xFFFFF086  }
0x25: {  	[simem:s6], [sflag:s4] =	dma.local [hbm:s3], $0xF7A  }
0x26: {  	[smem:$0x3F16] =	sst s1;
	(tag) =	ssettag s2;
	_ =	strace s9  }
0x27: {  	s1 =	sld [smem:$0x3F26]  }
0x28: {  	s2 =	sld [smem:$0x3F27]  }
0x29: {  	s4 =	sld [smem:$0x3F29]  }
0x2a: {  	p0 =	seq.s32 s5, $0x0;
	s5 =	sld [smem:$0x3F2A]  }
0x2b: {  	s6 =	sld [smem:$0x3F2B]  }
0x2c: {  	s7 =	sld [smem:$0x3F2C]  }
0x2d: {  	s3 =	simm.s32 $0x108;
	s8 =	sld [smem:$0x3F2D]  }
0x2e: {  	s3 =	simm.s32 @!p0 $0x1082;
	s9 =	sld [smem:$0x3F2E]  }
0x2f: {  	lr =	sadd.s32 s0, s3;
	s0 =	sld [smem:$0x3F25]  }
0x30: {  	s3 =	sld [smem:$0x3F28]  }
0x31: {  	[smem:$0x3F31] =	sst s10  }
0x32: {  	s10 =	sld [smem:$0x3F2F];
	_ =	sdelay $0x3  }
0x33: {  	p0 =	seq.s32 s10, $0x1;
	s10 =	sld [smem:$0x3F31];
	_ =	sdelay $0x3  }
0x34: {  	[smem:$0x3F31] =	sst s10  }
0x35: {  	s10 =	sld [smem:$0x3F30];
	_ =	sdelay $0x3  }
0x36: {  	p1 =	seq.s32 s10, $0x1;
	s10 =	sld [smem:$0x3F31];
	_ =	sdelay $0x3  }
0x37: {  	[smem:$0x3F31] =	sst s10  }
0x38: {  	s10 =	sld [smem:$0x3F32]  }
0x39: {  	_ = 	snop;
	(pc) =	sbr.ind lr, $3  }
0x3a: {  	_ = 	snop  }
0x3b: {  	_ = 	snop  }
0x3c: {  	p2 =	seq.s32 s10, $0x1;
	s10 =	sld [smem:$0x3F31]  }
0x3d: {  	_ =	shalt  }
0x3e: {  	_ =	shalt  }
0x3f: {  	_ =	shalt  }
0x40: {  	_ =	shalt  }
0x41: {  	_ =	shalt  }
0x42: {  	_ =	shalt  }
0x43: {  	_ =	shalt  }
0x44: {  	_ =	shalt  }
0x45: {  	_ =	shalt  }
0x46: {  	_ =	shalt  }
0x47: {  	_ =	shalt  }
0x48: {  	_ =	shalt  }
0x49: {  	_ =	shalt  }
0x4a: {  	_ =	shalt  }
0x4b: {  	_ =	shalt  }
0x4c: {  	_ =	shalt  }
0x4d: {  	_ =	shalt  }
0x4e: {  	_ =	shalt  }
0x4f: {  	_ =	shalt  }
0x50: {  	_ =	shalt  }
0x51: {  	_ =	shalt  }
0x52: {  	_ =	shalt  }
0x53: {  	_ =	shalt  }
0x54: {  	_ =	shalt  }
0x55: {  	_ =	shalt  }
0x56: {  	_ =	shalt  }
0x57: {  	_ =	shalt  }
0x58: {  	_ =	shalt  }
0x59: {  	_ =	shalt  }
0x5a: {  	_ =	shalt  }
0x5b: {  	_ =	shalt  }
0x5c: {  	_ =	shalt  }
0x5d: {  	_ =	shalt  }
0x5e: {  	_ =	shalt  }
0x5f: {  	_ =	shalt  }
0x60: {  	_ =	shalt  }
0x61: {  	_ =	shalt  }
0x62: {  	_ =	shalt  }
0x63: {  	_ =	shalt  }
0x64: {  	_ =	shalt  }
0x65: {  	_ =	shalt  }
0x66: {  	_ =	shalt  }
0x67: {  	_ =	shalt  }
0x68: {  	_ =	shalt  }
0x69: {  	_ =	shalt  }
0x6a: {  	_ =	shalt  }
0x6b: {  	_ =	shalt  }
0x6c: {  	_ =	shalt  }
0x6d: {  	_ =	shalt  }
0x6e: {  	_ =	shalt  }
0x6f: {  	_ =	shalt  }
0x70: {  	_ =	shalt  }
0x71: {  	_ =	shalt  }
0x72: {  	_ =	shalt  }
0x73: {  	_ =	shalt  }
0x74: {  	_ =	shalt  }
0x75: {  	_ =	shalt  }
0x76: {  	_ =	shalt  }
0x77: {  	_ =	shalt  }
0x78: {  	_ =	shalt  }
0x79: {  	_ =	shalt  }
0x7a: {  	_ =	shalt  }
0x7b: {  	_ =	shalt  }
0x7c: {  	_ =	shalt  }
0x7d: {  	_ =	shalt  }
0x7e: {  	_ =	shalt  }
0x7f: {  	_ =	shalt  }
0x80: {  	_ =	shalt  }
0x81: {  	_ =	shalt  }
0x82: {  	_ =	shalt  }
0x83: {  	_ =	shalt  }
0x84: {  	_ =	shalt  }
0x85: {  	_ =	shalt  }
0x86: {  	_ =	shalt  }
0x87: {  	_ =	shalt  }
.Lfunc_end0:
.L_simem_size_0:
called_computation.5_lowered:
.L_overlay_start_0:
0x88: {  	s2 =	sld [smem:$0x3FD9]  }
0x89: {  	s3 =	sld [smem:$0x3FFE];
	_ =	sdelay $0x1  }
0x8a: {  	s1 =	srdreg.scid  }
0x8b: {  	s0 =	sand.u32 $0x1, s1  }
0x8c: {  	s17 =	sshll.u32 s0, $0xA;
	s2 =	sadd.s32 s3, s2  }
0x8d: {  	s2 =	sadd.s32 s2, s17  }
0x8e: {  	[smem:$0x3F3D] =	sst s2  }
0x8f: {  	_ = 	snop  }
0x90: {  	s2 =	sld [smem:$0x3FD0];
	(tm) =	ssettm $0x1  }
0x91: {  	s18 =	sld [smem:$0x3FFB];
	_ =	sdelay $0x3  }
0x92: {  	_ =	strace s18  }
0x93: {  	s3 =	sld [smem:$0x3FFC];
	_ =	sdelay $0x3  }
0x94: {  	_ =	strace s3  }
0x95: {  	s3 =	sld [smem:$0x3FFD];
	_ =	sdelay $0x3  }
0x96: {  	_ =	strace s3  }
0x97: {  	_ =	strace $0x8FFFFFFF  }
0x98: {  	s19 =	sld [smem:$0x3FDB];
	_ =	sdelay $0x1  }
0x99: {  	s4 =	simm.s32 $_scs_section_size  }
0x9a: {  	s5 =	simm.s32 $_size__tile_overlayer_lowered;
	s6 =	simm.s32 $_tile_overlayer_lowered  }
0x9b: {  	s22 =	simm.s32 $0x1BFF;
	s21 =	sshll.u32 s6, $0x1;
	s3 =	sadd.s32 s4, s19  }
0x9c: {  	s7 =	simm.s32 $0x0;
	s20 =	sshll.u32 s5, $0x1;
	s5 =	sadd.s32 s21, s3  }
0x9d: {  	[timem:s7], [sflag:s22] =	dma.local [hbm:s5], s20  }
0x9e: {  	_ =	swait.ge [sflag:s22], s20  }
0x9f: {  	s4 =	ssub.s32 $0x0, s20;
	[sflag:s22] =	ssyncset.done $0x0  }
0xa0: {  	[sflag:s22] =	ssyncadd.s32 s4;
	_ =	sdelay $0x1  }
0xa1: {  	s23 =	simm.s32 $0x1B8B  }
0xa2: {  	_ =	swait.ge [sflag:s23], $0x1  }
0xa3: {  	[sflag:s23] =	ssyncset.done $0x0  }
0xa4: {  	s25 =	simm.s32 $0x1B8E;
	s24 =	sld [smem:$0x3FFE];
	[sflag:s23] =	ssyncadd.s32 $0xFFFFFFFF  }
0xa5: {  	s26 =	simm.s32 $execute0_lowered;
	[smem:$0x3FD2] =	sst s25  }
0xa6: {  	s5 =	sshll.u32 s26, $0x1;
	_ =	strace $0x80000049;
	[dreg:$0x1] =	wrdreg $0xFFFFFFFF  }
0xa7: {  	s28 =	simm.s32 $_size_execute0_lowered;
	s3 =	sadd.s32 s3, s5;
	[dreg:$0x0] =	wrdreg $0x0  }
0xa8: {  	s5 =	sshll.u32 s28, $0x1;
	[dreg:$0x2] =	wrdreg s3  }
0xa9: {  	[dreg:$0x3] =	wrdreg s5  }
0xaa: {  	[dreg:$0x4] =	wrdreg $0xC0  }
0xab: {  	_ =	task [dreg:s7], $0x5FFFF  }
0xac: {  	[dreg:$0x1] =	wrdreg $0xFFFFFFFF  }
0xad: {  	[dreg:$0x0] =	wrdreg $0x60  }
0xae: {  	[dreg:$0x2] =	wrdreg s24  }
0xaf: {  	[dreg:$0x3] =	wrdreg s2  }
0xb0: {  	[dreg:$0x4] =	wrdreg $0x9  }
0xb1: {  	_ =	task.clear_ibuf [dreg:s7], $0x5FFFF;
	_ =	strace $0x90000049  }
0xb2: {  	s29 =	simm.s32 $0x9;
	_ =	strace $0x8000004B  }
0xb3: {  	_ =	swait.ge [sflag:s29], $0x1  }
0xb4: {  	[sflag:s29] =	ssyncadd.s32 $0xFFFFFFFF  }
0xb5: {  	_ =	strace $0x9000004B  }
0xb6: {  	_ =	sfence  }
0xb7: {  	s30 =	sld [smem:$0x0];
	_ =	sdelay $0x2  }
0xb8: {  	s31 =	sshll.u32 s1, $0xD;
	s1 =	sshrl.u32 s1, $0x2  }
0xb9: {  	s3 =	sand.u32 $0x4000, s31;
	s1 =	sadd.s32 s1, s30  }
0xba: {  	s0 =	sor.u32 s3, s0;
	s1 =	sshll.u32 s1, $0x11  }
0xbb: {  	s0 =	sor.u32 s1, s0  }
0xbc: {  	s0 =	sadd.s32 $0x8F2B, s0  }
0xbd: {  	[sflag:s0] =	ssyncadd.remote.s32 $0x1  }
0xbe: {  	_ =	sfence.sel $0xFFFF  }
0xbf: {  	[dreg:$0x0] =	wrdreg $0xFFFFFFFF;
	(pc) =	sbr.abs _section_cstart, $3  }
0xc0: {  	[dreg:$0x1] =	wrdreg $0xFFFFFFFF  }
0xc1: {  	_ =	task.clear_ibuf [dreg:s7], $0x2FFFF;
	_ =	strace $0x9FFFFFFF  }
0xc2: {  	(tm) =	ssettm $0x7FFFFFFF  }
0xc3: {  	_ =	shalt  }
tec
execute0_lowered:
.L_overlay_start_1:
0x0: {  	(tag) =	ssettag $0x1  }
0x1: {  	s1 =	srdreg.scid;
	s5 =	rddreg [dreg:$0x0]  }
0x2: {  	s0 =	stileid.u32;
	s2 =	rddreg [dreg:$0x1];
	s6 =	simm.s32 $0x1  }
0x3: {  	s9 =	simm.s32 $0x1;
	s10 =	simm.s32 $0x3;
	s1 =	sshll.u32 s1, $0xB  }
0x4: {  	s13 =	simm.s32 $0x0;
	s3 =	sshll.u32 s0, $0xC;
	s4 =	sand.u32 $0x800, s1  }
0x5: {  	s12 =	simm.s32 $0x0;
	s1 =	rddreg [dreg:$0x2];
	s3 =	sor.u32 s3, s4  }
0x6: {  	_ =	strace $0x8000004A;
	s4 =	sadd.s32 $0x501000, s5;
	s8 =	ssub.s32 $0x18000, s3  }
.Ltmp0:
0x7: {  	s5 =	sadd.s32 $0xA1800, s5;
	s7 =	sand.u32 $0xF800, s8;
	(pc) =	sbr.rel .LBB2_1-.Ltmp0, $4  }
0x8: {  	[sflag:s6] =	ssyncpa.u1 $0x0;
	s11 =	smov.u32 s3;
	p0 =	sne.s32 s7, $0x0  }
0x9: {  	s8 =	sshrl.u32 s8, $0x10;
	s7 =	simm.s32 $0x2;
	s9 =	simm.s32 @!p0 $0x0  }
0xa: {  	[sflag:s7] =	ssyncpa.u1 $0x0;
	p0 =	por $0x0, $0x0;
	s8 =	sadd.s32 s9, s8  }
0xb: {  	vm0 =	vmmov $0xffff;
	[sflag:s10] =	ssyncpa.u1 $0x0;
	s10 =	simm.s32 $0x0;
	s9 =	sadd.s32 $0x1, s8  }
.LBB2_4:
0xc: {  	v3 =	vshrl.u32 v0, $0x3;
	v4 =	vshrl.u32 v0, $0xF;
	v1 =	vor.u32 v1, v2  }
0xd: {  	v62 =	vshll.u32 v0, $0x16;
	v60 =	vand.u32 $0xFFF, v3;
	v61 =	vand.u32 $0x3FF, v4  }
0xe: {  	v0 =	vand.u32 $0x1C00000, v62;
	v2 =	vsel vm1, $0xFFFFFFFF, v60;
	v3 =	vsel vm1, $0xFFFFFFFF, v61  }
0xf: {  	v0 =	vsel vm1, $0xFFC00000, v0;
	v63 =	vand.u32 $0x7F, v2;
	v5 =	vshll.u32 v3, $0xC  }
0x10: {  	v2 =	vshll.u32 v2, $0x3;
	v5 =	vand.u32 $0xFFFF8000, v5;
	v0 =	vor.u32 v0, v63  }
0x11: {  	v3 =	vshll.u32 v3, $0x7;
	v2 =	vand.u32 $0xFFFFFC00, v2;
	v0 =	vadd.s32 v5, v0  }
0x12: {  	v3 =	vand.u32 $0x380, v3;
	v0 =	vadd.s32 v2, v0  }
0x13: {  	v0 =	vor.u32 v3, v0;
	_ =	sdelay $0x1  }
0x14: {  	(ifvalue) =	ssetifvalue $0x7FFFFFFF;
	s14 =	sadd.s32 $0x10, s14  }
0x15: {  	[tilespmem:s14], [sflag:$0x1] =	stream.indirect_vreg.gather [hbm4b:s4+s10], $0x1, v1, vm0, $0x4038;
	[tilespmem:$0x2000] =	vst v63  }
0x16: {  	(ifvalue) =	ssetifvalue $0x7FFFFFFF;
	s14 =	sadd.s32 $0x10, s14  }
0x17: {  	[tilespmem:s14], [sflag:$0x1] =	stream.indirect_vreg.gather [hbm4b:s4+s10], $0x1, v0, vm0, $0x4038;
	[tilespmem:$0x2000] =	vst v63  }
0x18: {  	_ =	swait.ge [sflag:s6], $0x800  }
0x19: {  	s30 =	sshrl.u32 s13, $0x3;
	[sflag:s6] =	ssyncset.done $0x0  }
0x1a: {  	s31 =	sand.u32 $0x7, s13;
	s14 =	sadd.s32 s5, s30;
	[sflag:s6] =	ssyncadd.s32 $0xFFFFF800  }
0x1b: {  	[hbm4b:s14+s31] =	stream.linear.scatter [tilespmem:s15], [sflag:$0x3], $0x800, $0x38;
	[tilespmem:$0x2000] =	vst v63  }
.LBB2_5:
0x1c: {  	s15 =	sadd.s32 $0x10000, s11  }
0x1d: {  	p2 =	sgt.s32 s15, $0x17FFF  }
0x1e: {  	s15 =	smov.u32 @p2 s3;
	p2 =	sne.s32 s12, s9  }
.Ltmp1:
0x1f: {  	p1 =	slt.u32 s12, $0x2;
	(pc) =	sbr.rel @!p2 .LBB2_6-.Ltmp1, $4  }
0x20: {  	s14 =	simm.s32 @!p1 $0x3  }
0x21: {  	s16 =	sadd.s32 $0x1, s12;
	_ =	swait.ge @!p1 [sflag:s14], $0x800  }
0x22: {  	s13 =	smov.u32 s11;
	p0 =	por !p0, !p0;
	[sflag:s14] =	ssyncset.done @!p1 $0x0  }
0x23: {  	s12 =	smov.u32 s16;
	s11 =	smov.u32 s15;
	[sflag:s14] =	ssyncadd.s32 @!p1 $0xFFFFF800  }
.LBB2_1:
0x24: {  	p1 =	sge.u32 s12, s8  }
0x25: {  	s14 =	sxor.u32 @!p1 $0xFFFFFFFF, s12  }
0x26: {  	s31 =	sadd.s32 $0xFFFFFFFF, s12;
	s15 =	sshrl.u32 @!p1 s11, $0x3;
	s14 =	sshll.u32 @!p1 s14, $0xB  }
0x27: {  	s16 =	sand.u32 @!p1 $0x7, s11;
	s15 =	sadd.s32 @!p1 s2, s15;
	s14 =	sand.u32 @!p1 $0x800, s14  }
0x28: {  	[tilespmem:s14], [sflag:$0x2] =	stream.linear.gather @!p1 [hbm4b:s15+s16], $0x800, $0x38;
	[tilespmem:$0x2000] =	vst v63  }
0x29: {  	p1 =	sge.u32 s31, s8  }
.Ltmp2:
0x2a: {  	_ = 	snop;
	(pc) =	sbr.rel @p1 .LBB2_5-.Ltmp2, $1  }
0x2b: {  	_ =	sdelay $0x3  }
0x2c: {  	s14 =	simm.s32 $0x1  }
0x2d: {  	_ =	swait.ge [sflag:s7], $0x800;
	s14 =	simm.s32 @!p0 $0x0  }
0x2e: {  	[sflag:s7] =	ssyncset.done $0x0;
	s14 =	sshll.u32 s14, $0xB  }
0x2f: {  	[sflag:s7] =	ssyncadd.s32 $0xFFFFF800;
	(ifvalue) =	ssetifvalue $0x7FFFFFFF;
	v0 =	vld.msk [tilespmem:s14+$0x0 ss:$0x1], $0xffff;
	_ =	sdelay $0x4  }
0x30: {  	s15 =	sadd.s32 $0x10, s14;
	vm1 =	veq.s32 v0, $0x80000000;
	v1 =	vshrl.u32 v0, $0x3;
	v2 =	vshrl.u32 v0, $0xF  }
0x31: {  	v3 =	vld.msk [tilespmem:s15+$0x0 ss:$0x1], $0xffff;
	v0 =	vshll.u32 v0, $0x16;
	v1 =	vand.u32 $0xFFF, v1;
	v2 =	vand.u32 $0x3FF, v2  }
0x32: {  	v0 =	vand.u32 $0x1C00000, v0;
	v1 =	vsel vm1, $0xFFFFFFFF, v1;
	v2 =	vsel vm1, $0xFFFFFFFF, v2  }
0x33: {  	v0 =	vsel vm1, $0xFFC00000, v0;
	v4 =	vand.u32 $0x7F, v1;
	v5 =	vshll.u32 v2, $0xC  }
0x34: {  	v1 =	vshll.u32 v1, $0x3;
	v5 =	vand.u32 $0xFFFF8000, v5;
	v0 =	vor.u32 v0, v4  }
0x35: {  	v2 =	vshll.u32 v2, $0x7;
	v1 =	vand.u32 $0xFFFFFC00, v1;
	v0 =	vadd.s32 v5, v0  }
0x36: {  	v62 =	vshrl.u32 v3, $0xF;
	v2 =	vand.u32 $0x380, v2;
	v0 =	vadd.s32 v1, v0  }
0x37: {  	s17 =	sadd.s32 $0x10, s15;
	vm1 =	veq.s32 v3, $0x80000000;
	v1 =	vor.u32 v2, v0;
	v2 =	vshrl.u32 v3, $0x3  }
0x38: {  	v4 =	vand.u32 $0x3FF, v62;
	v0 =	vld.msk [tilespmem:s17+$0x0 ss:$0x1], $0xffff;
	v3 =	vshll.u32 v3, $0x16;
	v2 =	vand.u32 $0xFFF, v2  }
0x39: {  	v4 =	vsel vm1, $0xFFFFFFFF, v4;
	v3 =	vand.u32 $0x1C00000, v3;
	v2 =	vsel vm1, $0xFFFFFFFF, v2  }
0x3a: {  	s31 =	sshll.u32 s12, $0xB;
	v6 =	vshll.u32 v4, $0xC;
	v3 =	vsel vm1, $0xFFC00000, v3;
	v63 =	vand.u32 $0x7F, v2  }
0x3b: {  	s14 =	sor.u32 $0x1000, s14;
	s15 =	sand.u32 $0x800, s31;
	(ifvalue) =	ssetifvalue $0x7FFFFFFF;
	v6 =	vand.u32 $0xFFFF8000, v6;
	v2 =	vshll.u32 v2, $0x3;
	v3 =	vor.u32 v3, v63  }
0x3c: {  	v2 =	vand.u32 $0xFFFFFC00, v2;
	[tilespmem:s14], [sflag:$0x1] =	stream.indirect_vreg.gather [hbm4b:s4+s10], $0x1, v1, vm0, $0x4038;
	v1 =	vshll.u32 v4, $0x7;
	v3 =	vadd.s32 v6, v3;
	[tilespmem:$0x2000] =	vst v63  }
0x3d: {  	s16 =	simm.s32 $0x20;
	s15 =	sor.u32 $0x1000, s15;
	s17 =	sadd.s32 $0x10, s17;
	vm1 =	veq.s32 v0, $0x80000000;
	v1 =	vand.u32 $0x380, v1;
	v2 =	vadd.s32 v2, v3  }
.LBB2_3:
0x3e: {  	v3 =	vld.msk [tilespmem:s17+$0x0 ss:$0x1], $0xffff;
	v4 =	vshrl.u32 v0, $0x3;
	v5 =	vshrl.u32 v0, $0xF;
	v1 =	vor.u32 v1, v2;
	s16 =	sadd.s32 $0x10, s16  }
0x3f: {  	v0 =	vshll.u32 v0, $0x16;
	v2 =	vand.u32 $0xFFF, v4;
	v4 =	vand.u32 $0x3FF, v5;
	p1 =	slt.u32 s16, $0x7F0  }
.Ltmp3:
0x40: {  	v0 =	vand.u32 $0x1C00000, v0;
	v2 =	vsel vm1, $0xFFFFFFFF, v2;
	v4 =	vsel vm1, $0xFFFFFFFF, v4;
	(pc) =	sbr.rel @p1 .LBB2_3-.Ltmp3, $4  }
0x41: {  	v0 =	vsel vm1, $0xFFC00000, v0;
	v5 =	vand.u32 $0x7F, v2;
	v6 =	vshll.u32 v4, $0xC  }
0x42: {  	s14 =	sadd.s32 $0x10, s14;
	v2 =	vshll.u32 v2, $0x3;
	v6 =	vand.u32 $0xFFFF8000, v6;
	v7 =	vor.u32 v0, v5;
	(ifvalue) =	ssetifvalue $0x7FFFFFFF  }
0x43: {  	v4 =	vshll.u32 v4, $0x7;
	v2 =	vand.u32 $0xFFFFFC00, v2;
	v5 =	vadd.s32 v6, v7;
	[tilespmem:s14], [sflag:$0x1] =	stream.indirect_vreg.gather [hbm4b:s4+s10], $0x1, v1, vm0, $0x4038;
	[tilespmem:$0x2000] =	vst v63  }
0x44: {  	s17 =	sadd.s32 $0x10, s17;
	vm1 =	veq.s32 v3, $0x80000000;
	v1 =	vand.u32 $0x380, v4;
	v0 =	vmovc v3;
	v2 =	vadd.s32 v2, v5  }
.Ltmp4:
0x45: {  	_ = 	snop;
	(pc) =	sbr.rel .LBB2_4-.Ltmp4, $1  }
0x46: {  	_ =	sdelay $0x3  }
.LBB2_6:
0x47: {  	_ =	sfence.sel $0x180000  }
0x48: {  	s2 =	simm.s32 $0x2;
	[bflag:$0x0] =	sbarrier.arrive $0xFFFF  }
0x49: {  	s30 =	simm.s32 $0x3;
	[sflag:s2] =	ssyncpa.u1 $0x1  }
0x4a: {  	s31 =	simm.s32 $0x1;
	[sflag:s30] =	ssyncpa.u1 $0x1  }
0x4b: {  	[sflag:s31] =	ssyncpa.u1 $0x1  }
0x4c: {  	p0 =	sne.s32 s0, $0x0;
	_ =	strace $0x9000004A  }
0x4d: {  	s0 =	sadd.s32 @!p0 $0x100000, s1;
	[bflag:$0x2] =	sbarrier.arrive $0xFFFF  }
0x4e: {  	[sflag:s0] =	ssyncadd.tile.s32 @!p0 $0x1;
	_ =	shalt  }
.Lfunc_end2:
_tile_overlayer_lowered:
.L_overlay_start_2:
0x4f: {  	(tag) =	ssettag $0x2  }
0x50: {  	s0 =	rddreg [dreg:$0x0];
	s2 =	stileid.u32  }
0x51: {  	s1 =	rddreg [dreg:$0x1];
	p0 =	sne.s32 s2, $0x0  }
0x52: {  	s3 =	rddreg [dreg:$0x2];
	[bflag:$0x3] =	sbarrier.arrive $0xFFFF;
	s2 =	simm.s32 @!p0 $0x1C01  }
0x53: {  	[timem:s3], [sflag:s2] =	dma.local @!p0 [hbm:s0], s1  }
0x54: {  	s0 =	simm.s32 @!p0 $0x1  }
0x55: {  	_ =	swait.ge @!p0 [sflag:s0], s1  }
0x56: {  	s1 =	ssub.s32 @!p0 $0x0, s1;
	[sflag:s0] =	ssyncset.done @!p0 $0x0  }
0x57: {  	[sflag:s0] =	ssyncadd.s32 @!p0 s1  }
0x58: {  	[bflag:$0x3] =	sbarrier.arrive $0xFFFF  }
0x59: {  	_ =	shalt  }

// kernel: gather_offload_async_start
scs
__scs_entry_jumppad:
0x0: {  	(pc) =	sbr.rel $0x88, $3  }
0x1: {  	(tag) =	ssettag $0x0;
	lr =	simm.s32 $0x1  }
0x2: {  	[smem:$0x3F16] =	sst lr;
	_ =	strace $0xD0000000  }
0x3: {  	_ = 	snop  }
0x4: {  	_ = 	snop  }
0x5: {  	_ = 	snop  }
0x6: {  	_ = 	snop  }
0x7: {  	_ = 	snop  }
__scs_overlays_trampoline_lowered:
0x8: {  	[smem:$0x3F25] =	sst s0  }
0x9: {  	[smem:$0x3F26] =	sst s1  }
0xa: {  	[smem:$0x3F27] =	sst s2  }
0xb: {  	[smem:$0x3F28] =	sst s3  }
0xc: {  	[smem:$0x3F29] =	sst s4  }
0xd: {  	[smem:$0x3F2A] =	sst s5  }
0xe: {  	[smem:$0x3F2B] =	sst s6  }
0xf: {  	[smem:$0x3F2C] =	sst s7  }
0x10: {  	[smem:$0x3F2D] =	sst s8  }
0x11: {  	[smem:$0x3F2E] =	sst s9;
	s0 =	simm.s32 @!p0 $0x0  }
0x12: {  	s1 =	sld [smem:$0x3F14];
	s0 =	simm.s32 @p0 $0x1  }
0x13: {  	[smem:$0x3F2F] =	sst s0;
	s0 =	simm.s32 @!p1 $0x0  }
0x14: {  	s2 =	sld [smem:$0x3F13];
	s0 =	simm.s32 @p1 $0x1  }
0x15: {  	[smem:$0x3F30] =	sst s0;
	s0 =	simm.s32 @!p2 $0x0  }
0x16: {  	s3 =	sld [smem:$0x3FDB];
	s0 =	simm.s32 @p2 $0x1  }
0x17: {  	s4 =	simm.s32 $0x1BF5;
	[smem:$0x3F32] =	sst s0  }
0x18: {  	s0 =	sld [smem:$0x3F15];
	_ =	swait.ge [sflag:s4], $0x0  }
0x19: {  	s7 =	sld [smem:$0x3F16]  }
0x1a: {  	s8 =	sadd.s32 $0xFFFFE003, lr  }
0x1b: {  	s9 =	sadd.s32 $0xFFFFFEF7, lr;
	s5 =	simm.s32 $0xFFFFFFFF;
	p2 =	slt.u32 s8, $0xFFFFF086  }
0x1c: {  	p1 =	slt.u32 s9, $0xF7A;
	s5 =	simm.s32 @!p2 $0x0  }
0x1d: {  	s5 =	simm.s32 @p1 $0x1;
	p0 =	seq.s32 s7, s2  }
0x1e: {  	s7 =	smul.u32 @!p0 $0xF7A, s2;
	p2 =	seq.s32 @!p0 s5, $0x0  }
0x1f: {  	s9 =	smul.u32 $0xF7A, s1;
	s8 =	simm.s32 @!p0 $0x1BF5;
	p2 =	por !p2, p0  }
0x20: {  	[sflag:s8] =	ssyncset.s32 @!p0 $0xFFFFF086;
	s6 =	sadd.s32 @!p0 s3, s7;
	s7 =	simm.s32 @!p0 $0x108  }
0x21: {  	s3 =	sadd.s32 s3, s9;
	s6 =	sadd.s32 @!p0 $0x88, s6;
	s7 =	simm.s32 @p2 $0x1082  }
0x22: {  	[simem:s7], [sflag:s8] =	dma.local @!p0 [hbm:s6], $0xF7A  }
0x23: {  	s9 =	sor.u32 $0xD0000000, s2;
	s6 =	simm.s32 $0x108;
	_ =	swait.ge @!p0 [sflag:s8], $0x0  }
0x24: {  	s3 =	sadd.s32 $0x88, s3;
	s6 =	simm.s32 @!p1 $0x1082;
	[sflag:s4] =	ssyncset.s32 $0xFFFFF086  }
0x25: {  	[simem:s6], [sflag:s4] =	dma.local [hbm:s3], $0xF7A  }
0x26: {  	[smem:$0x3F16] =	sst s1;
	(tag) =	ssettag s2;
	_ =	strace s9  }
0x27: {  	s1 =	sld [smem:$0x3F26]  }
0x28: {  	s2 =	sld [smem:$0x3F27]  }
0x29: {  	s4 =	sld [smem:$0x3F29]  }
0x2a: {  	p0 =	seq.s32 s5, $0x0;
	s5 =	sld [smem:$0x3F2A]  }
0x2b: {  	s6 =	sld [smem:$0x3F2B]  }
0x2c: {  	s7 =	sld [smem:$0x3F2C]  }
0x2d: {  	s3 =	simm.s32 $0x108;
	s8 =	sld [smem:$0x3F2D]  }
0x2e: {  	s3 =	simm.s32 @!p0 $0x1082;
	s9 =	sld [smem:$0x3F2E]  }
0x2f: {  	lr =	sadd.s32 s0, s3;
	s0 =	sld [smem:$0x3F25]  }
0x30: {  	s3 =	sld [smem:$0x3F28]  }
0x31: {  	[smem:$0x3F31] =	sst s10  }
0x32: {  	s10 =	sld [smem:$0x3F2F];
	_ =	sdelay $0x3  }
0x33: {  	p0 =	seq.s32 s10, $0x1;
	s10 =	sld [smem:$0x3F31];
	_ =	sdelay $0x3  }
0x34: {  	[smem:$0x3F31] =	sst s10  }
0x35: {  	s10 =	sld [smem:$0x3F30];
	_ =	sdelay $0x3  }
0x36: {  	p1 =	seq.s32 s10, $0x1;
	s10 =	sld [smem:$0x3F31];
	_ =	sdelay $0x3  }
0x37: {  	[smem:$0x3F31] =	sst s10  }
0x38: {  	s10 =	sld [smem:$0x3F32]  }
0x39: {  	_ = 	snop;
	(pc) =	sbr.ind lr, $3  }
0x3a: {  	_ = 	snop  }
0x3b: {  	_ = 	snop  }
0x3c: {  	p2 =	seq.s32 s10, $0x1;
	s10 =	sld [smem:$0x3F31]  }
0x3d: {  	_ =	shalt  }
0x3e: {  	_ =	shalt  }
0x3f: {  	_ =	shalt  }
0x40: {  	_ =	shalt  }
0x41: {  	_ =	shalt  }
0x42: {  	_ =	shalt  }
0x43: {  	_ =	shalt  }
0x44: {  	_ =	shalt  }
0x45: {  	_ =	shalt  }
0x46: {  	_ =	shalt  }
0x47: {  	_ =	shalt  }
0x48: {  	_ =	shalt  }
0x49: {  	_ =	shalt  }
0x4a: {  	_ =	shalt  }
0x4b: {  	_ =	shalt  }
0x4c: {  	_ =	shalt  }
0x4d: {  	_ =	shalt  }
0x4e: {  	_ =	shalt  }
0x4f: {  	_ =	shalt  }
0x50: {  	_ =	shalt  }
0x51: {  	_ =	shalt  }
0x52: {  	_ =	shalt  }
0x53: {  	_ =	shalt  }
0x54: {  	_ =	shalt  }
0x55: {  	_ =	shalt  }
0x56: {  	_ =	shalt  }
0x57: {  	_ =	shalt  }
0x58: {  	_ =	shalt  }
0x59: {  	_ =	shalt  }
0x5a: {  	_ =	shalt  }
0x5b: {  	_ =	shalt  }
0x5c: {  	_ =	shalt  }
0x5d: {  	_ =	shalt  }
0x5e: {  	_ =	shalt  }
0x5f: {  	_ =	shalt  }
0x60: {  	_ =	shalt  }
0x61: {  	_ =	shalt  }
0x62: {  	_ =	shalt  }
0x63: {  	_ =	shalt  }
0x64: {  	_ =	shalt  }
0x65: {  	_ =	shalt  }
0x66: {  	_ =	shalt  }
0x67: {  	_ =	shalt  }
0x68: {  	_ =	shalt  }
0x69: {  	_ =	shalt  }
0x6a: {  	_ =	shalt  }
0x6b: {  	_ =	shalt  }
0x6c: {  	_ =	shalt  }
0x6d: {  	_ =	shalt  }
0x6e: {  	_ =	shalt  }
0x6f: {  	_ =	shalt  }
0x70: {  	_ =	shalt  }
0x71: {  	_ =	shalt  }
0x72: {  	_ =	shalt  }
0x73: {  	_ =	shalt  }
0x74: {  	_ =	shalt  }
0x75: {  	_ =	shalt  }
0x76: {  	_ =	shalt  }
0x77: {  	_ =	shalt  }
0x78: {  	_ =	shalt  }
0x79: {  	_ =	shalt  }
0x7a: {  	_ =	shalt  }
0x7b: {  	_ =	shalt  }
0x7c: {  	_ =	shalt  }
0x7d: {  	_ =	shalt  }
0x7e: {  	_ =	shalt  }
0x7f: {  	_ =	shalt  }
0x80: {  	_ =	shalt  }
0x81: {  	_ =	shalt  }
0x82: {  	_ =	shalt  }
0x83: {  	_ =	shalt  }
0x84: {  	_ =	shalt  }
0x85: {  	_ =	shalt  }
0x86: {  	_ =	shalt  }
0x87: {  	_ =	shalt  }
.Lfunc_end0:
.L_simem_size_0:
called_computation_lowered:
.L_overlay_start_0:
0x88: {  	s2 =	sld [smem:$0x3FD9]  }
0x89: {  	s3 =	sld [smem:$0x3FFE];
	_ =	sdelay $0x1  }
0x8a: {  	s1 =	srdreg.scid  }
0x8b: {  	s0 =	sand.u32 $0x1, s1  }
0x8c: {  	s17 =	sshll.u32 s0, $0xA;
	s2 =	sadd.s32 s3, s2  }
0x8d: {  	s2 =	sadd.s32 s2, s17  }
0x8e: {  	[smem:$0x3F3D] =	sst s2  }
0x8f: {  	_ = 	snop  }
0x90: {  	s2 =	sld [smem:$0x3FD0];
	(tm) =	ssettm $0x1  }
0x91: {  	s18 =	sld [smem:$0x3FFB];
	_ =	sdelay $0x3  }
0x92: {  	_ =	strace s18  }
0x93: {  	s3 =	sld [smem:$0x3FFC];
	_ =	sdelay $0x3  }
0x94: {  	_ =	strace s3  }
0x95: {  	s3 =	sld [smem:$0x3FFD];
	_ =	sdelay $0x3  }
0x96: {  	_ =	strace s3  }
0x97: {  	_ =	strace $0x8FFFFFFF  }
0x98: {  	s19 =	sld [smem:$0x3FDB];
	_ =	sdelay $0x1  }
0x99: {  	s4 =	simm.s32 $_scs_section_size  }
0x9a: {  	s5 =	simm.s32 $_size__tile_overlayer_lowered;
	s6 =	simm.s32 $_tile_overlayer_lowered  }
0x9b: {  	s22 =	simm.s32 $0x1BFF;
	s21 =	sshll.u32 s6, $0x1;
	s3 =	sadd.s32 s4, s19  }
0x9c: {  	s7 =	simm.s32 $0x0;
	s20 =	sshll.u32 s5, $0x1;
	s5 =	sadd.s32 s21, s3  }
0x9d: {  	[timem:s7], [sflag:s22] =	dma.local [hbm:s5], s20  }
0x9e: {  	_ =	swait.ge [sflag:s22], s20  }
0x9f: {  	s4 =	ssub.s32 $0x0, s20;
	[sflag:s22] =	ssyncset.done $0x0  }
0xa0: {  	[sflag:s22] =	ssyncadd.s32 s4;
	_ =	sdelay $0x1  }
0xa1: {  	s23 =	simm.s32 $0x1B8B  }
0xa2: {  	_ =	swait.ge [sflag:s23], $0x1  }
0xa3: {  	[sflag:s23] =	ssyncset.done $0x0  }
0xa4: {  	s25 =	simm.s32 $0x1B8E;
	s24 =	sld [smem:$0x3FFE];
	[sflag:s23] =	ssyncadd.s32 $0xFFFFFFFF  }
0xa5: {  	s26 =	simm.s32 $execute0_lowered;
	[smem:$0x3FD2] =	sst s25  }
0xa6: {  	s5 =	sshll.u32 s26, $0x1;
	_ =	strace $0x80000046;
	[dreg:$0x1] =	wrdreg $0xFFFFFFFF  }
0xa7: {  	s28 =	simm.s32 $_size_execute0_lowered;
	s3 =	sadd.s32 s3, s5;
	[dreg:$0x0] =	wrdreg $0x0  }
0xa8: {  	s5 =	sshll.u32 s28, $0x1;
	[dreg:$0x2] =	wrdreg s3  }
0xa9: {  	[dreg:$0x3] =	wrdreg s5  }
0xaa: {  	[dreg:$0x4] =	wrdreg $0xC0  }
0xab: {  	_ =	task [dreg:s7], $0x5FFFF  }
0xac: {  	[dreg:$0x1] =	wrdreg $0xFFFFFFFF  }
0xad: {  	[dreg:$0x0] =	wrdreg $0x60  }
0xae: {  	[dreg:$0x2] =	wrdreg s24  }
0xaf: {  	[dreg:$0x3] =	wrdreg s2  }
0xb0: {  	[dreg:$0x4] =	wrdreg $0x9  }
0xb1: {  	_ =	task.clear_ibuf [dreg:s7], $0x5FFFF;
	_ =	strace $0x90000046  }
0xb2: {  	s29 =	simm.s32 $0x9;
	_ =	strace $0x80000048  }
0xb3: {  	_ =	swait.ge [sflag:s29], $0x1  }
0xb4: {  	[sflag:s29] =	ssyncadd.s32 $0xFFFFFFFF  }
0xb5: {  	_ =	strace $0x90000048  }
0xb6: {  	_ =	sfence  }
0xb7: {  	s30 =	sld [smem:$0x0];
	_ =	sdelay $0x2  }
0xb8: {  	s31 =	sshll.u32 s1, $0xD;
	s1 =	sshrl.u32 s1, $0x2  }
0xb9: {  	s3 =	sand.u32 $0x4000, s31;
	s1 =	sadd.s32 s1, s30  }
0xba: {  	s0 =	sor.u32 s3, s0;
	s1 =	sshll.u32 s1, $0x11  }
0xbb: {  	s0 =	sor.u32 s1, s0  }
0xbc: {  	s0 =	sadd.s32 $0x8F2B, s0  }
0xbd: {  	[sflag:s0] =	ssyncadd.remote.s32 $0x1  }
0xbe: {  	_ =	sfence.sel $0xFFFF  }
0xbf: {  	[dreg:$0x0] =	wrdreg $0xFFFFFFFF;
	(pc) =	sbr.abs _section_cstart, $3  }
0xc0: {  	[dreg:$0x1] =	wrdreg $0xFFFFFFFF  }
0xc1: {  	_ =	task.clear_ibuf [dreg:s7], $0x2FFFF;
	_ =	strace $0x9FFFFFFF  }
0xc2: {  	(tm) =	ssettm $0x7FFFFFFF  }
0xc3: {  	_ =	shalt  }
tec
execute0_lowered:
.L_overlay_start_1:
0x0: {  	(tag) =	ssettag $0x1  }
0x1: {  	s7 =	rddreg [dreg:$0x0]  }
0x2: {  	s2 =	rddreg [dreg:$0x1]  }
0x3: {  	s0 =	rddreg [dreg:$0x2]  }
0x4: {  	s1 =	srdreg.scid;
	_ =	strace $0x80000047;
	s4 =	simm.s32 $0x1  }
0x5: {  	s9 =	simm.s32 $0x3;
	s12 =	simm.s32 $0x0;
	s5 =	sshll.u32 s1, $0x4  }
.Ltmp0:
0x6: {  	s1 =	stileid.u32;
	s5 =	sand.u32 $0x10, s5;
	(pc) =	sbr.rel .LBB2_1-.Ltmp0, $4  }
0x7: {  	s10 =	simm.s32 $0x0;
	s3 =	sadd.s32 $0x200, s7;
	s6 =	sor.u32 s1, s5  }
0x8: {  	[sflag:s4] =	ssyncpa.u1 $0x0;
	s5 =	simm.s32 $0x2;
	s6 =	sshll.u32 s6, $0x8  }
0x9: {  	s7 =	sadd.s32 $0x80200, s7;
	[sflag:s5] =	ssyncpa.u1 $0x0;
	s8 =	sadd.s32 $0x100, s6  }
0xa: {  	vm0 =	vmmov $0xff;
	vm1 =	vcmask $0x3F20;
	[sflag:s9] =	ssyncpa.u1 $0x0;
	s9 =	simm.s32 $0x100;
	s11 =	smov.u32 s6  }
.LBB2_9:
0xb: {  	p0 =	seq.s32 s10, $0x2  }
.Ltmp1:
0xc: {  	_ = 	snop;
	(pc) =	sbr.rel @p0 .LBB2_11-.Ltmp1, $1  }
0xd: {  	_ =	sdelay $0x3  }
.LBB2_10:
0xe: {  	s12 =	sadd.s32 $0x100, s11  }
0xf: {  	s13 =	smov.u32 s6;
	p0 =	slt.s32 s12, s8  }
0x10: {  	s13 =	smov.u32 @p0 s12  }
0x11: {  	s10 =	sadd.s32 $0x1, s10;
	s12 =	smov.u32 s11;
	s11 =	smov.u32 s13  }
.LBB2_1:
0x12: {  	p0 =	sne.s32 s10, $0x0  }
.Ltmp2:
0x13: {  	_ = 	snop;
	(pc) =	sbr.rel @!p0 .LBB2_2-.Ltmp2, $1  }
0x14: {  	_ =	sdelay $0x3  }
0x15: {  	s13 =	sand.u32 $0x1, s10  }
0x16: {  	p0 =	seq.s32 s13, $0x0  }
.Ltmp3:
0x17: {  	_ = 	snop;
	(pc) =	sbr.rel @p0 .LBB2_9-.Ltmp3, $1  }
0x18: {  	_ =	sdelay $0x3  }
0x19: {  	_ =	swait.ge [sflag:s5], $0x100  }
0x1a: {  	[sflag:s5] =	ssyncset.done $0x0  }
0x1b: {  	s13 =	simm.s32 $0x0;
	[sflag:s5] =	ssyncadd.s32 $0xFFFFFF00  }
0x1c: {  	v0 =	vld.msk [tilespmem:s13+$0x100 ss:$0x1], $0xffff;
	_ =	sdelay $0x4  }
0x1d: {  	v1 =	vshll.u32 v0, $0x4  }
0x1e: {  	vm2 =	veq.s32 v0, $0x80000000;
	v0 =	vshll.u32 v0, $0x13;
	v1 =	vand.u32 $0x7FF80, v1  }
0x1f: {  	v0 =	vand.u32 $0x380000, v0;
	v1 =	vsel vm2, $0xFFFFFF80, v1  }
0x20: {  	v0 =	vsel vm2, $0xFFF80000, v0;
	v2 =	vand.u32 $0xFFFFFC00, v1  }
0x21: {  	v1 =	vand.u32 $0x380, v1;
	v0 =	vadd.s32 v0, v2  }
0x22: {  	v0 =	vor.u32 v1, v0  }
0x23: {  	v0 =	vshrl.u32 v0, $0x3;
	_ =	sdelay $0x3  }
0x24: {  	s13 =	simm.s32 $0x8200  }
0x25: {  	[tilespmem:s13], [sflag:$0x1] =	stream.indirect_vreg.gather [hbm:s3], $0x80, v0, vm0, $0x38;
	[tilespmem:$0x10200] =	vst v63  }
0x26: {  	s14 =	simm.s32 $0x8600;
	s31 =	simm.s32 $0x10  }
0x27: {  	[tilespmem:s14], [sflag:$0x1] =	stream.indirect_vreg.gather [hbm:s3], $0x80, v0, vm1, $0x38;
	[tilespmem:$0x10200] =	vst v63  }
0x28: {  	s14 =	simm.s32 $0x80;
	v0 =	vld.msk [tilespmem:s31+$0x100 ss:$0x1], $0xffff  }
.LBB2_5:
0x29: {  	p0 =	sne.s32 s14, $0x3C0;
	_ =	sdelay $0x4  }
0x2a: {  	v1 =	vshll.u32 v0, $0x4  }
0x2b: {  	vm2 =	veq.s32 v0, $0x80000000;
	v0 =	vshll.u32 v0, $0x13;
	v1 =	vand.u32 $0x7FF80, v1  }
0x2c: {  	v0 =	vand.u32 $0x380000, v0;
	v1 =	vsel vm2, $0xFFFFFF80, v1  }
0x2d: {  	v0 =	vsel vm2, $0xFFF80000, v0;
	v2 =	vand.u32 $0xFFFFFC00, v1  }
0x2e: {  	v1 =	vand.u32 $0x380, v1;
	v0 =	vadd.s32 v0, v2  }
0x2f: {  	v0 =	vor.u32 v1, v0  }
0x30: {  	v0 =	vshrl.u32 v0, $0x3;
	_ =	sdelay $0x3  }
.Ltmp4:
0x31: {  	s13 =	sadd.s32 $0x800, s13;
	(pc) =	sbr.rel @p0 .LBB2_5-.Ltmp4, $4  }
0x32: {  	[tilespmem:s13], [sflag:$0x1] =	stream.indirect_vreg.gather [hbm:s3], $0x80, v0, vm0, $0x38;
	[tilespmem:$0x10200] =	vst v63  }
0x33: {  	s15 =	sshra.s32 s14, $0x2;
	s16 =	sadd.s32 $0x400, s13  }
0x34: {  	[tilespmem:s16], [sflag:$0x1] =	stream.indirect_vreg.gather [hbm:s3], $0x80, v0, vm1, $0x38;
	[tilespmem:$0x10200] =	vst v63  }
0x35: {  	s14 =	sadd.s32 $0x40, s14;
	v0 =	vld.msk [tilespmem:s15+$0x100 ss:$0x1], $0xffff  }
0x36: {  	_ =	sdelay $0x3  }
0x37: {  	v1 =	vshll.u32 v0, $0x4  }
0x38: {  	vm2 =	veq.s32 v0, $0x80000000;
	v63 =	vshll.u32 v0, $0x13;
	v1 =	vand.u32 $0x7FF80, v1  }
0x39: {  	v0 =	vand.u32 $0x380000, v63;
	v1 =	vsel vm2, $0xFFFFFF80, v1  }
0x3a: {  	v0 =	vsel vm2, $0xFFF80000, v0;
	v2 =	vand.u32 $0xFFFFFC00, v1  }
0x3b: {  	v1 =	vand.u32 $0x380, v1;
	v0 =	vadd.s32 v0, v2  }
0x3c: {  	v0 =	vor.u32 v1, v0  }
0x3d: {  	v0 =	vshrl.u32 v0, $0x3;
	_ =	sdelay $0x3  }
0x3e: {  	s13 =	sadd.s32 $0x800, s13  }
0x3f: {  	[tilespmem:s13], [sflag:$0x1] =	stream.indirect_vreg.gather [hbm:s3], $0x80, v0, vm0, $0x38;
	[tilespmem:$0x10200] =	vst v63  }
0x40: {  	s13 =	sadd.s32 $0x400, s13  }
0x41: {  	[tilespmem:s13], [sflag:$0x1] =	stream.indirect_vreg.gather [hbm:s3], $0x80, v0, vm1, $0x38;
	[tilespmem:$0x10200] =	vst v63  }
0x42: {  	s12 =	sshll.u32 s12, $0x4;
	s14 =	simm.s32 $0x80;
	_ =	swait.ge [sflag:s4], $0x8000  }
0x43: {  	s15 =	simm.s32 $0x8600;
	s12 =	sadd.s32 s12, s7;
	[sflag:s4] =	ssyncset.done $0x0  }
0x44: {  	s16 =	sadd.s32 $0x0, s12;
	s13 =	simm.s32 $0x8200;
	[sflag:s4] =	ssyncadd.s32 $0xFFFF8000  }
.LBB2_7:
0x45: {  	[hbm:s16] =	stream.linear.scatter [tilespmem:s13], [sflag:$0x3], $0x400, $0x38;
	[tilespmem:$0x10200] =	vst v63  }
0x46: {  	s16 =	smov.u32 s14;
	s13 =	smov.u32 s15;
	p0 =	sne.s32 s14, $0xF80  }
.Ltmp5:
0x47: {  	s14 =	sadd.s32 $0x80, s14;
	(pc) =	sbr.rel @p0 .LBB2_7-.Ltmp5, $2  }
0x48: {  	_ =	sdelay $0x2  }
0x49: {  	s15 =	sadd.s32 $0x400, s15;
	s16 =	sadd.s32 s16, s12  }
.Ltmp6:
0x4a: {  	(pc) =	sbr.rel .LBB2_9-.Ltmp6, $2  }
0x4b: {  	_ =	sdelay $0x2  }
0x4c: {  	[hbm:s16] =	stream.linear.scatter [tilespmem:s13], [sflag:$0x3], $0x400, $0x38;
	[tilespmem:$0x10200] =	vst v63  }
.LBB2_2:
.Ltmp7:
0x4d: {  	(pc) =	sbr.rel .LBB2_10-.Ltmp7, $4  }
0x4e: {  	_ = 	snop  }
0x4f: {  	s12 =	sshrl.u32 s11, $0x3  }
0x50: {  	s13 =	sand.u32 $0x7, s11;
	s12 =	sadd.s32 s2, s12  }
0x51: {  	[tilespmem:s9], [sflag:$0x2] =	stream.linear.gather [hbm4b:s12+s13], $0x100, $0x38;
	[tilespmem:$0x10200] =	vst v63  }
.LBB2_11:
0x52: {  	s2 =	simm.s32 $0x3  }
0x53: {  	_ =	swait.ge [sflag:s2], $0x8000  }
0x54: {  	[sflag:s2] =	ssyncset.done $0x0  }
0x55: {  	[sflag:s2] =	ssyncadd.s32 $0xFFFF8000  }
0x56: {  	_ =	sfence.sel $0x180000  }
0x57: {  	s3 =	simm.s32 $0x2;
	[bflag:$0x0] =	sbarrier.arrive $0xFFFF  }
0x58: {  	[sflag:s3] =	ssyncpa.u1 $0x1  }
0x59: {  	s31 =	simm.s32 $0x1;
	[sflag:s2] =	ssyncpa.u1 $0x1  }
0x5a: {  	[sflag:s31] =	ssyncpa.u1 $0x1  }
0x5b: {  	p0 =	sne.s32 s1, $0x0;
	_ =	strace $0x90000047  }
0x5c: {  	s0 =	sadd.s32 @!p0 $0x100000, s0;
	[bflag:$0x2] =	sbarrier.arrive $0xFFFF  }
0x5d: {  	[sflag:s0] =	ssyncadd.tile.s32 @!p0 $0x1;
	_ =	shalt  }
.Lfunc_end2:
_tile_overlayer_lowered:
.L_overlay_start_2:
0x5e: {  	(tag) =	ssettag $0x2  }
0x5f: {  	s0 =	rddreg [dreg:$0x0];
	s2 =	stileid.u32  }
0x60: {  	s1 =	rddreg [dreg:$0x1];
	p0 =	sne.s32 s2, $0x0  }
0x61: {  	s3 =	rddreg [dreg:$0x2];
	[bflag:$0x3] =	sbarrier.arrive $0xFFFF;
	s2 =	simm.s32 @!p0 $0x1C01  }
0x62: {  	[timem:s3], [sflag:s2] =	dma.local @!p0 [hbm:s0], s1  }
0x63: {  	s0 =	simm.s32 @!p0 $0x1  }
0x64: {  	_ =	swait.ge @!p0 [sflag:s0], s1  }
0x65: {  	s1 =	ssub.s32 @!p0 $0x0, s1;
	[sflag:s0] =	ssyncset.done @!p0 $0x0  }
0x66: {  	[sflag:s0] =	ssyncadd.s32 @!p0 s1  }
0x67: {  	[bflag:$0x3] =	sbarrier.arrive $0xFFFF  }
0x68: {  	_ =	shalt  }

</sc_bundles>
